<compile_context>
chip_gen: v7x
topology: tpu7x:2x2x1
jax: 0.10.2.dev20260603
libtpu: 0.0.44.dev20260713+nightly
codegen_flags: <defaults>
</compile_context>

<pallas_src>
import functools

import jax
import jax.numpy as jnp
from jax import lax
from jax.experimental import pallas as pl
from jax.experimental.pallas import tpu as pltpu
from jax.experimental.pallas import tpu_sc as plsc

_NC = 2
_NS = 16
_NW = _NC * _NS
_L = 16
_BLK = 128


@functools.lru_cache(maxsize=None)
def _build(B, H, D, DP, NBUF):
    n_bb = B // _BLK
    bb_per_w = n_bb // _NW
    n_chunks = H * bb_per_w
    DG = D // 8
    mesh = plsc.VectorSubcoreMesh(core_axis_name="c", subcore_axis_name="s")

    @functools.partial(
        pl.kernel,
        mesh=mesh,
        out_type=jax.ShapeDtypeStruct((H, DG, n_bb, 8, _BLK), jnp.float32),
        compiler_params=pltpu.CompilerParams(use_tc_tiling_on_sc=False,
                                             needs_layout_passes=False),
        scratch_types=[
            pltpu.VMEM((bb_per_w, H, _BLK), jnp.int32),
            pltpu.VMEM((NBUF, _BLK, DP), jnp.float32),
            pltpu.VMEM((2, D, _BLK), jnp.float32),
            pltpu.SemaphoreType.DMA((NBUF,)),
            pltpu.SemaphoreType.DMA((2,)),
        ],
    )
    def emb(idx_hbm, table_hbm, out_hbm, idx_v, rows_v, tr_v, gsem, wsem):
        wid = lax.axis_index("s") * _NC + lax.axis_index("c")
        bb0 = wid * bb_per_w
        pltpu.sync_copy(idx_hbm.at[pl.ds(bb0, bb_per_w)], idx_v)

        def gather(h, k):
            pltpu.async_copy(table_hbm.at[idx_v.at[k, h]], rows_v.at[k],
                             gsem.at[k])

        def gather_wait(k):
            pltpu.make_async_copy(table_hbm.at[idx_v.at[0, 0]],
                                  rows_v.at[k], gsem.at[k]).wait()

        def wb(h, k):
            tbuf = k % 2
            for dg in range(DG):
                pltpu.async_copy(tr_v.at[tbuf, pl.ds(dg * 8, 8)],
                                 out_hbm.at[h, dg, bb0 + k], wsem.at[tbuf])

        def wb_wait(k):
            tbuf = k % 2
            for dg in range(DG):
                pltpu.make_async_copy(tr_v.at[tbuf, pl.ds(dg * 8, 8)],
                                      out_hbm.at[0, 0, 0], wsem.at[tbuf]).wait()

        lanes = lax.iota(jnp.int32, _L)

        def transpose(k):
            rows = rows_v.at[k]
            tbuf = k % 2

            @plsc.parallel_loop(0, D, unroll=8)
            def per_d(d):
                dsplat = jnp.full((_L,), 0, jnp.int32) + d
                for g in range(_BLK // _L):
                    bl = lanes + (g * _L)
                    val = plsc.load_gather(rows, [bl, dsplat])
                    tr_v[tbuf, d, pl.ds(g * _L, _L)] = val

        for k in range(bb_per_w):
            gather(0, k)

        def step(h, carry):
            for k in range(bb_per_w):
                if k < 2:
                    @pl.when(h > 0)
                    def _():
                        wb_wait(k)
                else:
                    wb_wait(k)
                gather_wait(k)
                transpose(k)
                wb(h, k)

                @pl.when(h < H - 1)
                def _():
                    gather(h + 1, k)
            return carry

        lax.fori_loop(0, H, step, 0)

        wb_wait(2)
        wb_wait(3)

    return emb


def kernel(X, table):
    B, H = X.shape
    V, D = table.shape
    DP = 128
    idx = X.T.reshape(H, B // _BLK, _BLK).transpose(1, 0, 2)
    table_p = jnp.pad(table, ((0, 0), (0, DP - D)))
    out5 = _build(B, H, D, DP, 4)(idx, table_p)
    return out5.transpose(2, 4, 0, 1, 3).reshape(B, H, D)

# --- scband reference (transcript-rebuilt; emitter-appended) ---
"""Pipeline reference for scband-embedding-7808250544758 (READ-ONLY COPY).

The authoritative reference and input builder live on the scoring server;
editing this copy changes nothing except your own understanding.
"""

import jax, jax.numpy as jnp
import numpy as np

VOCAB = 1000000
D_MODEL = 64
BATCH = 16384
HIST = 50

def setup_inputs(seed: int = 0) -> dict:
    key = jax.random.key(seed)
    k1, k2 = jax.random.split(key)
    X = jax.random.randint(k1, (BATCH, HIST), 0, VOCAB, dtype=jnp.int64 if jax.config.jax_enable_x64 else jnp.int32)
    table = jax.random.normal(k2, (VOCAB, D_MODEL), dtype=jnp.float32)
    return {"X": X, "table": table}

def reference(X, table):
    # nn.Embedding forward: row gather from the embedding table
    return jnp.take(table, X, axis=0)

if __name__ == "__main__":
    import jax
    _d = setup_inputs()
    print(jax.jit(kernel)(*tuple(_d.values())))

</pallas_src>

<mosaic_0001>
#map = affine_map<(d0, d1) -> (0, 0, 0)>
#map1 = affine_map<(d0, d1) -> (0, 0)>
#map2 = affine_map<(d0, d1) -> (0, 0, 0, 0, 0)>
module attributes {stable_mosaic.version = 14 : i64} {
  func.func @emb(%arg0: i32, %arg1: i32, %arg2: memref<128x50x128xi32, #tpu.memory_space<hbm>>, %arg3: memref<1000000x128xf32, #tpu.memory_space<hbm>>, %arg4: memref<50x8x128x8x128xf32, #tpu.memory_space<hbm>>, %arg5: memref<4x50x128xi32, #tpu.memory_space<vmem>>, %arg6: memref<4x128x128xf32, #tpu.memory_space<vmem>>, %arg7: memref<2x64x128xf32, #tpu.memory_space<vmem>>, %arg8: memref<4x!tpu.dma_semaphore, #tpu.memory_space<semaphore_mem>>, %arg9: memref<2x!tpu.dma_semaphore, #tpu.memory_space<semaphore_mem>>) attributes {dimension_semantics = [#tpu.dimension_semantics<core_parallel>, #tpu.dimension_semantics<subcore_parallel>], iteration_bounds = array<i64: 2, 16>, scalar_prefetch = 0 : i64, scratch_operands = 5 : i64, tpu.core_type = #tpu.core_type<sc_vector_subcore>, window_params = [{transform_indices = #map}, {transform_indices = #map1}, {transform_indices = #map2}]} {
    %mul3A = arith.constant 2 : i32
    %mul3A_0 = arith.muli %arg1, %mul3A : i32
    %add3A = arith.addi %mul3A_0, %arg0 : i32
    %mul3A_1 = arith.constant 4 : i32
    %mul3A_2 = arith.muli %add3A, %mul3A_1 : i32
    "tpu.region"() ({
      %run_scoped3A = tpu.sem_alloc : memref<!tpu.dma_semaphore, #tpu.memory_space<semaphore_mem>>
      %dma_start3A_438 = arith.constant 0 : i32
      %dma_start3A_439 = arith.constant 0 : i32
      %dma_start3A_440 = tpu.memref_slice %arg2[%mul3A_2, %dma_start3A_438, %dma_start3A_439] : memref<128x50x128xi32, #tpu.memory_space<hbm>> -> memref<4x50x128xi32, #tpu.memory_space<hbm>>
      %dma_start3A_441 = arith.constant 0 : i32
      %dma_start3A_442 = arith.constant 0 : i32
      %dma_start3A_443 = tpu.memref_slice %arg2[%mul3A_2, %dma_start3A_441, %dma_start3A_442] : memref<128x50x128xi32, #tpu.memory_space<hbm>> -> memref<4x50x128xi32, #tpu.memory_space<hbm>>
      tpu.enqueue_dma source(%dma_start3A_443 : memref<4x50x128xi32, #tpu.memory_space<hbm>>) target(%arg5 : memref<4x50x128xi32, #tpu.memory_space<vmem>>) target_semaphore(%run_scoped3A : memref<!tpu.dma_semaphore, #tpu.memory_space<semaphore_mem>>)
      %dma_wait3A_444 = arith.constant 0 : i32
      %dma_wait3A_445 = arith.constant 0 : i32
      %dma_wait3A_446 = tpu.memref_slice %arg2[%mul3A_2, %dma_wait3A_444, %dma_wait3A_445] : memref<128x50x128xi32, #tpu.memory_space<hbm>> -> memref<4x50x128xi32, #tpu.memory_space<hbm>>
      %dma_wait3A_447 = arith.constant 0 : i32
      %dma_wait3A_448 = arith.constant 0 : i32
      %dma_wait3A_449 = tpu.memref_slice %arg2[%mul3A_2, %dma_wait3A_447, %dma_wait3A_448] : memref<128x50x128xi32, #tpu.memory_space<hbm>> -> memref<4x50x128xi32, #tpu.memory_space<hbm>>
      tpu.wait_dma2 semaphore(%run_scoped3A : memref<!tpu.dma_semaphore, #tpu.memory_space<semaphore_mem>>) src(%dma_wait3A_449 : memref<4x50x128xi32, #tpu.memory_space<hbm>>) dst(%arg5 : memref<4x50x128xi32, #tpu.memory_space<vmem>>)
      tpu.yield
    }) : () -> ()
    %iota3A = tpu.iota {dimensions = array<i32: 0>} : vector<16xi32>
    %dma_start3A = arith.constant 0 : i32
    %dma_start3A_3 = arith.constant 0 : i32
    %dma_start3A_4 = arith.constant 0 : i32
    %dma_start3A_5 = arith.constant 0 : i32
    %dma_start3A_6 = arith.constant 0 : i32
    %dma_start3A_7 = arith.constant 0 : i32
    %dma_start3A_8 = tpu.memref_slice %arg6[%dma_start3A_4, %dma_start3A_6, %dma_start3A_7] : memref<4x128x128xf32, #tpu.memory_space<vmem>> -> memref<1x128x128xf32, #tpu.memory_space<vmem>>
    %dma_start3A_9 = tpu.memref_squeeze %dma_start3A_8 : memref<1x128x128xf32, #tpu.memory_space<vmem>> -> memref<128x128xf32, #tpu.memory_space<vmem>>
    %dma_start3A_10 = arith.constant 0 : i32
    %dma_start3A_11 = tpu.memref_slice %arg5[%dma_start3A, %dma_start3A_3, %dma_start3A_10] : memref<4x50x128xi32, #tpu.memory_space<vmem>> -> memref<1x1x128xi32, #tpu.memory_space<vmem>>
    %dma_start3A_12 = tpu.memref_squeeze %dma_start3A_11 : memref<1x1x128xi32, #tpu.memory_space<vmem>> -> memref<128xi32, #tpu.memory_space<vmem>>
    %dma_start3A_13 = arith.constant 0 : i32
    %dma_start3A_14 = arith.constant 0 : i32
    %dma_start3A_15 = tpu.memref_slice %arg3[%dma_start3A_13, %dma_start3A_14] : memref<1000000x128xf32, #tpu.memory_space<hbm>> -> memref<1000000x128xf32, #tpu.memory_space<hbm>>
    %dma_start3A_16 = tpu.memref_slice %arg8[%dma_start3A_5] : memref<4x!tpu.dma_semaphore, #tpu.memory_space<semaphore_mem>> -> memref<1x!tpu.dma_semaphore, #tpu.memory_space<semaphore_mem>>
    %dma_start3A_17 = tpu.memref_squeeze %dma_start3A_16 : memref<1x!tpu.dma_semaphore, #tpu.memory_space<semaphore_mem>> -> memref<!tpu.dma_semaphore, #tpu.memory_space<semaphore_mem>>
    tpu.enqueue_indirect_dma source(%dma_start3A_15 : memref<1000000x128xf32, #tpu.memory_space<hbm>>) target(%dma_start3A_9 : memref<128x128xf32, #tpu.memory_space<vmem>>) offsets(%dma_start3A_12 : memref<128xi32, #tpu.memory_space<vmem>>) semaphore(%dma_start3A_17 : memref<!tpu.dma_semaphore, #tpu.memory_space<semaphore_mem>>)
    %dma_start3A_18 = arith.constant 1 : i32
    %dma_start3A_19 = arith.constant 0 : i32
    %dma_start3A_20 = arith.constant 1 : i32
    %dma_start3A_21 = arith.constant 1 : i32
    %dma_start3A_22 = arith.constant 0 : i32
    %dma_start3A_23 = arith.constant 0 : i32
    %dma_start3A_24 = tpu.memref_slice %arg6[%dma_start3A_20, %dma_start3A_22, %dma_start3A_23] : memref<4x128x128xf32, #tpu.memory_space<vmem>> -> memref<1x128x128xf32, #tpu.memory_space<vmem>>
    %dma_start3A_25 = tpu.memref_squeeze %dma_start3A_24 : memref<1x128x128xf32, #tpu.memory_space<vmem>> -> memref<128x128xf32, #tpu.memory_space<vmem>>
    %dma_start3A_26 = arith.constant 0 : i32
    %dma_start3A_27 = tpu.memref_slice %arg5[%dma_start3A_18, %dma_start3A_19, %dma_start3A_26] : memref<4x50x128xi32, #tpu.memory_space<vmem>> -> memref<1x1x128xi32, #tpu.memory_space<vmem>>
    %dma_start3A_28 = tpu.memref_squeeze %dma_start3A_27 : memref<1x1x128xi32, #tpu.memory_space<vmem>> -> memref<128xi32, #tpu.memory_space<vmem>>
    %dma_start3A_29 = arith.constant 0 : i32
    %dma_start3A_30 = arith.constant 0 : i32
    %dma_start3A_31 = tpu.memref_slice %arg3[%dma_start3A_29, %dma_start3A_30] : memref<1000000x128xf32, #tpu.memory_space<hbm>> -> memref<1000000x128xf32, #tpu.memory_space<hbm>>
    %dma_start3A_32 = tpu.memref_slice %arg8[%dma_start3A_21] : memref<4x!tpu.dma_semaphore, #tpu.memory_space<semaphore_mem>> -> memref<1x!tpu.dma_semaphore, #tpu.memory_space<semaphore_mem>>
    %dma_start3A_33 = tpu.memref_squeeze %dma_start3A_32 : memref<1x!tpu.dma_semaphore, #tpu.memory_space<semaphore_mem>> -> memref<!tpu.dma_semaphore, #tpu.memory_space<semaphore_mem>>
    tpu.enqueue_indirect_dma source(%dma_start3A_31 : memref<1000000x128xf32, #tpu.memory_space<hbm>>) target(%dma_start3A_25 : memref<128x128xf32, #tpu.memory_space<vmem>>) offsets(%dma_start3A_28 : memref<128xi32, #tpu.memory_space<vmem>>) semaphore(%dma_start3A_33 : memref<!tpu.dma_semaphore, #tpu.memory_space<semaphore_mem>>)
    %dma_start3A_34 = arith.constant 2 : i32
    %dma_start3A_35 = arith.constant 0 : i32
    %dma_start3A_36 = arith.constant 2 : i32
    %dma_start3A_37 = arith.constant 2 : i32
    %dma_start3A_38 = arith.constant 0 : i32
    %dma_start3A_39 = arith.constant 0 : i32
    %dma_start3A_40 = tpu.memref_slice %arg6[%dma_start3A_36, %dma_start3A_38, %dma_start3A_39] : memref<4x128x128xf32, #tpu.memory_space<vmem>> -> memref<1x128x128xf32, #tpu.memory_space<vmem>>
    %dma_start3A_41 = tpu.memref_squeeze %dma_start3A_40 : memref<1x128x128xf32, #tpu.memory_space<vmem>> -> memref<128x128xf32, #tpu.memory_space<vmem>>
    %dma_start3A_42 = arith.constant 0 : i32
    %dma_start3A_43 = tpu.memref_slice %arg5[%dma_start3A_34, %dma_start3A_35, %dma_start3A_42] : memref<4x50x128xi32, #tpu.memory_space<vmem>> -> memref<1x1x128xi32, #tpu.memory_space<vmem>>
    %dma_start3A_44 = tpu.memref_squeeze %dma_start3A_43 : memref<1x1x128xi32, #tpu.memory_space<vmem>> -> memref<128xi32, #tpu.memory_space<vmem>>
    %dma_start3A_45 = arith.constant 0 : i32
    %dma_start3A_46 = arith.constant 0 : i32
    %dma_start3A_47 = tpu.memref_slice %arg3[%dma_start3A_45, %dma_start3A_46] : memref<1000000x128xf32, #tpu.memory_space<hbm>> -> memref<1000000x128xf32, #tpu.memory_space<hbm>>
    %dma_start3A_48 = tpu.memref_slice %arg8[%dma_start3A_37] : memref<4x!tpu.dma_semaphore, #tpu.memory_space<semaphore_mem>> -> memref<1x!tpu.dma_semaphore, #tpu.memory_space<semaphore_mem>>
    %dma_start3A_49 = tpu.memref_squeeze %dma_start3A_48 : memref<1x!tpu.dma_semaphore, #tpu.memory_space<semaphore_mem>> -> memref<!tpu.dma_semaphore, #tpu.memory_space<semaphore_mem>>
    tpu.enqueue_indirect_dma source(%dma_start3A_47 : memref<1000000x128xf32, #tpu.memory_space<hbm>>) target(%dma_start3A_41 : memref<128x128xf32, #tpu.memory_space<vmem>>) offsets(%dma_start3A_44 : memref<128xi32, #tpu.memory_space<vmem>>) semaphore(%dma_start3A_49 : memref<!tpu.dma_semaphore, #tpu.memory_space<semaphore_mem>>)
    %dma_start3A_50 = arith.constant 3 : i32
    %dma_start3A_51 = arith.constant 0 : i32
    %dma_start3A_52 = arith.constant 3 : i32
    %dma_start3A_53 = arith.constant 3 : i32
    %dma_start3A_54 = arith.constant 0 : i32
    %dma_start3A_55 = arith.constant 0 : i32
    %dma_start3A_56 = tpu.memref_slice %arg6[%dma_start3A_52, %dma_start3A_54, %dma_start3A_55] : memref<4x128x128xf32, #tpu.memory_space<vmem>> -> memref<1x128x128xf32, #tpu.memory_space<vmem>>
    %dma_start3A_57 = tpu.memref_squeeze %dma_start3A_56 : memref<1x128x128xf32, #tpu.memory_space<vmem>> -> memref<128x128xf32, #tpu.memory_space<vmem>>
    %dma_start3A_58 = arith.constant 0 : i32
    %dma_start3A_59 = tpu.memref_slice %arg5[%dma_start3A_50, %dma_start3A_51, %dma_start3A_58] : memref<4x50x128xi32, #tpu.memory_space<vmem>> -> memref<1x1x128xi32, #tpu.memory_space<vmem>>
    %dma_start3A_60 = tpu.memref_squeeze %dma_start3A_59 : memref<1x1x128xi32, #tpu.memory_space<vmem>> -> memref<128xi32, #tpu.memory_space<vmem>>
    %dma_start3A_61 = arith.constant 0 : i32
    %dma_start3A_62 = arith.constant 0 : i32
    %dma_start3A_63 = tpu.memref_slice %arg3[%dma_start3A_61, %dma_start3A_62] : memref<1000000x128xf32, #tpu.memory_space<hbm>> -> memref<1000000x128xf32, #tpu.memory_space<hbm>>
    %dma_start3A_64 = tpu.memref_slice %arg8[%dma_start3A_53] : memref<4x!tpu.dma_semaphore, #tpu.memory_space<semaphore_mem>> -> memref<1x!tpu.dma_semaphore, #tpu.memory_space<semaphore_mem>>
    %dma_start3A_65 = tpu.memref_squeeze %dma_start3A_64 : memref<1x!tpu.dma_semaphore, #tpu.memory_space<semaphore_mem>> -> memref<!tpu.dma_semaphore, #tpu.memory_space<semaphore_mem>>
    tpu.enqueue_indirect_dma source(%dma_start3A_63 : memref<1000000x128xf32, #tpu.memory_space<hbm>>) target(%dma_start3A_57 : memref<128x128xf32, #tpu.memory_space<vmem>>) offsets(%dma_start3A_60 : memref<128xi32, #tpu.memory_space<vmem>>) semaphore(%dma_start3A_65 : memref<!tpu.dma_semaphore, #tpu.memory_space<semaphore_mem>>)
    %scan3A = arith.constant 0 : i32
    %scan3A_66 = arith.constant 0 : i32
    %scan3A_67 = arith.constant 50 : i32
    %scan3A_68 = arith.addi %scan3A_66, %scan3A_67 : i32
    %scan3A_69 = arith.constant 1 : i32
    scf.for %scan3A_438 = %scan3A_66 to %scan3A_68 step %scan3A_69  : i32 {
      %gt3A = arith.constant 0 : i32
      %gt3A_439 = arith.cmpi sgt, %scan3A_438, %gt3A : i32
      %convert_element_type3A = arith.extui %gt3A_439 : i1 to i32
      %cond3A = arith.constant 0 : i32
      %cond3A_440 = arith.cmpi ne, %convert_element_type3A, %cond3A : i32
      scf.if %cond3A_440 {
        %dma_wait3A_1648 = arith.constant 0 : i32
        %dma_wait3A_1649 = arith.constant 0 : i32
        %dma_wait3A_1650 = arith.constant 0 : i32
        %dma_wait3A_1651 = arith.constant 0 : i32
        %dma_wait3A_1652 = arith.constant 0 : i32
        %dma_wait3A_1653 = arith.constant 0 : i32
        %dma_wait3A_1654 = arith.constant 0 : i32
        %dma_wait3A_1655 = tpu.memref_slice %arg7[%dma_wait3A_1648, %dma_wait3A_1653, %dma_wait3A_1654] : memref<2x64x128xf32, #tpu.memory_space<vmem>> -> memref<1x8x128xf32, #tpu.memory_space<vmem>>
        %dma_wait3A_1656 = tpu.memref_squeeze %dma_wait3A_1655 : memref<1x8x128xf32, #tpu.memory_space<vmem>> -> memref<8x128xf32, #tpu.memory_space<vmem>>
        %dma_wait3A_1657 = arith.constant 0 : i32
        %dma_wait3A_1658 = arith.constant 0 : i32
        %dma_wait3A_1659 = tpu.memref_slice %arg4[%dma_wait3A_1649, %dma_wait3A_1650, %dma_wait3A_1651, %dma_wait3A_1657, %dma_wait3A_1658] : memref<50x8x128x8x128xf32, #tpu.memory_space<hbm>> -> memref<1x1x1x8x128xf32, #tpu.memory_space<hbm>>
        %dma_wait3A_1660 = tpu.memref_squeeze %dma_wait3A_1659 : memref<1x1x1x8x128xf32, #tpu.memory_space<hbm>> -> memref<8x128xf32, #tpu.memory_space<hbm>>
        %dma_wait3A_1661 = tpu.memref_slice %arg9[%dma_wait3A_1652] : memref<2x!tpu.dma_semaphore, #tpu.memory_space<semaphore_mem>> -> memref<1x!tpu.dma_semaphore, #tpu.memory_space<semaphore_mem>>
        %dma_wait3A_1662 = tpu.memref_squeeze %dma_wait3A_1661 : memref<1x!tpu.dma_semaphore, #tpu.memory_space<semaphore_mem>> -> memref<!tpu.dma_semaphore, #tpu.memory_space<semaphore_mem>>
        %dma_wait3A_1663 = arith.constant 0 : i32
        %dma_wait3A_1664 = arith.constant 0 : i32
        %dma_wait3A_1665 = tpu.memref_slice %arg4[%dma_wait3A_1649, %dma_wait3A_1650, %dma_wait3A_1651, %dma_wait3A_1663, %dma_wait3A_1664] : memref<50x8x128x8x128xf32, #tpu.memory_space<hbm>> -> memref<1x1x1x8x128xf32, #tpu.memory_space<hbm>>
        %dma_wait3A_1666 = tpu.memref_squeeze %dma_wait3A_1665 : memref<1x1x1x8x128xf32, #tpu.memory_space<hbm>> -> memref<8x128xf32, #tpu.memory_space<hbm>>
        %dma_wait3A_1667 = arith.constant 0 : i32
        %dma_wait3A_1668 = arith.constant 0 : i32
        %dma_wait3A_1669 = tpu.memref_slice %arg7[%dma_wait3A_1648, %dma_wait3A_1667, %dma_wait3A_1668] : memref<2x64x128xf32, #tpu.memory_space<vmem>> -> memref<1x8x128xf32, #tpu.memory_space<vmem>>
        %dma_wait3A_1670 = tpu.memref_squeeze %dma_wait3A_1669 : memref<1x8x128xf32, #tpu.memory_space<vmem>> -> memref<8x128xf32, #tpu.memory_space<vmem>>
        tpu.wait_dma2 semaphore(%dma_wait3A_1662 : memref<!tpu.dma_semaphore, #tpu.memory_space<semaphore_mem>>) src(%dma_wait3A_1670 : memref<8x128xf32, #tpu.memory_space<vmem>>) dst(%dma_wait3A_1666 : memref<8x128xf32, #tpu.memory_space<hbm>>)
        %dma_wait3A_1671 = arith.constant 0 : i32
        %dma_wait3A_1672 = arith.constant 0 : i32
        %dma_wait3A_1673 = arith.constant 0 : i32
        %dma_wait3A_1674 = arith.constant 0 : i32
        %dma_wait3A_1675 = arith.constant 0 : i32
        %dma_wait3A_1676 = arith.constant 8 : i32
        %dma_wait3A_1677 = arith.constant 0 : i32
        %dma_wait3A_1678 = tpu.memref_slice %arg7[%dma_wait3A_1671, %dma_wait3A_1676, %dma_wait3A_1677] : memref<2x64x128xf32, #tpu.memory_space<vmem>> -> memref<1x8x128xf32, #tpu.memory_space<vmem>>
        %dma_wait3A_1679 = tpu.memref_squeeze %dma_wait3A_1678 : memref<1x8x128xf32, #tpu.memory_space<vmem>> -> memref<8x128xf32, #tpu.memory_space<vmem>>
        %dma_wait3A_1680 = arith.constant 0 : i32
        %dma_wait3A_1681 = arith.constant 0 : i32
        %dma_wait3A_1682 = tpu.memref_slice %arg4[%dma_wait3A_1672, %dma_wait3A_1673, %dma_wait3A_1674, %dma_wait3A_1680, %dma_wait3A_1681] : memref<50x8x128x8x128xf32, #tpu.memory_space<hbm>> -> memref<1x1x1x8x128xf32, #tpu.memory_space<hbm>>
        %dma_wait3A_1683 = tpu.memref_squeeze %dma_wait3A_1682 : memref<1x1x1x8x128xf32, #tpu.memory_space<hbm>> -> memref<8x128xf32, #tpu.memory_space<hbm>>
        %dma_wait3A_1684 = tpu.memref_slice %arg9[%dma_wait3A_1675] : memref<2x!tpu.dma_semaphore, #tpu.memory_space<semaphore_mem>> -> memref<1x!tpu.dma_semaphore, #tpu.memory_space<semaphore_mem>>
        %dma_wait3A_1685 = tpu.memref_squeeze %dma_wait3A_1684 : memref<1x!tpu.dma_semaphore, #tpu.memory_space<semaphore_mem>> -> memref<!tpu.dma_semaphore, #tpu.memory_space<semaphore_mem>>
        %dma_wait3A_1686 = arith.constant 0 : i32
        %dma_wait3A_1687 = arith.constant 0 : i32
        %dma_wait3A_1688 = tpu.memref_slice %arg4[%dma_wait3A_1672, %dma_wait3A_1673, %dma_wait3A_1674, %dma_wait3A_1686, %dma_wait3A_1687] : memref<50x8x128x8x128xf32, #tpu.memory_space<hbm>> -> memref<1x1x1x8x128xf32, #tpu.memory_space<hbm>>
        %dma_wait3A_1689 = tpu.memref_squeeze %dma_wait3A_1688 : memref<1x1x1x8x128xf32, #tpu.memory_space<hbm>> -> memref<8x128xf32, #tpu.memory_space<hbm>>
        %dma_wait3A_1690 = arith.constant 8 : i32
        %dma_wait3A_1691 = arith.constant 0 : i32
        %dma_wait3A_1692 = tpu.memref_slice %arg7[%dma_wait3A_1671, %dma_wait3A_1690, %dma_wait3A_1691] : memref<2x64x128xf32, #tpu.memory_space<vmem>> -> memref<1x8x128xf32, #tpu.memory_space<vmem>>
        %dma_wait3A_1693 = tpu.memref_squeeze %dma_wait3A_1692 : memref<1x8x128xf32, #tpu.memory_space<vmem>> -> memref<8x128xf32, #tpu.memory_space<vmem>>
        tpu.wait_dma2 semaphore(%dma_wait3A_1685 : memref<!tpu.dma_semaphore, #tpu.memory_space<semaphore_mem>>) src(%dma_wait3A_1693 : memref<8x128xf32, #tpu.memory_space<vmem>>) dst(%dma_wait3A_1689 : memref<8x128xf32, #tpu.memory_space<hbm>>)
        %dma_wait3A_1694 = arith.constant 0 : i32
        %dma_wait3A_1695 = arith.constant 0 : i32
        %dma_wait3A_1696 = arith.constant 0 : i32
        %dma_wait3A_1697 = arith.constant 0 : i32
        %dma_wait3A_1698 = arith.constant 0 : i32
        %dma_wait3A_1699 = arith.constant 16 : i32
        %dma_wait3A_1700 = arith.constant 0 : i32
        %dma_wait3A_1701 = tpu.memref_slice %arg7[%dma_wait3A_1694, %dma_wait3A_1699, %dma_wait3A_1700] : memref<2x64x128xf32, #tpu.memory_space<vmem>> -> memref<1x8x128xf32, #tpu.memory_space<vmem>>
        %dma_wait3A_1702 = tpu.memref_squeeze %dma_wait3A_1701 : memref<1x8x128xf32, #tpu.memory_space<vmem>> -> memref<8x128xf32, #tpu.memory_space<vmem>>
        %dma_wait3A_1703 = arith.constant 0 : i32
        %dma_wait3A_1704 = arith.constant 0 : i32
        %dma_wait3A_1705 = tpu.memref_slice %arg4[%dma_wait3A_1695, %dma_wait3A_1696, %dma_wait3A_1697, %dma_wait3A_1703, %dma_wait3A_1704] : memref<50x8x128x8x128xf32, #tpu.memory_space<hbm>> -> memref<1x1x1x8x128xf32, #tpu.memory_space<hbm>>
        %dma_wait3A_1706 = tpu.memref_squeeze %dma_wait3A_1705 : memref<1x1x1x8x128xf32, #tpu.memory_space<hbm>> -> memref<8x128xf32, #tpu.memory_space<hbm>>
        %dma_wait3A_1707 = tpu.memref_slice %arg9[%dma_wait3A_1698] : memref<2x!tpu.dma_semaphore, #tpu.memory_space<semaphore_mem>> -> memref<1x!tpu.dma_semaphore, #tpu.memory_space<semaphore_mem>>
        %dma_wait3A_1708 = tpu.memref_squeeze %dma_wait3A_1707 : memref<1x!tpu.dma_semaphore, #tpu.memory_space<semaphore_mem>> -> memref<!tpu.dma_semaphore, #tpu.memory_space<semaphore_mem>>
        %dma_wait3A_1709 = arith.constant 0 : i32
        %dma_wait3A_1710 = arith.constant 0 : i32
        %dma_wait3A_1711 = tpu.memref_slice %arg4[%dma_wait3A_1695, %dma_wait3A_1696, %dma_wait3A_1697, %dma_wait3A_1709, %dma_wait3A_1710] : memref<50x8x128x8x128xf32, #tpu.memory_space<hbm>> -> memref<1x1x1x8x128xf32, #tpu.memory_space<hbm>>
        %dma_wait3A_1712 = tpu.memref_squeeze %dma_wait3A_1711 : memref<1x1x1x8x128xf32, #tpu.memory_space<hbm>> -> memref<8x128xf32, #tpu.memory_space<hbm>>
        %dma_wait3A_1713 = arith.constant 16 : i32
        %dma_wait3A_1714 = arith.constant 0 : i32
        %dma_wait3A_1715 = tpu.memref_slice %arg7[%dma_wait3A_1694, %dma_wait3A_1713, %dma_wait3A_1714] : memref<2x64x128xf32, #tpu.memory_space<vmem>> -> memref<1x8x128xf32, #tpu.memory_space<vmem>>
        %dma_wait3A_1716 = tpu.memref_squeeze %dma_wait3A_1715 : memref<1x8x128xf32, #tpu.memory_space<vmem>> -> memref<8x128xf32, #tpu.memory_space<vmem>>
        tpu.wait_dma2 semaphore(%dma_wait3A_1708 : memref<!tpu.dma_semaphore, #tpu.memory_space<semaphore_mem>>) src(%dma_wait3A_1716 : memref<8x128xf32, #tpu.memory_space<vmem>>) dst(%dma_wait3A_1712 : memref<8x128xf32, #tpu.memory_space<hbm>>)
        %dma_wait3A_1717 = arith.constant 0 : i32
        %dma_wait3A_1718 = arith.constant 0 : i32
        %dma_wait3A_1719 = arith.constant 0 : i32
        %dma_wait3A_1720 = arith.constant 0 : i32
        %dma_wait3A_1721 = arith.constant 0 : i32
        %dma_wait3A_1722 = arith.constant 24 : i32
        %dma_wait3A_1723 = arith.constant 0 : i32
        %dma_wait3A_1724 = tpu.memref_slice %arg7[%dma_wait3A_1717, %dma_wait3A_1722, %dma_wait3A_1723] : memref<2x64x128xf32, #tpu.memory_space<vmem>> -> memref<1x8x128xf32, #tpu.memory_space<vmem>>
        %dma_wait3A_1725 = tpu.memref_squeeze %dma_wait3A_1724 : memref<1x8x128xf32, #tpu.memory_space<vmem>> -> memref<8x128xf32, #tpu.memory_space<vmem>>
        %dma_wait3A_1726 = arith.constant 0 : i32
        %dma_wait3A_1727 = arith.constant 0 : i32
        %dma_wait3A_1728 = tpu.memref_slice %arg4[%dma_wait3A_1718, %dma_wait3A_1719, %dma_wait3A_1720, %dma_wait3A_1726, %dma_wait3A_1727] : memref<50x8x128x8x128xf32, #tpu.memory_space<hbm>> -> memref<1x1x1x8x128xf32, #tpu.memory_space<hbm>>
        %dma_wait3A_1729 = tpu.memref_squeeze %dma_wait3A_1728 : memref<1x1x1x8x128xf32, #tpu.memory_space<hbm>> -> memref<8x128xf32, #tpu.memory_space<hbm>>
        %dma_wait3A_1730 = tpu.memref_slice %arg9[%dma_wait3A_1721] : memref<2x!tpu.dma_semaphore, #tpu.memory_space<semaphore_mem>> -> memref<1x!tpu.dma_semaphore, #tpu.memory_space<semaphore_mem>>
        %dma_wait3A_1731 = tpu.memref_squeeze %dma_wait3A_1730 : memref<1x!tpu.dma_semaphore, #tpu.memory_space<semaphore_mem>> -> memref<!tpu.dma_semaphore, #tpu.memory_space<semaphore_mem>>
        %dma_wait3A_1732 = arith.constant 0 : i32
        %dma_wait3A_1733 = arith.constant 0 : i32
        %dma_wait3A_1734 = tpu.memref_slice %arg4[%dma_wait3A_1718, %dma_wait3A_1719, %dma_wait3A_1720, %dma_wait3A_1732, %dma_wait3A_1733] : memref<50x8x128x8x128xf32, #tpu.memory_space<hbm>> -> memref<1x1x1x8x128xf32, #tpu.memory_space<hbm>>
        %dma_wait3A_1735 = tpu.memref_squeeze %dma_wait3A_1734 : memref<1x1x1x8x128xf32, #tpu.memory_space<hbm>> -> memref<8x128xf32, #tpu.memory_space<hbm>>
        %dma_wait3A_1736 = arith.constant 24 : i32
        %dma_wait3A_1737 = arith.constant 0 : i32
        %dma_wait3A_1738 = tpu.memref_slice %arg7[%dma_wait3A_1717, %dma_wait3A_1736, %dma_wait3A_1737] : memref<2x64x128xf32, #tpu.memory_space<vmem>> -> memref<1x8x128xf32, #tpu.memory_space<vmem>>
        %dma_wait3A_1739 = tpu.memref_squeeze %dma_wait3A_1738 : memref<1x8x128xf32, #tpu.memory_space<vmem>> -> memref<8x128xf32, #tpu.memory_space<vmem>>
        tpu.wait_dma2 semaphore(%dma_wait3A_1731 : memref<!tpu.dma_semaphore, #tpu.memory_space<semaphore_mem>>) src(%dma_wait3A_1739 : memref<8x128xf32, #tpu.memory_space<vmem>>) dst(%dma_wait3A_1735 : memref<8x128xf32, #tpu.memory_space<hbm>>)
        %dma_wait3A_1740 = arith.constant 0 : i32
        %dma_wait3A_1741 = arith.constant 0 : i32
        %dma_wait3A_1742 = arith.constant 0 : i32
        %dma_wait3A_1743 = arith.constant 0 : i32
        %dma_wait3A_1744 = arith.constant 0 : i32
        %dma_wait3A_1745 = arith.constant 32 : i32
        %dma_wait3A_1746 = arith.constant 0 : i32
        %dma_wait3A_1747 = tpu.memref_slice %arg7[%dma_wait3A_1740, %dma_wait3A_1745, %dma_wait3A_1746] : memref<2x64x128xf32, #tpu.memory_space<vmem>> -> memref<1x8x128xf32, #tpu.memory_space<vmem>>
        %dma_wait3A_1748 = tpu.memref_squeeze %dma_wait3A_1747 : memref<1x8x128xf32, #tpu.memory_space<vmem>> -> memref<8x128xf32, #tpu.memory_space<vmem>>
        %dma_wait3A_1749 = arith.constant 0 : i32
        %dma_wait3A_1750 = arith.constant 0 : i32
        %dma_wait3A_1751 = tpu.memref_slice %arg4[%dma_wait3A_1741, %dma_wait3A_1742, %dma_wait3A_1743, %dma_wait3A_1749, %dma_wait3A_1750] : memref<50x8x128x8x128xf32, #tpu.memory_space<hbm>> -> memref<1x1x1x8x128xf32, #tpu.memory_space<hbm>>
        %dma_wait3A_1752 = tpu.memref_squeeze %dma_wait3A_1751 : memref<1x1x1x8x128xf32, #tpu.memory_space<hbm>> -> memref<8x128xf32, #tpu.memory_space<hbm>>
        %dma_wait3A_1753 = tpu.memref_slice %arg9[%dma_wait3A_1744] : memref<2x!tpu.dma_semaphore, #tpu.memory_space<semaphore_mem>> -> memref<1x!tpu.dma_semaphore, #tpu.memory_space<semaphore_mem>>
        %dma_wait3A_1754 = tpu.memref_squeeze %dma_wait3A_1753 : memref<1x!tpu.dma_semaphore, #tpu.memory_space<semaphore_mem>> -> memref<!tpu.dma_semaphore, #tpu.memory_space<semaphore_mem>>
        %dma_wait3A_1755 = arith.constant 0 : i32
        %dma_wait3A_1756 = arith.constant 0 : i32
        %dma_wait3A_1757 = tpu.memref_slice %arg4[%dma_wait3A_1741, %dma_wait3A_1742, %dma_wait3A_1743, %dma_wait3A_1755, %dma_wait3A_1756] : memref<50x8x128x8x128xf32, #tpu.memory_space<hbm>> -> memref<1x1x1x8x128xf32, #tpu.memory_space<hbm>>
        %dma_wait3A_1758 = tpu.memref_squeeze %dma_wait3A_1757 : memref<1x1x1x8x128xf32, #tpu.memory_space<hbm>> -> memref<8x128xf32, #tpu.memory_space<hbm>>
        %dma_wait3A_1759 = arith.constant 32 : i32
        %dma_wait3A_1760 = arith.constant 0 : i32
        %dma_wait3A_1761 = tpu.memref_slice %arg7[%dma_wait3A_1740, %dma_wait3A_1759, %dma_wait3A_1760] : memref<2x64x128xf32, #tpu.memory_space<vmem>> -> memref<1x8x128xf32, #tpu.memory_space<vmem>>
        %dma_wait3A_1762 = tpu.memref_squeeze %dma_wait3A_1761 : memref<1x8x128xf32, #tpu.memory_space<vmem>> -> memref<8x128xf32, #tpu.memory_space<vmem>>
        tpu.wait_dma2 semaphore(%dma_wait3A_1754 : memref<!tpu.dma_semaphore, #tpu.memory_space<semaphore_mem>>) src(%dma_wait3A_1762 : memref<8x128xf32, #tpu.memory_space<vmem>>) dst(%dma_wait3A_1758 : memref<8x128xf32, #tpu.memory_space<hbm>>)
        %dma_wait3A_1763 = arith.constant 0 : i32
        %dma_wait3A_1764 = arith.constant 0 : i32
        %dma_wait3A_1765 = arith.constant 0 : i32
        %dma_wait3A_1766 = arith.constant 0 : i32
        %dma_wait3A_1767 = arith.constant 0 : i32
        %dma_wait3A_1768 = arith.constant 40 : i32
        %dma_wait3A_1769 = arith.constant 0 : i32
        %dma_wait3A_1770 = tpu.memref_slice %arg7[%dma_wait3A_1763, %dma_wait3A_1768, %dma_wait3A_1769] : memref<2x64x128xf32, #tpu.memory_space<vmem>> -> memref<1x8x128xf32, #tpu.memory_space<vmem>>
        %dma_wait3A_1771 = tpu.memref_squeeze %dma_wait3A_1770 : memref<1x8x128xf32, #tpu.memory_space<vmem>> -> memref<8x128xf32, #tpu.memory_space<vmem>>
        %dma_wait3A_1772 = arith.constant 0 : i32
        %dma_wait3A_1773 = arith.constant 0 : i32
        %dma_wait3A_1774 = tpu.memref_slice %arg4[%dma_wait3A_1764, %dma_wait3A_1765, %dma_wait3A_1766, %dma_wait3A_1772, %dma_wait3A_1773] : memref<50x8x128x8x128xf32, #tpu.memory_space<hbm>> -> memref<1x1x1x8x128xf32, #tpu.memory_space<hbm>>
        %dma_wait3A_1775 = tpu.memref_squeeze %dma_wait3A_1774 : memref<1x1x1x8x128xf32, #tpu.memory_space<hbm>> -> memref<8x128xf32, #tpu.memory_space<hbm>>
        %dma_wait3A_1776 = tpu.memref_slice %arg9[%dma_wait3A_1767] : memref<2x!tpu.dma_semaphore, #tpu.memory_space<semaphore_mem>> -> memref<1x!tpu.dma_semaphore, #tpu.memory_space<semaphore_mem>>
        %dma_wait3A_1777 = tpu.memref_squeeze %dma_wait3A_1776 : memref<1x!tpu.dma_semaphore, #tpu.memory_space<semaphore_mem>> -> memref<!tpu.dma_semaphore, #tpu.memory_space<semaphore_mem>>
        %dma_wait3A_1778 = arith.constant 0 : i32
        %dma_wait3A_1779 = arith.constant 0 : i32
        %dma_wait3A_1780 = tpu.memref_slice %arg4[%dma_wait3A_1764, %dma_wait3A_1765, %dma_wait3A_1766, %dma_wait3A_1778, %dma_wait3A_1779] : memref<50x8x128x8x128xf32, #tpu.memory_space<hbm>> -> memref<1x1x1x8x128xf32, #tpu.memory_space<hbm>>
        %dma_wait3A_1781 = tpu.memref_squeeze %dma_wait3A_1780 : memref<1x1x1x8x128xf32, #tpu.memory_space<hbm>> -> memref<8x128xf32, #tpu.memory_space<hbm>>
        %dma_wait3A_1782 = arith.constant 40 : i32
        %dma_wait3A_1783 = arith.constant 0 : i32
        %dma_wait3A_1784 = tpu.memref_slice %arg7[%dma_wait3A_1763, %dma_wait3A_1782, %dma_wait3A_1783] : memref<2x64x128xf32, #tpu.memory_space<vmem>> -> memref<1x8x128xf32, #tpu.memory_space<vmem>>
        %dma_wait3A_1785 = tpu.memref_squeeze %dma_wait3A_1784 : memref<1x8x128xf32, #tpu.memory_space<vmem>> -> memref<8x128xf32, #tpu.memory_space<vmem>>
        tpu.wait_dma2 semaphore(%dma_wait3A_1777 : memref<!tpu.dma_semaphore, #tpu.memory_space<semaphore_mem>>) src(%dma_wait3A_1785 : memref<8x128xf32, #tpu.memory_space<vmem>>) dst(%dma_wait3A_1781 : memref<8x128xf32, #tpu.memory_space<hbm>>)
        %dma_wait3A_1786 = arith.constant 0 : i32
        %dma_wait3A_1787 = arith.constant 0 : i32
        %dma_wait3A_1788 = arith.constant 0 : i32
        %dma_wait3A_1789 = arith.constant 0 : i32
        %dma_wait3A_1790 = arith.constant 0 : i32
        %dma_wait3A_1791 = arith.constant 48 : i32
        %dma_wait3A_1792 = arith.constant 0 : i32
        %dma_wait3A_1793 = tpu.memref_slice %arg7[%dma_wait3A_1786, %dma_wait3A_1791, %dma_wait3A_1792] : memref<2x64x128xf32, #tpu.memory_space<vmem>> -> memref<1x8x128xf32, #tpu.memory_space<vmem>>
        %dma_wait3A_1794 = tpu.memref_squeeze %dma_wait3A_1793 : memref<1x8x128xf32, #tpu.memory_space<vmem>> -> memref<8x128xf32, #tpu.memory_space<vmem>>
        %dma_wait3A_1795 = arith.constant 0 : i32
        %dma_wait3A_1796 = arith.constant 0 : i32
        %dma_wait3A_1797 = tpu.memref_slice %arg4[%dma_wait3A_1787, %dma_wait3A_1788, %dma_wait3A_1789, %dma_wait3A_1795, %dma_wait3A_1796] : memref<50x8x128x8x128xf32, #tpu.memory_space<hbm>> -> memref<1x1x1x8x128xf32, #tpu.memory_space<hbm>>
        %dma_wait3A_1798 = tpu.memref_squeeze %dma_wait3A_1797 : memref<1x1x1x8x128xf32, #tpu.memory_space<hbm>> -> memref<8x128xf32, #tpu.memory_space<hbm>>
        %dma_wait3A_1799 = tpu.memref_slice %arg9[%dma_wait3A_1790] : memref<2x!tpu.dma_semaphore, #tpu.memory_space<semaphore_mem>> -> memref<1x!tpu.dma_semaphore, #tpu.memory_space<semaphore_mem>>
        %dma_wait3A_1800 = tpu.memref_squeeze %dma_wait3A_1799 : memref<1x!tpu.dma_semaphore, #tpu.memory_space<semaphore_mem>> -> memref<!tpu.dma_semaphore, #tpu.memory_space<semaphore_mem>>
        %dma_wait3A_1801 = arith.constant 0 : i32
        %dma_wait3A_1802 = arith.constant 0 : i32
        %dma_wait3A_1803 = tpu.memref_slice %arg4[%dma_wait3A_1787, %dma_wait3A_1788, %dma_wait3A_1789, %dma_wait3A_1801, %dma_wait3A_1802] : memref<50x8x128x8x128xf32, #tpu.memory_space<hbm>> -> memref<1x1x1x8x128xf32, #tpu.memory_space<hbm>>
        %dma_wait3A_1804 = tpu.memref_squeeze %dma_wait3A_1803 : memref<1x1x1x8x128xf32, #tpu.memory_space<hbm>> -> memref<8x128xf32, #tpu.memory_space<hbm>>
        %dma_wait3A_1805 = arith.constant 48 : i32
        %dma_wait3A_1806 = arith.constant 0 : i32
        %dma_wait3A_1807 = tpu.memref_slice %arg7[%dma_wait3A_1786, %dma_wait3A_1805, %dma_wait3A_1806] : memref<2x64x128xf32, #tpu.memory_space<vmem>> -> memref<1x8x128xf32, #tpu.memory_space<vmem>>
        %dma_wait3A_1808 = tpu.memref_squeeze %dma_wait3A_1807 : memref<1x8x128xf32, #tpu.memory_space<vmem>> -> memref<8x128xf32, #tpu.memory_space<vmem>>
        tpu.wait_dma2 semaphore(%dma_wait3A_1800 : memref<!tpu.dma_semaphore, #tpu.memory_space<semaphore_mem>>) src(%dma_wait3A_1808 : memref<8x128xf32, #tpu.memory_space<vmem>>) dst(%dma_wait3A_1804 : memref<8x128xf32, #tpu.memory_space<hbm>>)
        %dma_wait3A_1809 = arith.constant 0 : i32
        %dma_wait3A_1810 = arith.constant 0 : i32
        %dma_wait3A_1811 = arith.constant 0 : i32
        %dma_wait3A_1812 = arith.constant 0 : i32
        %dma_wait3A_1813 = arith.constant 0 : i32
        %dma_wait3A_1814 = arith.constant 56 : i32
        %dma_wait3A_1815 = arith.constant 0 : i32
        %dma_wait3A_1816 = tpu.memref_slice %arg7[%dma_wait3A_1809, %dma_wait3A_1814, %dma_wait3A_1815] : memref<2x64x128xf32, #tpu.memory_space<vmem>> -> memref<1x8x128xf32, #tpu.memory_space<vmem>>
        %dma_wait3A_1817 = tpu.memref_squeeze %dma_wait3A_1816 : memref<1x8x128xf32, #tpu.memory_space<vmem>> -> memref<8x128xf32, #tpu.memory_space<vmem>>
        %dma_wait3A_1818 = arith.constant 0 : i32
        %dma_wait3A_1819 = arith.constant 0 : i32
        %dma_wait3A_1820 = tpu.memref_slice %arg4[%dma_wait3A_1810, %dma_wait3A_1811, %dma_wait3A_1812, %dma_wait3A_1818, %dma_wait3A_1819] : memref<50x8x128x8x128xf32, #tpu.memory_space<hbm>> -> memref<1x1x1x8x128xf32, #tpu.memory_space<hbm>>
        %dma_wait3A_1821 = tpu.memref_squeeze %dma_wait3A_1820 : memref<1x1x1x8x128xf32, #tpu.memory_space<hbm>> -> memref<8x128xf32, #tpu.memory_space<hbm>>
        %dma_wait3A_1822 = tpu.memref_slice %arg9[%dma_wait3A_1813] : memref<2x!tpu.dma_semaphore, #tpu.memory_space<semaphore_mem>> -> memref<1x!tpu.dma_semaphore, #tpu.memory_space<semaphore_mem>>
        %dma_wait3A_1823 = tpu.memref_squeeze %dma_wait3A_1822 : memref<1x!tpu.dma_semaphore, #tpu.memory_space<semaphore_mem>> -> memref<!tpu.dma_semaphore, #tpu.memory_space<semaphore_mem>>
        %dma_wait3A_1824 = arith.constant 0 : i32
        %dma_wait3A_1825 = arith.constant 0 : i32
        %dma_wait3A_1826 = tpu.memref_slice %arg4[%dma_wait3A_1810, %dma_wait3A_1811, %dma_wait3A_1812, %dma_wait3A_1824, %dma_wait3A_1825] : memref<50x8x128x8x128xf32, #tpu.memory_space<hbm>> -> memref<1x1x1x8x128xf32, #tpu.memory_space<hbm>>
        %dma_wait3A_1827 = tpu.memref_squeeze %dma_wait3A_1826 : memref<1x1x1x8x128xf32, #tpu.memory_space<hbm>> -> memref<8x128xf32, #tpu.memory_space<hbm>>
        %dma_wait3A_1828 = arith.constant 56 : i32
        %dma_wait3A_1829 = arith.constant 0 : i32
        %dma_wait3A_1830 = tpu.memref_slice %arg7[%dma_wait3A_1809, %dma_wait3A_1828, %dma_wait3A_1829] : memref<2x64x128xf32, #tpu.memory_space<vmem>> -> memref<1x8x128xf32, #tpu.memory_space<vmem>>
        %dma_wait3A_1831 = tpu.memref_squeeze %dma_wait3A_1830 : memref<1x8x128xf32, #tpu.memory_space<vmem>> -> memref<8x128xf32, #tpu.memory_space<vmem>>
        tpu.wait_dma2 semaphore(%dma_wait3A_1823 : memref<!tpu.dma_semaphore, #tpu.memory_space<semaphore_mem>>) src(%dma_wait3A_1831 : memref<8x128xf32, #tpu.memory_space<vmem>>) dst(%dma_wait3A_1827 : memref<8x128xf32, #tpu.memory_space<hbm>>)
      } else {
      }
      %dma_wait3A_441 = arith.constant 0 : i32
      %dma_wait3A_442 = arith.constant 0 : i32
      %dma_wait3A_443 = arith.constant 0 : i32
      %dma_wait3A_444 = arith.constant 0 : i32
      %dma_wait3A_445 = arith.constant 0 : i32
      %dma_wait3A_446 = arith.constant 0 : i32
      %dma_wait3A_447 = tpu.memref_slice %arg6[%dma_wait3A_443, %dma_wait3A_445, %dma_wait3A_446] : memref<4x128x128xf32, #tpu.memory_space<vmem>> -> memref<1x128x128xf32, #tpu.memory_space<vmem>>
      %dma_wait3A_448 = tpu.memref_squeeze %dma_wait3A_447 : memref<1x128x128xf32, #tpu.memory_space<vmem>> -> memref<128x128xf32, #tpu.memory_space<vmem>>
      %dma_wait3A_449 = arith.constant 0 : i32
      %dma_wait3A_450 = tpu.memref_slice %arg5[%dma_wait3A_441, %dma_wait3A_442, %dma_wait3A_449] : memref<4x50x128xi32, #tpu.memory_space<vmem>> -> memref<1x1x128xi32, #tpu.memory_space<vmem>>
      %dma_wait3A_451 = tpu.memref_squeeze %dma_wait3A_450 : memref<1x1x128xi32, #tpu.memory_space<vmem>> -> memref<128xi32, #tpu.memory_space<vmem>>
      %dma_wait3A_452 = arith.constant 0 : i32
      %dma_wait3A_453 = arith.constant 0 : i32
      %dma_wait3A_454 = tpu.memref_slice %arg3[%dma_wait3A_452, %dma_wait3A_453] : memref<1000000x128xf32, #tpu.memory_space<hbm>> -> memref<1000000x128xf32, #tpu.memory_space<hbm>>
      %dma_wait3A_455 = tpu.memref_slice %arg8[%dma_wait3A_444] : memref<4x!tpu.dma_semaphore, #tpu.memory_space<semaphore_mem>> -> memref<1x!tpu.dma_semaphore, #tpu.memory_space<semaphore_mem>>
      %dma_wait3A_456 = tpu.memref_squeeze %dma_wait3A_455 : memref<1x!tpu.dma_semaphore, #tpu.memory_space<semaphore_mem>> -> memref<!tpu.dma_semaphore, #tpu.memory_space<semaphore_mem>>
      tpu.wait_indirect_dma semaphore(%dma_wait3A_456 : memref<!tpu.dma_semaphore, #tpu.memory_space<semaphore_mem>>) src(%dma_wait3A_454 : memref<1000000x128xf32, #tpu.memory_space<hbm>>) dst(%dma_wait3A_448 : memref<128x128xf32, #tpu.memory_space<vmem>>)
      %parallel_loop3A = arith.constant 0 : i32
      %parallel_loop3A_457 = arith.constant 64 : i32
      %parallel_loop3A_458 = arith.constant 1 : i32
      %parallel_loop3A_459 = arith.constant 0 : i32
      scf.for %parallel_loop3A_1648 = %parallel_loop3A to %parallel_loop3A_457 step %parallel_loop3A_458  : i32 {
        %parallel_loop3A_1649 = arith.constant 0 : i32
        %parallel_loop3A_1650 = vector.broadcast %parallel_loop3A_1649 : i32 to vector<16xi32>
        %parallel_loop3A_1651 = vector.broadcast %parallel_loop3A_1648 : i32 to vector<16xi32>
        %parallel_loop3A_1652 = arith.addi %parallel_loop3A_1650, %parallel_loop3A_1651 : vector<16xi32>
        %parallel_loop3A_1653 = arith.constant 0 : i32
        %parallel_loop3A_1654 = vector.broadcast %parallel_loop3A_1653 : i32 to vector<16xi32>
        %parallel_loop3A_1655 = arith.addi %iota3A, %parallel_loop3A_1654 : vector<16xi32>
        %parallel_loop3A_1656 = arith.constant 0 : i32
        %parallel_loop3A_1657 = arith.constant 0 : i32
        %parallel_loop3A_1658 = tpu.memref_slice %arg6[%parallel_loop3A_459, %parallel_loop3A_1656, %parallel_loop3A_1657] : memref<4x128x128xf32, #tpu.memory_space<vmem>> -> memref<1x128x128xf32, #tpu.memory_space<vmem>>
        %parallel_loop3A_1659 = tpu.memref_squeeze %parallel_loop3A_1658 : memref<1x128x128xf32, #tpu.memory_space<vmem>> -> memref<128x128xf32, #tpu.memory_space<vmem>>
        %parallel_loop3A_1660 = tpu.vector_load_idx %parallel_loop3A_1659[%parallel_loop3A_1655, %parallel_loop3A_1652] : memref<128x128xf32, #tpu.memory_space<vmem>>[vector<16xi32>, vector<16xi32>], vector<16xf32>,
        %parallel_loop3A_1661 = arith.constant 0 : i32
        %parallel_loop3A_1662 = arith.index_cast %parallel_loop3A_1661 : i32 to index
        %parallel_loop3A_1663 = arith.index_cast %parallel_loop3A_1648 : i32 to index
        %parallel_loop3A_1664 = arith.constant 0 : index
        %parallel_loop3A_1665 = tpu.vector_load %arg7[%parallel_loop3A_1662, %parallel_loop3A_1663, %parallel_loop3A_1664] {strides = array<i32>} : memref<2x64x128xf32, #tpu.memory_space<vmem>>, vector<16xf32>,
        tpu.vector_store %arg7[%parallel_loop3A_1662, %parallel_loop3A_1663, %parallel_loop3A_1664], %parallel_loop3A_1660 {strides = array<i32>} : memref<2x64x128xf32, #tpu.memory_space<vmem>>, vector<16xf32>,
        %parallel_loop3A_1666 = arith.constant 16 : i32
        %parallel_loop3A_1667 = vector.broadcast %parallel_loop3A_1666 : i32 to vector<16xi32>
        %parallel_loop3A_1668 = arith.addi %iota3A, %parallel_loop3A_1667 : vector<16xi32>
        %parallel_loop3A_1669 = arith.constant 0 : i32
        %parallel_loop3A_1670 = arith.constant 0 : i32
        %parallel_loop3A_1671 = tpu.memref_slice %arg6[%parallel_loop3A_459, %parallel_loop3A_1669, %parallel_loop3A_1670] : memref<4x128x128xf32, #tpu.memory_space<vmem>> -> memref<1x128x128xf32, #tpu.memory_space<vmem>>
        %parallel_loop3A_1672 = tpu.memref_squeeze %parallel_loop3A_1671 : memref<1x128x128xf32, #tpu.memory_space<vmem>> -> memref<128x128xf32, #tpu.memory_space<vmem>>
        %parallel_loop3A_1673 = tpu.vector_load_idx %parallel_loop3A_1672[%parallel_loop3A_1668, %parallel_loop3A_1652] : memref<128x128xf32, #tpu.memory_space<vmem>>[vector<16xi32>, vector<16xi32>], vector<16xf32>,
        %parallel_loop3A_1674 = arith.constant 0 : i32
        %parallel_loop3A_1675 = arith.index_cast %parallel_loop3A_1674 : i32 to index
        %parallel_loop3A_1676 = arith.index_cast %parallel_loop3A_1648 : i32 to index
        %parallel_loop3A_1677 = arith.constant 16 : index
        %parallel_loop3A_1678 = tpu.vector_load %arg7[%parallel_loop3A_1675, %parallel_loop3A_1676, %parallel_loop3A_1677] {strides = array<i32>} : memref<2x64x128xf32, #tpu.memory_space<vmem>>, vector<16xf32>,
        tpu.vector_store %arg7[%parallel_loop3A_1675, %parallel_loop3A_1676, %parallel_loop3A_1677], %parallel_loop3A_1673 {strides = array<i32>} : memref<2x64x128xf32, #tpu.memory_space<vmem>>, vector<16xf32>,
        %parallel_loop3A_1679 = arith.constant 32 : i32
        %parallel_loop3A_1680 = vector.broadcast %parallel_loop3A_1679 : i32 to vector<16xi32>
        %parallel_loop3A_1681 = arith.addi %iota3A, %parallel_loop3A_1680 : vector<16xi32>
        %parallel_loop3A_1682 = arith.constant 0 : i32
        %parallel_loop3A_1683 = arith.constant 0 : i32
        %parallel_loop3A_1684 = tpu.memref_slice %arg6[%parallel_loop3A_459, %parallel_loop3A_1682, %parallel_loop3A_1683] : memref<4x128x128xf32, #tpu.memory_space<vmem>> -> memref<1x128x128xf32, #tpu.memory_space<vmem>>
        %parallel_loop3A_1685 = tpu.memref_squeeze %parallel_loop3A_1684 : memref<1x128x128xf32, #tpu.memory_space<vmem>> -> memref<128x128xf32, #tpu.memory_space<vmem>>
        %parallel_loop3A_1686 = tpu.vector_load_idx %parallel_loop3A_1685[%parallel_loop3A_1681, %parallel_loop3A_1652] : memref<128x128xf32, #tpu.memory_space<vmem>>[vector<16xi32>, vector<16xi32>], vector<16xf32>,
        %parallel_loop3A_1687 = arith.constant 0 : i32
        %parallel_loop3A_1688 = arith.index_cast %parallel_loop3A_1687 : i32 to index
        %parallel_loop3A_1689 = arith.index_cast %parallel_loop3A_1648 : i32 to index
        %parallel_loop3A_1690 = arith.constant 32 : index
        %parallel_loop3A_1691 = tpu.vector_load %arg7[%parallel_loop3A_1688, %parallel_loop3A_1689, %parallel_loop3A_1690] {strides = array<i32>} : memref<2x64x128xf32, #tpu.memory_space<vmem>>, vector<16xf32>,
        tpu.vector_store %arg7[%parallel_loop3A_1688, %parallel_loop3A_1689, %parallel_loop3A_1690], %parallel_loop3A_1686 {strides = array<i32>} : memref<2x64x128xf32, #tpu.memory_space<vmem>>, vector<16xf32>,
        %parallel_loop3A_1692 = arith.constant 48 : i32
        %parallel_loop3A_1693 = vector.broadcast %parallel_loop3A_1692 : i32 to vector<16xi32>
        %parallel_loop3A_1694 = arith.addi %iota3A, %parallel_loop3A_1693 : vector<16xi32>
        %parallel_loop3A_1695 = arith.constant 0 : i32
        %parallel_loop3A_1696 = arith.constant 0 : i32
        %parallel_loop3A_1697 = tpu.memref_slice %arg6[%parallel_loop3A_459, %parallel_loop3A_1695, %parallel_loop3A_1696] : memref<4x128x128xf32, #tpu.memory_space<vmem>> -> memref<1x128x128xf32, #tpu.memory_space<vmem>>
        %parallel_loop3A_1698 = tpu.memref_squeeze %parallel_loop3A_1697 : memref<1x128x128xf32, #tpu.memory_space<vmem>> -> memref<128x128xf32, #tpu.memory_space<vmem>>
        %parallel_loop3A_1699 = tpu.vector_load_idx %parallel_loop3A_1698[%parallel_loop3A_1694, %parallel_loop3A_1652] : memref<128x128xf32, #tpu.memory_space<vmem>>[vector<16xi32>, vector<16xi32>], vector<16xf32>,
        %parallel_loop3A_1700 = arith.constant 0 : i32
        %parallel_loop3A_1701 = arith.index_cast %parallel_loop3A_1700 : i32 to index
        %parallel_loop3A_1702 = arith.index_cast %parallel_loop3A_1648 : i32 to index
        %parallel_loop3A_1703 = arith.constant 48 : index
        %parallel_loop3A_1704 = tpu.vector_load %arg7[%parallel_loop3A_1701, %parallel_loop3A_1702, %parallel_loop3A_1703] {strides = array<i32>} : memref<2x64x128xf32, #tpu.memory_space<vmem>>, vector<16xf32>,
        tpu.vector_store %arg7[%parallel_loop3A_1701, %parallel_loop3A_1702, %parallel_loop3A_1703], %parallel_loop3A_1699 {strides = array<i32>} : memref<2x64x128xf32, #tpu.memory_space<vmem>>, vector<16xf32>,
        %parallel_loop3A_1705 = arith.constant 64 : i32
        %parallel_loop3A_1706 = vector.broadcast %parallel_loop3A_1705 : i32 to vector<16xi32>
        %parallel_loop3A_1707 = arith.addi %iota3A, %parallel_loop3A_1706 : vector<16xi32>
        %parallel_loop3A_1708 = arith.constant 0 : i32
        %parallel_loop3A_1709 = arith.constant 0 : i32
        %parallel_loop3A_1710 = tpu.memref_slice %arg6[%parallel_loop3A_459, %parallel_loop3A_1708, %parallel_loop3A_1709] : memref<4x128x128xf32, #tpu.memory_space<vmem>> -> memref<1x128x128xf32, #tpu.memory_space<vmem>>
        %parallel_loop3A_1711 = tpu.memref_squeeze %parallel_loop3A_1710 : memref<1x128x128xf32, #tpu.memory_space<vmem>> -> memref<128x128xf32, #tpu.memory_space<vmem>>
        %parallel_loop3A_1712 = tpu.vector_load_idx %parallel_loop3A_1711[%parallel_loop3A_1707, %parallel_loop3A_1652] : memref<128x128xf32, #tpu.memory_space<vmem>>[vector<16xi32>, vector<16xi32>], vector<16xf32>,
        %parallel_loop3A_1713 = arith.constant 0 : i32
        %parallel_loop3A_1714 = arith.index_cast %parallel_loop3A_1713 : i32 to index
        %parallel_loop3A_1715 = arith.index_cast %parallel_loop3A_1648 : i32 to index
        %parallel_loop3A_1716 = arith.constant 64 : index
        %parallel_loop3A_1717 = tpu.vector_load %arg7[%parallel_loop3A_1714, %parallel_loop3A_1715, %parallel_loop3A_1716] {strides = array<i32>} : memref<2x64x128xf32, #tpu.memory_space<vmem>>, vector<16xf32>,
        tpu.vector_store %arg7[%parallel_loop3A_1714, %parallel_loop3A_1715, %parallel_loop3A_1716], %parallel_loop3A_1712 {strides = array<i32>} : memref<2x64x128xf32, #tpu.memory_space<vmem>>, vector<16xf32>,
        %parallel_loop3A_1718 = arith.constant 80 : i32
        %parallel_loop3A_1719 = vector.broadcast %parallel_loop3A_1718 : i32 to vector<16xi32>
        %parallel_loop3A_1720 = arith.addi %iota3A, %parallel_loop3A_1719 : vector<16xi32>
        %parallel_loop3A_1721 = arith.constant 0 : i32
        %parallel_loop3A_1722 = arith.constant 0 : i32
        %parallel_loop3A_1723 = tpu.memref_slice %arg6[%parallel_loop3A_459, %parallel_loop3A_1721, %parallel_loop3A_1722] : memref<4x128x128xf32, #tpu.memory_space<vmem>> -> memref<1x128x128xf32, #tpu.memory_space<vmem>>
        %parallel_loop3A_1724 = tpu.memref_squeeze %parallel_loop3A_1723 : memref<1x128x128xf32, #tpu.memory_space<vmem>> -> memref<128x128xf32, #tpu.memory_space<vmem>>
        %parallel_loop3A_1725 = tpu.vector_load_idx %parallel_loop3A_1724[%parallel_loop3A_1720, %parallel_loop3A_1652] : memref<128x128xf32, #tpu.memory_space<vmem>>[vector<16xi32>, vector<16xi32>], vector<16xf32>,
        %parallel_loop3A_1726 = arith.constant 0 : i32
        %parallel_loop3A_1727 = arith.index_cast %parallel_loop3A_1726 : i32 to index
        %parallel_loop3A_1728 = arith.index_cast %parallel_loop3A_1648 : i32 to index
        %parallel_loop3A_1729 = arith.constant 80 : index
        %parallel_loop3A_1730 = tpu.vector_load %arg7[%parallel_loop3A_1727, %parallel_loop3A_1728, %parallel_loop3A_1729] {strides = array<i32>} : memref<2x64x128xf32, #tpu.memory_space<vmem>>, vector<16xf32>,
        tpu.vector_store %arg7[%parallel_loop3A_1727, %parallel_loop3A_1728, %parallel_loop3A_1729], %parallel_loop3A_1725 {strides = array<i32>} : memref<2x64x128xf32, #tpu.memory_space<vmem>>, vector<16xf32>,
        %parallel_loop3A_1731 = arith.constant 96 : i32
        %parallel_loop3A_1732 = vector.broadcast %parallel_loop3A_1731 : i32 to vector<16xi32>
        %parallel_loop3A_1733 = arith.addi %iota3A, %parallel_loop3A_1732 : vector<16xi32>
        %parallel_loop3A_1734 = arith.constant 0 : i32
        %parallel_loop3A_1735 = arith.constant 0 : i32
        %parallel_loop3A_1736 = tpu.memref_slice %arg6[%parallel_loop3A_459, %parallel_loop3A_1734, %parallel_loop3A_1735] : memref<4x128x128xf32, #tpu.memory_space<vmem>> -> memref<1x128x128xf32, #tpu.memory_space<vmem>>
        %parallel_loop3A_1737 = tpu.memref_squeeze %parallel_loop3A_1736 : memref<1x128x128xf32, #tpu.memory_space<vmem>> -> memref<128x128xf32, #tpu.memory_space<vmem>>
        %parallel_loop3A_1738 = tpu.vector_load_idx %parallel_loop3A_1737[%parallel_loop3A_1733, %parallel_loop3A_1652] : memref<128x128xf32, #tpu.memory_space<vmem>>[vector<16xi32>, vector<16xi32>], vector<16xf32>,
        %parallel_loop3A_1739 = arith.constant 0 : i32
        %parallel_loop3A_1740 = arith.index_cast %parallel_loop3A_1739 : i32 to index
        %parallel_loop3A_1741 = arith.index_cast %parallel_loop3A_1648 : i32 to index
        %parallel_loop3A_1742 = arith.constant 96 : index
        %parallel_loop3A_1743 = tpu.vector_load %arg7[%parallel_loop3A_1740, %parallel_loop3A_1741, %parallel_loop3A_1742] {strides = array<i32>} : memref<2x64x128xf32, #tpu.memory_space<vmem>>, vector<16xf32>,
        tpu.vector_store %arg7[%parallel_loop3A_1740, %parallel_loop3A_1741, %parallel_loop3A_1742], %parallel_loop3A_1738 {strides = array<i32>} : memref<2x64x128xf32, #tpu.memory_space<vmem>>, vector<16xf32>,
        %parallel_loop3A_1744 = arith.constant 112 : i32
        %parallel_loop3A_1745 = vector.broadcast %parallel_loop3A_1744 : i32 to vector<16xi32>
        %parallel_loop3A_1746 = arith.addi %iota3A, %parallel_loop3A_1745 : vector<16xi32>
        %parallel_loop3A_1747 = arith.constant 0 : i32
        %parallel_loop3A_1748 = arith.constant 0 : i32
        %parallel_loop3A_1749 = tpu.memref_slice %arg6[%parallel_loop3A_459, %parallel_loop3A_1747, %parallel_loop3A_1748] : memref<4x128x128xf32, #tpu.memory_space<vmem>> -> memref<1x128x128xf32, #tpu.memory_space<vmem>>
        %parallel_loop3A_1750 = tpu.memref_squeeze %parallel_loop3A_1749 : memref<1x128x128xf32, #tpu.memory_space<vmem>> -> memref<128x128xf32, #tpu.memory_space<vmem>>
        %parallel_loop3A_1751 = tpu.vector_load_idx %parallel_loop3A_1750[%parallel_loop3A_1746, %parallel_loop3A_1652] : memref<128x128xf32, #tpu.memory_space<vmem>>[vector<16xi32>, vector<16xi32>], vector<16xf32>,
        %parallel_loop3A_1752 = arith.constant 0 : i32
        %parallel_loop3A_1753 = arith.index_cast %parallel_loop3A_1752 : i32 to index
        %parallel_loop3A_1754 = arith.index_cast %parallel_loop3A_1648 : i32 to index
        %parallel_loop3A_1755 = arith.constant 112 : index
        %parallel_loop3A_1756 = tpu.vector_load %arg7[%parallel_loop3A_1753, %parallel_loop3A_1754, %parallel_loop3A_1755] {strides = array<i32>} : memref<2x64x128xf32, #tpu.memory_space<vmem>>, vector<16xf32>,
        tpu.vector_store %arg7[%parallel_loop3A_1753, %parallel_loop3A_1754, %parallel_loop3A_1755], %parallel_loop3A_1751 {strides = array<i32>} : memref<2x64x128xf32, #tpu.memory_space<vmem>>, vector<16xf32>,
      } {sc.loop_unroll_factor = 8 : i64, sc.parallel_access}
      %add3A_460 = arith.constant 0 : i32
      %add3A_461 = arith.addi %mul3A_2, %add3A_460 : i32
      %dma_start3A_462 = arith.constant 0 : i32
      %dma_start3A_463 = arith.constant 0 : i32
      %dma_start3A_464 = arith.constant 0 : i32
      %dma_start3A_465 = arith.constant 0 : i32
      %dma_start3A_466 = arith.constant 0 : i32
      %dma_start3A_467 = tpu.memref_slice %arg7[%dma_start3A_462, %dma_start3A_465, %dma_start3A_466] : memref<2x64x128xf32, #tpu.memory_space<vmem>> -> memref<1x8x128xf32, #tpu.memory_space<vmem>>
      %dma_start3A_468 = tpu.memref_squeeze %dma_start3A_467 : memref<1x8x128xf32, #tpu.memory_space<vmem>> -> memref<8x128xf32, #tpu.memory_space<vmem>>
      %dma_start3A_469 = arith.constant 0 : i32
      %dma_start3A_470 = arith.constant 0 : i32
      %dma_start3A_471 = tpu.memref_slice %arg4[%scan3A_438, %dma_start3A_463, %add3A_461, %dma_start3A_469, %dma_start3A_470] : memref<50x8x128x8x128xf32, #tpu.memory_space<hbm>> -> memref<1x1x1x8x128xf32, #tpu.memory_space<hbm>>
      %dma_start3A_472 = tpu.memref_squeeze %dma_start3A_471 : memref<1x1x1x8x128xf32, #tpu.memory_space<hbm>> -> memref<8x128xf32, #tpu.memory_space<hbm>>
      %dma_start3A_473 = tpu.memref_slice %arg9[%dma_start3A_464] : memref<2x!tpu.dma_semaphore, #tpu.memory_space<semaphore_mem>> -> memref<1x!tpu.dma_semaphore, #tpu.memory_space<semaphore_mem>>
      %dma_start3A_474 = tpu.memref_squeeze %dma_start3A_473 : memref<1x!tpu.dma_semaphore, #tpu.memory_space<semaphore_mem>> -> memref<!tpu.dma_semaphore, #tpu.memory_space<semaphore_mem>>
      %dma_start3A_475 = arith.constant 0 : i32
      %dma_start3A_476 = arith.constant 0 : i32
      %dma_start3A_477 = tpu.memref_slice %arg4[%scan3A_438, %dma_start3A_463, %add3A_461, %dma_start3A_475, %dma_start3A_476] : memref<50x8x128x8x128xf32, #tpu.memory_space<hbm>> -> memref<1x1x1x8x128xf32, #tpu.memory_space<hbm>>
      %dma_start3A_478 = tpu.memref_squeeze %dma_start3A_477 : memref<1x1x1x8x128xf32, #tpu.memory_space<hbm>> -> memref<8x128xf32, #tpu.memory_space<hbm>>
      %dma_start3A_479 = arith.constant 0 : i32
      %dma_start3A_480 = arith.constant 0 : i32
      %dma_start3A_481 = tpu.memref_slice %arg7[%dma_start3A_462, %dma_start3A_479, %dma_start3A_480] : memref<2x64x128xf32, #tpu.memory_space<vmem>> -> memref<1x8x128xf32, #tpu.memory_space<vmem>>
      %dma_start3A_482 = tpu.memref_squeeze %dma_start3A_481 : memref<1x8x128xf32, #tpu.memory_space<vmem>> -> memref<8x128xf32, #tpu.memory_space<vmem>>
      tpu.enqueue_dma source(%dma_start3A_482 : memref<8x128xf32, #tpu.memory_space<vmem>>) target(%dma_start3A_478 : memref<8x128xf32, #tpu.memory_space<hbm>>) target_semaphore(%dma_start3A_474 : memref<!tpu.dma_semaphore, #tpu.memory_space<semaphore_mem>>)
      %add3A_483 = arith.constant 0 : i32
      %add3A_484 = arith.addi %mul3A_2, %add3A_483 : i32
      %dma_start3A_485 = arith.constant 0 : i32
      %dma_start3A_486 = arith.constant 1 : i32
      %dma_start3A_487 = arith.constant 0 : i32
      %dma_start3A_488 = arith.constant 8 : i32
      %dma_start3A_489 = arith.constant 0 : i32
      %dma_start3A_490 = tpu.memref_slice %arg7[%dma_start3A_485, %dma_start3A_488, %dma_start3A_489] : memref<2x64x128xf32, #tpu.memory_space<vmem>> -> memref<1x8x128xf32, #tpu.memory_space<vmem>>
      %dma_start3A_491 = tpu.memref_squeeze %dma_start3A_490 : memref<1x8x128xf32, #tpu.memory_space<vmem>> -> memref<8x128xf32, #tpu.memory_space<vmem>>
      %dma_start3A_492 = arith.constant 0 : i32
      %dma_start3A_493 = arith.constant 0 : i32
      %dma_start3A_494 = tpu.memref_slice %arg4[%scan3A_438, %dma_start3A_486, %add3A_484, %dma_start3A_492, %dma_start3A_493] : memref<50x8x128x8x128xf32, #tpu.memory_space<hbm>> -> memref<1x1x1x8x128xf32, #tpu.memory_space<hbm>>
      %dma_start3A_495 = tpu.memref_squeeze %dma_start3A_494 : memref<1x1x1x8x128xf32, #tpu.memory_space<hbm>> -> memref<8x128xf32, #tpu.memory_space<hbm>>
      %dma_start3A_496 = tpu.memref_slice %arg9[%dma_start3A_487] : memref<2x!tpu.dma_semaphore, #tpu.memory_space<semaphore_mem>> -> memref<1x!tpu.dma_semaphore, #tpu.memory_space<semaphore_mem>>
      %dma_start3A_497 = tpu.memref_squeeze %dma_start3A_496 : memref<1x!tpu.dma_semaphore, #tpu.memory_space<semaphore_mem>> -> memref<!tpu.dma_semaphore, #tpu.memory_space<semaphore_mem>>
      %dma_start3A_498 = arith.constant 0 : i32
      %dma_start3A_499 = arith.constant 0 : i32
      %dma_start3A_500 = tpu.memref_slice %arg4[%scan3A_438, %dma_start3A_486, %add3A_484, %dma_start3A_498, %dma_start3A_499] : memref<50x8x128x8x128xf32, #tpu.memory_space<hbm>> -> memref<1x1x1x8x128xf32, #tpu.memory_space<hbm>>
      %dma_start3A_501 = tpu.memref_squeeze %dma_start3A_500 : memref<1x1x1x8x128xf32, #tpu.memory_space<hbm>> -> memref<8x128xf32, #tpu.memory_space<hbm>>
      %dma_start3A_502 = arith.constant 8 : i32
      %dma_start3A_503 = arith.constant 0 : i32
      %dma_start3A_504 = tpu.memref_slice %arg7[%dma_start3A_485, %dma_start3A_502, %dma_start3A_503] : memref<2x64x128xf32, #tpu.memory_space<vmem>> -> memref<1x8x128xf32, #tpu.memory_space<vmem>>
      %dma_start3A_505 = tpu.memref_squeeze %dma_start3A_504 : memref<1x8x128xf32, #tpu.memory_space<vmem>> -> memref<8x128xf32, #tpu.memory_space<vmem>>
      tpu.enqueue_dma source(%dma_start3A_505 : memref<8x128xf32, #tpu.memory_space<vmem>>) target(%dma_start3A_501 : memref<8x128xf32, #tpu.memory_space<hbm>>) target_semaphore(%dma_start3A_497 : memref<!tpu.dma_semaphore, #tpu.memory_space<semaphore_mem>>)
      %add3A_506 = arith.constant 0 : i32
      %add3A_507 = arith.addi %mul3A_2, %add3A_506 : i32
      %dma_start3A_508 = arith.constant 0 : i32
      %dma_start3A_509 = arith.constant 2 : i32
      %dma_start3A_510 = arith.constant 0 : i32
      %dma_start3A_511 = arith.constant 16 : i32
      %dma_start3A_512 = arith.constant 0 : i32
      %dma_start3A_513 = tpu.memref_slice %arg7[%dma_start3A_508, %dma_start3A_511, %dma_start3A_512] : memref<2x64x128xf32, #tpu.memory_space<vmem>> -> memref<1x8x128xf32, #tpu.memory_space<vmem>>
      %dma_start3A_514 = tpu.memref_squeeze %dma_start3A_513 : memref<1x8x128xf32, #tpu.memory_space<vmem>> -> memref<8x128xf32, #tpu.memory_space<vmem>>
      %dma_start3A_515 = arith.constant 0 : i32
      %dma_start3A_516 = arith.constant 0 : i32
      %dma_start3A_517 = tpu.memref_slice %arg4[%scan3A_438, %dma_start3A_509, %add3A_507, %dma_start3A_515, %dma_start3A_516] : memref<50x8x128x8x128xf32, #tpu.memory_space<hbm>> -> memref<1x1x1x8x128xf32, #tpu.memory_space<hbm>>
      %dma_start3A_518 = tpu.memref_squeeze %dma_start3A_517 : memref<1x1x1x8x128xf32, #tpu.memory_space<hbm>> -> memref<8x128xf32, #tpu.memory_space<hbm>>
      %dma_start3A_519 = tpu.memref_slice %arg9[%dma_start3A_510] : memref<2x!tpu.dma_semaphore, #tpu.memory_space<semaphore_mem>> -> memref<1x!tpu.dma_semaphore, #tpu.memory_space<semaphore_mem>>
      %dma_start3A_520 = tpu.memref_squeeze %dma_start3A_519 : memref<1x!tpu.dma_semaphore, #tpu.memory_space<semaphore_mem>> -> memref<!tpu.dma_semaphore, #tpu.memory_space<semaphore_mem>>
      %dma_start3A_521 = arith.constant 0 : i32
      %dma_start3A_522 = arith.constant 0 : i32
      %dma_start3A_523 = tpu.memref_slice %arg4[%scan3A_438, %dma_start3A_509, %add3A_507, %dma_start3A_521, %dma_start3A_522] : memref<50x8x128x8x128xf32, #tpu.memory_space<hbm>> -> memref<1x1x1x8x128xf32, #tpu.memory_space<hbm>>
      %dma_start3A_524 = tpu.memref_squeeze %dma_start3A_523 : memref<1x1x1x8x128xf32, #tpu.memory_space<hbm>> -> memref<8x128xf32, #tpu.memory_space<hbm>>
      %dma_start3A_525 = arith.constant 16 : i32
      %dma_start3A_526 = arith.constant 0 : i32
      %dma_start3A_527 = tpu.memref_slice %arg7[%dma_start3A_508, %dma_start3A_525, %dma_start3A_526] : memref<2x64x128xf32, #tpu.memory_space<vmem>> -> memref<1x8x128xf32, #tpu.memory_space<vmem>>
      %dma_start3A_528 = tpu.memref_squeeze %dma_start3A_527 : memref<1x8x128xf32, #tpu.memory_space<vmem>> -> memref<8x128xf32, #tpu.memory_space<vmem>>
      tpu.enqueue_dma source(%dma_start3A_528 : memref<8x128xf32, #tpu.memory_space<vmem>>) target(%dma_start3A_524 : memref<8x128xf32, #tpu.memory_space<hbm>>) target_semaphore(%dma_start3A_520 : memref<!tpu.dma_semaphore, #tpu.memory_space<semaphore_mem>>)
      %add3A_529 = arith.constant 0 : i32
      %add3A_530 = arith.addi %mul3A_2, %add3A_529 : i32
      %dma_start3A_531 = arith.constant 0 : i32
      %dma_start3A_532 = arith.constant 3 : i32
      %dma_start3A_533 = arith.constant 0 : i32
      %dma_start3A_534 = arith.constant 24 : i32
      %dma_start3A_535 = arith.constant 0 : i32
      %dma_start3A_536 = tpu.memref_slice %arg7[%dma_start3A_531, %dma_start3A_534, %dma_start3A_535] : memref<2x64x128xf32, #tpu.memory_space<vmem>> -> memref<1x8x128xf32, #tpu.memory_space<vmem>>
      %dma_start3A_537 = tpu.memref_squeeze %dma_start3A_536 : memref<1x8x128xf32, #tpu.memory_space<vmem>> -> memref<8x128xf32, #tpu.memory_space<vmem>>
      %dma_start3A_538 = arith.constant 0 : i32
      %dma_start3A_539 = arith.constant 0 : i32
      %dma_start3A_540 = tpu.memref_slice %arg4[%scan3A_438, %dma_start3A_532, %add3A_530, %dma_start3A_538, %dma_start3A_539] : memref<50x8x128x8x128xf32, #tpu.memory_space<hbm>> -> memref<1x1x1x8x128xf32, #tpu.memory_space<hbm>>
      %dma_start3A_541 = tpu.memref_squeeze %dma_start3A_540 : memref<1x1x1x8x128xf32, #tpu.memory_space<hbm>> -> memref<8x128xf32, #tpu.memory_space<hbm>>
      %dma_start3A_542 = tpu.memref_slice %arg9[%dma_start3A_533] : memref<2x!tpu.dma_semaphore, #tpu.memory_space<semaphore_mem>> -> memref<1x!tpu.dma_semaphore, #tpu.memory_space<semaphore_mem>>
      %dma_start3A_543 = tpu.memref_squeeze %dma_start3A_542 : memref<1x!tpu.dma_semaphore, #tpu.memory_space<semaphore_mem>> -> memref<!tpu.dma_semaphore, #tpu.memory_space<semaphore_mem>>
      %dma_start3A_544 = arith.constant 0 : i32
      %dma_start3A_545 = arith.constant 0 : i32
      %dma_start3A_546 = tpu.memref_slice %arg4[%scan3A_438, %dma_start3A_532, %add3A_530, %dma_start3A_544, %dma_start3A_545] : memref<50x8x128x8x128xf32, #tpu.memory_space<hbm>> -> memref<1x1x1x8x128xf32, #tpu.memory_space<hbm>>
      %dma_start3A_547 = tpu.memref_squeeze %dma_start3A_546 : memref<1x1x1x8x128xf32, #tpu.memory_space<hbm>> -> memref<8x128xf32, #tpu.memory_space<hbm>>
      %dma_start3A_548 = arith.constant 24 : i32
      %dma_start3A_549 = arith.constant 0 : i32
      %dma_start3A_550 = tpu.memref_slice %arg7[%dma_start3A_531, %dma_start3A_548, %dma_start3A_549] : memref<2x64x128xf32, #tpu.memory_space<vmem>> -> memref<1x8x128xf32, #tpu.memory_space<vmem>>
      %dma_start3A_551 = tpu.memref_squeeze %dma_start3A_550 : memref<1x8x128xf32, #tpu.memory_space<vmem>> -> memref<8x128xf32, #tpu.memory_space<vmem>>
      tpu.enqueue_dma source(%dma_start3A_551 : memref<8x128xf32, #tpu.memory_space<vmem>>) target(%dma_start3A_547 : memref<8x128xf32, #tpu.memory_space<hbm>>) target_semaphore(%dma_start3A_543 : memref<!tpu.dma_semaphore, #tpu.memory_space<semaphore_mem>>)
      %add3A_552 = arith.constant 0 : i32
      %add3A_553 = arith.addi %mul3A_2, %add3A_552 : i32
      %dma_start3A_554 = arith.constant 0 : i32
      %dma_start3A_555 = arith.constant 4 : i32
      %dma_start3A_556 = arith.constant 0 : i32
      %dma_start3A_557 = arith.constant 32 : i32
      %dma_start3A_558 = arith.constant 0 : i32
      %dma_start3A_559 = tpu.memref_slice %arg7[%dma_start3A_554, %dma_start3A_557, %dma_start3A_558] : memref<2x64x128xf32, #tpu.memory_space<vmem>> -> memref<1x8x128xf32, #tpu.memory_space<vmem>>
      %dma_start3A_560 = tpu.memref_squeeze %dma_start3A_559 : memref<1x8x128xf32, #tpu.memory_space<vmem>> -> memref<8x128xf32, #tpu.memory_space<vmem>>
      %dma_start3A_561 = arith.constant 0 : i32
      %dma_start3A_562 = arith.constant 0 : i32
      %dma_start3A_563 = tpu.memref_slice %arg4[%scan3A_438, %dma_start3A_555, %add3A_553, %dma_start3A_561, %dma_start3A_562] : memref<50x8x128x8x128xf32, #tpu.memory_space<hbm>> -> memref<1x1x1x8x128xf32, #tpu.memory_space<hbm>>
      %dma_start3A_564 = tpu.memref_squeeze %dma_start3A_563 : memref<1x1x1x8x128xf32, #tpu.memory_space<hbm>> -> memref<8x128xf32, #tpu.memory_space<hbm>>
      %dma_start3A_565 = tpu.memref_slice %arg9[%dma_start3A_556] : memref<2x!tpu.dma_semaphore, #tpu.memory_space<semaphore_mem>> -> memref<1x!tpu.dma_semaphore, #tpu.memory_space<semaphore_mem>>
      %dma_start3A_566 = tpu.memref_squeeze %dma_start3A_565 : memref<1x!tpu.dma_semaphore, #tpu.memory_space<semaphore_mem>> -> memref<!tpu.dma_semaphore, #tpu.memory_space<semaphore_mem>>
      %dma_start3A_567 = arith.constant 0 : i32
      %dma_start3A_568 = arith.constant 0 : i32
      %dma_start3A_569 = tpu.memref_slice %arg4[%scan3A_438, %dma_start3A_555, %add3A_553, %dma_start3A_567, %dma_start3A_568] : memref<50x8x128x8x128xf32, #tpu.memory_space<hbm>> -> memref<1x1x1x8x128xf32, #tpu.memory_space<hbm>>
      %dma_start3A_570 = tpu.memref_squeeze %dma_start3A_569 : memref<1x1x1x8x128xf32, #tpu.memory_space<hbm>> -> memref<8x128xf32, #tpu.memory_space<hbm>>
      %dma_start3A_571 = arith.constant 32 : i32
      %dma_start3A_572 = arith.constant 0 : i32
      %dma_start3A_573 = tpu.memref_slice %arg7[%dma_start3A_554, %dma_start3A_571, %dma_start3A_572] : memref<2x64x128xf32, #tpu.memory_space<vmem>> -> memref<1x8x128xf32, #tpu.memory_space<vmem>>
      %dma_start3A_574 = tpu.memref_squeeze %dma_start3A_573 : memref<1x8x128xf32, #tpu.memory_space<vmem>> -> memref<8x128xf32, #tpu.memory_space<vmem>>
      tpu.enqueue_dma source(%dma_start3A_574 : memref<8x128xf32, #tpu.memory_space<vmem>>) target(%dma_start3A_570 : memref<8x128xf32, #tpu.memory_space<hbm>>) target_semaphore(%dma_start3A_566 : memref<!tpu.dma_semaphore, #tpu.memory_space<semaphore_mem>>)
      %add3A_575 = arith.constant 0 : i32
      %add3A_576 = arith.addi %mul3A_2, %add3A_575 : i32
      %dma_start3A_577 = arith.constant 0 : i32
      %dma_start3A_578 = arith.constant 5 : i32
      %dma_start3A_579 = arith.constant 0 : i32
      %dma_start3A_580 = arith.constant 40 : i32
      %dma_start3A_581 = arith.constant 0 : i32
      %dma_start3A_582 = tpu.memref_slice %arg7[%dma_start3A_577, %dma_start3A_580, %dma_start3A_581] : memref<2x64x128xf32, #tpu.memory_space<vmem>> -> memref<1x8x128xf32, #tpu.memory_space<vmem>>
      %dma_start3A_583 = tpu.memref_squeeze %dma_start3A_582 : memref<1x8x128xf32, #tpu.memory_space<vmem>> -> memref<8x128xf32, #tpu.memory_space<vmem>>
      %dma_start3A_584 = arith.constant 0 : i32
      %dma_start3A_585 = arith.constant 0 : i32
      %dma_start3A_586 = tpu.memref_slice %arg4[%scan3A_438, %dma_start3A_578, %add3A_576, %dma_start3A_584, %dma_start3A_585] : memref<50x8x128x8x128xf32, #tpu.memory_space<hbm>> -> memref<1x1x1x8x128xf32, #tpu.memory_space<hbm>>
      %dma_start3A_587 = tpu.memref_squeeze %dma_start3A_586 : memref<1x1x1x8x128xf32, #tpu.memory_space<hbm>> -> memref<8x128xf32, #tpu.memory_space<hbm>>
      %dma_start3A_588 = tpu.memref_slice %arg9[%dma_start3A_579] : memref<2x!tpu.dma_semaphore, #tpu.memory_space<semaphore_mem>> -> memref<1x!tpu.dma_semaphore, #tpu.memory_space<semaphore_mem>>
      %dma_start3A_589 = tpu.memref_squeeze %dma_start3A_588 : memref<1x!tpu.dma_semaphore, #tpu.memory_space<semaphore_mem>> -> memref<!tpu.dma_semaphore, #tpu.memory_space<semaphore_mem>>
      %dma_start3A_590 = arith.constant 0 : i32
      %dma_start3A_591 = arith.constant 0 : i32
      %dma_start3A_592 = tpu.memref_slice %arg4[%scan3A_438, %dma_start3A_578, %add3A_576, %dma_start3A_590, %dma_start3A_591] : memref<50x8x128x8x128xf32, #tpu.memory_space<hbm>> -> memref<1x1x1x8x128xf32, #tpu.memory_space<hbm>>
      %dma_start3A_593 = tpu.memref_squeeze %dma_start3A_592 : memref<1x1x1x8x128xf32, #tpu.memory_space<hbm>> -> memref<8x128xf32, #tpu.memory_space<hbm>>
      %dma_start3A_594 = arith.constant 40 : i32
      %dma_start3A_595 = arith.constant 0 : i32
      %dma_start3A_596 = tpu.memref_slice %arg7[%dma_start3A_577, %dma_start3A_594, %dma_start3A_595] : memref<2x64x128xf32, #tpu.memory_space<vmem>> -> memref<1x8x128xf32, #tpu.memory_space<vmem>>
      %dma_start3A_597 = tpu.memref_squeeze %dma_start3A_596 : memref<1x8x128xf32, #tpu.memory_space<vmem>> -> memref<8x128xf32, #tpu.memory_space<vmem>>
      tpu.enqueue_dma source(%dma_start3A_597 : memref<8x128xf32, #tpu.memory_space<vmem>>) target(%dma_start3A_593 : memref<8x128xf32, #tpu.memory_space<hbm>>) target_semaphore(%dma_start3A_589 : memref<!tpu.dma_semaphore, #tpu.memory_space<semaphore_mem>>)
      %add3A_598 = arith.constant 0 : i32
      %add3A_599 = arith.addi %mul3A_2, %add3A_598 : i32
      %dma_start3A_600 = arith.constant 0 : i32
      %dma_start3A_601 = arith.constant 6 : i32
      %dma_start3A_602 = arith.constant 0 : i32
      %dma_start3A_603 = arith.constant 48 : i32
      %dma_start3A_604 = arith.constant 0 : i32
      %dma_start3A_605 = tpu.memref_slice %arg7[%dma_start3A_600, %dma_start3A_603, %dma_start3A_604] : memref<2x64x128xf32, #tpu.memory_space<vmem>> -> memref<1x8x128xf32, #tpu.memory_space<vmem>>
      %dma_start3A_606 = tpu.memref_squeeze %dma_start3A_605 : memref<1x8x128xf32, #tpu.memory_space<vmem>> -> memref<8x128xf32, #tpu.memory_space<vmem>>
      %dma_start3A_607 = arith.constant 0 : i32
      %dma_start3A_608 = arith.constant 0 : i32
      %dma_start3A_609 = tpu.memref_slice %arg4[%scan3A_438, %dma_start3A_601, %add3A_599, %dma_start3A_607, %dma_start3A_608] : memref<50x8x128x8x128xf32, #tpu.memory_space<hbm>> -> memref<1x1x1x8x128xf32, #tpu.memory_space<hbm>>
      %dma_start3A_610 = tpu.memref_squeeze %dma_start3A_609 : memref<1x1x1x8x128xf32, #tpu.memory_space<hbm>> -> memref<8x128xf32, #tpu.memory_space<hbm>>
      %dma_start3A_611 = tpu.memref_slice %arg9[%dma_start3A_602] : memref<2x!tpu.dma_semaphore, #tpu.memory_space<semaphore_mem>> -> memref<1x!tpu.dma_semaphore, #tpu.memory_space<semaphore_mem>>
      %dma_start3A_612 = tpu.memref_squeeze %dma_start3A_611 : memref<1x!tpu.dma_semaphore, #tpu.memory_space<semaphore_mem>> -> memref<!tpu.dma_semaphore, #tpu.memory_space<semaphore_mem>>
      %dma_start3A_613 = arith.constant 0 : i32
      %dma_start3A_614 = arith.constant 0 : i32
      %dma_start3A_615 = tpu.memref_slice %arg4[%scan3A_438, %dma_start3A_601, %add3A_599, %dma_start3A_613, %dma_start3A_614] : memref<50x8x128x8x128xf32, #tpu.memory_space<hbm>> -> memref<1x1x1x8x128xf32, #tpu.memory_space<hbm>>
      %dma_start3A_616 = tpu.memref_squeeze %dma_start3A_615 : memref<1x1x1x8x128xf32, #tpu.memory_space<hbm>> -> memref<8x128xf32, #tpu.memory_space<hbm>>
      %dma_start3A_617 = arith.constant 48 : i32
      %dma_start3A_618 = arith.constant 0 : i32
      %dma_start3A_619 = tpu.memref_slice %arg7[%dma_start3A_600, %dma_start3A_617, %dma_start3A_618] : memref<2x64x128xf32, #tpu.memory_space<vmem>> -> memref<1x8x128xf32, #tpu.memory_space<vmem>>
      %dma_start3A_620 = tpu.memref_squeeze %dma_start3A_619 : memref<1x8x128xf32, #tpu.memory_space<vmem>> -> memref<8x128xf32, #tpu.memory_space<vmem>>
      tpu.enqueue_dma source(%dma_start3A_620 : memref<8x128xf32, #tpu.memory_space<vmem>>) target(%dma_start3A_616 : memref<8x128xf32, #tpu.memory_space<hbm>>) target_semaphore(%dma_start3A_612 : memref<!tpu.dma_semaphore, #tpu.memory_space<semaphore_mem>>)
      %add3A_621 = arith.constant 0 : i32
      %add3A_622 = arith.addi %mul3A_2, %add3A_621 : i32
      %dma_start3A_623 = arith.constant 0 : i32
      %dma_start3A_624 = arith.constant 7 : i32
      %dma_start3A_625 = arith.constant 0 : i32
      %dma_start3A_626 = arith.constant 56 : i32
      %dma_start3A_627 = arith.constant 0 : i32
      %dma_start3A_628 = tpu.memref_slice %arg7[%dma_start3A_623, %dma_start3A_626, %dma_start3A_627] : memref<2x64x128xf32, #tpu.memory_space<vmem>> -> memref<1x8x128xf32, #tpu.memory_space<vmem>>
      %dma_start3A_629 = tpu.memref_squeeze %dma_start3A_628 : memref<1x8x128xf32, #tpu.memory_space<vmem>> -> memref<8x128xf32, #tpu.memory_space<vmem>>
      %dma_start3A_630 = arith.constant 0 : i32
      %dma_start3A_631 = arith.constant 0 : i32
      %dma_start3A_632 = tpu.memref_slice %arg4[%scan3A_438, %dma_start3A_624, %add3A_622, %dma_start3A_630, %dma_start3A_631] : memref<50x8x128x8x128xf32, #tpu.memory_space<hbm>> -> memref<1x1x1x8x128xf32, #tpu.memory_space<hbm>>
      %dma_start3A_633 = tpu.memref_squeeze %dma_start3A_632 : memref<1x1x1x8x128xf32, #tpu.memory_space<hbm>> -> memref<8x128xf32, #tpu.memory_space<hbm>>
      %dma_start3A_634 = tpu.memref_slice %arg9[%dma_start3A_625] : memref<2x!tpu.dma_semaphore, #tpu.memory_space<semaphore_mem>> -> memref<1x!tpu.dma_semaphore, #tpu.memory_space<semaphore_mem>>
      %dma_start3A_635 = tpu.memref_squeeze %dma_start3A_634 : memref<1x!tpu.dma_semaphore, #tpu.memory_space<semaphore_mem>> -> memref<!tpu.dma_semaphore, #tpu.memory_space<semaphore_mem>>
      %dma_start3A_636 = arith.constant 0 : i32
      %dma_start3A_637 = arith.constant 0 : i32
      %dma_start3A_638 = tpu.memref_slice %arg4[%scan3A_438, %dma_start3A_624, %add3A_622, %dma_start3A_636, %dma_start3A_637] : memref<50x8x128x8x128xf32, #tpu.memory_space<hbm>> -> memref<1x1x1x8x128xf32, #tpu.memory_space<hbm>>
      %dma_start3A_639 = tpu.memref_squeeze %dma_start3A_638 : memref<1x1x1x8x128xf32, #tpu.memory_space<hbm>> -> memref<8x128xf32, #tpu.memory_space<hbm>>
      %dma_start3A_640 = arith.constant 56 : i32
      %dma_start3A_641 = arith.constant 0 : i32
      %dma_start3A_642 = tpu.memref_slice %arg7[%dma_start3A_623, %dma_start3A_640, %dma_start3A_641] : memref<2x64x128xf32, #tpu.memory_space<vmem>> -> memref<1x8x128xf32, #tpu.memory_space<vmem>>
      %dma_start3A_643 = tpu.memref_squeeze %dma_start3A_642 : memref<1x8x128xf32, #tpu.memory_space<vmem>> -> memref<8x128xf32, #tpu.memory_space<vmem>>
      tpu.enqueue_dma source(%dma_start3A_643 : memref<8x128xf32, #tpu.memory_space<vmem>>) target(%dma_start3A_639 : memref<8x128xf32, #tpu.memory_space<hbm>>) target_semaphore(%dma_start3A_635 : memref<!tpu.dma_semaphore, #tpu.memory_space<semaphore_mem>>)
      %lt3A = arith.constant 49 : i32
      %lt3A_644 = arith.cmpi slt, %scan3A_438, %lt3A : i32
      %convert_element_type3A_645 = arith.extui %lt3A_644 : i1 to i32
      %cond3A_646 = arith.constant 0 : i32
      %cond3A_647 = arith.cmpi ne, %convert_element_type3A_645, %cond3A_646 : i32
      scf.if %cond3A_647 {
        %add3A_1648 = arith.constant 1 : i32
        %add3A_1649 = arith.addi %scan3A_438, %add3A_1648 : i32
        %dma_start3A_1650 = arith.constant 0 : i32
        %dma_start3A_1651 = arith.constant 0 : i32
        %dma_start3A_1652 = arith.constant 0 : i32
        %dma_start3A_1653 = arith.constant 0 : i32
        %dma_start3A_1654 = arith.constant 0 : i32
        %dma_start3A_1655 = tpu.memref_slice %arg6[%dma_start3A_1651, %dma_start3A_1653, %dma_start3A_1654] : memref<4x128x128xf32, #tpu.memory_space<vmem>> -> memref<1x128x128xf32, #tpu.memory_space<vmem>>
        %dma_start3A_1656 = tpu.memref_squeeze %dma_start3A_1655 : memref<1x128x128xf32, #tpu.memory_space<vmem>> -> memref<128x128xf32, #tpu.memory_space<vmem>>
        %dma_start3A_1657 = arith.constant 0 : i32
        %dma_start3A_1658 = tpu.memref_slice %arg5[%dma_start3A_1650, %add3A_1649, %dma_start3A_1657] : memref<4x50x128xi32, #tpu.memory_space<vmem>> -> memref<1x1x128xi32, #tpu.memory_space<vmem>>
        %dma_start3A_1659 = tpu.memref_squeeze %dma_start3A_1658 : memref<1x1x128xi32, #tpu.memory_space<vmem>> -> memref<128xi32, #tpu.memory_space<vmem>>
        %dma_start3A_1660 = arith.constant 0 : i32
        %dma_start3A_1661 = arith.constant 0 : i32
        %dma_start3A_1662 = tpu.memref_slice %arg3[%dma_start3A_1660, %dma_start3A_1661] : memref<1000000x128xf32, #tpu.memory_space<hbm>> -> memref<1000000x128xf32, #tpu.memory_space<hbm>>
        %dma_start3A_1663 = tpu.memref_slice %arg8[%dma_start3A_1652] : memref<4x!tpu.dma_semaphore, #tpu.memory_space<semaphore_mem>> -> memref<1x!tpu.dma_semaphore, #tpu.memory_space<semaphore_mem>>
        %dma_start3A_1664 = tpu.memref_squeeze %dma_start3A_1663 : memref<1x!tpu.dma_semaphore, #tpu.memory_space<semaphore_mem>> -> memref<!tpu.dma_semaphore, #tpu.memory_space<semaphore_mem>>
        tpu.enqueue_indirect_dma source(%dma_start3A_1662 : memref<1000000x128xf32, #tpu.memory_space<hbm>>) target(%dma_start3A_1656 : memref<128x128xf32, #tpu.memory_space<vmem>>) offsets(%dma_start3A_1659 : memref<128xi32, #tpu.memory_space<vmem>>) semaphore(%dma_start3A_1664 : memref<!tpu.dma_semaphore, #tpu.memory_space<semaphore_mem>>)
      } else {
      }
      %gt3A_648 = arith.constant 0 : i32
      %gt3A_649 = arith.cmpi sgt, %scan3A_438, %gt3A_648 : i32
      %convert_element_type3A_650 = arith.extui %gt3A_649 : i1 to i32
      %cond3A_651 = arith.constant 0 : i32
      %cond3A_652 = arith.cmpi ne, %convert_element_type3A_650, %cond3A_651 : i32
      scf.if %cond3A_652 {
        %dma_wait3A_1648 = arith.constant 1 : i32
        %dma_wait3A_1649 = arith.constant 0 : i32
        %dma_wait3A_1650 = arith.constant 0 : i32
        %dma_wait3A_1651 = arith.constant 0 : i32
        %dma_wait3A_1652 = arith.constant 1 : i32
        %dma_wait3A_1653 = arith.constant 0 : i32
        %dma_wait3A_1654 = arith.constant 0 : i32
        %dma_wait3A_1655 = tpu.memref_slice %arg7[%dma_wait3A_1648, %dma_wait3A_1653, %dma_wait3A_1654] : memref<2x64x128xf32, #tpu.memory_space<vmem>> -> memref<1x8x128xf32, #tpu.memory_space<vmem>>
        %dma_wait3A_1656 = tpu.memref_squeeze %dma_wait3A_1655 : memref<1x8x128xf32, #tpu.memory_space<vmem>> -> memref<8x128xf32, #tpu.memory_space<vmem>>
        %dma_wait3A_1657 = arith.constant 0 : i32
        %dma_wait3A_1658 = arith.constant 0 : i32
        %dma_wait3A_1659 = tpu.memref_slice %arg4[%dma_wait3A_1649, %dma_wait3A_1650, %dma_wait3A_1651, %dma_wait3A_1657, %dma_wait3A_1658] : memref<50x8x128x8x128xf32, #tpu.memory_space<hbm>> -> memref<1x1x1x8x128xf32, #tpu.memory_space<hbm>>
        %dma_wait3A_1660 = tpu.memref_squeeze %dma_wait3A_1659 : memref<1x1x1x8x128xf32, #tpu.memory_space<hbm>> -> memref<8x128xf32, #tpu.memory_space<hbm>>
        %dma_wait3A_1661 = tpu.memref_slice %arg9[%dma_wait3A_1652] : memref<2x!tpu.dma_semaphore, #tpu.memory_space<semaphore_mem>> -> memref<1x!tpu.dma_semaphore, #tpu.memory_space<semaphore_mem>>
        %dma_wait3A_1662 = tpu.memref_squeeze %dma_wait3A_1661 : memref<1x!tpu.dma_semaphore, #tpu.memory_space<semaphore_mem>> -> memref<!tpu.dma_semaphore, #tpu.memory_space<semaphore_mem>>
        %dma_wait3A_1663 = arith.constant 0 : i32
        %dma_wait3A_1664 = arith.constant 0 : i32
        %dma_wait3A_1665 = tpu.memref_slice %arg4[%dma_wait3A_1649, %dma_wait3A_1650, %dma_wait3A_1651, %dma_wait3A_1663, %dma_wait3A_1664] : memref<50x8x128x8x128xf32, #tpu.memory_space<hbm>> -> memref<1x1x1x8x128xf32, #tpu.memory_space<hbm>>
        %dma_wait3A_1666 = tpu.memref_squeeze %dma_wait3A_1665 : memref<1x1x1x8x128xf32, #tpu.memory_space<hbm>> -> memref<8x128xf32, #tpu.memory_space<hbm>>
        %dma_wait3A_1667 = arith.constant 0 : i32
        %dma_wait3A_1668 = arith.constant 0 : i32
        %dma_wait3A_1669 = tpu.memref_slice %arg7[%dma_wait3A_1648, %dma_wait3A_1667, %dma_wait3A_1668] : memref<2x64x128xf32, #tpu.memory_space<vmem>> -> memref<1x8x128xf32, #tpu.memory_space<vmem>>
        %dma_wait3A_1670 = tpu.memref_squeeze %dma_wait3A_1669 : memref<1x8x128xf32, #tpu.memory_space<vmem>> -> memref<8x128xf32, #tpu.memory_space<vmem>>
        tpu.wait_dma2 semaphore(%dma_wait3A_1662 : memref<!tpu.dma_semaphore, #tpu.memory_space<semaphore_mem>>) src(%dma_wait3A_1670 : memref<8x128xf32, #tpu.memory_space<vmem>>) dst(%dma_wait3A_1666 : memref<8x128xf32, #tpu.memory_space<hbm>>)
        %dma_wait3A_1671 = arith.constant 1 : i32
        %dma_wait3A_1672 = arith.constant 0 : i32
        %dma_wait3A_1673 = arith.constant 0 : i32
        %dma_wait3A_1674 = arith.constant 0 : i32
        %dma_wait3A_1675 = arith.constant 1 : i32
        %dma_wait3A_1676 = arith.constant 8 : i32
        %dma_wait3A_1677 = arith.constant 0 : i32
        %dma_wait3A_1678 = tpu.memref_slice %arg7[%dma_wait3A_1671, %dma_wait3A_1676, %dma_wait3A_1677] : memref<2x64x128xf32, #tpu.memory_space<vmem>> -> memref<1x8x128xf32, #tpu.memory_space<vmem>>
        %dma_wait3A_1679 = tpu.memref_squeeze %dma_wait3A_1678 : memref<1x8x128xf32, #tpu.memory_space<vmem>> -> memref<8x128xf32, #tpu.memory_space<vmem>>
        %dma_wait3A_1680 = arith.constant 0 : i32
        %dma_wait3A_1681 = arith.constant 0 : i32
        %dma_wait3A_1682 = tpu.memref_slice %arg4[%dma_wait3A_1672, %dma_wait3A_1673, %dma_wait3A_1674, %dma_wait3A_1680, %dma_wait3A_1681] : memref<50x8x128x8x128xf32, #tpu.memory_space<hbm>> -> memref<1x1x1x8x128xf32, #tpu.memory_space<hbm>>
        %dma_wait3A_1683 = tpu.memref_squeeze %dma_wait3A_1682 : memref<1x1x1x8x128xf32, #tpu.memory_space<hbm>> -> memref<8x128xf32, #tpu.memory_space<hbm>>
        %dma_wait3A_1684 = tpu.memref_slice %arg9[%dma_wait3A_1675] : memref<2x!tpu.dma_semaphore, #tpu.memory_space<semaphore_mem>> -> memref<1x!tpu.dma_semaphore, #tpu.memory_space<semaphore_mem>>
        %dma_wait3A_1685 = tpu.memref_squeeze %dma_wait3A_1684 : memref<1x!tpu.dma_semaphore, #tpu.memory_space<semaphore_mem>> -> memref<!tpu.dma_semaphore, #tpu.memory_space<semaphore_mem>>
        %dma_wait3A_1686 = arith.constant 0 : i32
        %dma_wait3A_1687 = arith.constant 0 : i32
        %dma_wait3A_1688 = tpu.memref_slice %arg4[%dma_wait3A_1672, %dma_wait3A_1673, %dma_wait3A_1674, %dma_wait3A_1686, %dma_wait3A_1687] : memref<50x8x128x8x128xf32, #tpu.memory_space<hbm>> -> memref<1x1x1x8x128xf32, #tpu.memory_space<hbm>>
        %dma_wait3A_1689 = tpu.memref_squeeze %dma_wait3A_1688 : memref<1x1x1x8x128xf32, #tpu.memory_space<hbm>> -> memref<8x128xf32, #tpu.memory_space<hbm>>
        %dma_wait3A_1690 = arith.constant 8 : i32
        %dma_wait3A_1691 = arith.constant 0 : i32
        %dma_wait3A_1692 = tpu.memref_slice %arg7[%dma_wait3A_1671, %dma_wait3A_1690, %dma_wait3A_1691] : memref<2x64x128xf32, #tpu.memory_space<vmem>> -> memref<1x8x128xf32, #tpu.memory_space<vmem>>
        %dma_wait3A_1693 = tpu.memref_squeeze %dma_wait3A_1692 : memref<1x8x128xf32, #tpu.memory_space<vmem>> -> memref<8x128xf32, #tpu.memory_space<vmem>>
        tpu.wait_dma2 semaphore(%dma_wait3A_1685 : memref<!tpu.dma_semaphore, #tpu.memory_space<semaphore_mem>>) src(%dma_wait3A_1693 : memref<8x128xf32, #tpu.memory_space<vmem>>) dst(%dma_wait3A_1689 : memref<8x128xf32, #tpu.memory_space<hbm>>)
        %dma_wait3A_1694 = arith.constant 1 : i32
        %dma_wait3A_1695 = arith.constant 0 : i32
        %dma_wait3A_1696 = arith.constant 0 : i32
        %dma_wait3A_1697 = arith.constant 0 : i32
        %dma_wait3A_1698 = arith.constant 1 : i32
        %dma_wait3A_1699 = arith.constant 16 : i32
        %dma_wait3A_1700 = arith.constant 0 : i32
        %dma_wait3A_1701 = tpu.memref_slice %arg7[%dma_wait3A_1694, %dma_wait3A_1699, %dma_wait3A_1700] : memref<2x64x128xf32, #tpu.memory_space<vmem>> -> memref<1x8x128xf32, #tpu.memory_space<vmem>>
        %dma_wait3A_1702 = tpu.memref_squeeze %dma_wait3A_1701 : memref<1x8x128xf32, #tpu.memory_space<vmem>> -> memref<8x128xf32, #tpu.memory_space<vmem>>
        %dma_wait3A_1703 = arith.constant 0 : i32
        %dma_wait3A_1704 = arith.constant 0 : i32
        %dma_wait3A_1705 = tpu.memref_slice %arg4[%dma_wait3A_1695, %dma_wait3A_1696, %dma_wait3A_1697, %dma_wait3A_1703, %dma_wait3A_1704] : memref<50x8x128x8x128xf32, #tpu.memory_space<hbm>> -> memref<1x1x1x8x128xf32, #tpu.memory_space<hbm>>
        %dma_wait3A_1706 = tpu.memref_squeeze %dma_wait3A_1705 : memref<1x1x1x8x128xf32, #tpu.memory_space<hbm>> -> memref<8x128xf32, #tpu.memory_space<hbm>>
        %dma_wait3A_1707 = tpu.memref_slice %arg9[%dma_wait3A_1698] : memref<2x!tpu.dma_semaphore, #tpu.memory_space<semaphore_mem>> -> memref<1x!tpu.dma_semaphore, #tpu.memory_space<semaphore_mem>>
        %dma_wait3A_1708 = tpu.memref_squeeze %dma_wait3A_1707 : memref<1x!tpu.dma_semaphore, #tpu.memory_space<semaphore_mem>> -> memref<!tpu.dma_semaphore, #tpu.memory_space<semaphore_mem>>
        %dma_wait3A_1709 = arith.constant 0 : i32
        %dma_wait3A_1710 = arith.constant 0 : i32
        %dma_wait3A_1711 = tpu.memref_slice %arg4[%dma_wait3A_1695, %dma_wait3A_1696, %dma_wait3A_1697, %dma_wait3A_1709, %dma_wait3A_1710] : memref<50x8x128x8x128xf32, #tpu.memory_space<hbm>> -> memref<1x1x1x8x128xf32, #tpu.memory_space<hbm>>
        %dma_wait3A_1712 = tpu.memref_squeeze %dma_wait3A_1711 : memref<1x1x1x8x128xf32, #tpu.memory_space<hbm>> -> memref<8x128xf32, #tpu.memory_space<hbm>>
        %dma_wait3A_1713 = arith.constant 16 : i32
        %dma_wait3A_1714 = arith.constant 0 : i32
        %dma_wait3A_1715 = tpu.memref_slice %arg7[%dma_wait3A_1694, %dma_wait3A_1713, %dma_wait3A_1714] : memref<2x64x128xf32, #tpu.memory_space<vmem>> -> memref<1x8x128xf32, #tpu.memory_space<vmem>>
        %dma_wait3A_1716 = tpu.memref_squeeze %dma_wait3A_1715 : memref<1x8x128xf32, #tpu.memory_space<vmem>> -> memref<8x128xf32, #tpu.memory_space<vmem>>
        tpu.wait_dma2 semaphore(%dma_wait3A_1708 : memref<!tpu.dma_semaphore, #tpu.memory_space<semaphore_mem>>) src(%dma_wait3A_1716 : memref<8x128xf32, #tpu.memory_space<vmem>>) dst(%dma_wait3A_1712 : memref<8x128xf32, #tpu.memory_space<hbm>>)
        %dma_wait3A_1717 = arith.constant 1 : i32
        %dma_wait3A_1718 = arith.constant 0 : i32
        %dma_wait3A_1719 = arith.constant 0 : i32
        %dma_wait3A_1720 = arith.constant 0 : i32
        %dma_wait3A_1721 = arith.constant 1 : i32
        %dma_wait3A_1722 = arith.constant 24 : i32
        %dma_wait3A_1723 = arith.constant 0 : i32
        %dma_wait3A_1724 = tpu.memref_slice %arg7[%dma_wait3A_1717, %dma_wait3A_1722, %dma_wait3A_1723] : memref<2x64x128xf32, #tpu.memory_space<vmem>> -> memref<1x8x128xf32, #tpu.memory_space<vmem>>
        %dma_wait3A_1725 = tpu.memref_squeeze %dma_wait3A_1724 : memref<1x8x128xf32, #tpu.memory_space<vmem>> -> memref<8x128xf32, #tpu.memory_space<vmem>>
        %dma_wait3A_1726 = arith.constant 0 : i32
        %dma_wait3A_1727 = arith.constant 0 : i32
        %dma_wait3A_1728 = tpu.memref_slice %arg4[%dma_wait3A_1718, %dma_wait3A_1719, %dma_wait3A_1720, %dma_wait3A_1726, %dma_wait3A_1727] : memref<50x8x128x8x128xf32, #tpu.memory_space<hbm>> -> memref<1x1x1x8x128xf32, #tpu.memory_space<hbm>>
        %dma_wait3A_1729 = tpu.memref_squeeze %dma_wait3A_1728 : memref<1x1x1x8x128xf32, #tpu.memory_space<hbm>> -> memref<8x128xf32, #tpu.memory_space<hbm>>
        %dma_wait3A_1730 = tpu.memref_slice %arg9[%dma_wait3A_1721] : memref<2x!tpu.dma_semaphore, #tpu.memory_space<semaphore_mem>> -> memref<1x!tpu.dma_semaphore, #tpu.memory_space<semaphore_mem>>
        %dma_wait3A_1731 = tpu.memref_squeeze %dma_wait3A_1730 : memref<1x!tpu.dma_semaphore, #tpu.memory_space<semaphore_mem>> -> memref<!tpu.dma_semaphore, #tpu.memory_space<semaphore_mem>>
        %dma_wait3A_1732 = arith.constant 0 : i32
        %dma_wait3A_1733 = arith.constant 0 : i32
        %dma_wait3A_1734 = tpu.memref_slice %arg4[%dma_wait3A_1718, %dma_wait3A_1719, %dma_wait3A_1720, %dma_wait3A_1732, %dma_wait3A_1733] : memref<50x8x128x8x128xf32, #tpu.memory_space<hbm>> -> memref<1x1x1x8x128xf32, #tpu.memory_space<hbm>>
        %dma_wait3A_1735 = tpu.memref_squeeze %dma_wait3A_1734 : memref<1x1x1x8x128xf32, #tpu.memory_space<hbm>> -> memref<8x128xf32, #tpu.memory_space<hbm>>
        %dma_wait3A_1736 = arith.constant 24 : i32
        %dma_wait3A_1737 = arith.constant 0 : i32
        %dma_wait3A_1738 = tpu.memref_slice %arg7[%dma_wait3A_1717, %dma_wait3A_1736, %dma_wait3A_1737] : memref<2x64x128xf32, #tpu.memory_space<vmem>> -> memref<1x8x128xf32, #tpu.memory_space<vmem>>
        %dma_wait3A_1739 = tpu.memref_squeeze %dma_wait3A_1738 : memref<1x8x128xf32, #tpu.memory_space<vmem>> -> memref<8x128xf32, #tpu.memory_space<vmem>>
        tpu.wait_dma2 semaphore(%dma_wait3A_1731 : memref<!tpu.dma_semaphore, #tpu.memory_space<semaphore_mem>>) src(%dma_wait3A_1739 : memref<8x128xf32, #tpu.memory_space<vmem>>) dst(%dma_wait3A_1735 : memref<8x128xf32, #tpu.memory_space<hbm>>)
        %dma_wait3A_1740 = arith.constant 1 : i32
        %dma_wait3A_1741 = arith.constant 0 : i32
        %dma_wait3A_1742 = arith.constant 0 : i32
        %dma_wait3A_1743 = arith.constant 0 : i32
        %dma_wait3A_1744 = arith.constant 1 : i32
        %dma_wait3A_1745 = arith.constant 32 : i32
        %dma_wait3A_1746 = arith.constant 0 : i32
        %dma_wait3A_1747 = tpu.memref_slice %arg7[%dma_wait3A_1740, %dma_wait3A_1745, %dma_wait3A_1746] : memref<2x64x128xf32, #tpu.memory_space<vmem>> -> memref<1x8x128xf32, #tpu.memory_space<vmem>>
        %dma_wait3A_1748 = tpu.memref_squeeze %dma_wait3A_1747 : memref<1x8x128xf32, #tpu.memory_space<vmem>> -> memref<8x128xf32, #tpu.memory_space<vmem>>
        %dma_wait3A_1749 = arith.constant 0 : i32
        %dma_wait3A_1750 = arith.constant 0 : i32
        %dma_wait3A_1751 = tpu.memref_slice %arg4[%dma_wait3A_1741, %dma_wait3A_1742, %dma_wait3A_1743, %dma_wait3A_1749, %dma_wait3A_1750] : memref<50x8x128x8x128xf32, #tpu.memory_space<hbm>> -> memref<1x1x1x8x128xf32, #tpu.memory_space<hbm>>
        %dma_wait3A_1752 = tpu.memref_squeeze %dma_wait3A_1751 : memref<1x1x1x8x128xf32, #tpu.memory_space<hbm>> -> memref<8x128xf32, #tpu.memory_space<hbm>>
        %dma_wait3A_1753 = tpu.memref_slice %arg9[%dma_wait3A_1744] : memref<2x!tpu.dma_semaphore, #tpu.memory_space<semaphore_mem>> -> memref<1x!tpu.dma_semaphore, #tpu.memory_space<semaphore_mem>>
        %dma_wait3A_1754 = tpu.memref_squeeze %dma_wait3A_1753 : memref<1x!tpu.dma_semaphore, #tpu.memory_space<semaphore_mem>> -> memref<!tpu.dma_semaphore, #tpu.memory_space<semaphore_mem>>
        %dma_wait3A_1755 = arith.constant 0 : i32
        %dma_wait3A_1756 = arith.constant 0 : i32
        %dma_wait3A_1757 = tpu.memref_slice %arg4[%dma_wait3A_1741, %dma_wait3A_1742, %dma_wait3A_1743, %dma_wait3A_1755, %dma_wait3A_1756] : memref<50x8x128x8x128xf32, #tpu.memory_space<hbm>> -> memref<1x1x1x8x128xf32, #tpu.memory_space<hbm>>
        %dma_wait3A_1758 = tpu.memref_squeeze %dma_wait3A_1757 : memref<1x1x1x8x128xf32, #tpu.memory_space<hbm>> -> memref<8x128xf32, #tpu.memory_space<hbm>>
        %dma_wait3A_1759 = arith.constant 32 : i32
        %dma_wait3A_1760 = arith.constant 0 : i32
        %dma_wait3A_1761 = tpu.memref_slice %arg7[%dma_wait3A_1740, %dma_wait3A_1759, %dma_wait3A_1760] : memref<2x64x128xf32, #tpu.memory_space<vmem>> -> memref<1x8x128xf32, #tpu.memory_space<vmem>>
        %dma_wait3A_1762 = tpu.memref_squeeze %dma_wait3A_1761 : memref<1x8x128xf32, #tpu.memory_space<vmem>> -> memref<8x128xf32, #tpu.memory_space<vmem>>
        tpu.wait_dma2 semaphore(%dma_wait3A_1754 : memref<!tpu.dma_semaphore, #tpu.memory_space<semaphore_mem>>) src(%dma_wait3A_1762 : memref<8x128xf32, #tpu.memory_space<vmem>>) dst(%dma_wait3A_1758 : memref<8x128xf32, #tpu.memory_space<hbm>>)
        %dma_wait3A_1763 = arith.constant 1 : i32
        %dma_wait3A_1764 = arith.constant 0 : i32
        %dma_wait3A_1765 = arith.constant 0 : i32
        %dma_wait3A_1766 = arith.constant 0 : i32
        %dma_wait3A_1767 = arith.constant 1 : i32
        %dma_wait3A_1768 = arith.constant 40 : i32
        %dma_wait3A_1769 = arith.constant 0 : i32
        %dma_wait3A_1770 = tpu.memref_slice %arg7[%dma_wait3A_1763, %dma_wait3A_1768, %dma_wait3A_1769] : memref<2x64x128xf32, #tpu.memory_space<vmem>> -> memref<1x8x128xf32, #tpu.memory_space<vmem>>
        %dma_wait3A_1771 = tpu.memref_squeeze %dma_wait3A_1770 : memref<1x8x128xf32, #tpu.memory_space<vmem>> -> memref<8x128xf32, #tpu.memory_space<vmem>>
        %dma_wait3A_1772 = arith.constant 0 : i32
        %dma_wait3A_1773 = arith.constant 0 : i32
        %dma_wait3A_1774 = tpu.memref_slice %arg4[%dma_wait3A_1764, %dma_wait3A_1765, %dma_wait3A_1766, %dma_wait3A_1772, %dma_wait3A_1773] : memref<50x8x128x8x128xf32, #tpu.memory_space<hbm>> -> memref<1x1x1x8x128xf32, #tpu.memory_space<hbm>>
        %dma_wait3A_1775 = tpu.memref_squeeze %dma_wait3A_1774 : memref<1x1x1x8x128xf32, #tpu.memory_space<hbm>> -> memref<8x128xf32, #tpu.memory_space<hbm>>
        %dma_wait3A_1776 = tpu.memref_slice %arg9[%dma_wait3A_1767] : memref<2x!tpu.dma_semaphore, #tpu.memory_space<semaphore_mem>> -> memref<1x!tpu.dma_semaphore, #tpu.memory_space<semaphore_mem>>
        %dma_wait3A_1777 = tpu.memref_squeeze %dma_wait3A_1776 : memref<1x!tpu.dma_semaphore, #tpu.memory_space<semaphore_mem>> -> memref<!tpu.dma_semaphore, #tpu.memory_space<semaphore_mem>>
        %dma_wait3A_1778 = arith.constant 0 : i32
        %dma_wait3A_1779 = arith.constant 0 : i32
        %dma_wait3A_1780 = tpu.memref_slice %arg4[%dma_wait3A_1764, %dma_wait3A_1765, %dma_wait3A_1766, %dma_wait3A_1778, %dma_wait3A_1779] : memref<50x8x128x8x128xf32, #tpu.memory_space<hbm>> -> memref<1x1x1x8x128xf32, #tpu.memory_space<hbm>>
        %dma_wait3A_1781 = tpu.memref_squeeze %dma_wait3A_1780 : memref<1x1x1x8x128xf32, #tpu.memory_space<hbm>> -> memref<8x128xf32, #tpu.memory_space<hbm>>
        %dma_wait3A_1782 = arith.constant 40 : i32
        %dma_wait3A_1783 = arith.constant 0 : i32
        %dma_wait3A_1784 = tpu.memref_slice %arg7[%dma_wait3A_1763, %dma_wait3A_1782, %dma_wait3A_1783] : memref<2x64x128xf32, #tpu.memory_space<vmem>> -> memref<1x8x128xf32, #tpu.memory_space<vmem>>
        %dma_wait3A_1785 = tpu.memref_squeeze %dma_wait3A_1784 : memref<1x8x128xf32, #tpu.memory_space<vmem>> -> memref<8x128xf32, #tpu.memory_space<vmem>>
        tpu.wait_dma2 semaphore(%dma_wait3A_1777 : memref<!tpu.dma_semaphore, #tpu.memory_space<semaphore_mem>>) src(%dma_wait3A_1785 : memref<8x128xf32, #tpu.memory_space<vmem>>) dst(%dma_wait3A_1781 : memref<8x128xf32, #tpu.memory_space<hbm>>)
        %dma_wait3A_1786 = arith.constant 1 : i32
        %dma_wait3A_1787 = arith.constant 0 : i32
        %dma_wait3A_1788 = arith.constant 0 : i32
        %dma_wait3A_1789 = arith.constant 0 : i32
        %dma_wait3A_1790 = arith.constant 1 : i32
        %dma_wait3A_1791 = arith.constant 48 : i32
        %dma_wait3A_1792 = arith.constant 0 : i32
        %dma_wait3A_1793 = tpu.memref_slice %arg7[%dma_wait3A_1786, %dma_wait3A_1791, %dma_wait3A_1792] : memref<2x64x128xf32, #tpu.memory_space<vmem>> -> memref<1x8x128xf32, #tpu.memory_space<vmem>>
        %dma_wait3A_1794 = tpu.memref_squeeze %dma_wait3A_1793 : memref<1x8x128xf32, #tpu.memory_space<vmem>> -> memref<8x128xf32, #tpu.memory_space<vmem>>
        %dma_wait3A_1795 = arith.constant 0 : i32
        %dma_wait3A_1796 = arith.constant 0 : i32
        %dma_wait3A_1797 = tpu.memref_slice %arg4[%dma_wait3A_1787, %dma_wait3A_1788, %dma_wait3A_1789, %dma_wait3A_1795, %dma_wait3A_1796] : memref<50x8x128x8x128xf32, #tpu.memory_space<hbm>> -> memref<1x1x1x8x128xf32, #tpu.memory_space<hbm>>
        %dma_wait3A_1798 = tpu.memref_squeeze %dma_wait3A_1797 : memref<1x1x1x8x128xf32, #tpu.memory_space<hbm>> -> memref<8x128xf32, #tpu.memory_space<hbm>>
        %dma_wait3A_1799 = tpu.memref_slice %arg9[%dma_wait3A_1790] : memref<2x!tpu.dma_semaphore, #tpu.memory_space<semaphore_mem>> -> memref<1x!tpu.dma_semaphore, #tpu.memory_space<semaphore_mem>>
        %dma_wait3A_1800 = tpu.memref_squeeze %dma_wait3A_1799 : memref<1x!tpu.dma_semaphore, #tpu.memory_space<semaphore_mem>> -> memref<!tpu.dma_semaphore, #tpu.memory_space<semaphore_mem>>
        %dma_wait3A_1801 = arith.constant 0 : i32
        %dma_wait3A_1802 = arith.constant 0 : i32
        %dma_wait3A_1803 = tpu.memref_slice %arg4[%dma_wait3A_1787, %dma_wait3A_1788, %dma_wait3A_1789, %dma_wait3A_1801, %dma_wait3A_1802] : memref<50x8x128x8x128xf32, #tpu.memory_space<hbm>> -> memref<1x1x1x8x128xf32, #tpu.memory_space<hbm>>
        %dma_wait3A_1804 = tpu.memref_squeeze %dma_wait3A_1803 : memref<1x1x1x8x128xf32, #tpu.memory_space<hbm>> -> memref<8x128xf32, #tpu.memory_space<hbm>>
        %dma_wait3A_1805 = arith.constant 48 : i32
        %dma_wait3A_1806 = arith.constant 0 : i32
        %dma_wait3A_1807 = tpu.memref_slice %arg7[%dma_wait3A_1786, %dma_wait3A_1805, %dma_wait3A_1806] : memref<2x64x128xf32, #tpu.memory_space<vmem>> -> memref<1x8x128xf32, #tpu.memory_space<vmem>>
        %dma_wait3A_1808 = tpu.memref_squeeze %dma_wait3A_1807 : memref<1x8x128xf32, #tpu.memory_space<vmem>> -> memref<8x128xf32, #tpu.memory_space<vmem>>
        tpu.wait_dma2 semaphore(%dma_wait3A_1800 : memref<!tpu.dma_semaphore, #tpu.memory_space<semaphore_mem>>) src(%dma_wait3A_1808 : memref<8x128xf32, #tpu.memory_space<vmem>>) dst(%dma_wait3A_1804 : memref<8x128xf32, #tpu.memory_space<hbm>>)
        %dma_wait3A_1809 = arith.constant 1 : i32
        %dma_wait3A_1810 = arith.constant 0 : i32
        %dma_wait3A_1811 = arith.constant 0 : i32
        %dma_wait3A_1812 = arith.constant 0 : i32
        %dma_wait3A_1813 = arith.constant 1 : i32
        %dma_wait3A_1814 = arith.constant 56 : i32
        %dma_wait3A_1815 = arith.constant 0 : i32
        %dma_wait3A_1816 = tpu.memref_slice %arg7[%dma_wait3A_1809, %dma_wait3A_1814, %dma_wait3A_1815] : memref<2x64x128xf32, #tpu.memory_space<vmem>> -> memref<1x8x128xf32, #tpu.memory_space<vmem>>
        %dma_wait3A_1817 = tpu.memref_squeeze %dma_wait3A_1816 : memref<1x8x128xf32, #tpu.memory_space<vmem>> -> memref<8x128xf32, #tpu.memory_space<vmem>>
        %dma_wait3A_1818 = arith.constant 0 : i32
        %dma_wait3A_1819 = arith.constant 0 : i32
        %dma_wait3A_1820 = tpu.memref_slice %arg4[%dma_wait3A_1810, %dma_wait3A_1811, %dma_wait3A_1812, %dma_wait3A_1818, %dma_wait3A_1819] : memref<50x8x128x8x128xf32, #tpu.memory_space<hbm>> -> memref<1x1x1x8x128xf32, #tpu.memory_space<hbm>>
        %dma_wait3A_1821 = tpu.memref_squeeze %dma_wait3A_1820 : memref<1x1x1x8x128xf32, #tpu.memory_space<hbm>> -> memref<8x128xf32, #tpu.memory_space<hbm>>
        %dma_wait3A_1822 = tpu.memref_slice %arg9[%dma_wait3A_1813] : memref<2x!tpu.dma_semaphore, #tpu.memory_space<semaphore_mem>> -> memref<1x!tpu.dma_semaphore, #tpu.memory_space<semaphore_mem>>
        %dma_wait3A_1823 = tpu.memref_squeeze %dma_wait3A_1822 : memref<1x!tpu.dma_semaphore, #tpu.memory_space<semaphore_mem>> -> memref<!tpu.dma_semaphore, #tpu.memory_space<semaphore_mem>>
        %dma_wait3A_1824 = arith.constant 0 : i32
        %dma_wait3A_1825 = arith.constant 0 : i32
        %dma_wait3A_1826 = tpu.memref_slice %arg4[%dma_wait3A_1810, %dma_wait3A_1811, %dma_wait3A_1812, %dma_wait3A_1824, %dma_wait3A_1825] : memref<50x8x128x8x128xf32, #tpu.memory_space<hbm>> -> memref<1x1x1x8x128xf32, #tpu.memory_space<hbm>>
        %dma_wait3A_1827 = tpu.memref_squeeze %dma_wait3A_1826 : memref<1x1x1x8x128xf32, #tpu.memory_space<hbm>> -> memref<8x128xf32, #tpu.memory_space<hbm>>
        %dma_wait3A_1828 = arith.constant 56 : i32
        %dma_wait3A_1829 = arith.constant 0 : i32
        %dma_wait3A_1830 = tpu.memref_slice %arg7[%dma_wait3A_1809, %dma_wait3A_1828, %dma_wait3A_1829] : memref<2x64x128xf32, #tpu.memory_space<vmem>> -> memref<1x8x128xf32, #tpu.memory_space<vmem>>
        %dma_wait3A_1831 = tpu.memref_squeeze %dma_wait3A_1830 : memref<1x8x128xf32, #tpu.memory_space<vmem>> -> memref<8x128xf32, #tpu.memory_space<vmem>>
        tpu.wait_dma2 semaphore(%dma_wait3A_1823 : memref<!tpu.dma_semaphore, #tpu.memory_space<semaphore_mem>>) src(%dma_wait3A_1831 : memref<8x128xf32, #tpu.memory_space<vmem>>) dst(%dma_wait3A_1827 : memref<8x128xf32, #tpu.memory_space<hbm>>)
      } else {
      }
      %dma_wait3A_653 = arith.constant 0 : i32
      %dma_wait3A_654 = arith.constant 0 : i32
      %dma_wait3A_655 = arith.constant 1 : i32
      %dma_wait3A_656 = arith.constant 1 : i32
      %dma_wait3A_657 = arith.constant 0 : i32
      %dma_wait3A_658 = arith.constant 0 : i32
      %dma_wait3A_659 = tpu.memref_slice %arg6[%dma_wait3A_655, %dma_wait3A_657, %dma_wait3A_658] : memref<4x128x128xf32, #tpu.memory_space<vmem>> -> memref<1x128x128xf32, #tpu.memory_space<vmem>>
      %dma_wait3A_660 = tpu.memref_squeeze %dma_wait3A_659 : memref<1x128x128xf32, #tpu.memory_space<vmem>> -> memref<128x128xf32, #tpu.memory_space<vmem>>
      %dma_wait3A_661 = arith.constant 0 : i32
      %dma_wait3A_662 = tpu.memref_slice %arg5[%dma_wait3A_653, %dma_wait3A_654, %dma_wait3A_661] : memref<4x50x128xi32, #tpu.memory_space<vmem>> -> memref<1x1x128xi32, #tpu.memory_space<vmem>>
      %dma_wait3A_663 = tpu.memref_squeeze %dma_wait3A_662 : memref<1x1x128xi32, #tpu.memory_space<vmem>> -> memref<128xi32, #tpu.memory_space<vmem>>
      %dma_wait3A_664 = arith.constant 0 : i32
      %dma_wait3A_665 = arith.constant 0 : i32
      %dma_wait3A_666 = tpu.memref_slice %arg3[%dma_wait3A_664, %dma_wait3A_665] : memref<1000000x128xf32, #tpu.memory_space<hbm>> -> memref<1000000x128xf32, #tpu.memory_space<hbm>>
      %dma_wait3A_667 = tpu.memref_slice %arg8[%dma_wait3A_656] : memref<4x!tpu.dma_semaphore, #tpu.memory_space<semaphore_mem>> -> memref<1x!tpu.dma_semaphore, #tpu.memory_space<semaphore_mem>>
      %dma_wait3A_668 = tpu.memref_squeeze %dma_wait3A_667 : memref<1x!tpu.dma_semaphore, #tpu.memory_space<semaphore_mem>> -> memref<!tpu.dma_semaphore, #tpu.memory_space<semaphore_mem>>
      tpu.wait_indirect_dma semaphore(%dma_wait3A_668 : memref<!tpu.dma_semaphore, #tpu.memory_space<semaphore_mem>>) src(%dma_wait3A_666 : memref<1000000x128xf32, #tpu.memory_space<hbm>>) dst(%dma_wait3A_660 : memref<128x128xf32, #tpu.memory_space<vmem>>)
      %parallel_loop3A_669 = arith.constant 0 : i32
      %parallel_loop3A_670 = arith.constant 64 : i32
      %parallel_loop3A_671 = arith.constant 1 : i32
      %parallel_loop3A_672 = arith.constant 1 : i32
      scf.for %parallel_loop3A_1648 = %parallel_loop3A_669 to %parallel_loop3A_670 step %parallel_loop3A_671  : i32 {
        %parallel_loop3A_1649 = arith.constant 0 : i32
        %parallel_loop3A_1650 = vector.broadcast %parallel_loop3A_1649 : i32 to vector<16xi32>
        %parallel_loop3A_1651 = vector.broadcast %parallel_loop3A_1648 : i32 to vector<16xi32>
        %parallel_loop3A_1652 = arith.addi %parallel_loop3A_1650, %parallel_loop3A_1651 : vector<16xi32>
        %parallel_loop3A_1653 = arith.constant 0 : i32
        %parallel_loop3A_1654 = vector.broadcast %parallel_loop3A_1653 : i32 to vector<16xi32>
        %parallel_loop3A_1655 = arith.addi %iota3A, %parallel_loop3A_1654 : vector<16xi32>
        %parallel_loop3A_1656 = arith.constant 0 : i32
        %parallel_loop3A_1657 = arith.constant 0 : i32
        %parallel_loop3A_1658 = tpu.memref_slice %arg6[%parallel_loop3A_672, %parallel_loop3A_1656, %parallel_loop3A_1657] : memref<4x128x128xf32, #tpu.memory_space<vmem>> -> memref<1x128x128xf32, #tpu.memory_space<vmem>>
        %parallel_loop3A_1659 = tpu.memref_squeeze %parallel_loop3A_1658 : memref<1x128x128xf32, #tpu.memory_space<vmem>> -> memref<128x128xf32, #tpu.memory_space<vmem>>
        %parallel_loop3A_1660 = tpu.vector_load_idx %parallel_loop3A_1659[%parallel_loop3A_1655, %parallel_loop3A_1652] : memref<128x128xf32, #tpu.memory_space<vmem>>[vector<16xi32>, vector<16xi32>], vector<16xf32>,
        %parallel_loop3A_1661 = arith.constant 1 : i32
        %parallel_loop3A_1662 = arith.index_cast %parallel_loop3A_1661 : i32 to index
        %parallel_loop3A_1663 = arith.index_cast %parallel_loop3A_1648 : i32 to index
        %parallel_loop3A_1664 = arith.constant 0 : index
        %parallel_loop3A_1665 = tpu.vector_load %arg7[%parallel_loop3A_1662, %parallel_loop3A_1663, %parallel_loop3A_1664] {strides = array<i32>} : memref<2x64x128xf32, #tpu.memory_space<vmem>>, vector<16xf32>,
        tpu.vector_store %arg7[%parallel_loop3A_1662, %parallel_loop3A_1663, %parallel_loop3A_1664], %parallel_loop3A_1660 {strides = array<i32>} : memref<2x64x128xf32, #tpu.memory_space<vmem>>, vector<16xf32>,
        %parallel_loop3A_1666 = arith.constant 16 : i32
        %parallel_loop3A_1667 = vector.broadcast %parallel_loop3A_1666 : i32 to vector<16xi32>
        %parallel_loop3A_1668 = arith.addi %iota3A, %parallel_loop3A_1667 : vector<16xi32>
        %parallel_loop3A_1669 = arith.constant 0 : i32
        %parallel_loop3A_1670 = arith.constant 0 : i32
        %parallel_loop3A_1671 = tpu.memref_slice %arg6[%parallel_loop3A_672, %parallel_loop3A_1669, %parallel_loop3A_1670] : memref<4x128x128xf32, #tpu.memory_space<vmem>> -> memref<1x128x128xf32, #tpu.memory_space<vmem>>
        %parallel_loop3A_1672 = tpu.memref_squeeze %parallel_loop3A_1671 : memref<1x128x128xf32, #tpu.memory_space<vmem>> -> memref<128x128xf32, #tpu.memory_space<vmem>>
        %parallel_loop3A_1673 = tpu.vector_load_idx %parallel_loop3A_1672[%parallel_loop3A_1668, %parallel_loop3A_1652] : memref<128x128xf32, #tpu.memory_space<vmem>>[vector<16xi32>, vector<16xi32>], vector<16xf32>,
        %parallel_loop3A_1674 = arith.constant 1 : i32
        %parallel_loop3A_1675 = arith.index_cast %parallel_loop3A_1674 : i32 to index
        %parallel_loop3A_1676 = arith.index_cast %parallel_loop3A_1648 : i32 to index
        %parallel_loop3A_1677 = arith.constant 16 : index
        %parallel_loop3A_1678 = tpu.vector_load %arg7[%parallel_loop3A_1675, %parallel_loop3A_1676, %parallel_loop3A_1677] {strides = array<i32>} : memref<2x64x128xf32, #tpu.memory_space<vmem>>, vector<16xf32>,
        tpu.vector_store %arg7[%parallel_loop3A_1675, %parallel_loop3A_1676, %parallel_loop3A_1677], %parallel_loop3A_1673 {strides = array<i32>} : memref<2x64x128xf32, #tpu.memory_space<vmem>>, vector<16xf32>,
        %parallel_loop3A_1679 = arith.constant 32 : i32
        %parallel_loop3A_1680 = vector.broadcast %parallel_loop3A_1679 : i32 to vector<16xi32>
        %parallel_loop3A_1681 = arith.addi %iota3A, %parallel_loop3A_1680 : vector<16xi32>
        %parallel_loop3A_1682 = arith.constant 0 : i32
        %parallel_loop3A_1683 = arith.constant 0 : i32
        %parallel_loop3A_1684 = tpu.memref_slice %arg6[%parallel_loop3A_672, %parallel_loop3A_1682, %parallel_loop3A_1683] : memref<4x128x128xf32, #tpu.memory_space<vmem>> -> memref<1x128x128xf32, #tpu.memory_space<vmem>>
        %parallel_loop3A_1685 = tpu.memref_squeeze %parallel_loop3A_1684 : memref<1x128x128xf32, #tpu.memory_space<vmem>> -> memref<128x128xf32, #tpu.memory_space<vmem>>
        %parallel_loop3A_1686 = tpu.vector_load_idx %parallel_loop3A_1685[%parallel_loop3A_1681, %parallel_loop3A_1652] : memref<128x128xf32, #tpu.memory_space<vmem>>[vector<16xi32>, vector<16xi32>], vector<16xf32>,
        %parallel_loop3A_1687 = arith.constant 1 : i32
        %parallel_loop3A_1688 = arith.index_cast %parallel_loop3A_1687 : i32 to index
        %parallel_loop3A_1689 = arith.index_cast %parallel_loop3A_1648 : i32 to index
        %parallel_loop3A_1690 = arith.constant 32 : index
        %parallel_loop3A_1691 = tpu.vector_load %arg7[%parallel_loop3A_1688, %parallel_loop3A_1689, %parallel_loop3A_1690] {strides = array<i32>} : memref<2x64x128xf32, #tpu.memory_space<vmem>>, vector<16xf32>,
        tpu.vector_store %arg7[%parallel_loop3A_1688, %parallel_loop3A_1689, %parallel_loop3A_1690], %parallel_loop3A_1686 {strides = array<i32>} : memref<2x64x128xf32, #tpu.memory_space<vmem>>, vector<16xf32>,
        %parallel_loop3A_1692 = arith.constant 48 : i32
        %parallel_loop3A_1693 = vector.broadcast %parallel_loop3A_1692 : i32 to vector<16xi32>
        %parallel_loop3A_1694 = arith.addi %iota3A, %parallel_loop3A_1693 : vector<16xi32>
        %parallel_loop3A_1695 = arith.constant 0 : i32
        %parallel_loop3A_1696 = arith.constant 0 : i32
        %parallel_loop3A_1697 = tpu.memref_slice %arg6[%parallel_loop3A_672, %parallel_loop3A_1695, %parallel_loop3A_1696] : memref<4x128x128xf32, #tpu.memory_space<vmem>> -> memref<1x128x128xf32, #tpu.memory_space<vmem>>
        %parallel_loop3A_1698 = tpu.memref_squeeze %parallel_loop3A_1697 : memref<1x128x128xf32, #tpu.memory_space<vmem>> -> memref<128x128xf32, #tpu.memory_space<vmem>>
        %parallel_loop3A_1699 = tpu.vector_load_idx %parallel_loop3A_1698[%parallel_loop3A_1694, %parallel_loop3A_1652] : memref<128x128xf32, #tpu.memory_space<vmem>>[vector<16xi32>, vector<16xi32>], vector<16xf32>,
        %parallel_loop3A_1700 = arith.constant 1 : i32
        %parallel_loop3A_1701 = arith.index_cast %parallel_loop3A_1700 : i32 to index
        %parallel_loop3A_1702 = arith.index_cast %parallel_loop3A_1648 : i32 to index
        %parallel_loop3A_1703 = arith.constant 48 : index
        %parallel_loop3A_1704 = tpu.vector_load %arg7[%parallel_loop3A_1701, %parallel_loop3A_1702, %parallel_loop3A_1703] {strides = array<i32>} : memref<2x64x128xf32, #tpu.memory_space<vmem>>, vector<16xf32>,
        tpu.vector_store %arg7[%parallel_loop3A_1701, %parallel_loop3A_1702, %parallel_loop3A_1703], %parallel_loop3A_1699 {strides = array<i32>} : memref<2x64x128xf32, #tpu.memory_space<vmem>>, vector<16xf32>,
        %parallel_loop3A_1705 = arith.constant 64 : i32
        %parallel_loop3A_1706 = vector.broadcast %parallel_loop3A_1705 : i32 to vector<16xi32>
        %parallel_loop3A_1707 = arith.addi %iota3A, %parallel_loop3A_1706 : vector<16xi32>
        %parallel_loop3A_1708 = arith.constant 0 : i32
        %parallel_loop3A_1709 = arith.constant 0 : i32
        %parallel_loop3A_1710 = tpu.memref_slice %arg6[%parallel_loop3A_672, %parallel_loop3A_1708, %parallel_loop3A_1709] : memref<4x128x128xf32, #tpu.memory_space<vmem>> -> memref<1x128x128xf32, #tpu.memory_space<vmem>>
        %parallel_loop3A_1711 = tpu.memref_squeeze %parallel_loop3A_1710 : memref<1x128x128xf32, #tpu.memory_space<vmem>> -> memref<128x128xf32, #tpu.memory_space<vmem>>
        %parallel_loop3A_1712 = tpu.vector_load_idx %parallel_loop3A_1711[%parallel_loop3A_1707, %parallel_loop3A_1652] : memref<128x128xf32, #tpu.memory_space<vmem>>[vector<16xi32>, vector<16xi32>], vector<16xf32>,
        %parallel_loop3A_1713 = arith.constant 1 : i32
        %parallel_loop3A_1714 = arith.index_cast %parallel_loop3A_1713 : i32 to index
        %parallel_loop3A_1715 = arith.index_cast %parallel_loop3A_1648 : i32 to index
        %parallel_loop3A_1716 = arith.constant 64 : index
        %parallel_loop3A_1717 = tpu.vector_load %arg7[%parallel_loop3A_1714, %parallel_loop3A_1715, %parallel_loop3A_1716] {strides = array<i32>} : memref<2x64x128xf32, #tpu.memory_space<vmem>>, vector<16xf32>,
        tpu.vector_store %arg7[%parallel_loop3A_1714, %parallel_loop3A_1715, %parallel_loop3A_1716], %parallel_loop3A_1712 {strides = array<i32>} : memref<2x64x128xf32, #tpu.memory_space<vmem>>, vector<16xf32>,
        %parallel_loop3A_1718 = arith.constant 80 : i32
        %parallel_loop3A_1719 = vector.broadcast %parallel_loop3A_1718 : i32 to vector<16xi32>
        %parallel_loop3A_1720 = arith.addi %iota3A, %parallel_loop3A_1719 : vector<16xi32>
        %parallel_loop3A_1721 = arith.constant 0 : i32
        %parallel_loop3A_1722 = arith.constant 0 : i32
        %parallel_loop3A_1723 = tpu.memref_slice %arg6[%parallel_loop3A_672, %parallel_loop3A_1721, %parallel_loop3A_1722] : memref<4x128x128xf32, #tpu.memory_space<vmem>> -> memref<1x128x128xf32, #tpu.memory_space<vmem>>
        %parallel_loop3A_1724 = tpu.memref_squeeze %parallel_loop3A_1723 : memref<1x128x128xf32, #tpu.memory_space<vmem>> -> memref<128x128xf32, #tpu.memory_space<vmem>>
        %parallel_loop3A_1725 = tpu.vector_load_idx %parallel_loop3A_1724[%parallel_loop3A_1720, %parallel_loop3A_1652] : memref<128x128xf32, #tpu.memory_space<vmem>>[vector<16xi32>, vector<16xi32>], vector<16xf32>,
        %parallel_loop3A_1726 = arith.constant 1 : i32
        %parallel_loop3A_1727 = arith.index_cast %parallel_loop3A_1726 : i32 to index
        %parallel_loop3A_1728 = arith.index_cast %parallel_loop3A_1648 : i32 to index
        %parallel_loop3A_1729 = arith.constant 80 : index
        %parallel_loop3A_1730 = tpu.vector_load %arg7[%parallel_loop3A_1727, %parallel_loop3A_1728, %parallel_loop3A_1729] {strides = array<i32>} : memref<2x64x128xf32, #tpu.memory_space<vmem>>, vector<16xf32>,
        tpu.vector_store %arg7[%parallel_loop3A_1727, %parallel_loop3A_1728, %parallel_loop3A_1729], %parallel_loop3A_1725 {strides = array<i32>} : memref<2x64x128xf32, #tpu.memory_space<vmem>>, vector<16xf32>,
        %parallel_loop3A_1731 = arith.constant 96 : i32
        %parallel_loop3A_1732 = vector.broadcast %parallel_loop3A_1731 : i32 to vector<16xi32>
        %parallel_loop3A_1733 = arith.addi %iota3A, %parallel_loop3A_1732 : vector<16xi32>
        %parallel_loop3A_1734 = arith.constant 0 : i32
        %parallel_loop3A_1735 = arith.constant 0 : i32
        %parallel_loop3A_1736 = tpu.memref_slice %arg6[%parallel_loop3A_672, %parallel_loop3A_1734, %parallel_loop3A_1735] : memref<4x128x128xf32, #tpu.memory_space<vmem>> -> memref<1x128x128xf32, #tpu.memory_space<vmem>>
        %parallel_loop3A_1737 = tpu.memref_squeeze %parallel_loop3A_1736 : memref<1x128x128xf32, #tpu.memory_space<vmem>> -> memref<128x128xf32, #tpu.memory_space<vmem>>
        %parallel_loop3A_1738 = tpu.vector_load_idx %parallel_loop3A_1737[%parallel_loop3A_1733, %parallel_loop3A_1652] : memref<128x128xf32, #tpu.memory_space<vmem>>[vector<16xi32>, vector<16xi32>], vector<16xf32>,
        %parallel_loop3A_1739 = arith.constant 1 : i32
        %parallel_loop3A_1740 = arith.index_cast %parallel_loop3A_1739 : i32 to index
        %parallel_loop3A_1741 = arith.index_cast %parallel_loop3A_1648 : i32 to index
        %parallel_loop3A_1742 = arith.constant 96 : index
        %parallel_loop3A_1743 = tpu.vector_load %arg7[%parallel_loop3A_1740, %parallel_loop3A_1741, %parallel_loop3A_1742] {strides = array<i32>} : memref<2x64x128xf32, #tpu.memory_space<vmem>>, vector<16xf32>,
        tpu.vector_store %arg7[%parallel_loop3A_1740, %parallel_loop3A_1741, %parallel_loop3A_1742], %parallel_loop3A_1738 {strides = array<i32>} : memref<2x64x128xf32, #tpu.memory_space<vmem>>, vector<16xf32>,
        %parallel_loop3A_1744 = arith.constant 112 : i32
        %parallel_loop3A_1745 = vector.broadcast %parallel_loop3A_1744 : i32 to vector<16xi32>
        %parallel_loop3A_1746 = arith.addi %iota3A, %parallel_loop3A_1745 : vector<16xi32>
        %parallel_loop3A_1747 = arith.constant 0 : i32
        %parallel_loop3A_1748 = arith.constant 0 : i32
        %parallel_loop3A_1749 = tpu.memref_slice %arg6[%parallel_loop3A_672, %parallel_loop3A_1747, %parallel_loop3A_1748] : memref<4x128x128xf32, #tpu.memory_space<vmem>> -> memref<1x128x128xf32, #tpu.memory_space<vmem>>
        %parallel_loop3A_1750 = tpu.memref_squeeze %parallel_loop3A_1749 : memref<1x128x128xf32, #tpu.memory_space<vmem>> -> memref<128x128xf32, #tpu.memory_space<vmem>>
        %parallel_loop3A_1751 = tpu.vector_load_idx %parallel_loop3A_1750[%parallel_loop3A_1746, %parallel_loop3A_1652] : memref<128x128xf32, #tpu.memory_space<vmem>>[vector<16xi32>, vector<16xi32>], vector<16xf32>,
        %parallel_loop3A_1752 = arith.constant 1 : i32
        %parallel_loop3A_1753 = arith.index_cast %parallel_loop3A_1752 : i32 to index
        %parallel_loop3A_1754 = arith.index_cast %parallel_loop3A_1648 : i32 to index
        %parallel_loop3A_1755 = arith.constant 112 : index
        %parallel_loop3A_1756 = tpu.vector_load %arg7[%parallel_loop3A_1753, %parallel_loop3A_1754, %parallel_loop3A_1755] {strides = array<i32>} : memref<2x64x128xf32, #tpu.memory_space<vmem>>, vector<16xf32>,
        tpu.vector_store %arg7[%parallel_loop3A_1753, %parallel_loop3A_1754, %parallel_loop3A_1755], %parallel_loop3A_1751 {strides = array<i32>} : memref<2x64x128xf32, #tpu.memory_space<vmem>>, vector<16xf32>,
      } {sc.loop_unroll_factor = 8 : i64, sc.parallel_access}
      %add3A_673 = arith.constant 1 : i32
      %add3A_674 = arith.addi %mul3A_2, %add3A_673 : i32
      %dma_start3A_675 = arith.constant 1 : i32
      %dma_start3A_676 = arith.constant 0 : i32
      %dma_start3A_677 = arith.constant 1 : i32
      %dma_start3A_678 = arith.constant 0 : i32
      %dma_start3A_679 = arith.constant 0 : i32
      %dma_start3A_680 = tpu.memref_slice %arg7[%dma_start3A_675, %dma_start3A_678, %dma_start3A_679] : memref<2x64x128xf32, #tpu.memory_space<vmem>> -> memref<1x8x128xf32, #tpu.memory_space<vmem>>
      %dma_start3A_681 = tpu.memref_squeeze %dma_start3A_680 : memref<1x8x128xf32, #tpu.memory_space<vmem>> -> memref<8x128xf32, #tpu.memory_space<vmem>>
      %dma_start3A_682 = arith.constant 0 : i32
      %dma_start3A_683 = arith.constant 0 : i32
      %dma_start3A_684 = tpu.memref_slice %arg4[%scan3A_438, %dma_start3A_676, %add3A_674, %dma_start3A_682, %dma_start3A_683] : memref<50x8x128x8x128xf32, #tpu.memory_space<hbm>> -> memref<1x1x1x8x128xf32, #tpu.memory_space<hbm>>
      %dma_start3A_685 = tpu.memref_squeeze %dma_start3A_684 : memref<1x1x1x8x128xf32, #tpu.memory_space<hbm>> -> memref<8x128xf32, #tpu.memory_space<hbm>>
      %dma_start3A_686 = tpu.memref_slice %arg9[%dma_start3A_677] : memref<2x!tpu.dma_semaphore, #tpu.memory_space<semaphore_mem>> -> memref<1x!tpu.dma_semaphore, #tpu.memory_space<semaphore_mem>>
      %dma_start3A_687 = tpu.memref_squeeze %dma_start3A_686 : memref<1x!tpu.dma_semaphore, #tpu.memory_space<semaphore_mem>> -> memref<!tpu.dma_semaphore, #tpu.memory_space<semaphore_mem>>
      %dma_start3A_688 = arith.constant 0 : i32
      %dma_start3A_689 = arith.constant 0 : i32
      %dma_start3A_690 = tpu.memref_slice %arg4[%scan3A_438, %dma_start3A_676, %add3A_674, %dma_start3A_688, %dma_start3A_689] : memref<50x8x128x8x128xf32, #tpu.memory_space<hbm>> -> memref<1x1x1x8x128xf32, #tpu.memory_space<hbm>>
      %dma_start3A_691 = tpu.memref_squeeze %dma_start3A_690 : memref<1x1x1x8x128xf32, #tpu.memory_space<hbm>> -> memref<8x128xf32, #tpu.memory_space<hbm>>
      %dma_start3A_692 = arith.constant 0 : i32
      %dma_start3A_693 = arith.constant 0 : i32
      %dma_start3A_694 = tpu.memref_slice %arg7[%dma_start3A_675, %dma_start3A_692, %dma_start3A_693] : memref<2x64x128xf32, #tpu.memory_space<vmem>> -> memref<1x8x128xf32, #tpu.memory_space<vmem>>
      %dma_start3A_695 = tpu.memref_squeeze %dma_start3A_694 : memref<1x8x128xf32, #tpu.memory_space<vmem>> -> memref<8x128xf32, #tpu.memory_space<vmem>>
      tpu.enqueue_dma source(%dma_start3A_695 : memref<8x128xf32, #tpu.memory_space<vmem>>) target(%dma_start3A_691 : memref<8x128xf32, #tpu.memory_space<hbm>>) target_semaphore(%dma_start3A_687 : memref<!tpu.dma_semaphore, #tpu.memory_space<semaphore_mem>>)
      %add3A_696 = arith.constant 1 : i32
      %add3A_697 = arith.addi %mul3A_2, %add3A_696 : i32
      %dma_start3A_698 = arith.constant 1 : i32
      %dma_start3A_699 = arith.constant 1 : i32
      %dma_start3A_700 = arith.constant 1 : i32
      %dma_start3A_701 = arith.constant 8 : i32
      %dma_start3A_702 = arith.constant 0 : i32
      %dma_start3A_703 = tpu.memref_slice %arg7[%dma_start3A_698, %dma_start3A_701, %dma_start3A_702] : memref<2x64x128xf32, #tpu.memory_space<vmem>> -> memref<1x8x128xf32, #tpu.memory_space<vmem>>
      %dma_start3A_704 = tpu.memref_squeeze %dma_start3A_703 : memref<1x8x128xf32, #tpu.memory_space<vmem>> -> memref<8x128xf32, #tpu.memory_space<vmem>>
      %dma_start3A_705 = arith.constant 0 : i32
      %dma_start3A_706 = arith.constant 0 : i32
      %dma_start3A_707 = tpu.memref_slice %arg4[%scan3A_438, %dma_start3A_699, %add3A_697, %dma_start3A_705, %dma_start3A_706] : memref<50x8x128x8x128xf32, #tpu.memory_space<hbm>> -> memref<1x1x1x8x128xf32, #tpu.memory_space<hbm>>
      %dma_start3A_708 = tpu.memref_squeeze %dma_start3A_707 : memref<1x1x1x8x128xf32, #tpu.memory_space<hbm>> -> memref<8x128xf32, #tpu.memory_space<hbm>>
      %dma_start3A_709 = tpu.memref_slice %arg9[%dma_start3A_700] : memref<2x!tpu.dma_semaphore, #tpu.memory_space<semaphore_mem>> -> memref<1x!tpu.dma_semaphore, #tpu.memory_space<semaphore_mem>>
      %dma_start3A_710 = tpu.memref_squeeze %dma_start3A_709 : memref<1x!tpu.dma_semaphore, #tpu.memory_space<semaphore_mem>> -> memref<!tpu.dma_semaphore, #tpu.memory_space<semaphore_mem>>
      %dma_start3A_711 = arith.constant 0 : i32
      %dma_start3A_712 = arith.constant 0 : i32
      %dma_start3A_713 = tpu.memref_slice %arg4[%scan3A_438, %dma_start3A_699, %add3A_697, %dma_start3A_711, %dma_start3A_712] : memref<50x8x128x8x128xf32, #tpu.memory_space<hbm>> -> memref<1x1x1x8x128xf32, #tpu.memory_space<hbm>>
      %dma_start3A_714 = tpu.memref_squeeze %dma_start3A_713 : memref<1x1x1x8x128xf32, #tpu.memory_space<hbm>> -> memref<8x128xf32, #tpu.memory_space<hbm>>
      %dma_start3A_715 = arith.constant 8 : i32
      %dma_start3A_716 = arith.constant 0 : i32
      %dma_start3A_717 = tpu.memref_slice %arg7[%dma_start3A_698, %dma_start3A_715, %dma_start3A_716] : memref<2x64x128xf32, #tpu.memory_space<vmem>> -> memref<1x8x128xf32, #tpu.memory_space<vmem>>
      %dma_start3A_718 = tpu.memref_squeeze %dma_start3A_717 : memref<1x8x128xf32, #tpu.memory_space<vmem>> -> memref<8x128xf32, #tpu.memory_space<vmem>>
      tpu.enqueue_dma source(%dma_start3A_718 : memref<8x128xf32, #tpu.memory_space<vmem>>) target(%dma_start3A_714 : memref<8x128xf32, #tpu.memory_space<hbm>>) target_semaphore(%dma_start3A_710 : memref<!tpu.dma_semaphore, #tpu.memory_space<semaphore_mem>>)
      %add3A_719 = arith.constant 1 : i32
      %add3A_720 = arith.addi %mul3A_2, %add3A_719 : i32
      %dma_start3A_721 = arith.constant 1 : i32
      %dma_start3A_722 = arith.constant 2 : i32
      %dma_start3A_723 = arith.constant 1 : i32
      %dma_start3A_724 = arith.constant 16 : i32
      %dma_start3A_725 = arith.constant 0 : i32
      %dma_start3A_726 = tpu.memref_slice %arg7[%dma_start3A_721, %dma_start3A_724, %dma_start3A_725] : memref<2x64x128xf32, #tpu.memory_space<vmem>> -> memref<1x8x128xf32, #tpu.memory_space<vmem>>
      %dma_start3A_727 = tpu.memref_squeeze %dma_start3A_726 : memref<1x8x128xf32, #tpu.memory_space<vmem>> -> memref<8x128xf32, #tpu.memory_space<vmem>>
      %dma_start3A_728 = arith.constant 0 : i32
      %dma_start3A_729 = arith.constant 0 : i32
      %dma_start3A_730 = tpu.memref_slice %arg4[%scan3A_438, %dma_start3A_722, %add3A_720, %dma_start3A_728, %dma_start3A_729] : memref<50x8x128x8x128xf32, #tpu.memory_space<hbm>> -> memref<1x1x1x8x128xf32, #tpu.memory_space<hbm>>
      %dma_start3A_731 = tpu.memref_squeeze %dma_start3A_730 : memref<1x1x1x8x128xf32, #tpu.memory_space<hbm>> -> memref<8x128xf32, #tpu.memory_space<hbm>>
      %dma_start3A_732 = tpu.memref_slice %arg9[%dma_start3A_723] : memref<2x!tpu.dma_semaphore, #tpu.memory_space<semaphore_mem>> -> memref<1x!tpu.dma_semaphore, #tpu.memory_space<semaphore_mem>>
      %dma_start3A_733 = tpu.memref_squeeze %dma_start3A_732 : memref<1x!tpu.dma_semaphore, #tpu.memory_space<semaphore_mem>> -> memref<!tpu.dma_semaphore, #tpu.memory_space<semaphore_mem>>
      %dma_start3A_734 = arith.constant 0 : i32
      %dma_start3A_735 = arith.constant 0 : i32
      %dma_start3A_736 = tpu.memref_slice %arg4[%scan3A_438, %dma_start3A_722, %add3A_720, %dma_start3A_734, %dma_start3A_735] : memref<50x8x128x8x128xf32, #tpu.memory_space<hbm>> -> memref<1x1x1x8x128xf32, #tpu.memory_space<hbm>>
      %dma_start3A_737 = tpu.memref_squeeze %dma_start3A_736 : memref<1x1x1x8x128xf32, #tpu.memory_space<hbm>> -> memref<8x128xf32, #tpu.memory_space<hbm>>
      %dma_start3A_738 = arith.constant 16 : i32
      %dma_start3A_739 = arith.constant 0 : i32
      %dma_start3A_740 = tpu.memref_slice %arg7[%dma_start3A_721, %dma_start3A_738, %dma_start3A_739] : memref<2x64x128xf32, #tpu.memory_space<vmem>> -> memref<1x8x128xf32, #tpu.memory_space<vmem>>
      %dma_start3A_741 = tpu.memref_squeeze %dma_start3A_740 : memref<1x8x128xf32, #tpu.memory_space<vmem>> -> memref<8x128xf32, #tpu.memory_space<vmem>>
      tpu.enqueue_dma source(%dma_start3A_741 : memref<8x128xf32, #tpu.memory_space<vmem>>) target(%dma_start3A_737 : memref<8x128xf32, #tpu.memory_space<hbm>>) target_semaphore(%dma_start3A_733 : memref<!tpu.dma_semaphore, #tpu.memory_space<semaphore_mem>>)
      %add3A_742 = arith.constant 1 : i32
      %add3A_743 = arith.addi %mul3A_2, %add3A_742 : i32
      %dma_start3A_744 = arith.constant 1 : i32
      %dma_start3A_745 = arith.constant 3 : i32
      %dma_start3A_746 = arith.constant 1 : i32
      %dma_start3A_747 = arith.constant 24 : i32
      %dma_start3A_748 = arith.constant 0 : i32
      %dma_start3A_749 = tpu.memref_slice %arg7[%dma_start3A_744, %dma_start3A_747, %dma_start3A_748] : memref<2x64x128xf32, #tpu.memory_space<vmem>> -> memref<1x8x128xf32, #tpu.memory_space<vmem>>
      %dma_start3A_750 = tpu.memref_squeeze %dma_start3A_749 : memref<1x8x128xf32, #tpu.memory_space<vmem>> -> memref<8x128xf32, #tpu.memory_space<vmem>>
      %dma_start3A_751 = arith.constant 0 : i32
      %dma_start3A_752 = arith.constant 0 : i32
      %dma_start3A_753 = tpu.memref_slice %arg4[%scan3A_438, %dma_start3A_745, %add3A_743, %dma_start3A_751, %dma_start3A_752] : memref<50x8x128x8x128xf32, #tpu.memory_space<hbm>> -> memref<1x1x1x8x128xf32, #tpu.memory_space<hbm>>
      %dma_start3A_754 = tpu.memref_squeeze %dma_start3A_753 : memref<1x1x1x8x128xf32, #tpu.memory_space<hbm>> -> memref<8x128xf32, #tpu.memory_space<hbm>>
      %dma_start3A_755 = tpu.memref_slice %arg9[%dma_start3A_746] : memref<2x!tpu.dma_semaphore, #tpu.memory_space<semaphore_mem>> -> memref<1x!tpu.dma_semaphore, #tpu.memory_space<semaphore_mem>>
      %dma_start3A_756 = tpu.memref_squeeze %dma_start3A_755 : memref<1x!tpu.dma_semaphore, #tpu.memory_space<semaphore_mem>> -> memref<!tpu.dma_semaphore, #tpu.memory_space<semaphore_mem>>
      %dma_start3A_757 = arith.constant 0 : i32
      %dma_start3A_758 = arith.constant 0 : i32
      %dma_start3A_759 = tpu.memref_slice %arg4[%scan3A_438, %dma_start3A_745, %add3A_743, %dma_start3A_757, %dma_start3A_758] : memref<50x8x128x8x128xf32, #tpu.memory_space<hbm>> -> memref<1x1x1x8x128xf32, #tpu.memory_space<hbm>>
      %dma_start3A_760 = tpu.memref_squeeze %dma_start3A_759 : memref<1x1x1x8x128xf32, #tpu.memory_space<hbm>> -> memref<8x128xf32, #tpu.memory_space<hbm>>
      %dma_start3A_761 = arith.constant 24 : i32
      %dma_start3A_762 = arith.constant 0 : i32
      %dma_start3A_763 = tpu.memref_slice %arg7[%dma_start3A_744, %dma_start3A_761, %dma_start3A_762] : memref<2x64x128xf32, #tpu.memory_space<vmem>> -> memref<1x8x128xf32, #tpu.memory_space<vmem>>
      %dma_start3A_764 = tpu.memref_squeeze %dma_start3A_763 : memref<1x8x128xf32, #tpu.memory_space<vmem>> -> memref<8x128xf32, #tpu.memory_space<vmem>>
      tpu.enqueue_dma source(%dma_start3A_764 : memref<8x128xf32, #tpu.memory_space<vmem>>) target(%dma_start3A_760 : memref<8x128xf32, #tpu.memory_space<hbm>>) target_semaphore(%dma_start3A_756 : memref<!tpu.dma_semaphore, #tpu.memory_space<semaphore_mem>>)
      %add3A_765 = arith.constant 1 : i32
      %add3A_766 = arith.addi %mul3A_2, %add3A_765 : i32
      %dma_start3A_767 = arith.constant 1 : i32
      %dma_start3A_768 = arith.constant 4 : i32
      %dma_start3A_769 = arith.constant 1 : i32
      %dma_start3A_770 = arith.constant 32 : i32
      %dma_start3A_771 = arith.constant 0 : i32
      %dma_start3A_772 = tpu.memref_slice %arg7[%dma_start3A_767, %dma_start3A_770, %dma_start3A_771] : memref<2x64x128xf32, #tpu.memory_space<vmem>> -> memref<1x8x128xf32, #tpu.memory_space<vmem>>
      %dma_start3A_773 = tpu.memref_squeeze %dma_start3A_772 : memref<1x8x128xf32, #tpu.memory_space<vmem>> -> memref<8x128xf32, #tpu.memory_space<vmem>>
      %dma_start3A_774 = arith.constant 0 : i32
      %dma_start3A_775 = arith.constant 0 : i32
      %dma_start3A_776 = tpu.memref_slice %arg4[%scan3A_438, %dma_start3A_768, %add3A_766, %dma_start3A_774, %dma_start3A_775] : memref<50x8x128x8x128xf32, #tpu.memory_space<hbm>> -> memref<1x1x1x8x128xf32, #tpu.memory_space<hbm>>
      %dma_start3A_777 = tpu.memref_squeeze %dma_start3A_776 : memref<1x1x1x8x128xf32, #tpu.memory_space<hbm>> -> memref<8x128xf32, #tpu.memory_space<hbm>>
      %dma_start3A_778 = tpu.memref_slice %arg9[%dma_start3A_769] : memref<2x!tpu.dma_semaphore, #tpu.memory_space<semaphore_mem>> -> memref<1x!tpu.dma_semaphore, #tpu.memory_space<semaphore_mem>>
      %dma_start3A_779 = tpu.memref_squeeze %dma_start3A_778 : memref<1x!tpu.dma_semaphore, #tpu.memory_space<semaphore_mem>> -> memref<!tpu.dma_semaphore, #tpu.memory_space<semaphore_mem>>
      %dma_start3A_780 = arith.constant 0 : i32
      %dma_start3A_781 = arith.constant 0 : i32
      %dma_start3A_782 = tpu.memref_slice %arg4[%scan3A_438, %dma_start3A_768, %add3A_766, %dma_start3A_780, %dma_start3A_781] : memref<50x8x128x8x128xf32, #tpu.memory_space<hbm>> -> memref<1x1x1x8x128xf32, #tpu.memory_space<hbm>>
      %dma_start3A_783 = tpu.memref_squeeze %dma_start3A_782 : memref<1x1x1x8x128xf32, #tpu.memory_space<hbm>> -> memref<8x128xf32, #tpu.memory_space<hbm>>
      %dma_start3A_784 = arith.constant 32 : i32
      %dma_start3A_785 = arith.constant 0 : i32
      %dma_start3A_786 = tpu.memref_slice %arg7[%dma_start3A_767, %dma_start3A_784, %dma_start3A_785] : memref<2x64x128xf32, #tpu.memory_space<vmem>> -> memref<1x8x128xf32, #tpu.memory_space<vmem>>
      %dma_start3A_787 = tpu.memref_squeeze %dma_start3A_786 : memref<1x8x128xf32, #tpu.memory_space<vmem>> -> memref<8x128xf32, #tpu.memory_space<vmem>>
      tpu.enqueue_dma source(%dma_start3A_787 : memref<8x128xf32, #tpu.memory_space<vmem>>) target(%dma_start3A_783 : memref<8x128xf32, #tpu.memory_space<hbm>>) target_semaphore(%dma_start3A_779 : memref<!tpu.dma_semaphore, #tpu.memory_space<semaphore_mem>>)
      %add3A_788 = arith.constant 1 : i32
      %add3A_789 = arith.addi %mul3A_2, %add3A_788 : i32
      %dma_start3A_790 = arith.constant 1 : i32
      %dma_start3A_791 = arith.constant 5 : i32
      %dma_start3A_792 = arith.constant 1 : i32
      %dma_start3A_793 = arith.constant 40 : i32
      %dma_start3A_794 = arith.constant 0 : i32
      %dma_start3A_795 = tpu.memref_slice %arg7[%dma_start3A_790, %dma_start3A_793, %dma_start3A_794] : memref<2x64x128xf32, #tpu.memory_space<vmem>> -> memref<1x8x128xf32, #tpu.memory_space<vmem>>
      %dma_start3A_796 = tpu.memref_squeeze %dma_start3A_795 : memref<1x8x128xf32, #tpu.memory_space<vmem>> -> memref<8x128xf32, #tpu.memory_space<vmem>>
      %dma_start3A_797 = arith.constant 0 : i32
      %dma_start3A_798 = arith.constant 0 : i32
      %dma_start3A_799 = tpu.memref_slice %arg4[%scan3A_438, %dma_start3A_791, %add3A_789, %dma_start3A_797, %dma_start3A_798] : memref<50x8x128x8x128xf32, #tpu.memory_space<hbm>> -> memref<1x1x1x8x128xf32, #tpu.memory_space<hbm>>
      %dma_start3A_800 = tpu.memref_squeeze %dma_start3A_799 : memref<1x1x1x8x128xf32, #tpu.memory_space<hbm>> -> memref<8x128xf32, #tpu.memory_space<hbm>>
      %dma_start3A_801 = tpu.memref_slice %arg9[%dma_start3A_792] : memref<2x!tpu.dma_semaphore, #tpu.memory_space<semaphore_mem>> -> memref<1x!tpu.dma_semaphore, #tpu.memory_space<semaphore_mem>>
      %dma_start3A_802 = tpu.memref_squeeze %dma_start3A_801 : memref<1x!tpu.dma_semaphore, #tpu.memory_space<semaphore_mem>> -> memref<!tpu.dma_semaphore, #tpu.memory_space<semaphore_mem>>
      %dma_start3A_803 = arith.constant 0 : i32
      %dma_start3A_804 = arith.constant 0 : i32
      %dma_start3A_805 = tpu.memref_slice %arg4[%scan3A_438, %dma_start3A_791, %add3A_789, %dma_start3A_803, %dma_start3A_804] : memref<50x8x128x8x128xf32, #tpu.memory_space<hbm>> -> memref<1x1x1x8x128xf32, #tpu.memory_space<hbm>>
      %dma_start3A_806 = tpu.memref_squeeze %dma_start3A_805 : memref<1x1x1x8x128xf32, #tpu.memory_space<hbm>> -> memref<8x128xf32, #tpu.memory_space<hbm>>
      %dma_start3A_807 = arith.constant 40 : i32
      %dma_start3A_808 = arith.constant 0 : i32
      %dma_start3A_809 = tpu.memref_slice %arg7[%dma_start3A_790, %dma_start3A_807, %dma_start3A_808] : memref<2x64x128xf32, #tpu.memory_space<vmem>> -> memref<1x8x128xf32, #tpu.memory_space<vmem>>
      %dma_start3A_810 = tpu.memref_squeeze %dma_start3A_809 : memref<1x8x128xf32, #tpu.memory_space<vmem>> -> memref<8x128xf32, #tpu.memory_space<vmem>>
      tpu.enqueue_dma source(%dma_start3A_810 : memref<8x128xf32, #tpu.memory_space<vmem>>) target(%dma_start3A_806 : memref<8x128xf32, #tpu.memory_space<hbm>>) target_semaphore(%dma_start3A_802 : memref<!tpu.dma_semaphore, #tpu.memory_space<semaphore_mem>>)
      %add3A_811 = arith.constant 1 : i32
      %add3A_812 = arith.addi %mul3A_2, %add3A_811 : i32
      %dma_start3A_813 = arith.constant 1 : i32
      %dma_start3A_814 = arith.constant 6 : i32
      %dma_start3A_815 = arith.constant 1 : i32
      %dma_start3A_816 = arith.constant 48 : i32
      %dma_start3A_817 = arith.constant 0 : i32
      %dma_start3A_818 = tpu.memref_slice %arg7[%dma_start3A_813, %dma_start3A_816, %dma_start3A_817] : memref<2x64x128xf32, #tpu.memory_space<vmem>> -> memref<1x8x128xf32, #tpu.memory_space<vmem>>
      %dma_start3A_819 = tpu.memref_squeeze %dma_start3A_818 : memref<1x8x128xf32, #tpu.memory_space<vmem>> -> memref<8x128xf32, #tpu.memory_space<vmem>>
      %dma_start3A_820 = arith.constant 0 : i32
      %dma_start3A_821 = arith.constant 0 : i32
      %dma_start3A_822 = tpu.memref_slice %arg4[%scan3A_438, %dma_start3A_814, %add3A_812, %dma_start3A_820, %dma_start3A_821] : memref<50x8x128x8x128xf32, #tpu.memory_space<hbm>> -> memref<1x1x1x8x128xf32, #tpu.memory_space<hbm>>
      %dma_start3A_823 = tpu.memref_squeeze %dma_start3A_822 : memref<1x1x1x8x128xf32, #tpu.memory_space<hbm>> -> memref<8x128xf32, #tpu.memory_space<hbm>>
      %dma_start3A_824 = tpu.memref_slice %arg9[%dma_start3A_815] : memref<2x!tpu.dma_semaphore, #tpu.memory_space<semaphore_mem>> -> memref<1x!tpu.dma_semaphore, #tpu.memory_space<semaphore_mem>>
      %dma_start3A_825 = tpu.memref_squeeze %dma_start3A_824 : memref<1x!tpu.dma_semaphore, #tpu.memory_space<semaphore_mem>> -> memref<!tpu.dma_semaphore, #tpu.memory_space<semaphore_mem>>
      %dma_start3A_826 = arith.constant 0 : i32
      %dma_start3A_827 = arith.constant 0 : i32
      %dma_start3A_828 = tpu.memref_slice %arg4[%scan3A_438, %dma_start3A_814, %add3A_812, %dma_start3A_826, %dma_start3A_827] : memref<50x8x128x8x128xf32, #tpu.memory_space<hbm>> -> memref<1x1x1x8x128xf32, #tpu.memory_space<hbm>>
      %dma_start3A_829 = tpu.memref_squeeze %dma_start3A_828 : memref<1x1x1x8x128xf32, #tpu.memory_space<hbm>> -> memref<8x128xf32, #tpu.memory_space<hbm>>
      %dma_start3A_830 = arith.constant 48 : i32
      %dma_start3A_831 = arith.constant 0 : i32
      %dma_start3A_832 = tpu.memref_slice %arg7[%dma_start3A_813, %dma_start3A_830, %dma_start3A_831] : memref<2x64x128xf32, #tpu.memory_space<vmem>> -> memref<1x8x128xf32, #tpu.memory_space<vmem>>
      %dma_start3A_833 = tpu.memref_squeeze %dma_start3A_832 : memref<1x8x128xf32, #tpu.memory_space<vmem>> -> memref<8x128xf32, #tpu.memory_space<vmem>>
      tpu.enqueue_dma source(%dma_start3A_833 : memref<8x128xf32, #tpu.memory_space<vmem>>) target(%dma_start3A_829 : memref<8x128xf32, #tpu.memory_space<hbm>>) target_semaphore(%dma_start3A_825 : memref<!tpu.dma_semaphore, #tpu.memory_space<semaphore_mem>>)
      %add3A_834 = arith.constant 1 : i32
      %add3A_835 = arith.addi %mul3A_2, %add3A_834 : i32
      %dma_start3A_836 = arith.constant 1 : i32
      %dma_start3A_837 = arith.constant 7 : i32
      %dma_start3A_838 = arith.constant 1 : i32
      %dma_start3A_839 = arith.constant 56 : i32
      %dma_start3A_840 = arith.constant 0 : i32
      %dma_start3A_841 = tpu.memref_slice %arg7[%dma_start3A_836, %dma_start3A_839, %dma_start3A_840] : memref<2x64x128xf32, #tpu.memory_space<vmem>> -> memref<1x8x128xf32, #tpu.memory_space<vmem>>
      %dma_start3A_842 = tpu.memref_squeeze %dma_start3A_841 : memref<1x8x128xf32, #tpu.memory_space<vmem>> -> memref<8x128xf32, #tpu.memory_space<vmem>>
      %dma_start3A_843 = arith.constant 0 : i32
      %dma_start3A_844 = arith.constant 0 : i32
      %dma_start3A_845 = tpu.memref_slice %arg4[%scan3A_438, %dma_start3A_837, %add3A_835, %dma_start3A_843, %dma_start3A_844] : memref<50x8x128x8x128xf32, #tpu.memory_space<hbm>> -> memref<1x1x1x8x128xf32, #tpu.memory_space<hbm>>
      %dma_start3A_846 = tpu.memref_squeeze %dma_start3A_845 : memref<1x1x1x8x128xf32, #tpu.memory_space<hbm>> -> memref<8x128xf32, #tpu.memory_space<hbm>>
      %dma_start3A_847 = tpu.memref_slice %arg9[%dma_start3A_838] : memref<2x!tpu.dma_semaphore, #tpu.memory_space<semaphore_mem>> -> memref<1x!tpu.dma_semaphore, #tpu.memory_space<semaphore_mem>>
      %dma_start3A_848 = tpu.memref_squeeze %dma_start3A_847 : memref<1x!tpu.dma_semaphore, #tpu.memory_space<semaphore_mem>> -> memref<!tpu.dma_semaphore, #tpu.memory_space<semaphore_mem>>
      %dma_start3A_849 = arith.constant 0 : i32
      %dma_start3A_850 = arith.constant 0 : i32
      %dma_start3A_851 = tpu.memref_slice %arg4[%scan3A_438, %dma_start3A_837, %add3A_835, %dma_start3A_849, %dma_start3A_850] : memref<50x8x128x8x128xf32, #tpu.memory_space<hbm>> -> memref<1x1x1x8x128xf32, #tpu.memory_space<hbm>>
      %dma_start3A_852 = tpu.memref_squeeze %dma_start3A_851 : memref<1x1x1x8x128xf32, #tpu.memory_space<hbm>> -> memref<8x128xf32, #tpu.memory_space<hbm>>
      %dma_start3A_853 = arith.constant 56 : i32
      %dma_start3A_854 = arith.constant 0 : i32
      %dma_start3A_855 = tpu.memref_slice %arg7[%dma_start3A_836, %dma_start3A_853, %dma_start3A_854] : memref<2x64x128xf32, #tpu.memory_space<vmem>> -> memref<1x8x128xf32, #tpu.memory_space<vmem>>
      %dma_start3A_856 = tpu.memref_squeeze %dma_start3A_855 : memref<1x8x128xf32, #tpu.memory_space<vmem>> -> memref<8x128xf32, #tpu.memory_space<vmem>>
      tpu.enqueue_dma source(%dma_start3A_856 : memref<8x128xf32, #tpu.memory_space<vmem>>) target(%dma_start3A_852 : memref<8x128xf32, #tpu.memory_space<hbm>>) target_semaphore(%dma_start3A_848 : memref<!tpu.dma_semaphore, #tpu.memory_space<semaphore_mem>>)
      %lt3A_857 = arith.constant 49 : i32
      %lt3A_858 = arith.cmpi slt, %scan3A_438, %lt3A_857 : i32
      %convert_element_type3A_859 = arith.extui %lt3A_858 : i1 to i32
      %cond3A_860 = arith.constant 0 : i32
      %cond3A_861 = arith.cmpi ne, %convert_element_type3A_859, %cond3A_860 : i32
      scf.if %cond3A_861 {
        %add3A_1648 = arith.constant 1 : i32
        %add3A_1649 = arith.addi %scan3A_438, %add3A_1648 : i32
        %dma_start3A_1650 = arith.constant 1 : i32
        %dma_start3A_1651 = arith.constant 1 : i32
        %dma_start3A_1652 = arith.constant 1 : i32
        %dma_start3A_1653 = arith.constant 0 : i32
        %dma_start3A_1654 = arith.constant 0 : i32
        %dma_start3A_1655 = tpu.memref_slice %arg6[%dma_start3A_1651, %dma_start3A_1653, %dma_start3A_1654] : memref<4x128x128xf32, #tpu.memory_space<vmem>> -> memref<1x128x128xf32, #tpu.memory_space<vmem>>
        %dma_start3A_1656 = tpu.memref_squeeze %dma_start3A_1655 : memref<1x128x128xf32, #tpu.memory_space<vmem>> -> memref<128x128xf32, #tpu.memory_space<vmem>>
        %dma_start3A_1657 = arith.constant 0 : i32
        %dma_start3A_1658 = tpu.memref_slice %arg5[%dma_start3A_1650, %add3A_1649, %dma_start3A_1657] : memref<4x50x128xi32, #tpu.memory_space<vmem>> -> memref<1x1x128xi32, #tpu.memory_space<vmem>>
        %dma_start3A_1659 = tpu.memref_squeeze %dma_start3A_1658 : memref<1x1x128xi32, #tpu.memory_space<vmem>> -> memref<128xi32, #tpu.memory_space<vmem>>
        %dma_start3A_1660 = arith.constant 0 : i32
        %dma_start3A_1661 = arith.constant 0 : i32
        %dma_start3A_1662 = tpu.memref_slice %arg3[%dma_start3A_1660, %dma_start3A_1661] : memref<1000000x128xf32, #tpu.memory_space<hbm>> -> memref<1000000x128xf32, #tpu.memory_space<hbm>>
        %dma_start3A_1663 = tpu.memref_slice %arg8[%dma_start3A_1652] : memref<4x!tpu.dma_semaphore, #tpu.memory_space<semaphore_mem>> -> memref<1x!tpu.dma_semaphore, #tpu.memory_space<semaphore_mem>>
        %dma_start3A_1664 = tpu.memref_squeeze %dma_start3A_1663 : memref<1x!tpu.dma_semaphore, #tpu.memory_space<semaphore_mem>> -> memref<!tpu.dma_semaphore, #tpu.memory_space<semaphore_mem>>
        tpu.enqueue_indirect_dma source(%dma_start3A_1662 : memref<1000000x128xf32, #tpu.memory_space<hbm>>) target(%dma_start3A_1656 : memref<128x128xf32, #tpu.memory_space<vmem>>) offsets(%dma_start3A_1659 : memref<128xi32, #tpu.memory_space<vmem>>) semaphore(%dma_start3A_1664 : memref<!tpu.dma_semaphore, #tpu.memory_space<semaphore_mem>>)
      } else {
      }
      %dma_wait3A_862 = arith.constant 0 : i32
      %dma_wait3A_863 = arith.constant 0 : i32
      %dma_wait3A_864 = arith.constant 0 : i32
      %dma_wait3A_865 = arith.constant 0 : i32
      %dma_wait3A_866 = arith.constant 0 : i32
      %dma_wait3A_867 = arith.constant 0 : i32
      %dma_wait3A_868 = arith.constant 0 : i32
      %dma_wait3A_869 = tpu.memref_slice %arg7[%dma_wait3A_862, %dma_wait3A_867, %dma_wait3A_868] : memref<2x64x128xf32, #tpu.memory_space<vmem>> -> memref<1x8x128xf32, #tpu.memory_space<vmem>>
      %dma_wait3A_870 = tpu.memref_squeeze %dma_wait3A_869 : memref<1x8x128xf32, #tpu.memory_space<vmem>> -> memref<8x128xf32, #tpu.memory_space<vmem>>
      %dma_wait3A_871 = arith.constant 0 : i32
      %dma_wait3A_872 = arith.constant 0 : i32
      %dma_wait3A_873 = tpu.memref_slice %arg4[%dma_wait3A_863, %dma_wait3A_864, %dma_wait3A_865, %dma_wait3A_871, %dma_wait3A_872] : memref<50x8x128x8x128xf32, #tpu.memory_space<hbm>> -> memref<1x1x1x8x128xf32, #tpu.memory_space<hbm>>
      %dma_wait3A_874 = tpu.memref_squeeze %dma_wait3A_873 : memref<1x1x1x8x128xf32, #tpu.memory_space<hbm>> -> memref<8x128xf32, #tpu.memory_space<hbm>>
      %dma_wait3A_875 = tpu.memref_slice %arg9[%dma_wait3A_866] : memref<2x!tpu.dma_semaphore, #tpu.memory_space<semaphore_mem>> -> memref<1x!tpu.dma_semaphore, #tpu.memory_space<semaphore_mem>>
      %dma_wait3A_876 = tpu.memref_squeeze %dma_wait3A_875 : memref<1x!tpu.dma_semaphore, #tpu.memory_space<semaphore_mem>> -> memref<!tpu.dma_semaphore, #tpu.memory_space<semaphore_mem>>
      %dma_wait3A_877 = arith.constant 0 : i32
      %dma_wait3A_878 = arith.constant 0 : i32
      %dma_wait3A_879 = tpu.memref_slice %arg4[%dma_wait3A_863, %dma_wait3A_864, %dma_wait3A_865, %dma_wait3A_877, %dma_wait3A_878] : memref<50x8x128x8x128xf32, #tpu.memory_space<hbm>> -> memref<1x1x1x8x128xf32, #tpu.memory_space<hbm>>
      %dma_wait3A_880 = tpu.memref_squeeze %dma_wait3A_879 : memref<1x1x1x8x128xf32, #tpu.memory_space<hbm>> -> memref<8x128xf32, #tpu.memory_space<hbm>>
      %dma_wait3A_881 = arith.constant 0 : i32
      %dma_wait3A_882 = arith.constant 0 : i32
      %dma_wait3A_883 = tpu.memref_slice %arg7[%dma_wait3A_862, %dma_wait3A_881, %dma_wait3A_882] : memref<2x64x128xf32, #tpu.memory_space<vmem>> -> memref<1x8x128xf32, #tpu.memory_space<vmem>>
      %dma_wait3A_884 = tpu.memref_squeeze %dma_wait3A_883 : memref<1x8x128xf32, #tpu.memory_space<vmem>> -> memref<8x128xf32, #tpu.memory_space<vmem>>
      tpu.wait_dma2 semaphore(%dma_wait3A_876 : memref<!tpu.dma_semaphore, #tpu.memory_space<semaphore_mem>>) src(%dma_wait3A_884 : memref<8x128xf32, #tpu.memory_space<vmem>>) dst(%dma_wait3A_880 : memref<8x128xf32, #tpu.memory_space<hbm>>)
      %dma_wait3A_885 = arith.constant 0 : i32
      %dma_wait3A_886 = arith.constant 0 : i32
      %dma_wait3A_887 = arith.constant 0 : i32
      %dma_wait3A_888 = arith.constant 0 : i32
      %dma_wait3A_889 = arith.constant 0 : i32
      %dma_wait3A_890 = arith.constant 8 : i32
      %dma_wait3A_891 = arith.constant 0 : i32
      %dma_wait3A_892 = tpu.memref_slice %arg7[%dma_wait3A_885, %dma_wait3A_890, %dma_wait3A_891] : memref<2x64x128xf32, #tpu.memory_space<vmem>> -> memref<1x8x128xf32, #tpu.memory_space<vmem>>
      %dma_wait3A_893 = tpu.memref_squeeze %dma_wait3A_892 : memref<1x8x128xf32, #tpu.memory_space<vmem>> -> memref<8x128xf32, #tpu.memory_space<vmem>>
      %dma_wait3A_894 = arith.constant 0 : i32
      %dma_wait3A_895 = arith.constant 0 : i32
      %dma_wait3A_896 = tpu.memref_slice %arg4[%dma_wait3A_886, %dma_wait3A_887, %dma_wait3A_888, %dma_wait3A_894, %dma_wait3A_895] : memref<50x8x128x8x128xf32, #tpu.memory_space<hbm>> -> memref<1x1x1x8x128xf32, #tpu.memory_space<hbm>>
      %dma_wait3A_897 = tpu.memref_squeeze %dma_wait3A_896 : memref<1x1x1x8x128xf32, #tpu.memory_space<hbm>> -> memref<8x128xf32, #tpu.memory_space<hbm>>
      %dma_wait3A_898 = tpu.memref_slice %arg9[%dma_wait3A_889] : memref<2x!tpu.dma_semaphore, #tpu.memory_space<semaphore_mem>> -> memref<1x!tpu.dma_semaphore, #tpu.memory_space<semaphore_mem>>
      %dma_wait3A_899 = tpu.memref_squeeze %dma_wait3A_898 : memref<1x!tpu.dma_semaphore, #tpu.memory_space<semaphore_mem>> -> memref<!tpu.dma_semaphore, #tpu.memory_space<semaphore_mem>>
      %dma_wait3A_900 = arith.constant 0 : i32
      %dma_wait3A_901 = arith.constant 0 : i32
      %dma_wait3A_902 = tpu.memref_slice %arg4[%dma_wait3A_886, %dma_wait3A_887, %dma_wait3A_888, %dma_wait3A_900, %dma_wait3A_901] : memref<50x8x128x8x128xf32, #tpu.memory_space<hbm>> -> memref<1x1x1x8x128xf32, #tpu.memory_space<hbm>>
      %dma_wait3A_903 = tpu.memref_squeeze %dma_wait3A_902 : memref<1x1x1x8x128xf32, #tpu.memory_space<hbm>> -> memref<8x128xf32, #tpu.memory_space<hbm>>
      %dma_wait3A_904 = arith.constant 8 : i32
      %dma_wait3A_905 = arith.constant 0 : i32
      %dma_wait3A_906 = tpu.memref_slice %arg7[%dma_wait3A_885, %dma_wait3A_904, %dma_wait3A_905] : memref<2x64x128xf32, #tpu.memory_space<vmem>> -> memref<1x8x128xf32, #tpu.memory_space<vmem>>
      %dma_wait3A_907 = tpu.memref_squeeze %dma_wait3A_906 : memref<1x8x128xf32, #tpu.memory_space<vmem>> -> memref<8x128xf32, #tpu.memory_space<vmem>>
      tpu.wait_dma2 semaphore(%dma_wait3A_899 : memref<!tpu.dma_semaphore, #tpu.memory_space<semaphore_mem>>) src(%dma_wait3A_907 : memref<8x128xf32, #tpu.memory_space<vmem>>) dst(%dma_wait3A_903 : memref<8x128xf32, #tpu.memory_space<hbm>>)
      %dma_wait3A_908 = arith.constant 0 : i32
      %dma_wait3A_909 = arith.constant 0 : i32
      %dma_wait3A_910 = arith.constant 0 : i32
      %dma_wait3A_911 = arith.constant 0 : i32
      %dma_wait3A_912 = arith.constant 0 : i32
      %dma_wait3A_913 = arith.constant 16 : i32
      %dma_wait3A_914 = arith.constant 0 : i32
      %dma_wait3A_915 = tpu.memref_slice %arg7[%dma_wait3A_908, %dma_wait3A_913, %dma_wait3A_914] : memref<2x64x128xf32, #tpu.memory_space<vmem>> -> memref<1x8x128xf32, #tpu.memory_space<vmem>>
      %dma_wait3A_916 = tpu.memref_squeeze %dma_wait3A_915 : memref<1x8x128xf32, #tpu.memory_space<vmem>> -> memref<8x128xf32, #tpu.memory_space<vmem>>
      %dma_wait3A_917 = arith.constant 0 : i32
      %dma_wait3A_918 = arith.constant 0 : i32
      %dma_wait3A_919 = tpu.memref_slice %arg4[%dma_wait3A_909, %dma_wait3A_910, %dma_wait3A_911, %dma_wait3A_917, %dma_wait3A_918] : memref<50x8x128x8x128xf32, #tpu.memory_space<hbm>> -> memref<1x1x1x8x128xf32, #tpu.memory_space<hbm>>
      %dma_wait3A_920 = tpu.memref_squeeze %dma_wait3A_919 : memref<1x1x1x8x128xf32, #tpu.memory_space<hbm>> -> memref<8x128xf32, #tpu.memory_space<hbm>>
      %dma_wait3A_921 = tpu.memref_slice %arg9[%dma_wait3A_912] : memref<2x!tpu.dma_semaphore, #tpu.memory_space<semaphore_mem>> -> memref<1x!tpu.dma_semaphore, #tpu.memory_space<semaphore_mem>>
      %dma_wait3A_922 = tpu.memref_squeeze %dma_wait3A_921 : memref<1x!tpu.dma_semaphore, #tpu.memory_space<semaphore_mem>> -> memref<!tpu.dma_semaphore, #tpu.memory_space<semaphore_mem>>
      %dma_wait3A_923 = arith.constant 0 : i32
      %dma_wait3A_924 = arith.constant 0 : i32
      %dma_wait3A_925 = tpu.memref_slice %arg4[%dma_wait3A_909, %dma_wait3A_910, %dma_wait3A_911, %dma_wait3A_923, %dma_wait3A_924] : memref<50x8x128x8x128xf32, #tpu.memory_space<hbm>> -> memref<1x1x1x8x128xf32, #tpu.memory_space<hbm>>
      %dma_wait3A_926 = tpu.memref_squeeze %dma_wait3A_925 : memref<1x1x1x8x128xf32, #tpu.memory_space<hbm>> -> memref<8x128xf32, #tpu.memory_space<hbm>>
      %dma_wait3A_927 = arith.constant 16 : i32
      %dma_wait3A_928 = arith.constant 0 : i32
      %dma_wait3A_929 = tpu.memref_slice %arg7[%dma_wait3A_908, %dma_wait3A_927, %dma_wait3A_928] : memref<2x64x128xf32, #tpu.memory_space<vmem>> -> memref<1x8x128xf32, #tpu.memory_space<vmem>>
      %dma_wait3A_930 = tpu.memref_squeeze %dma_wait3A_929 : memref<1x8x128xf32, #tpu.memory_space<vmem>> -> memref<8x128xf32, #tpu.memory_space<vmem>>
      tpu.wait_dma2 semaphore(%dma_wait3A_922 : memref<!tpu.dma_semaphore, #tpu.memory_space<semaphore_mem>>) src(%dma_wait3A_930 : memref<8x128xf32, #tpu.memory_space<vmem>>) dst(%dma_wait3A_926 : memref<8x128xf32, #tpu.memory_space<hbm>>)
      %dma_wait3A_931 = arith.constant 0 : i32
      %dma_wait3A_932 = arith.constant 0 : i32
      %dma_wait3A_933 = arith.constant 0 : i32
      %dma_wait3A_934 = arith.constant 0 : i32
      %dma_wait3A_935 = arith.constant 0 : i32
      %dma_wait3A_936 = arith.constant 24 : i32
      %dma_wait3A_937 = arith.constant 0 : i32
      %dma_wait3A_938 = tpu.memref_slice %arg7[%dma_wait3A_931, %dma_wait3A_936, %dma_wait3A_937] : memref<2x64x128xf32, #tpu.memory_space<vmem>> -> memref<1x8x128xf32, #tpu.memory_space<vmem>>
      %dma_wait3A_939 = tpu.memref_squeeze %dma_wait3A_938 : memref<1x8x128xf32, #tpu.memory_space<vmem>> -> memref<8x128xf32, #tpu.memory_space<vmem>>
      %dma_wait3A_940 = arith.constant 0 : i32
      %dma_wait3A_941 = arith.constant 0 : i32
      %dma_wait3A_942 = tpu.memref_slice %arg4[%dma_wait3A_932, %dma_wait3A_933, %dma_wait3A_934, %dma_wait3A_940, %dma_wait3A_941] : memref<50x8x128x8x128xf32, #tpu.memory_space<hbm>> -> memref<1x1x1x8x128xf32, #tpu.memory_space<hbm>>
      %dma_wait3A_943 = tpu.memref_squeeze %dma_wait3A_942 : memref<1x1x1x8x128xf32, #tpu.memory_space<hbm>> -> memref<8x128xf32, #tpu.memory_space<hbm>>
      %dma_wait3A_944 = tpu.memref_slice %arg9[%dma_wait3A_935] : memref<2x!tpu.dma_semaphore, #tpu.memory_space<semaphore_mem>> -> memref<1x!tpu.dma_semaphore, #tpu.memory_space<semaphore_mem>>
      %dma_wait3A_945 = tpu.memref_squeeze %dma_wait3A_944 : memref<1x!tpu.dma_semaphore, #tpu.memory_space<semaphore_mem>> -> memref<!tpu.dma_semaphore, #tpu.memory_space<semaphore_mem>>
      %dma_wait3A_946 = arith.constant 0 : i32
      %dma_wait3A_947 = arith.constant 0 : i32
      %dma_wait3A_948 = tpu.memref_slice %arg4[%dma_wait3A_932, %dma_wait3A_933, %dma_wait3A_934, %dma_wait3A_946, %dma_wait3A_947] : memref<50x8x128x8x128xf32, #tpu.memory_space<hbm>> -> memref<1x1x1x8x128xf32, #tpu.memory_space<hbm>>
      %dma_wait3A_949 = tpu.memref_squeeze %dma_wait3A_948 : memref<1x1x1x8x128xf32, #tpu.memory_space<hbm>> -> memref<8x128xf32, #tpu.memory_space<hbm>>
      %dma_wait3A_950 = arith.constant 24 : i32
      %dma_wait3A_951 = arith.constant 0 : i32
      %dma_wait3A_952 = tpu.memref_slice %arg7[%dma_wait3A_931, %dma_wait3A_950, %dma_wait3A_951] : memref<2x64x128xf32, #tpu.memory_space<vmem>> -> memref<1x8x128xf32, #tpu.memory_space<vmem>>
      %dma_wait3A_953 = tpu.memref_squeeze %dma_wait3A_952 : memref<1x8x128xf32, #tpu.memory_space<vmem>> -> memref<8x128xf32, #tpu.memory_space<vmem>>
      tpu.wait_dma2 semaphore(%dma_wait3A_945 : memref<!tpu.dma_semaphore, #tpu.memory_space<semaphore_mem>>) src(%dma_wait3A_953 : memref<8x128xf32, #tpu.memory_space<vmem>>) dst(%dma_wait3A_949 : memref<8x128xf32, #tpu.memory_space<hbm>>)
      %dma_wait3A_954 = arith.constant 0 : i32
      %dma_wait3A_955 = arith.constant 0 : i32
      %dma_wait3A_956 = arith.constant 0 : i32
      %dma_wait3A_957 = arith.constant 0 : i32
      %dma_wait3A_958 = arith.constant 0 : i32
      %dma_wait3A_959 = arith.constant 32 : i32
      %dma_wait3A_960 = arith.constant 0 : i32
      %dma_wait3A_961 = tpu.memref_slice %arg7[%dma_wait3A_954, %dma_wait3A_959, %dma_wait3A_960] : memref<2x64x128xf32, #tpu.memory_space<vmem>> -> memref<1x8x128xf32, #tpu.memory_space<vmem>>
      %dma_wait3A_962 = tpu.memref_squeeze %dma_wait3A_961 : memref<1x8x128xf32, #tpu.memory_space<vmem>> -> memref<8x128xf32, #tpu.memory_space<vmem>>
      %dma_wait3A_963 = arith.constant 0 : i32
      %dma_wait3A_964 = arith.constant 0 : i32
      %dma_wait3A_965 = tpu.memref_slice %arg4[%dma_wait3A_955, %dma_wait3A_956, %dma_wait3A_957, %dma_wait3A_963, %dma_wait3A_964] : memref<50x8x128x8x128xf32, #tpu.memory_space<hbm>> -> memref<1x1x1x8x128xf32, #tpu.memory_space<hbm>>
      %dma_wait3A_966 = tpu.memref_squeeze %dma_wait3A_965 : memref<1x1x1x8x128xf32, #tpu.memory_space<hbm>> -> memref<8x128xf32, #tpu.memory_space<hbm>>
      %dma_wait3A_967 = tpu.memref_slice %arg9[%dma_wait3A_958] : memref<2x!tpu.dma_semaphore, #tpu.memory_space<semaphore_mem>> -> memref<1x!tpu.dma_semaphore, #tpu.memory_space<semaphore_mem>>
      %dma_wait3A_968 = tpu.memref_squeeze %dma_wait3A_967 : memref<1x!tpu.dma_semaphore, #tpu.memory_space<semaphore_mem>> -> memref<!tpu.dma_semaphore, #tpu.memory_space<semaphore_mem>>
      %dma_wait3A_969 = arith.constant 0 : i32
      %dma_wait3A_970 = arith.constant 0 : i32
      %dma_wait3A_971 = tpu.memref_slice %arg4[%dma_wait3A_955, %dma_wait3A_956, %dma_wait3A_957, %dma_wait3A_969, %dma_wait3A_970] : memref<50x8x128x8x128xf32, #tpu.memory_space<hbm>> -> memref<1x1x1x8x128xf32, #tpu.memory_space<hbm>>
      %dma_wait3A_972 = tpu.memref_squeeze %dma_wait3A_971 : memref<1x1x1x8x128xf32, #tpu.memory_space<hbm>> -> memref<8x128xf32, #tpu.memory_space<hbm>>
      %dma_wait3A_973 = arith.constant 32 : i32
      %dma_wait3A_974 = arith.constant 0 : i32
      %dma_wait3A_975 = tpu.memref_slice %arg7[%dma_wait3A_954, %dma_wait3A_973, %dma_wait3A_974] : memref<2x64x128xf32, #tpu.memory_space<vmem>> -> memref<1x8x128xf32, #tpu.memory_space<vmem>>
      %dma_wait3A_976 = tpu.memref_squeeze %dma_wait3A_975 : memref<1x8x128xf32, #tpu.memory_space<vmem>> -> memref<8x128xf32, #tpu.memory_space<vmem>>
      tpu.wait_dma2 semaphore(%dma_wait3A_968 : memref<!tpu.dma_semaphore, #tpu.memory_space<semaphore_mem>>) src(%dma_wait3A_976 : memref<8x128xf32, #tpu.memory_space<vmem>>) dst(%dma_wait3A_972 : memref<8x128xf32, #tpu.memory_space<hbm>>)
      %dma_wait3A_977 = arith.constant 0 : i32
      %dma_wait3A_978 = arith.constant 0 : i32
      %dma_wait3A_979 = arith.constant 0 : i32
      %dma_wait3A_980 = arith.constant 0 : i32
      %dma_wait3A_981 = arith.constant 0 : i32
      %dma_wait3A_982 = arith.constant 40 : i32
      %dma_wait3A_983 = arith.constant 0 : i32
      %dma_wait3A_984 = tpu.memref_slice %arg7[%dma_wait3A_977, %dma_wait3A_982, %dma_wait3A_983] : memref<2x64x128xf32, #tpu.memory_space<vmem>> -> memref<1x8x128xf32, #tpu.memory_space<vmem>>
      %dma_wait3A_985 = tpu.memref_squeeze %dma_wait3A_984 : memref<1x8x128xf32, #tpu.memory_space<vmem>> -> memref<8x128xf32, #tpu.memory_space<vmem>>
      %dma_wait3A_986 = arith.constant 0 : i32
      %dma_wait3A_987 = arith.constant 0 : i32
      %dma_wait3A_988 = tpu.memref_slice %arg4[%dma_wait3A_978, %dma_wait3A_979, %dma_wait3A_980, %dma_wait3A_986, %dma_wait3A_987] : memref<50x8x128x8x128xf32, #tpu.memory_space<hbm>> -> memref<1x1x1x8x128xf32, #tpu.memory_space<hbm>>
      %dma_wait3A_989 = tpu.memref_squeeze %dma_wait3A_988 : memref<1x1x1x8x128xf32, #tpu.memory_space<hbm>> -> memref<8x128xf32, #tpu.memory_space<hbm>>
      %dma_wait3A_990 = tpu.memref_slice %arg9[%dma_wait3A_981] : memref<2x!tpu.dma_semaphore, #tpu.memory_space<semaphore_mem>> -> memref<1x!tpu.dma_semaphore, #tpu.memory_space<semaphore_mem>>
      %dma_wait3A_991 = tpu.memref_squeeze %dma_wait3A_990 : memref<1x!tpu.dma_semaphore, #tpu.memory_space<semaphore_mem>> -> memref<!tpu.dma_semaphore, #tpu.memory_space<semaphore_mem>>
      %dma_wait3A_992 = arith.constant 0 : i32
      %dma_wait3A_993 = arith.constant 0 : i32
      %dma_wait3A_994 = tpu.memref_slice %arg4[%dma_wait3A_978, %dma_wait3A_979, %dma_wait3A_980, %dma_wait3A_992, %dma_wait3A_993] : memref<50x8x128x8x128xf32, #tpu.memory_space<hbm>> -> memref<1x1x1x8x128xf32, #tpu.memory_space<hbm>>
      %dma_wait3A_995 = tpu.memref_squeeze %dma_wait3A_994 : memref<1x1x1x8x128xf32, #tpu.memory_space<hbm>> -> memref<8x128xf32, #tpu.memory_space<hbm>>
      %dma_wait3A_996 = arith.constant 40 : i32
      %dma_wait3A_997 = arith.constant 0 : i32
      %dma_wait3A_998 = tpu.memref_slice %arg7[%dma_wait3A_977, %dma_wait3A_996, %dma_wait3A_997] : memref<2x64x128xf32, #tpu.memory_space<vmem>> -> memref<1x8x128xf32, #tpu.memory_space<vmem>>
      %dma_wait3A_999 = tpu.memref_squeeze %dma_wait3A_998 : memref<1x8x128xf32, #tpu.memory_space<vmem>> -> memref<8x128xf32, #tpu.memory_space<vmem>>
      tpu.wait_dma2 semaphore(%dma_wait3A_991 : memref<!tpu.dma_semaphore, #tpu.memory_space<semaphore_mem>>) src(%dma_wait3A_999 : memref<8x128xf32, #tpu.memory_space<vmem>>) dst(%dma_wait3A_995 : memref<8x128xf32, #tpu.memory_space<hbm>>)
      %dma_wait3A_1000 = arith.constant 0 : i32
      %dma_wait3A_1001 = arith.constant 0 : i32
      %dma_wait3A_1002 = arith.constant 0 : i32
      %dma_wait3A_1003 = arith.constant 0 : i32
      %dma_wait3A_1004 = arith.constant 0 : i32
      %dma_wait3A_1005 = arith.constant 48 : i32
      %dma_wait3A_1006 = arith.constant 0 : i32
      %dma_wait3A_1007 = tpu.memref_slice %arg7[%dma_wait3A_1000, %dma_wait3A_1005, %dma_wait3A_1006] : memref<2x64x128xf32, #tpu.memory_space<vmem>> -> memref<1x8x128xf32, #tpu.memory_space<vmem>>
      %dma_wait3A_1008 = tpu.memref_squeeze %dma_wait3A_1007 : memref<1x8x128xf32, #tpu.memory_space<vmem>> -> memref<8x128xf32, #tpu.memory_space<vmem>>
      %dma_wait3A_1009 = arith.constant 0 : i32
      %dma_wait3A_1010 = arith.constant 0 : i32
      %dma_wait3A_1011 = tpu.memref_slice %arg4[%dma_wait3A_1001, %dma_wait3A_1002, %dma_wait3A_1003, %dma_wait3A_1009, %dma_wait3A_1010] : memref<50x8x128x8x128xf32, #tpu.memory_space<hbm>> -> memref<1x1x1x8x128xf32, #tpu.memory_space<hbm>>
      %dma_wait3A_1012 = tpu.memref_squeeze %dma_wait3A_1011 : memref<1x1x1x8x128xf32, #tpu.memory_space<hbm>> -> memref<8x128xf32, #tpu.memory_space<hbm>>
      %dma_wait3A_1013 = tpu.memref_slice %arg9[%dma_wait3A_1004] : memref<2x!tpu.dma_semaphore, #tpu.memory_space<semaphore_mem>> -> memref<1x!tpu.dma_semaphore, #tpu.memory_space<semaphore_mem>>
      %dma_wait3A_1014 = tpu.memref_squeeze %dma_wait3A_1013 : memref<1x!tpu.dma_semaphore, #tpu.memory_space<semaphore_mem>> -> memref<!tpu.dma_semaphore, #tpu.memory_space<semaphore_mem>>
      %dma_wait3A_1015 = arith.constant 0 : i32
      %dma_wait3A_1016 = arith.constant 0 : i32
      %dma_wait3A_1017 = tpu.memref_slice %arg4[%dma_wait3A_1001, %dma_wait3A_1002, %dma_wait3A_1003, %dma_wait3A_1015, %dma_wait3A_1016] : memref<50x8x128x8x128xf32, #tpu.memory_space<hbm>> -> memref<1x1x1x8x128xf32, #tpu.memory_space<hbm>>
      %dma_wait3A_1018 = tpu.memref_squeeze %dma_wait3A_1017 : memref<1x1x1x8x128xf32, #tpu.memory_space<hbm>> -> memref<8x128xf32, #tpu.memory_space<hbm>>
      %dma_wait3A_1019 = arith.constant 48 : i32
      %dma_wait3A_1020 = arith.constant 0 : i32
      %dma_wait3A_1021 = tpu.memref_slice %arg7[%dma_wait3A_1000, %dma_wait3A_1019, %dma_wait3A_1020] : memref<2x64x128xf32, #tpu.memory_space<vmem>> -> memref<1x8x128xf32, #tpu.memory_space<vmem>>
      %dma_wait3A_1022 = tpu.memref_squeeze %dma_wait3A_1021 : memref<1x8x128xf32, #tpu.memory_space<vmem>> -> memref<8x128xf32, #tpu.memory_space<vmem>>
      tpu.wait_dma2 semaphore(%dma_wait3A_1014 : memref<!tpu.dma_semaphore, #tpu.memory_space<semaphore_mem>>) src(%dma_wait3A_1022 : memref<8x128xf32, #tpu.memory_space<vmem>>) dst(%dma_wait3A_1018 : memref<8x128xf32, #tpu.memory_space<hbm>>)
      %dma_wait3A_1023 = arith.constant 0 : i32
      %dma_wait3A_1024 = arith.constant 0 : i32
      %dma_wait3A_1025 = arith.constant 0 : i32
      %dma_wait3A_1026 = arith.constant 0 : i32
      %dma_wait3A_1027 = arith.constant 0 : i32
      %dma_wait3A_1028 = arith.constant 56 : i32
      %dma_wait3A_1029 = arith.constant 0 : i32
      %dma_wait3A_1030 = tpu.memref_slice %arg7[%dma_wait3A_1023, %dma_wait3A_1028, %dma_wait3A_1029] : memref<2x64x128xf32, #tpu.memory_space<vmem>> -> memref<1x8x128xf32, #tpu.memory_space<vmem>>
      %dma_wait3A_1031 = tpu.memref_squeeze %dma_wait3A_1030 : memref<1x8x128xf32, #tpu.memory_space<vmem>> -> memref<8x128xf32, #tpu.memory_space<vmem>>
      %dma_wait3A_1032 = arith.constant 0 : i32
      %dma_wait3A_1033 = arith.constant 0 : i32
      %dma_wait3A_1034 = tpu.memref_slice %arg4[%dma_wait3A_1024, %dma_wait3A_1025, %dma_wait3A_1026, %dma_wait3A_1032, %dma_wait3A_1033] : memref<50x8x128x8x128xf32, #tpu.memory_space<hbm>> -> memref<1x1x1x8x128xf32, #tpu.memory_space<hbm>>
      %dma_wait3A_1035 = tpu.memref_squeeze %dma_wait3A_1034 : memref<1x1x1x8x128xf32, #tpu.memory_space<hbm>> -> memref<8x128xf32, #tpu.memory_space<hbm>>
      %dma_wait3A_1036 = tpu.memref_slice %arg9[%dma_wait3A_1027] : memref<2x!tpu.dma_semaphore, #tpu.memory_space<semaphore_mem>> -> memref<1x!tpu.dma_semaphore, #tpu.memory_space<semaphore_mem>>
      %dma_wait3A_1037 = tpu.memref_squeeze %dma_wait3A_1036 : memref<1x!tpu.dma_semaphore, #tpu.memory_space<semaphore_mem>> -> memref<!tpu.dma_semaphore, #tpu.memory_space<semaphore_mem>>
      %dma_wait3A_1038 = arith.constant 0 : i32
      %dma_wait3A_1039 = arith.constant 0 : i32
      %dma_wait3A_1040 = tpu.memref_slice %arg4[%dma_wait3A_1024, %dma_wait3A_1025, %dma_wait3A_1026, %dma_wait3A_1038, %dma_wait3A_1039] : memref<50x8x128x8x128xf32, #tpu.memory_space<hbm>> -> memref<1x1x1x8x128xf32, #tpu.memory_space<hbm>>
      %dma_wait3A_1041 = tpu.memref_squeeze %dma_wait3A_1040 : memref<1x1x1x8x128xf32, #tpu.memory_space<hbm>> -> memref<8x128xf32, #tpu.memory_space<hbm>>
      %dma_wait3A_1042 = arith.constant 56 : i32
      %dma_wait3A_1043 = arith.constant 0 : i32
      %dma_wait3A_1044 = tpu.memref_slice %arg7[%dma_wait3A_1023, %dma_wait3A_1042, %dma_wait3A_1043] : memref<2x64x128xf32, #tpu.memory_space<vmem>> -> memref<1x8x128xf32, #tpu.memory_space<vmem>>
      %dma_wait3A_1045 = tpu.memref_squeeze %dma_wait3A_1044 : memref<1x8x128xf32, #tpu.memory_space<vmem>> -> memref<8x128xf32, #tpu.memory_space<vmem>>
      tpu.wait_dma2 semaphore(%dma_wait3A_1037 : memref<!tpu.dma_semaphore, #tpu.memory_space<semaphore_mem>>) src(%dma_wait3A_1045 : memref<8x128xf32, #tpu.memory_space<vmem>>) dst(%dma_wait3A_1041 : memref<8x128xf32, #tpu.memory_space<hbm>>)
      %dma_wait3A_1046 = arith.constant 0 : i32
      %dma_wait3A_1047 = arith.constant 0 : i32
      %dma_wait3A_1048 = arith.constant 2 : i32
      %dma_wait3A_1049 = arith.constant 2 : i32
      %dma_wait3A_1050 = arith.constant 0 : i32
      %dma_wait3A_1051 = arith.constant 0 : i32
      %dma_wait3A_1052 = tpu.memref_slice %arg6[%dma_wait3A_1048, %dma_wait3A_1050, %dma_wait3A_1051] : memref<4x128x128xf32, #tpu.memory_space<vmem>> -> memref<1x128x128xf32, #tpu.memory_space<vmem>>
      %dma_wait3A_1053 = tpu.memref_squeeze %dma_wait3A_1052 : memref<1x128x128xf32, #tpu.memory_space<vmem>> -> memref<128x128xf32, #tpu.memory_space<vmem>>
      %dma_wait3A_1054 = arith.constant 0 : i32
      %dma_wait3A_1055 = tpu.memref_slice %arg5[%dma_wait3A_1046, %dma_wait3A_1047, %dma_wait3A_1054] : memref<4x50x128xi32, #tpu.memory_space<vmem>> -> memref<1x1x128xi32, #tpu.memory_space<vmem>>
      %dma_wait3A_1056 = tpu.memref_squeeze %dma_wait3A_1055 : memref<1x1x128xi32, #tpu.memory_space<vmem>> -> memref<128xi32, #tpu.memory_space<vmem>>
      %dma_wait3A_1057 = arith.constant 0 : i32
      %dma_wait3A_1058 = arith.constant 0 : i32
      %dma_wait3A_1059 = tpu.memref_slice %arg3[%dma_wait3A_1057, %dma_wait3A_1058] : memref<1000000x128xf32, #tpu.memory_space<hbm>> -> memref<1000000x128xf32, #tpu.memory_space<hbm>>
      %dma_wait3A_1060 = tpu.memref_slice %arg8[%dma_wait3A_1049] : memref<4x!tpu.dma_semaphore, #tpu.memory_space<semaphore_mem>> -> memref<1x!tpu.dma_semaphore, #tpu.memory_space<semaphore_mem>>
      %dma_wait3A_1061 = tpu.memref_squeeze %dma_wait3A_1060 : memref<1x!tpu.dma_semaphore, #tpu.memory_space<semaphore_mem>> -> memref<!tpu.dma_semaphore, #tpu.memory_space<semaphore_mem>>
      tpu.wait_indirect_dma semaphore(%dma_wait3A_1061 : memref<!tpu.dma_semaphore, #tpu.memory_space<semaphore_mem>>) src(%dma_wait3A_1059 : memref<1000000x128xf32, #tpu.memory_space<hbm>>) dst(%dma_wait3A_1053 : memref<128x128xf32, #tpu.memory_space<vmem>>)
      %parallel_loop3A_1062 = arith.constant 0 : i32
      %parallel_loop3A_1063 = arith.constant 64 : i32
      %parallel_loop3A_1064 = arith.constant 1 : i32
      %parallel_loop3A_1065 = arith.constant 2 : i32
      scf.for %parallel_loop3A_1648 = %parallel_loop3A_1062 to %parallel_loop3A_1063 step %parallel_loop3A_1064  : i32 {
        %parallel_loop3A_1649 = arith.constant 0 : i32
        %parallel_loop3A_1650 = vector.broadcast %parallel_loop3A_1649 : i32 to vector<16xi32>
        %parallel_loop3A_1651 = vector.broadcast %parallel_loop3A_1648 : i32 to vector<16xi32>
        %parallel_loop3A_1652 = arith.addi %parallel_loop3A_1650, %parallel_loop3A_1651 : vector<16xi32>
        %parallel_loop3A_1653 = arith.constant 0 : i32
        %parallel_loop3A_1654 = vector.broadcast %parallel_loop3A_1653 : i32 to vector<16xi32>
        %parallel_loop3A_1655 = arith.addi %iota3A, %parallel_loop3A_1654 : vector<16xi32>
        %parallel_loop3A_1656 = arith.constant 0 : i32
        %parallel_loop3A_1657 = arith.constant 0 : i32
        %parallel_loop3A_1658 = tpu.memref_slice %arg6[%parallel_loop3A_1065, %parallel_loop3A_1656, %parallel_loop3A_1657] : memref<4x128x128xf32, #tpu.memory_space<vmem>> -> memref<1x128x128xf32, #tpu.memory_space<vmem>>
        %parallel_loop3A_1659 = tpu.memref_squeeze %parallel_loop3A_1658 : memref<1x128x128xf32, #tpu.memory_space<vmem>> -> memref<128x128xf32, #tpu.memory_space<vmem>>
        %parallel_loop3A_1660 = tpu.vector_load_idx %parallel_loop3A_1659[%parallel_loop3A_1655, %parallel_loop3A_1652] : memref<128x128xf32, #tpu.memory_space<vmem>>[vector<16xi32>, vector<16xi32>], vector<16xf32>,
        %parallel_loop3A_1661 = arith.constant 0 : i32
        %parallel_loop3A_1662 = arith.index_cast %parallel_loop3A_1661 : i32 to index
        %parallel_loop3A_1663 = arith.index_cast %parallel_loop3A_1648 : i32 to index
        %parallel_loop3A_1664 = arith.constant 0 : index
        %parallel_loop3A_1665 = tpu.vector_load %arg7[%parallel_loop3A_1662, %parallel_loop3A_1663, %parallel_loop3A_1664] {strides = array<i32>} : memref<2x64x128xf32, #tpu.memory_space<vmem>>, vector<16xf32>,
        tpu.vector_store %arg7[%parallel_loop3A_1662, %parallel_loop3A_1663, %parallel_loop3A_1664], %parallel_loop3A_1660 {strides = array<i32>} : memref<2x64x128xf32, #tpu.memory_space<vmem>>, vector<16xf32>,
        %parallel_loop3A_1666 = arith.constant 16 : i32
        %parallel_loop3A_1667 = vector.broadcast %parallel_loop3A_1666 : i32 to vector<16xi32>
        %parallel_loop3A_1668 = arith.addi %iota3A, %parallel_loop3A_1667 : vector<16xi32>
        %parallel_loop3A_1669 = arith.constant 0 : i32
        %parallel_loop3A_1670 = arith.constant 0 : i32
        %parallel_loop3A_1671 = tpu.memref_slice %arg6[%parallel_loop3A_1065, %parallel_loop3A_1669, %parallel_loop3A_1670] : memref<4x128x128xf32, #tpu.memory_space<vmem>> -> memref<1x128x128xf32, #tpu.memory_space<vmem>>
        %parallel_loop3A_1672 = tpu.memref_squeeze %parallel_loop3A_1671 : memref<1x128x128xf32, #tpu.memory_space<vmem>> -> memref<128x128xf32, #tpu.memory_space<vmem>>
        %parallel_loop3A_1673 = tpu.vector_load_idx %parallel_loop3A_1672[%parallel_loop3A_1668, %parallel_loop3A_1652] : memref<128x128xf32, #tpu.memory_space<vmem>>[vector<16xi32>, vector<16xi32>], vector<16xf32>,
        %parallel_loop3A_1674 = arith.constant 0 : i32
        %parallel_loop3A_1675 = arith.index_cast %parallel_loop3A_1674 : i32 to index
        %parallel_loop3A_1676 = arith.index_cast %parallel_loop3A_1648 : i32 to index
        %parallel_loop3A_1677 = arith.constant 16 : index
        %parallel_loop3A_1678 = tpu.vector_load %arg7[%parallel_loop3A_1675, %parallel_loop3A_1676, %parallel_loop3A_1677] {strides = array<i32>} : memref<2x64x128xf32, #tpu.memory_space<vmem>>, vector<16xf32>,
        tpu.vector_store %arg7[%parallel_loop3A_1675, %parallel_loop3A_1676, %parallel_loop3A_1677], %parallel_loop3A_1673 {strides = array<i32>} : memref<2x64x128xf32, #tpu.memory_space<vmem>>, vector<16xf32>,
        %parallel_loop3A_1679 = arith.constant 32 : i32
        %parallel_loop3A_1680 = vector.broadcast %parallel_loop3A_1679 : i32 to vector<16xi32>
        %parallel_loop3A_1681 = arith.addi %iota3A, %parallel_loop3A_1680 : vector<16xi32>
        %parallel_loop3A_1682 = arith.constant 0 : i32
        %parallel_loop3A_1683 = arith.constant 0 : i32
        %parallel_loop3A_1684 = tpu.memref_slice %arg6[%parallel_loop3A_1065, %parallel_loop3A_1682, %parallel_loop3A_1683] : memref<4x128x128xf32, #tpu.memory_space<vmem>> -> memref<1x128x128xf32, #tpu.memory_space<vmem>>
        %parallel_loop3A_1685 = tpu.memref_squeeze %parallel_loop3A_1684 : memref<1x128x128xf32, #tpu.memory_space<vmem>> -> memref<128x128xf32, #tpu.memory_space<vmem>>
        %parallel_loop3A_1686 = tpu.vector_load_idx %parallel_loop3A_1685[%parallel_loop3A_1681, %parallel_loop3A_1652] : memref<128x128xf32, #tpu.memory_space<vmem>>[vector<16xi32>, vector<16xi32>], vector<16xf32>,
        %parallel_loop3A_1687 = arith.constant 0 : i32
        %parallel_loop3A_1688 = arith.index_cast %parallel_loop3A_1687 : i32 to index
        %parallel_loop3A_1689 = arith.index_cast %parallel_loop3A_1648 : i32 to index
        %parallel_loop3A_1690 = arith.constant 32 : index
        %parallel_loop3A_1691 = tpu.vector_load %arg7[%parallel_loop3A_1688, %parallel_loop3A_1689, %parallel_loop3A_1690] {strides = array<i32>} : memref<2x64x128xf32, #tpu.memory_space<vmem>>, vector<16xf32>,
        tpu.vector_store %arg7[%parallel_loop3A_1688, %parallel_loop3A_1689, %parallel_loop3A_1690], %parallel_loop3A_1686 {strides = array<i32>} : memref<2x64x128xf32, #tpu.memory_space<vmem>>, vector<16xf32>,
        %parallel_loop3A_1692 = arith.constant 48 : i32
        %parallel_loop3A_1693 = vector.broadcast %parallel_loop3A_1692 : i32 to vector<16xi32>
        %parallel_loop3A_1694 = arith.addi %iota3A, %parallel_loop3A_1693 : vector<16xi32>
        %parallel_loop3A_1695 = arith.constant 0 : i32
        %parallel_loop3A_1696 = arith.constant 0 : i32
        %parallel_loop3A_1697 = tpu.memref_slice %arg6[%parallel_loop3A_1065, %parallel_loop3A_1695, %parallel_loop3A_1696] : memref<4x128x128xf32, #tpu.memory_space<vmem>> -> memref<1x128x128xf32, #tpu.memory_space<vmem>>
        %parallel_loop3A_1698 = tpu.memref_squeeze %parallel_loop3A_1697 : memref<1x128x128xf32, #tpu.memory_space<vmem>> -> memref<128x128xf32, #tpu.memory_space<vmem>>
        %parallel_loop3A_1699 = tpu.vector_load_idx %parallel_loop3A_1698[%parallel_loop3A_1694, %parallel_loop3A_1652] : memref<128x128xf32, #tpu.memory_space<vmem>>[vector<16xi32>, vector<16xi32>], vector<16xf32>,
        %parallel_loop3A_1700 = arith.constant 0 : i32
        %parallel_loop3A_1701 = arith.index_cast %parallel_loop3A_1700 : i32 to index
        %parallel_loop3A_1702 = arith.index_cast %parallel_loop3A_1648 : i32 to index
        %parallel_loop3A_1703 = arith.constant 48 : index
        %parallel_loop3A_1704 = tpu.vector_load %arg7[%parallel_loop3A_1701, %parallel_loop3A_1702, %parallel_loop3A_1703] {strides = array<i32>} : memref<2x64x128xf32, #tpu.memory_space<vmem>>, vector<16xf32>,
        tpu.vector_store %arg7[%parallel_loop3A_1701, %parallel_loop3A_1702, %parallel_loop3A_1703], %parallel_loop3A_1699 {strides = array<i32>} : memref<2x64x128xf32, #tpu.memory_space<vmem>>, vector<16xf32>,
        %parallel_loop3A_1705 = arith.constant 64 : i32
        %parallel_loop3A_1706 = vector.broadcast %parallel_loop3A_1705 : i32 to vector<16xi32>
        %parallel_loop3A_1707 = arith.addi %iota3A, %parallel_loop3A_1706 : vector<16xi32>
        %parallel_loop3A_1708 = arith.constant 0 : i32
        %parallel_loop3A_1709 = arith.constant 0 : i32
        %parallel_loop3A_1710 = tpu.memref_slice %arg6[%parallel_loop3A_1065, %parallel_loop3A_1708, %parallel_loop3A_1709] : memref<4x128x128xf32, #tpu.memory_space<vmem>> -> memref<1x128x128xf32, #tpu.memory_space<vmem>>
        %parallel_loop3A_1711 = tpu.memref_squeeze %parallel_loop3A_1710 : memref<1x128x128xf32, #tpu.memory_space<vmem>> -> memref<128x128xf32, #tpu.memory_space<vmem>>
        %parallel_loop3A_1712 = tpu.vector_load_idx %parallel_loop3A_1711[%parallel_loop3A_1707, %parallel_loop3A_1652] : memref<128x128xf32, #tpu.memory_space<vmem>>[vector<16xi32>, vector<16xi32>], vector<16xf32>,
        %parallel_loop3A_1713 = arith.constant 0 : i32
        %parallel_loop3A_1714 = arith.index_cast %parallel_loop3A_1713 : i32 to index
        %parallel_loop3A_1715 = arith.index_cast %parallel_loop3A_1648 : i32 to index
        %parallel_loop3A_1716 = arith.constant 64 : index
        %parallel_loop3A_1717 = tpu.vector_load %arg7[%parallel_loop3A_1714, %parallel_loop3A_1715, %parallel_loop3A_1716] {strides = array<i32>} : memref<2x64x128xf32, #tpu.memory_space<vmem>>, vector<16xf32>,
        tpu.vector_store %arg7[%parallel_loop3A_1714, %parallel_loop3A_1715, %parallel_loop3A_1716], %parallel_loop3A_1712 {strides = array<i32>} : memref<2x64x128xf32, #tpu.memory_space<vmem>>, vector<16xf32>,
        %parallel_loop3A_1718 = arith.constant 80 : i32
        %parallel_loop3A_1719 = vector.broadcast %parallel_loop3A_1718 : i32 to vector<16xi32>
        %parallel_loop3A_1720 = arith.addi %iota3A, %parallel_loop3A_1719 : vector<16xi32>
        %parallel_loop3A_1721 = arith.constant 0 : i32
        %parallel_loop3A_1722 = arith.constant 0 : i32
        %parallel_loop3A_1723 = tpu.memref_slice %arg6[%parallel_loop3A_1065, %parallel_loop3A_1721, %parallel_loop3A_1722] : memref<4x128x128xf32, #tpu.memory_space<vmem>> -> memref<1x128x128xf32, #tpu.memory_space<vmem>>
        %parallel_loop3A_1724 = tpu.memref_squeeze %parallel_loop3A_1723 : memref<1x128x128xf32, #tpu.memory_space<vmem>> -> memref<128x128xf32, #tpu.memory_space<vmem>>
        %parallel_loop3A_1725 = tpu.vector_load_idx %parallel_loop3A_1724[%parallel_loop3A_1720, %parallel_loop3A_1652] : memref<128x128xf32, #tpu.memory_space<vmem>>[vector<16xi32>, vector<16xi32>], vector<16xf32>,
        %parallel_loop3A_1726 = arith.constant 0 : i32
        %parallel_loop3A_1727 = arith.index_cast %parallel_loop3A_1726 : i32 to index
        %parallel_loop3A_1728 = arith.index_cast %parallel_loop3A_1648 : i32 to index
        %parallel_loop3A_1729 = arith.constant 80 : index
        %parallel_loop3A_1730 = tpu.vector_load %arg7[%parallel_loop3A_1727, %parallel_loop3A_1728, %parallel_loop3A_1729] {strides = array<i32>} : memref<2x64x128xf32, #tpu.memory_space<vmem>>, vector<16xf32>,
        tpu.vector_store %arg7[%parallel_loop3A_1727, %parallel_loop3A_1728, %parallel_loop3A_1729], %parallel_loop3A_1725 {strides = array<i32>} : memref<2x64x128xf32, #tpu.memory_space<vmem>>, vector<16xf32>,
        %parallel_loop3A_1731 = arith.constant 96 : i32
        %parallel_loop3A_1732 = vector.broadcast %parallel_loop3A_1731 : i32 to vector<16xi32>
        %parallel_loop3A_1733 = arith.addi %iota3A, %parallel_loop3A_1732 : vector<16xi32>
        %parallel_loop3A_1734 = arith.constant 0 : i32
        %parallel_loop3A_1735 = arith.constant 0 : i32
        %parallel_loop3A_1736 = tpu.memref_slice %arg6[%parallel_loop3A_1065, %parallel_loop3A_1734, %parallel_loop3A_1735] : memref<4x128x128xf32, #tpu.memory_space<vmem>> -> memref<1x128x128xf32, #tpu.memory_space<vmem>>
        %parallel_loop3A_1737 = tpu.memref_squeeze %parallel_loop3A_1736 : memref<1x128x128xf32, #tpu.memory_space<vmem>> -> memref<128x128xf32, #tpu.memory_space<vmem>>
        %parallel_loop3A_1738 = tpu.vector_load_idx %parallel_loop3A_1737[%parallel_loop3A_1733, %parallel_loop3A_1652] : memref<128x128xf32, #tpu.memory_space<vmem>>[vector<16xi32>, vector<16xi32>], vector<16xf32>,
        %parallel_loop3A_1739 = arith.constant 0 : i32
        %parallel_loop3A_1740 = arith.index_cast %parallel_loop3A_1739 : i32 to index
        %parallel_loop3A_1741 = arith.index_cast %parallel_loop3A_1648 : i32 to index
        %parallel_loop3A_1742 = arith.constant 96 : index
        %parallel_loop3A_1743 = tpu.vector_load %arg7[%parallel_loop3A_1740, %parallel_loop3A_1741, %parallel_loop3A_1742] {strides = array<i32>} : memref<2x64x128xf32, #tpu.memory_space<vmem>>, vector<16xf32>,
        tpu.vector_store %arg7[%parallel_loop3A_1740, %parallel_loop3A_1741, %parallel_loop3A_1742], %parallel_loop3A_1738 {strides = array<i32>} : memref<2x64x128xf32, #tpu.memory_space<vmem>>, vector<16xf32>,
        %parallel_loop3A_1744 = arith.constant 112 : i32
        %parallel_loop3A_1745 = vector.broadcast %parallel_loop3A_1744 : i32 to vector<16xi32>
        %parallel_loop3A_1746 = arith.addi %iota3A, %parallel_loop3A_1745 : vector<16xi32>
        %parallel_loop3A_1747 = arith.constant 0 : i32
        %parallel_loop3A_1748 = arith.constant 0 : i32
        %parallel_loop3A_1749 = tpu.memref_slice %arg6[%parallel_loop3A_1065, %parallel_loop3A_1747, %parallel_loop3A_1748] : memref<4x128x128xf32, #tpu.memory_space<vmem>> -> memref<1x128x128xf32, #tpu.memory_space<vmem>>
        %parallel_loop3A_1750 = tpu.memref_squeeze %parallel_loop3A_1749 : memref<1x128x128xf32, #tpu.memory_space<vmem>> -> memref<128x128xf32, #tpu.memory_space<vmem>>
        %parallel_loop3A_1751 = tpu.vector_load_idx %parallel_loop3A_1750[%parallel_loop3A_1746, %parallel_loop3A_1652] : memref<128x128xf32, #tpu.memory_space<vmem>>[vector<16xi32>, vector<16xi32>], vector<16xf32>,
        %parallel_loop3A_1752 = arith.constant 0 : i32
        %parallel_loop3A_1753 = arith.index_cast %parallel_loop3A_1752 : i32 to index
        %parallel_loop3A_1754 = arith.index_cast %parallel_loop3A_1648 : i32 to index
        %parallel_loop3A_1755 = arith.constant 112 : index
        %parallel_loop3A_1756 = tpu.vector_load %arg7[%parallel_loop3A_1753, %parallel_loop3A_1754, %parallel_loop3A_1755] {strides = array<i32>} : memref<2x64x128xf32, #tpu.memory_space<vmem>>, vector<16xf32>,
        tpu.vector_store %arg7[%parallel_loop3A_1753, %parallel_loop3A_1754, %parallel_loop3A_1755], %parallel_loop3A_1751 {strides = array<i32>} : memref<2x64x128xf32, #tpu.memory_space<vmem>>, vector<16xf32>,
      } {sc.loop_unroll_factor = 8 : i64, sc.parallel_access}
      %add3A_1066 = arith.constant 2 : i32
      %add3A_1067 = arith.addi %mul3A_2, %add3A_1066 : i32
      %dma_start3A_1068 = arith.constant 0 : i32
      %dma_start3A_1069 = arith.constant 0 : i32
      %dma_start3A_1070 = arith.constant 0 : i32
      %dma_start3A_1071 = arith.constant 0 : i32
      %dma_start3A_1072 = arith.constant 0 : i32
      %dma_start3A_1073 = tpu.memref_slice %arg7[%dma_start3A_1068, %dma_start3A_1071, %dma_start3A_1072] : memref<2x64x128xf32, #tpu.memory_space<vmem>> -> memref<1x8x128xf32, #tpu.memory_space<vmem>>
      %dma_start3A_1074 = tpu.memref_squeeze %dma_start3A_1073 : memref<1x8x128xf32, #tpu.memory_space<vmem>> -> memref<8x128xf32, #tpu.memory_space<vmem>>
      %dma_start3A_1075 = arith.constant 0 : i32
      %dma_start3A_1076 = arith.constant 0 : i32
      %dma_start3A_1077 = tpu.memref_slice %arg4[%scan3A_438, %dma_start3A_1069, %add3A_1067, %dma_start3A_1075, %dma_start3A_1076] : memref<50x8x128x8x128xf32, #tpu.memory_space<hbm>> -> memref<1x1x1x8x128xf32, #tpu.memory_space<hbm>>
      %dma_start3A_1078 = tpu.memref_squeeze %dma_start3A_1077 : memref<1x1x1x8x128xf32, #tpu.memory_space<hbm>> -> memref<8x128xf32, #tpu.memory_space<hbm>>
      %dma_start3A_1079 = tpu.memref_slice %arg9[%dma_start3A_1070] : memref<2x!tpu.dma_semaphore, #tpu.memory_space<semaphore_mem>> -> memref<1x!tpu.dma_semaphore, #tpu.memory_space<semaphore_mem>>
      %dma_start3A_1080 = tpu.memref_squeeze %dma_start3A_1079 : memref<1x!tpu.dma_semaphore, #tpu.memory_space<semaphore_mem>> -> memref<!tpu.dma_semaphore, #tpu.memory_space<semaphore_mem>>
      %dma_start3A_1081 = arith.constant 0 : i32
      %dma_start3A_1082 = arith.constant 0 : i32
      %dma_start3A_1083 = tpu.memref_slice %arg4[%scan3A_438, %dma_start3A_1069, %add3A_1067, %dma_start3A_1081, %dma_start3A_1082] : memref<50x8x128x8x128xf32, #tpu.memory_space<hbm>> -> memref<1x1x1x8x128xf32, #tpu.memory_space<hbm>>
      %dma_start3A_1084 = tpu.memref_squeeze %dma_start3A_1083 : memref<1x1x1x8x128xf32, #tpu.memory_space<hbm>> -> memref<8x128xf32, #tpu.memory_space<hbm>>
      %dma_start3A_1085 = arith.constant 0 : i32
      %dma_start3A_1086 = arith.constant 0 : i32
      %dma_start3A_1087 = tpu.memref_slice %arg7[%dma_start3A_1068, %dma_start3A_1085, %dma_start3A_1086] : memref<2x64x128xf32, #tpu.memory_space<vmem>> -> memref<1x8x128xf32, #tpu.memory_space<vmem>>
      %dma_start3A_1088 = tpu.memref_squeeze %dma_start3A_1087 : memref<1x8x128xf32, #tpu.memory_space<vmem>> -> memref<8x128xf32, #tpu.memory_space<vmem>>
      tpu.enqueue_dma source(%dma_start3A_1088 : memref<8x128xf32, #tpu.memory_space<vmem>>) target(%dma_start3A_1084 : memref<8x128xf32, #tpu.memory_space<hbm>>) target_semaphore(%dma_start3A_1080 : memref<!tpu.dma_semaphore, #tpu.memory_space<semaphore_mem>>)
      %add3A_1089 = arith.constant 2 : i32
      %add3A_1090 = arith.addi %mul3A_2, %add3A_1089 : i32
      %dma_start3A_1091 = arith.constant 0 : i32
      %dma_start3A_1092 = arith.constant 1 : i32
      %dma_start3A_1093 = arith.constant 0 : i32
      %dma_start3A_1094 = arith.constant 8 : i32
      %dma_start3A_1095 = arith.constant 0 : i32
      %dma_start3A_1096 = tpu.memref_slice %arg7[%dma_start3A_1091, %dma_start3A_1094, %dma_start3A_1095] : memref<2x64x128xf32, #tpu.memory_space<vmem>> -> memref<1x8x128xf32, #tpu.memory_space<vmem>>
      %dma_start3A_1097 = tpu.memref_squeeze %dma_start3A_1096 : memref<1x8x128xf32, #tpu.memory_space<vmem>> -> memref<8x128xf32, #tpu.memory_space<vmem>>
      %dma_start3A_1098 = arith.constant 0 : i32
      %dma_start3A_1099 = arith.constant 0 : i32
      %dma_start3A_1100 = tpu.memref_slice %arg4[%scan3A_438, %dma_start3A_1092, %add3A_1090, %dma_start3A_1098, %dma_start3A_1099] : memref<50x8x128x8x128xf32, #tpu.memory_space<hbm>> -> memref<1x1x1x8x128xf32, #tpu.memory_space<hbm>>
      %dma_start3A_1101 = tpu.memref_squeeze %dma_start3A_1100 : memref<1x1x1x8x128xf32, #tpu.memory_space<hbm>> -> memref<8x128xf32, #tpu.memory_space<hbm>>
      %dma_start3A_1102 = tpu.memref_slice %arg9[%dma_start3A_1093] : memref<2x!tpu.dma_semaphore, #tpu.memory_space<semaphore_mem>> -> memref<1x!tpu.dma_semaphore, #tpu.memory_space<semaphore_mem>>
      %dma_start3A_1103 = tpu.memref_squeeze %dma_start3A_1102 : memref<1x!tpu.dma_semaphore, #tpu.memory_space<semaphore_mem>> -> memref<!tpu.dma_semaphore, #tpu.memory_space<semaphore_mem>>
      %dma_start3A_1104 = arith.constant 0 : i32
      %dma_start3A_1105 = arith.constant 0 : i32
      %dma_start3A_1106 = tpu.memref_slice %arg4[%scan3A_438, %dma_start3A_1092, %add3A_1090, %dma_start3A_1104, %dma_start3A_1105] : memref<50x8x128x8x128xf32, #tpu.memory_space<hbm>> -> memref<1x1x1x8x128xf32, #tpu.memory_space<hbm>>
      %dma_start3A_1107 = tpu.memref_squeeze %dma_start3A_1106 : memref<1x1x1x8x128xf32, #tpu.memory_space<hbm>> -> memref<8x128xf32, #tpu.memory_space<hbm>>
      %dma_start3A_1108 = arith.constant 8 : i32
      %dma_start3A_1109 = arith.constant 0 : i32
      %dma_start3A_1110 = tpu.memref_slice %arg7[%dma_start3A_1091, %dma_start3A_1108, %dma_start3A_1109] : memref<2x64x128xf32, #tpu.memory_space<vmem>> -> memref<1x8x128xf32, #tpu.memory_space<vmem>>
      %dma_start3A_1111 = tpu.memref_squeeze %dma_start3A_1110 : memref<1x8x128xf32, #tpu.memory_space<vmem>> -> memref<8x128xf32, #tpu.memory_space<vmem>>
      tpu.enqueue_dma source(%dma_start3A_1111 : memref<8x128xf32, #tpu.memory_space<vmem>>) target(%dma_start3A_1107 : memref<8x128xf32, #tpu.memory_space<hbm>>) target_semaphore(%dma_start3A_1103 : memref<!tpu.dma_semaphore, #tpu.memory_space<semaphore_mem>>)
      %add3A_1112 = arith.constant 2 : i32
      %add3A_1113 = arith.addi %mul3A_2, %add3A_1112 : i32
      %dma_start3A_1114 = arith.constant 0 : i32
      %dma_start3A_1115 = arith.constant 2 : i32
      %dma_start3A_1116 = arith.constant 0 : i32
      %dma_start3A_1117 = arith.constant 16 : i32
      %dma_start3A_1118 = arith.constant 0 : i32
      %dma_start3A_1119 = tpu.memref_slice %arg7[%dma_start3A_1114, %dma_start3A_1117, %dma_start3A_1118] : memref<2x64x128xf32, #tpu.memory_space<vmem>> -> memref<1x8x128xf32, #tpu.memory_space<vmem>>
      %dma_start3A_1120 = tpu.memref_squeeze %dma_start3A_1119 : memref<1x8x128xf32, #tpu.memory_space<vmem>> -> memref<8x128xf32, #tpu.memory_space<vmem>>
      %dma_start3A_1121 = arith.constant 0 : i32
      %dma_start3A_1122 = arith.constant 0 : i32
      %dma_start3A_1123 = tpu.memref_slice %arg4[%scan3A_438, %dma_start3A_1115, %add3A_1113, %dma_start3A_1121, %dma_start3A_1122] : memref<50x8x128x8x128xf32, #tpu.memory_space<hbm>> -> memref<1x1x1x8x128xf32, #tpu.memory_space<hbm>>
      %dma_start3A_1124 = tpu.memref_squeeze %dma_start3A_1123 : memref<1x1x1x8x128xf32, #tpu.memory_space<hbm>> -> memref<8x128xf32, #tpu.memory_space<hbm>>
      %dma_start3A_1125 = tpu.memref_slice %arg9[%dma_start3A_1116] : memref<2x!tpu.dma_semaphore, #tpu.memory_space<semaphore_mem>> -> memref<1x!tpu.dma_semaphore, #tpu.memory_space<semaphore_mem>>
      %dma_start3A_1126 = tpu.memref_squeeze %dma_start3A_1125 : memref<1x!tpu.dma_semaphore, #tpu.memory_space<semaphore_mem>> -> memref<!tpu.dma_semaphore, #tpu.memory_space<semaphore_mem>>
      %dma_start3A_1127 = arith.constant 0 : i32
      %dma_start3A_1128 = arith.constant 0 : i32
      %dma_start3A_1129 = tpu.memref_slice %arg4[%scan3A_438, %dma_start3A_1115, %add3A_1113, %dma_start3A_1127, %dma_start3A_1128] : memref<50x8x128x8x128xf32, #tpu.memory_space<hbm>> -> memref<1x1x1x8x128xf32, #tpu.memory_space<hbm>>
      %dma_start3A_1130 = tpu.memref_squeeze %dma_start3A_1129 : memref<1x1x1x8x128xf32, #tpu.memory_space<hbm>> -> memref<8x128xf32, #tpu.memory_space<hbm>>
      %dma_start3A_1131 = arith.constant 16 : i32
      %dma_start3A_1132 = arith.constant 0 : i32
      %dma_start3A_1133 = tpu.memref_slice %arg7[%dma_start3A_1114, %dma_start3A_1131, %dma_start3A_1132] : memref<2x64x128xf32, #tpu.memory_space<vmem>> -> memref<1x8x128xf32, #tpu.memory_space<vmem>>
      %dma_start3A_1134 = tpu.memref_squeeze %dma_start3A_1133 : memref<1x8x128xf32, #tpu.memory_space<vmem>> -> memref<8x128xf32, #tpu.memory_space<vmem>>
      tpu.enqueue_dma source(%dma_start3A_1134 : memref<8x128xf32, #tpu.memory_space<vmem>>) target(%dma_start3A_1130 : memref<8x128xf32, #tpu.memory_space<hbm>>) target_semaphore(%dma_start3A_1126 : memref<!tpu.dma_semaphore, #tpu.memory_space<semaphore_mem>>)
      %add3A_1135 = arith.constant 2 : i32
      %add3A_1136 = arith.addi %mul3A_2, %add3A_1135 : i32
      %dma_start3A_1137 = arith.constant 0 : i32
      %dma_start3A_1138 = arith.constant 3 : i32
      %dma_start3A_1139 = arith.constant 0 : i32
      %dma_start3A_1140 = arith.constant 24 : i32
      %dma_start3A_1141 = arith.constant 0 : i32
      %dma_start3A_1142 = tpu.memref_slice %arg7[%dma_start3A_1137, %dma_start3A_1140, %dma_start3A_1141] : memref<2x64x128xf32, #tpu.memory_space<vmem>> -> memref<1x8x128xf32, #tpu.memory_space<vmem>>
      %dma_start3A_1143 = tpu.memref_squeeze %dma_start3A_1142 : memref<1x8x128xf32, #tpu.memory_space<vmem>> -> memref<8x128xf32, #tpu.memory_space<vmem>>
      %dma_start3A_1144 = arith.constant 0 : i32
      %dma_start3A_1145 = arith.constant 0 : i32
      %dma_start3A_1146 = tpu.memref_slice %arg4[%scan3A_438, %dma_start3A_1138, %add3A_1136, %dma_start3A_1144, %dma_start3A_1145] : memref<50x8x128x8x128xf32, #tpu.memory_space<hbm>> -> memref<1x1x1x8x128xf32, #tpu.memory_space<hbm>>
      %dma_start3A_1147 = tpu.memref_squeeze %dma_start3A_1146 : memref<1x1x1x8x128xf32, #tpu.memory_space<hbm>> -> memref<8x128xf32, #tpu.memory_space<hbm>>
      %dma_start3A_1148 = tpu.memref_slice %arg9[%dma_start3A_1139] : memref<2x!tpu.dma_semaphore, #tpu.memory_space<semaphore_mem>> -> memref<1x!tpu.dma_semaphore, #tpu.memory_space<semaphore_mem>>
      %dma_start3A_1149 = tpu.memref_squeeze %dma_start3A_1148 : memref<1x!tpu.dma_semaphore, #tpu.memory_space<semaphore_mem>> -> memref<!tpu.dma_semaphore, #tpu.memory_space<semaphore_mem>>
      %dma_start3A_1150 = arith.constant 0 : i32
      %dma_start3A_1151 = arith.constant 0 : i32
      %dma_start3A_1152 = tpu.memref_slice %arg4[%scan3A_438, %dma_start3A_1138, %add3A_1136, %dma_start3A_1150, %dma_start3A_1151] : memref<50x8x128x8x128xf32, #tpu.memory_space<hbm>> -> memref<1x1x1x8x128xf32, #tpu.memory_space<hbm>>
      %dma_start3A_1153 = tpu.memref_squeeze %dma_start3A_1152 : memref<1x1x1x8x128xf32, #tpu.memory_space<hbm>> -> memref<8x128xf32, #tpu.memory_space<hbm>>
      %dma_start3A_1154 = arith.constant 24 : i32
      %dma_start3A_1155 = arith.constant 0 : i32
      %dma_start3A_1156 = tpu.memref_slice %arg7[%dma_start3A_1137, %dma_start3A_1154, %dma_start3A_1155] : memref<2x64x128xf32, #tpu.memory_space<vmem>> -> memref<1x8x128xf32, #tpu.memory_space<vmem>>
      %dma_start3A_1157 = tpu.memref_squeeze %dma_start3A_1156 : memref<1x8x128xf32, #tpu.memory_space<vmem>> -> memref<8x128xf32, #tpu.memory_space<vmem>>
      tpu.enqueue_dma source(%dma_start3A_1157 : memref<8x128xf32, #tpu.memory_space<vmem>>) target(%dma_start3A_1153 : memref<8x128xf32, #tpu.memory_space<hbm>>) target_semaphore(%dma_start3A_1149 : memref<!tpu.dma_semaphore, #tpu.memory_space<semaphore_mem>>)
      %add3A_1158 = arith.constant 2 : i32
      %add3A_1159 = arith.addi %mul3A_2, %add3A_1158 : i32
      %dma_start3A_1160 = arith.constant 0 : i32
      %dma_start3A_1161 = arith.constant 4 : i32
      %dma_start3A_1162 = arith.constant 0 : i32
      %dma_start3A_1163 = arith.constant 32 : i32
      %dma_start3A_1164 = arith.constant 0 : i32
      %dma_start3A_1165 = tpu.memref_slice %arg7[%dma_start3A_1160, %dma_start3A_1163, %dma_start3A_1164] : memref<2x64x128xf32, #tpu.memory_space<vmem>> -> memref<1x8x128xf32, #tpu.memory_space<vmem>>
      %dma_start3A_1166 = tpu.memref_squeeze %dma_start3A_1165 : memref<1x8x128xf32, #tpu.memory_space<vmem>> -> memref<8x128xf32, #tpu.memory_space<vmem>>
      %dma_start3A_1167 = arith.constant 0 : i32
      %dma_start3A_1168 = arith.constant 0 : i32
      %dma_start3A_1169 = tpu.memref_slice %arg4[%scan3A_438, %dma_start3A_1161, %add3A_1159, %dma_start3A_1167, %dma_start3A_1168] : memref<50x8x128x8x128xf32, #tpu.memory_space<hbm>> -> memref<1x1x1x8x128xf32, #tpu.memory_space<hbm>>
      %dma_start3A_1170 = tpu.memref_squeeze %dma_start3A_1169 : memref<1x1x1x8x128xf32, #tpu.memory_space<hbm>> -> memref<8x128xf32, #tpu.memory_space<hbm>>
      %dma_start3A_1171 = tpu.memref_slice %arg9[%dma_start3A_1162] : memref<2x!tpu.dma_semaphore, #tpu.memory_space<semaphore_mem>> -> memref<1x!tpu.dma_semaphore, #tpu.memory_space<semaphore_mem>>
      %dma_start3A_1172 = tpu.memref_squeeze %dma_start3A_1171 : memref<1x!tpu.dma_semaphore, #tpu.memory_space<semaphore_mem>> -> memref<!tpu.dma_semaphore, #tpu.memory_space<semaphore_mem>>
      %dma_start3A_1173 = arith.constant 0 : i32
      %dma_start3A_1174 = arith.constant 0 : i32
      %dma_start3A_1175 = tpu.memref_slice %arg4[%scan3A_438, %dma_start3A_1161, %add3A_1159, %dma_start3A_1173, %dma_start3A_1174] : memref<50x8x128x8x128xf32, #tpu.memory_space<hbm>> -> memref<1x1x1x8x128xf32, #tpu.memory_space<hbm>>
      %dma_start3A_1176 = tpu.memref_squeeze %dma_start3A_1175 : memref<1x1x1x8x128xf32, #tpu.memory_space<hbm>> -> memref<8x128xf32, #tpu.memory_space<hbm>>
      %dma_start3A_1177 = arith.constant 32 : i32
      %dma_start3A_1178 = arith.constant 0 : i32
      %dma_start3A_1179 = tpu.memref_slice %arg7[%dma_start3A_1160, %dma_start3A_1177, %dma_start3A_1178] : memref<2x64x128xf32, #tpu.memory_space<vmem>> -> memref<1x8x128xf32, #tpu.memory_space<vmem>>
      %dma_start3A_1180 = tpu.memref_squeeze %dma_start3A_1179 : memref<1x8x128xf32, #tpu.memory_space<vmem>> -> memref<8x128xf32, #tpu.memory_space<vmem>>
      tpu.enqueue_dma source(%dma_start3A_1180 : memref<8x128xf32, #tpu.memory_space<vmem>>) target(%dma_start3A_1176 : memref<8x128xf32, #tpu.memory_space<hbm>>) target_semaphore(%dma_start3A_1172 : memref<!tpu.dma_semaphore, #tpu.memory_space<semaphore_mem>>)
      %add3A_1181 = arith.constant 2 : i32
      %add3A_1182 = arith.addi %mul3A_2, %add3A_1181 : i32
      %dma_start3A_1183 = arith.constant 0 : i32
      %dma_start3A_1184 = arith.constant 5 : i32
      %dma_start3A_1185 = arith.constant 0 : i32
      %dma_start3A_1186 = arith.constant 40 : i32
      %dma_start3A_1187 = arith.constant 0 : i32
      %dma_start3A_1188 = tpu.memref_slice %arg7[%dma_start3A_1183, %dma_start3A_1186, %dma_start3A_1187] : memref<2x64x128xf32, #tpu.memory_space<vmem>> -> memref<1x8x128xf32, #tpu.memory_space<vmem>>
      %dma_start3A_1189 = tpu.memref_squeeze %dma_start3A_1188 : memref<1x8x128xf32, #tpu.memory_space<vmem>> -> memref<8x128xf32, #tpu.memory_space<vmem>>
      %dma_start3A_1190 = arith.constant 0 : i32
      %dma_start3A_1191 = arith.constant 0 : i32
      %dma_start3A_1192 = tpu.memref_slice %arg4[%scan3A_438, %dma_start3A_1184, %add3A_1182, %dma_start3A_1190, %dma_start3A_1191] : memref<50x8x128x8x128xf32, #tpu.memory_space<hbm>> -> memref<1x1x1x8x128xf32, #tpu.memory_space<hbm>>
      %dma_start3A_1193 = tpu.memref_squeeze %dma_start3A_1192 : memref<1x1x1x8x128xf32, #tpu.memory_space<hbm>> -> memref<8x128xf32, #tpu.memory_space<hbm>>
      %dma_start3A_1194 = tpu.memref_slice %arg9[%dma_start3A_1185] : memref<2x!tpu.dma_semaphore, #tpu.memory_space<semaphore_mem>> -> memref<1x!tpu.dma_semaphore, #tpu.memory_space<semaphore_mem>>
      %dma_start3A_1195 = tpu.memref_squeeze %dma_start3A_1194 : memref<1x!tpu.dma_semaphore, #tpu.memory_space<semaphore_mem>> -> memref<!tpu.dma_semaphore, #tpu.memory_space<semaphore_mem>>
      %dma_start3A_1196 = arith.constant 0 : i32
      %dma_start3A_1197 = arith.constant 0 : i32
      %dma_start3A_1198 = tpu.memref_slice %arg4[%scan3A_438, %dma_start3A_1184, %add3A_1182, %dma_start3A_1196, %dma_start3A_1197] : memref<50x8x128x8x128xf32, #tpu.memory_space<hbm>> -> memref<1x1x1x8x128xf32, #tpu.memory_space<hbm>>
      %dma_start3A_1199 = tpu.memref_squeeze %dma_start3A_1198 : memref<1x1x1x8x128xf32, #tpu.memory_space<hbm>> -> memref<8x128xf32, #tpu.memory_space<hbm>>
      %dma_start3A_1200 = arith.constant 40 : i32
      %dma_start3A_1201 = arith.constant 0 : i32
      %dma_start3A_1202 = tpu.memref_slice %arg7[%dma_start3A_1183, %dma_start3A_1200, %dma_start3A_1201] : memref<2x64x128xf32, #tpu.memory_space<vmem>> -> memref<1x8x128xf32, #tpu.memory_space<vmem>>
      %dma_start3A_1203 = tpu.memref_squeeze %dma_start3A_1202 : memref<1x8x128xf32, #tpu.memory_space<vmem>> -> memref<8x128xf32, #tpu.memory_space<vmem>>
      tpu.enqueue_dma source(%dma_start3A_1203 : memref<8x128xf32, #tpu.memory_space<vmem>>) target(%dma_start3A_1199 : memref<8x128xf32, #tpu.memory_space<hbm>>) target_semaphore(%dma_start3A_1195 : memref<!tpu.dma_semaphore, #tpu.memory_space<semaphore_mem>>)
      %add3A_1204 = arith.constant 2 : i32
      %add3A_1205 = arith.addi %mul3A_2, %add3A_1204 : i32
      %dma_start3A_1206 = arith.constant 0 : i32
      %dma_start3A_1207 = arith.constant 6 : i32
      %dma_start3A_1208 = arith.constant 0 : i32
      %dma_start3A_1209 = arith.constant 48 : i32
      %dma_start3A_1210 = arith.constant 0 : i32
      %dma_start3A_1211 = tpu.memref_slice %arg7[%dma_start3A_1206, %dma_start3A_1209, %dma_start3A_1210] : memref<2x64x128xf32, #tpu.memory_space<vmem>> -> memref<1x8x128xf32, #tpu.memory_space<vmem>>
      %dma_start3A_1212 = tpu.memref_squeeze %dma_start3A_1211 : memref<1x8x128xf32, #tpu.memory_space<vmem>> -> memref<8x128xf32, #tpu.memory_space<vmem>>
      %dma_start3A_1213 = arith.constant 0 : i32
      %dma_start3A_1214 = arith.constant 0 : i32
      %dma_start3A_1215 = tpu.memref_slice %arg4[%scan3A_438, %dma_start3A_1207, %add3A_1205, %dma_start3A_1213, %dma_start3A_1214] : memref<50x8x128x8x128xf32, #tpu.memory_space<hbm>> -> memref<1x1x1x8x128xf32, #tpu.memory_space<hbm>>
      %dma_start3A_1216 = tpu.memref_squeeze %dma_start3A_1215 : memref<1x1x1x8x128xf32, #tpu.memory_space<hbm>> -> memref<8x128xf32, #tpu.memory_space<hbm>>
      %dma_start3A_1217 = tpu.memref_slice %arg9[%dma_start3A_1208] : memref<2x!tpu.dma_semaphore, #tpu.memory_space<semaphore_mem>> -> memref<1x!tpu.dma_semaphore, #tpu.memory_space<semaphore_mem>>
      %dma_start3A_1218 = tpu.memref_squeeze %dma_start3A_1217 : memref<1x!tpu.dma_semaphore, #tpu.memory_space<semaphore_mem>> -> memref<!tpu.dma_semaphore, #tpu.memory_space<semaphore_mem>>
      %dma_start3A_1219 = arith.constant 0 : i32
      %dma_start3A_1220 = arith.constant 0 : i32
      %dma_start3A_1221 = tpu.memref_slice %arg4[%scan3A_438, %dma_start3A_1207, %add3A_1205, %dma_start3A_1219, %dma_start3A_1220] : memref<50x8x128x8x128xf32, #tpu.memory_space<hbm>> -> memref<1x1x1x8x128xf32, #tpu.memory_space<hbm>>
      %dma_start3A_1222 = tpu.memref_squeeze %dma_start3A_1221 : memref<1x1x1x8x128xf32, #tpu.memory_space<hbm>> -> memref<8x128xf32, #tpu.memory_space<hbm>>
      %dma_start3A_1223 = arith.constant 48 : i32
      %dma_start3A_1224 = arith.constant 0 : i32
      %dma_start3A_1225 = tpu.memref_slice %arg7[%dma_start3A_1206, %dma_start3A_1223, %dma_start3A_1224] : memref<2x64x128xf32, #tpu.memory_space<vmem>> -> memref<1x8x128xf32, #tpu.memory_space<vmem>>
      %dma_start3A_1226 = tpu.memref_squeeze %dma_start3A_1225 : memref<1x8x128xf32, #tpu.memory_space<vmem>> -> memref<8x128xf32, #tpu.memory_space<vmem>>
      tpu.enqueue_dma source(%dma_start3A_1226 : memref<8x128xf32, #tpu.memory_space<vmem>>) target(%dma_start3A_1222 : memref<8x128xf32, #tpu.memory_space<hbm>>) target_semaphore(%dma_start3A_1218 : memref<!tpu.dma_semaphore, #tpu.memory_space<semaphore_mem>>)
      %add3A_1227 = arith.constant 2 : i32
      %add3A_1228 = arith.addi %mul3A_2, %add3A_1227 : i32
      %dma_start3A_1229 = arith.constant 0 : i32
      %dma_start3A_1230 = arith.constant 7 : i32
      %dma_start3A_1231 = arith.constant 0 : i32
      %dma_start3A_1232 = arith.constant 56 : i32
      %dma_start3A_1233 = arith.constant 0 : i32
      %dma_start3A_1234 = tpu.memref_slice %arg7[%dma_start3A_1229, %dma_start3A_1232, %dma_start3A_1233] : memref<2x64x128xf32, #tpu.memory_space<vmem>> -> memref<1x8x128xf32, #tpu.memory_space<vmem>>
      %dma_start3A_1235 = tpu.memref_squeeze %dma_start3A_1234 : memref<1x8x128xf32, #tpu.memory_space<vmem>> -> memref<8x128xf32, #tpu.memory_space<vmem>>
      %dma_start3A_1236 = arith.constant 0 : i32
      %dma_start3A_1237 = arith.constant 0 : i32
      %dma_start3A_1238 = tpu.memref_slice %arg4[%scan3A_438, %dma_start3A_1230, %add3A_1228, %dma_start3A_1236, %dma_start3A_1237] : memref<50x8x128x8x128xf32, #tpu.memory_space<hbm>> -> memref<1x1x1x8x128xf32, #tpu.memory_space<hbm>>
      %dma_start3A_1239 = tpu.memref_squeeze %dma_start3A_1238 : memref<1x1x1x8x128xf32, #tpu.memory_space<hbm>> -> memref<8x128xf32, #tpu.memory_space<hbm>>
      %dma_start3A_1240 = tpu.memref_slice %arg9[%dma_start3A_1231] : memref<2x!tpu.dma_semaphore, #tpu.memory_space<semaphore_mem>> -> memref<1x!tpu.dma_semaphore, #tpu.memory_space<semaphore_mem>>
      %dma_start3A_1241 = tpu.memref_squeeze %dma_start3A_1240 : memref<1x!tpu.dma_semaphore, #tpu.memory_space<semaphore_mem>> -> memref<!tpu.dma_semaphore, #tpu.memory_space<semaphore_mem>>
      %dma_start3A_1242 = arith.constant 0 : i32
      %dma_start3A_1243 = arith.constant 0 : i32
      %dma_start3A_1244 = tpu.memref_slice %arg4[%scan3A_438, %dma_start3A_1230, %add3A_1228, %dma_start3A_1242, %dma_start3A_1243] : memref<50x8x128x8x128xf32, #tpu.memory_space<hbm>> -> memref<1x1x1x8x128xf32, #tpu.memory_space<hbm>>
      %dma_start3A_1245 = tpu.memref_squeeze %dma_start3A_1244 : memref<1x1x1x8x128xf32, #tpu.memory_space<hbm>> -> memref<8x128xf32, #tpu.memory_space<hbm>>
      %dma_start3A_1246 = arith.constant 56 : i32
      %dma_start3A_1247 = arith.constant 0 : i32
      %dma_start3A_1248 = tpu.memref_slice %arg7[%dma_start3A_1229, %dma_start3A_1246, %dma_start3A_1247] : memref<2x64x128xf32, #tpu.memory_space<vmem>> -> memref<1x8x128xf32, #tpu.memory_space<vmem>>
      %dma_start3A_1249 = tpu.memref_squeeze %dma_start3A_1248 : memref<1x8x128xf32, #tpu.memory_space<vmem>> -> memref<8x128xf32, #tpu.memory_space<vmem>>
      tpu.enqueue_dma source(%dma_start3A_1249 : memref<8x128xf32, #tpu.memory_space<vmem>>) target(%dma_start3A_1245 : memref<8x128xf32, #tpu.memory_space<hbm>>) target_semaphore(%dma_start3A_1241 : memref<!tpu.dma_semaphore, #tpu.memory_space<semaphore_mem>>)
      %lt3A_1250 = arith.constant 49 : i32
      %lt3A_1251 = arith.cmpi slt, %scan3A_438, %lt3A_1250 : i32
      %convert_element_type3A_1252 = arith.extui %lt3A_1251 : i1 to i32
      %cond3A_1253 = arith.constant 0 : i32
      %cond3A_1254 = arith.cmpi ne, %convert_element_type3A_1252, %cond3A_1253 : i32
      scf.if %cond3A_1254 {
        %add3A_1648 = arith.constant 1 : i32
        %add3A_1649 = arith.addi %scan3A_438, %add3A_1648 : i32
        %dma_start3A_1650 = arith.constant 2 : i32
        %dma_start3A_1651 = arith.constant 2 : i32
        %dma_start3A_1652 = arith.constant 2 : i32
        %dma_start3A_1653 = arith.constant 0 : i32
        %dma_start3A_1654 = arith.constant 0 : i32
        %dma_start3A_1655 = tpu.memref_slice %arg6[%dma_start3A_1651, %dma_start3A_1653, %dma_start3A_1654] : memref<4x128x128xf32, #tpu.memory_space<vmem>> -> memref<1x128x128xf32, #tpu.memory_space<vmem>>
        %dma_start3A_1656 = tpu.memref_squeeze %dma_start3A_1655 : memref<1x128x128xf32, #tpu.memory_space<vmem>> -> memref<128x128xf32, #tpu.memory_space<vmem>>
        %dma_start3A_1657 = arith.constant 0 : i32
        %dma_start3A_1658 = tpu.memref_slice %arg5[%dma_start3A_1650, %add3A_1649, %dma_start3A_1657] : memref<4x50x128xi32, #tpu.memory_space<vmem>> -> memref<1x1x128xi32, #tpu.memory_space<vmem>>
        %dma_start3A_1659 = tpu.memref_squeeze %dma_start3A_1658 : memref<1x1x128xi32, #tpu.memory_space<vmem>> -> memref<128xi32, #tpu.memory_space<vmem>>
        %dma_start3A_1660 = arith.constant 0 : i32
        %dma_start3A_1661 = arith.constant 0 : i32
        %dma_start3A_1662 = tpu.memref_slice %arg3[%dma_start3A_1660, %dma_start3A_1661] : memref<1000000x128xf32, #tpu.memory_space<hbm>> -> memref<1000000x128xf32, #tpu.memory_space<hbm>>
        %dma_start3A_1663 = tpu.memref_slice %arg8[%dma_start3A_1652] : memref<4x!tpu.dma_semaphore, #tpu.memory_space<semaphore_mem>> -> memref<1x!tpu.dma_semaphore, #tpu.memory_space<semaphore_mem>>
        %dma_start3A_1664 = tpu.memref_squeeze %dma_start3A_1663 : memref<1x!tpu.dma_semaphore, #tpu.memory_space<semaphore_mem>> -> memref<!tpu.dma_semaphore, #tpu.memory_space<semaphore_mem>>
        tpu.enqueue_indirect_dma source(%dma_start3A_1662 : memref<1000000x128xf32, #tpu.memory_space<hbm>>) target(%dma_start3A_1656 : memref<128x128xf32, #tpu.memory_space<vmem>>) offsets(%dma_start3A_1659 : memref<128xi32, #tpu.memory_space<vmem>>) semaphore(%dma_start3A_1664 : memref<!tpu.dma_semaphore, #tpu.memory_space<semaphore_mem>>)
      } else {
      }
      %dma_wait3A_1255 = arith.constant 1 : i32
      %dma_wait3A_1256 = arith.constant 0 : i32
      %dma_wait3A_1257 = arith.constant 0 : i32
      %dma_wait3A_1258 = arith.constant 0 : i32
      %dma_wait3A_1259 = arith.constant 1 : i32
      %dma_wait3A_1260 = arith.constant 0 : i32
      %dma_wait3A_1261 = arith.constant 0 : i32
      %dma_wait3A_1262 = tpu.memref_slice %arg7[%dma_wait3A_1255, %dma_wait3A_1260, %dma_wait3A_1261] : memref<2x64x128xf32, #tpu.memory_space<vmem>> -> memref<1x8x128xf32, #tpu.memory_space<vmem>>
      %dma_wait3A_1263 = tpu.memref_squeeze %dma_wait3A_1262 : memref<1x8x128xf32, #tpu.memory_space<vmem>> -> memref<8x128xf32, #tpu.memory_space<vmem>>
      %dma_wait3A_1264 = arith.constant 0 : i32
      %dma_wait3A_1265 = arith.constant 0 : i32
      %dma_wait3A_1266 = tpu.memref_slice %arg4[%dma_wait3A_1256, %dma_wait3A_1257, %dma_wait3A_1258, %dma_wait3A_1264, %dma_wait3A_1265] : memref<50x8x128x8x128xf32, #tpu.memory_space<hbm>> -> memref<1x1x1x8x128xf32, #tpu.memory_space<hbm>>
      %dma_wait3A_1267 = tpu.memref_squeeze %dma_wait3A_1266 : memref<1x1x1x8x128xf32, #tpu.memory_space<hbm>> -> memref<8x128xf32, #tpu.memory_space<hbm>>
      %dma_wait3A_1268 = tpu.memref_slice %arg9[%dma_wait3A_1259] : memref<2x!tpu.dma_semaphore, #tpu.memory_space<semaphore_mem>> -> memref<1x!tpu.dma_semaphore, #tpu.memory_space<semaphore_mem>>
      %dma_wait3A_1269 = tpu.memref_squeeze %dma_wait3A_1268 : memref<1x!tpu.dma_semaphore, #tpu.memory_space<semaphore_mem>> -> memref<!tpu.dma_semaphore, #tpu.memory_space<semaphore_mem>>
      %dma_wait3A_1270 = arith.constant 0 : i32
      %dma_wait3A_1271 = arith.constant 0 : i32
      %dma_wait3A_1272 = tpu.memref_slice %arg4[%dma_wait3A_1256, %dma_wait3A_1257, %dma_wait3A_1258, %dma_wait3A_1270, %dma_wait3A_1271] : memref<50x8x128x8x128xf32, #tpu.memory_space<hbm>> -> memref<1x1x1x8x128xf32, #tpu.memory_space<hbm>>
      %dma_wait3A_1273 = tpu.memref_squeeze %dma_wait3A_1272 : memref<1x1x1x8x128xf32, #tpu.memory_space<hbm>> -> memref<8x128xf32, #tpu.memory_space<hbm>>
      %dma_wait3A_1274 = arith.constant 0 : i32
      %dma_wait3A_1275 = arith.constant 0 : i32
      %dma_wait3A_1276 = tpu.memref_slice %arg7[%dma_wait3A_1255, %dma_wait3A_1274, %dma_wait3A_1275] : memref<2x64x128xf32, #tpu.memory_space<vmem>> -> memref<1x8x128xf32, #tpu.memory_space<vmem>>
      %dma_wait3A_1277 = tpu.memref_squeeze %dma_wait3A_1276 : memref<1x8x128xf32, #tpu.memory_space<vmem>> -> memref<8x128xf32, #tpu.memory_space<vmem>>
      tpu.wait_dma2 semaphore(%dma_wait3A_1269 : memref<!tpu.dma_semaphore, #tpu.memory_space<semaphore_mem>>) src(%dma_wait3A_1277 : memref<8x128xf32, #tpu.memory_space<vmem>>) dst(%dma_wait3A_1273 : memref<8x128xf32, #tpu.memory_space<hbm>>)
      %dma_wait3A_1278 = arith.constant 1 : i32
      %dma_wait3A_1279 = arith.constant 0 : i32
      %dma_wait3A_1280 = arith.constant 0 : i32
      %dma_wait3A_1281 = arith.constant 0 : i32
      %dma_wait3A_1282 = arith.constant 1 : i32
      %dma_wait3A_1283 = arith.constant 8 : i32
      %dma_wait3A_1284 = arith.constant 0 : i32
      %dma_wait3A_1285 = tpu.memref_slice %arg7[%dma_wait3A_1278, %dma_wait3A_1283, %dma_wait3A_1284] : memref<2x64x128xf32, #tpu.memory_space<vmem>> -> memref<1x8x128xf32, #tpu.memory_space<vmem>>
      %dma_wait3A_1286 = tpu.memref_squeeze %dma_wait3A_1285 : memref<1x8x128xf32, #tpu.memory_space<vmem>> -> memref<8x128xf32, #tpu.memory_space<vmem>>
      %dma_wait3A_1287 = arith.constant 0 : i32
      %dma_wait3A_1288 = arith.constant 0 : i32
      %dma_wait3A_1289 = tpu.memref_slice %arg4[%dma_wait3A_1279, %dma_wait3A_1280, %dma_wait3A_1281, %dma_wait3A_1287, %dma_wait3A_1288] : memref<50x8x128x8x128xf32, #tpu.memory_space<hbm>> -> memref<1x1x1x8x128xf32, #tpu.memory_space<hbm>>
      %dma_wait3A_1290 = tpu.memref_squeeze %dma_wait3A_1289 : memref<1x1x1x8x128xf32, #tpu.memory_space<hbm>> -> memref<8x128xf32, #tpu.memory_space<hbm>>
      %dma_wait3A_1291 = tpu.memref_slice %arg9[%dma_wait3A_1282] : memref<2x!tpu.dma_semaphore, #tpu.memory_space<semaphore_mem>> -> memref<1x!tpu.dma_semaphore, #tpu.memory_space<semaphore_mem>>
      %dma_wait3A_1292 = tpu.memref_squeeze %dma_wait3A_1291 : memref<1x!tpu.dma_semaphore, #tpu.memory_space<semaphore_mem>> -> memref<!tpu.dma_semaphore, #tpu.memory_space<semaphore_mem>>
      %dma_wait3A_1293 = arith.constant 0 : i32
      %dma_wait3A_1294 = arith.constant 0 : i32
      %dma_wait3A_1295 = tpu.memref_slice %arg4[%dma_wait3A_1279, %dma_wait3A_1280, %dma_wait3A_1281, %dma_wait3A_1293, %dma_wait3A_1294] : memref<50x8x128x8x128xf32, #tpu.memory_space<hbm>> -> memref<1x1x1x8x128xf32, #tpu.memory_space<hbm>>
      %dma_wait3A_1296 = tpu.memref_squeeze %dma_wait3A_1295 : memref<1x1x1x8x128xf32, #tpu.memory_space<hbm>> -> memref<8x128xf32, #tpu.memory_space<hbm>>
      %dma_wait3A_1297 = arith.constant 8 : i32
      %dma_wait3A_1298 = arith.constant 0 : i32
      %dma_wait3A_1299 = tpu.memref_slice %arg7[%dma_wait3A_1278, %dma_wait3A_1297, %dma_wait3A_1298] : memref<2x64x128xf32, #tpu.memory_space<vmem>> -> memref<1x8x128xf32, #tpu.memory_space<vmem>>
      %dma_wait3A_1300 = tpu.memref_squeeze %dma_wait3A_1299 : memref<1x8x128xf32, #tpu.memory_space<vmem>> -> memref<8x128xf32, #tpu.memory_space<vmem>>
      tpu.wait_dma2 semaphore(%dma_wait3A_1292 : memref<!tpu.dma_semaphore, #tpu.memory_space<semaphore_mem>>) src(%dma_wait3A_1300 : memref<8x128xf32, #tpu.memory_space<vmem>>) dst(%dma_wait3A_1296 : memref<8x128xf32, #tpu.memory_space<hbm>>)
      %dma_wait3A_1301 = arith.constant 1 : i32
      %dma_wait3A_1302 = arith.constant 0 : i32
      %dma_wait3A_1303 = arith.constant 0 : i32
      %dma_wait3A_1304 = arith.constant 0 : i32
      %dma_wait3A_1305 = arith.constant 1 : i32
      %dma_wait3A_1306 = arith.constant 16 : i32
      %dma_wait3A_1307 = arith.constant 0 : i32
      %dma_wait3A_1308 = tpu.memref_slice %arg7[%dma_wait3A_1301, %dma_wait3A_1306, %dma_wait3A_1307] : memref<2x64x128xf32, #tpu.memory_space<vmem>> -> memref<1x8x128xf32, #tpu.memory_space<vmem>>
      %dma_wait3A_1309 = tpu.memref_squeeze %dma_wait3A_1308 : memref<1x8x128xf32, #tpu.memory_space<vmem>> -> memref<8x128xf32, #tpu.memory_space<vmem>>
      %dma_wait3A_1310 = arith.constant 0 : i32
      %dma_wait3A_1311 = arith.constant 0 : i32
      %dma_wait3A_1312 = tpu.memref_slice %arg4[%dma_wait3A_1302, %dma_wait3A_1303, %dma_wait3A_1304, %dma_wait3A_1310, %dma_wait3A_1311] : memref<50x8x128x8x128xf32, #tpu.memory_space<hbm>> -> memref<1x1x1x8x128xf32, #tpu.memory_space<hbm>>
      %dma_wait3A_1313 = tpu.memref_squeeze %dma_wait3A_1312 : memref<1x1x1x8x128xf32, #tpu.memory_space<hbm>> -> memref<8x128xf32, #tpu.memory_space<hbm>>
      %dma_wait3A_1314 = tpu.memref_slice %arg9[%dma_wait3A_1305] : memref<2x!tpu.dma_semaphore, #tpu.memory_space<semaphore_mem>> -> memref<1x!tpu.dma_semaphore, #tpu.memory_space<semaphore_mem>>
      %dma_wait3A_1315 = tpu.memref_squeeze %dma_wait3A_1314 : memref<1x!tpu.dma_semaphore, #tpu.memory_space<semaphore_mem>> -> memref<!tpu.dma_semaphore, #tpu.memory_space<semaphore_mem>>
      %dma_wait3A_1316 = arith.constant 0 : i32
      %dma_wait3A_1317 = arith.constant 0 : i32
      %dma_wait3A_1318 = tpu.memref_slice %arg4[%dma_wait3A_1302, %dma_wait3A_1303, %dma_wait3A_1304, %dma_wait3A_1316, %dma_wait3A_1317] : memref<50x8x128x8x128xf32, #tpu.memory_space<hbm>> -> memref<1x1x1x8x128xf32, #tpu.memory_space<hbm>>
      %dma_wait3A_1319 = tpu.memref_squeeze %dma_wait3A_1318 : memref<1x1x1x8x128xf32, #tpu.memory_space<hbm>> -> memref<8x128xf32, #tpu.memory_space<hbm>>
      %dma_wait3A_1320 = arith.constant 16 : i32
      %dma_wait3A_1321 = arith.constant 0 : i32
      %dma_wait3A_1322 = tpu.memref_slice %arg7[%dma_wait3A_1301, %dma_wait3A_1320, %dma_wait3A_1321] : memref<2x64x128xf32, #tpu.memory_space<vmem>> -> memref<1x8x128xf32, #tpu.memory_space<vmem>>
      %dma_wait3A_1323 = tpu.memref_squeeze %dma_wait3A_1322 : memref<1x8x128xf32, #tpu.memory_space<vmem>> -> memref<8x128xf32, #tpu.memory_space<vmem>>
      tpu.wait_dma2 semaphore(%dma_wait3A_1315 : memref<!tpu.dma_semaphore, #tpu.memory_space<semaphore_mem>>) src(%dma_wait3A_1323 : memref<8x128xf32, #tpu.memory_space<vmem>>) dst(%dma_wait3A_1319 : memref<8x128xf32, #tpu.memory_space<hbm>>)
      %dma_wait3A_1324 = arith.constant 1 : i32
      %dma_wait3A_1325 = arith.constant 0 : i32
      %dma_wait3A_1326 = arith.constant 0 : i32
      %dma_wait3A_1327 = arith.constant 0 : i32
      %dma_wait3A_1328 = arith.constant 1 : i32
      %dma_wait3A_1329 = arith.constant 24 : i32
      %dma_wait3A_1330 = arith.constant 0 : i32
      %dma_wait3A_1331 = tpu.memref_slice %arg7[%dma_wait3A_1324, %dma_wait3A_1329, %dma_wait3A_1330] : memref<2x64x128xf32, #tpu.memory_space<vmem>> -> memref<1x8x128xf32, #tpu.memory_space<vmem>>
      %dma_wait3A_1332 = tpu.memref_squeeze %dma_wait3A_1331 : memref<1x8x128xf32, #tpu.memory_space<vmem>> -> memref<8x128xf32, #tpu.memory_space<vmem>>
      %dma_wait3A_1333 = arith.constant 0 : i32
      %dma_wait3A_1334 = arith.constant 0 : i32
      %dma_wait3A_1335 = tpu.memref_slice %arg4[%dma_wait3A_1325, %dma_wait3A_1326, %dma_wait3A_1327, %dma_wait3A_1333, %dma_wait3A_1334] : memref<50x8x128x8x128xf32, #tpu.memory_space<hbm>> -> memref<1x1x1x8x128xf32, #tpu.memory_space<hbm>>
      %dma_wait3A_1336 = tpu.memref_squeeze %dma_wait3A_1335 : memref<1x1x1x8x128xf32, #tpu.memory_space<hbm>> -> memref<8x128xf32, #tpu.memory_space<hbm>>
      %dma_wait3A_1337 = tpu.memref_slice %arg9[%dma_wait3A_1328] : memref<2x!tpu.dma_semaphore, #tpu.memory_space<semaphore_mem>> -> memref<1x!tpu.dma_semaphore, #tpu.memory_space<semaphore_mem>>
      %dma_wait3A_1338 = tpu.memref_squeeze %dma_wait3A_1337 : memref<1x!tpu.dma_semaphore, #tpu.memory_space<semaphore_mem>> -> memref<!tpu.dma_semaphore, #tpu.memory_space<semaphore_mem>>
      %dma_wait3A_1339 = arith.constant 0 : i32
      %dma_wait3A_1340 = arith.constant 0 : i32
      %dma_wait3A_1341 = tpu.memref_slice %arg4[%dma_wait3A_1325, %dma_wait3A_1326, %dma_wait3A_1327, %dma_wait3A_1339, %dma_wait3A_1340] : memref<50x8x128x8x128xf32, #tpu.memory_space<hbm>> -> memref<1x1x1x8x128xf32, #tpu.memory_space<hbm>>
      %dma_wait3A_1342 = tpu.memref_squeeze %dma_wait3A_1341 : memref<1x1x1x8x128xf32, #tpu.memory_space<hbm>> -> memref<8x128xf32, #tpu.memory_space<hbm>>
      %dma_wait3A_1343 = arith.constant 24 : i32
      %dma_wait3A_1344 = arith.constant 0 : i32
      %dma_wait3A_1345 = tpu.memref_slice %arg7[%dma_wait3A_1324, %dma_wait3A_1343, %dma_wait3A_1344] : memref<2x64x128xf32, #tpu.memory_space<vmem>> -> memref<1x8x128xf32, #tpu.memory_space<vmem>>
      %dma_wait3A_1346 = tpu.memref_squeeze %dma_wait3A_1345 : memref<1x8x128xf32, #tpu.memory_space<vmem>> -> memref<8x128xf32, #tpu.memory_space<vmem>>
      tpu.wait_dma2 semaphore(%dma_wait3A_1338 : memref<!tpu.dma_semaphore, #tpu.memory_space<semaphore_mem>>) src(%dma_wait3A_1346 : memref<8x128xf32, #tpu.memory_space<vmem>>) dst(%dma_wait3A_1342 : memref<8x128xf32, #tpu.memory_space<hbm>>)
      %dma_wait3A_1347 = arith.constant 1 : i32
      %dma_wait3A_1348 = arith.constant 0 : i32
      %dma_wait3A_1349 = arith.constant 0 : i32
      %dma_wait3A_1350 = arith.constant 0 : i32
      %dma_wait3A_1351 = arith.constant 1 : i32
      %dma_wait3A_1352 = arith.constant 32 : i32
      %dma_wait3A_1353 = arith.constant 0 : i32
      %dma_wait3A_1354 = tpu.memref_slice %arg7[%dma_wait3A_1347, %dma_wait3A_1352, %dma_wait3A_1353] : memref<2x64x128xf32, #tpu.memory_space<vmem>> -> memref<1x8x128xf32, #tpu.memory_space<vmem>>
      %dma_wait3A_1355 = tpu.memref_squeeze %dma_wait3A_1354 : memref<1x8x128xf32, #tpu.memory_space<vmem>> -> memref<8x128xf32, #tpu.memory_space<vmem>>
      %dma_wait3A_1356 = arith.constant 0 : i32
      %dma_wait3A_1357 = arith.constant 0 : i32
      %dma_wait3A_1358 = tpu.memref_slice %arg4[%dma_wait3A_1348, %dma_wait3A_1349, %dma_wait3A_1350, %dma_wait3A_1356, %dma_wait3A_1357] : memref<50x8x128x8x128xf32, #tpu.memory_space<hbm>> -> memref<1x1x1x8x128xf32, #tpu.memory_space<hbm>>
      %dma_wait3A_1359 = tpu.memref_squeeze %dma_wait3A_1358 : memref<1x1x1x8x128xf32, #tpu.memory_space<hbm>> -> memref<8x128xf32, #tpu.memory_space<hbm>>
      %dma_wait3A_1360 = tpu.memref_slice %arg9[%dma_wait3A_1351] : memref<2x!tpu.dma_semaphore, #tpu.memory_space<semaphore_mem>> -> memref<1x!tpu.dma_semaphore, #tpu.memory_space<semaphore_mem>>
      %dma_wait3A_1361 = tpu.memref_squeeze %dma_wait3A_1360 : memref<1x!tpu.dma_semaphore, #tpu.memory_space<semaphore_mem>> -> memref<!tpu.dma_semaphore, #tpu.memory_space<semaphore_mem>>
      %dma_wait3A_1362 = arith.constant 0 : i32
      %dma_wait3A_1363 = arith.constant 0 : i32
      %dma_wait3A_1364 = tpu.memref_slice %arg4[%dma_wait3A_1348, %dma_wait3A_1349, %dma_wait3A_1350, %dma_wait3A_1362, %dma_wait3A_1363] : memref<50x8x128x8x128xf32, #tpu.memory_space<hbm>> -> memref<1x1x1x8x128xf32, #tpu.memory_space<hbm>>
      %dma_wait3A_1365 = tpu.memref_squeeze %dma_wait3A_1364 : memref<1x1x1x8x128xf32, #tpu.memory_space<hbm>> -> memref<8x128xf32, #tpu.memory_space<hbm>>
      %dma_wait3A_1366 = arith.constant 32 : i32
      %dma_wait3A_1367 = arith.constant 0 : i32
      %dma_wait3A_1368 = tpu.memref_slice %arg7[%dma_wait3A_1347, %dma_wait3A_1366, %dma_wait3A_1367] : memref<2x64x128xf32, #tpu.memory_space<vmem>> -> memref<1x8x128xf32, #tpu.memory_space<vmem>>
      %dma_wait3A_1369 = tpu.memref_squeeze %dma_wait3A_1368 : memref<1x8x128xf32, #tpu.memory_space<vmem>> -> memref<8x128xf32, #tpu.memory_space<vmem>>
      tpu.wait_dma2 semaphore(%dma_wait3A_1361 : memref<!tpu.dma_semaphore, #tpu.memory_space<semaphore_mem>>) src(%dma_wait3A_1369 : memref<8x128xf32, #tpu.memory_space<vmem>>) dst(%dma_wait3A_1365 : memref<8x128xf32, #tpu.memory_space<hbm>>)
      %dma_wait3A_1370 = arith.constant 1 : i32
      %dma_wait3A_1371 = arith.constant 0 : i32
      %dma_wait3A_1372 = arith.constant 0 : i32
      %dma_wait3A_1373 = arith.constant 0 : i32
      %dma_wait3A_1374 = arith.constant 1 : i32
      %dma_wait3A_1375 = arith.constant 40 : i32
      %dma_wait3A_1376 = arith.constant 0 : i32
      %dma_wait3A_1377 = tpu.memref_slice %arg7[%dma_wait3A_1370, %dma_wait3A_1375, %dma_wait3A_1376] : memref<2x64x128xf32, #tpu.memory_space<vmem>> -> memref<1x8x128xf32, #tpu.memory_space<vmem>>
      %dma_wait3A_1378 = tpu.memref_squeeze %dma_wait3A_1377 : memref<1x8x128xf32, #tpu.memory_space<vmem>> -> memref<8x128xf32, #tpu.memory_space<vmem>>
      %dma_wait3A_1379 = arith.constant 0 : i32
      %dma_wait3A_1380 = arith.constant 0 : i32
      %dma_wait3A_1381 = tpu.memref_slice %arg4[%dma_wait3A_1371, %dma_wait3A_1372, %dma_wait3A_1373, %dma_wait3A_1379, %dma_wait3A_1380] : memref<50x8x128x8x128xf32, #tpu.memory_space<hbm>> -> memref<1x1x1x8x128xf32, #tpu.memory_space<hbm>>
      %dma_wait3A_1382 = tpu.memref_squeeze %dma_wait3A_1381 : memref<1x1x1x8x128xf32, #tpu.memory_space<hbm>> -> memref<8x128xf32, #tpu.memory_space<hbm>>
      %dma_wait3A_1383 = tpu.memref_slice %arg9[%dma_wait3A_1374] : memref<2x!tpu.dma_semaphore, #tpu.memory_space<semaphore_mem>> -> memref<1x!tpu.dma_semaphore, #tpu.memory_space<semaphore_mem>>
      %dma_wait3A_1384 = tpu.memref_squeeze %dma_wait3A_1383 : memref<1x!tpu.dma_semaphore, #tpu.memory_space<semaphore_mem>> -> memref<!tpu.dma_semaphore, #tpu.memory_space<semaphore_mem>>
      %dma_wait3A_1385 = arith.constant 0 : i32
      %dma_wait3A_1386 = arith.constant 0 : i32
      %dma_wait3A_1387 = tpu.memref_slice %arg4[%dma_wait3A_1371, %dma_wait3A_1372, %dma_wait3A_1373, %dma_wait3A_1385, %dma_wait3A_1386] : memref<50x8x128x8x128xf32, #tpu.memory_space<hbm>> -> memref<1x1x1x8x128xf32, #tpu.memory_space<hbm>>
      %dma_wait3A_1388 = tpu.memref_squeeze %dma_wait3A_1387 : memref<1x1x1x8x128xf32, #tpu.memory_space<hbm>> -> memref<8x128xf32, #tpu.memory_space<hbm>>
      %dma_wait3A_1389 = arith.constant 40 : i32
      %dma_wait3A_1390 = arith.constant 0 : i32
      %dma_wait3A_1391 = tpu.memref_slice %arg7[%dma_wait3A_1370, %dma_wait3A_1389, %dma_wait3A_1390] : memref<2x64x128xf32, #tpu.memory_space<vmem>> -> memref<1x8x128xf32, #tpu.memory_space<vmem>>
      %dma_wait3A_1392 = tpu.memref_squeeze %dma_wait3A_1391 : memref<1x8x128xf32, #tpu.memory_space<vmem>> -> memref<8x128xf32, #tpu.memory_space<vmem>>
      tpu.wait_dma2 semaphore(%dma_wait3A_1384 : memref<!tpu.dma_semaphore, #tpu.memory_space<semaphore_mem>>) src(%dma_wait3A_1392 : memref<8x128xf32, #tpu.memory_space<vmem>>) dst(%dma_wait3A_1388 : memref<8x128xf32, #tpu.memory_space<hbm>>)
      %dma_wait3A_1393 = arith.constant 1 : i32
      %dma_wait3A_1394 = arith.constant 0 : i32
      %dma_wait3A_1395 = arith.constant 0 : i32
      %dma_wait3A_1396 = arith.constant 0 : i32
      %dma_wait3A_1397 = arith.constant 1 : i32
      %dma_wait3A_1398 = arith.constant 48 : i32
      %dma_wait3A_1399 = arith.constant 0 : i32
      %dma_wait3A_1400 = tpu.memref_slice %arg7[%dma_wait3A_1393, %dma_wait3A_1398, %dma_wait3A_1399] : memref<2x64x128xf32, #tpu.memory_space<vmem>> -> memref<1x8x128xf32, #tpu.memory_space<vmem>>
      %dma_wait3A_1401 = tpu.memref_squeeze %dma_wait3A_1400 : memref<1x8x128xf32, #tpu.memory_space<vmem>> -> memref<8x128xf32, #tpu.memory_space<vmem>>
      %dma_wait3A_1402 = arith.constant 0 : i32
      %dma_wait3A_1403 = arith.constant 0 : i32
      %dma_wait3A_1404 = tpu.memref_slice %arg4[%dma_wait3A_1394, %dma_wait3A_1395, %dma_wait3A_1396, %dma_wait3A_1402, %dma_wait3A_1403] : memref<50x8x128x8x128xf32, #tpu.memory_space<hbm>> -> memref<1x1x1x8x128xf32, #tpu.memory_space<hbm>>
      %dma_wait3A_1405 = tpu.memref_squeeze %dma_wait3A_1404 : memref<1x1x1x8x128xf32, #tpu.memory_space<hbm>> -> memref<8x128xf32, #tpu.memory_space<hbm>>
      %dma_wait3A_1406 = tpu.memref_slice %arg9[%dma_wait3A_1397] : memref<2x!tpu.dma_semaphore, #tpu.memory_space<semaphore_mem>> -> memref<1x!tpu.dma_semaphore, #tpu.memory_space<semaphore_mem>>
      %dma_wait3A_1407 = tpu.memref_squeeze %dma_wait3A_1406 : memref<1x!tpu.dma_semaphore, #tpu.memory_space<semaphore_mem>> -> memref<!tpu.dma_semaphore, #tpu.memory_space<semaphore_mem>>
      %dma_wait3A_1408 = arith.constant 0 : i32
      %dma_wait3A_1409 = arith.constant 0 : i32
      %dma_wait3A_1410 = tpu.memref_slice %arg4[%dma_wait3A_1394, %dma_wait3A_1395, %dma_wait3A_1396, %dma_wait3A_1408, %dma_wait3A_1409] : memref<50x8x128x8x128xf32, #tpu.memory_space<hbm>> -> memref<1x1x1x8x128xf32, #tpu.memory_space<hbm>>
      %dma_wait3A_1411 = tpu.memref_squeeze %dma_wait3A_1410 : memref<1x1x1x8x128xf32, #tpu.memory_space<hbm>> -> memref<8x128xf32, #tpu.memory_space<hbm>>
      %dma_wait3A_1412 = arith.constant 48 : i32
      %dma_wait3A_1413 = arith.constant 0 : i32
      %dma_wait3A_1414 = tpu.memref_slice %arg7[%dma_wait3A_1393, %dma_wait3A_1412, %dma_wait3A_1413] : memref<2x64x128xf32, #tpu.memory_space<vmem>> -> memref<1x8x128xf32, #tpu.memory_space<vmem>>
      %dma_wait3A_1415 = tpu.memref_squeeze %dma_wait3A_1414 : memref<1x8x128xf32, #tpu.memory_space<vmem>> -> memref<8x128xf32, #tpu.memory_space<vmem>>
      tpu.wait_dma2 semaphore(%dma_wait3A_1407 : memref<!tpu.dma_semaphore, #tpu.memory_space<semaphore_mem>>) src(%dma_wait3A_1415 : memref<8x128xf32, #tpu.memory_space<vmem>>) dst(%dma_wait3A_1411 : memref<8x128xf32, #tpu.memory_space<hbm>>)
      %dma_wait3A_1416 = arith.constant 1 : i32
      %dma_wait3A_1417 = arith.constant 0 : i32
      %dma_wait3A_1418 = arith.constant 0 : i32
      %dma_wait3A_1419 = arith.constant 0 : i32
      %dma_wait3A_1420 = arith.constant 1 : i32
      %dma_wait3A_1421 = arith.constant 56 : i32
      %dma_wait3A_1422 = arith.constant 0 : i32
      %dma_wait3A_1423 = tpu.memref_slice %arg7[%dma_wait3A_1416, %dma_wait3A_1421, %dma_wait3A_1422] : memref<2x64x128xf32, #tpu.memory_space<vmem>> -> memref<1x8x128xf32, #tpu.memory_space<vmem>>
      %dma_wait3A_1424 = tpu.memref_squeeze %dma_wait3A_1423 : memref<1x8x128xf32, #tpu.memory_space<vmem>> -> memref<8x128xf32, #tpu.memory_space<vmem>>
      %dma_wait3A_1425 = arith.constant 0 : i32
      %dma_wait3A_1426 = arith.constant 0 : i32
      %dma_wait3A_1427 = tpu.memref_slice %arg4[%dma_wait3A_1417, %dma_wait3A_1418, %dma_wait3A_1419, %dma_wait3A_1425, %dma_wait3A_1426] : memref<50x8x128x8x128xf32, #tpu.memory_space<hbm>> -> memref<1x1x1x8x128xf32, #tpu.memory_space<hbm>>
      %dma_wait3A_1428 = tpu.memref_squeeze %dma_wait3A_1427 : memref<1x1x1x8x128xf32, #tpu.memory_space<hbm>> -> memref<8x128xf32, #tpu.memory_space<hbm>>
      %dma_wait3A_1429 = tpu.memref_slice %arg9[%dma_wait3A_1420] : memref<2x!tpu.dma_semaphore, #tpu.memory_space<semaphore_mem>> -> memref<1x!tpu.dma_semaphore, #tpu.memory_space<semaphore_mem>>
      %dma_wait3A_1430 = tpu.memref_squeeze %dma_wait3A_1429 : memref<1x!tpu.dma_semaphore, #tpu.memory_space<semaphore_mem>> -> memref<!tpu.dma_semaphore, #tpu.memory_space<semaphore_mem>>
      %dma_wait3A_1431 = arith.constant 0 : i32
      %dma_wait3A_1432 = arith.constant 0 : i32
      %dma_wait3A_1433 = tpu.memref_slice %arg4[%dma_wait3A_1417, %dma_wait3A_1418, %dma_wait3A_1419, %dma_wait3A_1431, %dma_wait3A_1432] : memref<50x8x128x8x128xf32, #tpu.memory_space<hbm>> -> memref<1x1x1x8x128xf32, #tpu.memory_space<hbm>>
      %dma_wait3A_1434 = tpu.memref_squeeze %dma_wait3A_1433 : memref<1x1x1x8x128xf32, #tpu.memory_space<hbm>> -> memref<8x128xf32, #tpu.memory_space<hbm>>
      %dma_wait3A_1435 = arith.constant 56 : i32
      %dma_wait3A_1436 = arith.constant 0 : i32
      %dma_wait3A_1437 = tpu.memref_slice %arg7[%dma_wait3A_1416, %dma_wait3A_1435, %dma_wait3A_1436] : memref<2x64x128xf32, #tpu.memory_space<vmem>> -> memref<1x8x128xf32, #tpu.memory_space<vmem>>
      %dma_wait3A_1438 = tpu.memref_squeeze %dma_wait3A_1437 : memref<1x8x128xf32, #tpu.memory_space<vmem>> -> memref<8x128xf32, #tpu.memory_space<vmem>>
      tpu.wait_dma2 semaphore(%dma_wait3A_1430 : memref<!tpu.dma_semaphore, #tpu.memory_space<semaphore_mem>>) src(%dma_wait3A_1438 : memref<8x128xf32, #tpu.memory_space<vmem>>) dst(%dma_wait3A_1434 : memref<8x128xf32, #tpu.memory_space<hbm>>)
      %dma_wait3A_1439 = arith.constant 0 : i32
      %dma_wait3A_1440 = arith.constant 0 : i32
      %dma_wait3A_1441 = arith.constant 3 : i32
      %dma_wait3A_1442 = arith.constant 3 : i32
      %dma_wait3A_1443 = arith.constant 0 : i32
      %dma_wait3A_1444 = arith.constant 0 : i32
      %dma_wait3A_1445 = tpu.memref_slice %arg6[%dma_wait3A_1441, %dma_wait3A_1443, %dma_wait3A_1444] : memref<4x128x128xf32, #tpu.memory_space<vmem>> -> memref<1x128x128xf32, #tpu.memory_space<vmem>>
      %dma_wait3A_1446 = tpu.memref_squeeze %dma_wait3A_1445 : memref<1x128x128xf32, #tpu.memory_space<vmem>> -> memref<128x128xf32, #tpu.memory_space<vmem>>
      %dma_wait3A_1447 = arith.constant 0 : i32
      %dma_wait3A_1448 = tpu.memref_slice %arg5[%dma_wait3A_1439, %dma_wait3A_1440, %dma_wait3A_1447] : memref<4x50x128xi32, #tpu.memory_space<vmem>> -> memref<1x1x128xi32, #tpu.memory_space<vmem>>
      %dma_wait3A_1449 = tpu.memref_squeeze %dma_wait3A_1448 : memref<1x1x128xi32, #tpu.memory_space<vmem>> -> memref<128xi32, #tpu.memory_space<vmem>>
      %dma_wait3A_1450 = arith.constant 0 : i32
      %dma_wait3A_1451 = arith.constant 0 : i32
      %dma_wait3A_1452 = tpu.memref_slice %arg3[%dma_wait3A_1450, %dma_wait3A_1451] : memref<1000000x128xf32, #tpu.memory_space<hbm>> -> memref<1000000x128xf32, #tpu.memory_space<hbm>>
      %dma_wait3A_1453 = tpu.memref_slice %arg8[%dma_wait3A_1442] : memref<4x!tpu.dma_semaphore, #tpu.memory_space<semaphore_mem>> -> memref<1x!tpu.dma_semaphore, #tpu.memory_space<semaphore_mem>>
      %dma_wait3A_1454 = tpu.memref_squeeze %dma_wait3A_1453 : memref<1x!tpu.dma_semaphore, #tpu.memory_space<semaphore_mem>> -> memref<!tpu.dma_semaphore, #tpu.memory_space<semaphore_mem>>
      tpu.wait_indirect_dma semaphore(%dma_wait3A_1454 : memref<!tpu.dma_semaphore, #tpu.memory_space<semaphore_mem>>) src(%dma_wait3A_1452 : memref<1000000x128xf32, #tpu.memory_space<hbm>>) dst(%dma_wait3A_1446 : memref<128x128xf32, #tpu.memory_space<vmem>>)
      %parallel_loop3A_1455 = arith.constant 0 : i32
      %parallel_loop3A_1456 = arith.constant 64 : i32
      %parallel_loop3A_1457 = arith.constant 1 : i32
      %parallel_loop3A_1458 = arith.constant 3 : i32
      scf.for %parallel_loop3A_1648 = %parallel_loop3A_1455 to %parallel_loop3A_1456 step %parallel_loop3A_1457  : i32 {
        %parallel_loop3A_1649 = arith.constant 0 : i32
        %parallel_loop3A_1650 = vector.broadcast %parallel_loop3A_1649 : i32 to vector<16xi32>
        %parallel_loop3A_1651 = vector.broadcast %parallel_loop3A_1648 : i32 to vector<16xi32>
        %parallel_loop3A_1652 = arith.addi %parallel_loop3A_1650, %parallel_loop3A_1651 : vector<16xi32>
        %parallel_loop3A_1653 = arith.constant 0 : i32
        %parallel_loop3A_1654 = vector.broadcast %parallel_loop3A_1653 : i32 to vector<16xi32>
        %parallel_loop3A_1655 = arith.addi %iota3A, %parallel_loop3A_1654 : vector<16xi32>
        %parallel_loop3A_1656 = arith.constant 0 : i32
        %parallel_loop3A_1657 = arith.constant 0 : i32
        %parallel_loop3A_1658 = tpu.memref_slice %arg6[%parallel_loop3A_1458, %parallel_loop3A_1656, %parallel_loop3A_1657] : memref<4x128x128xf32, #tpu.memory_space<vmem>> -> memref<1x128x128xf32, #tpu.memory_space<vmem>>
        %parallel_loop3A_1659 = tpu.memref_squeeze %parallel_loop3A_1658 : memref<1x128x128xf32, #tpu.memory_space<vmem>> -> memref<128x128xf32, #tpu.memory_space<vmem>>
        %parallel_loop3A_1660 = tpu.vector_load_idx %parallel_loop3A_1659[%parallel_loop3A_1655, %parallel_loop3A_1652] : memref<128x128xf32, #tpu.memory_space<vmem>>[vector<16xi32>, vector<16xi32>], vector<16xf32>,
        %parallel_loop3A_1661 = arith.constant 1 : i32
        %parallel_loop3A_1662 = arith.index_cast %parallel_loop3A_1661 : i32 to index
        %parallel_loop3A_1663 = arith.index_cast %parallel_loop3A_1648 : i32 to index
        %parallel_loop3A_1664 = arith.constant 0 : index
        %parallel_loop3A_1665 = tpu.vector_load %arg7[%parallel_loop3A_1662, %parallel_loop3A_1663, %parallel_loop3A_1664] {strides = array<i32>} : memref<2x64x128xf32, #tpu.memory_space<vmem>>, vector<16xf32>,
        tpu.vector_store %arg7[%parallel_loop3A_1662, %parallel_loop3A_1663, %parallel_loop3A_1664], %parallel_loop3A_1660 {strides = array<i32>} : memref<2x64x128xf32, #tpu.memory_space<vmem>>, vector<16xf32>,
        %parallel_loop3A_1666 = arith.constant 16 : i32
        %parallel_loop3A_1667 = vector.broadcast %parallel_loop3A_1666 : i32 to vector<16xi32>
        %parallel_loop3A_1668 = arith.addi %iota3A, %parallel_loop3A_1667 : vector<16xi32>
        %parallel_loop3A_1669 = arith.constant 0 : i32
        %parallel_loop3A_1670 = arith.constant 0 : i32
        %parallel_loop3A_1671 = tpu.memref_slice %arg6[%parallel_loop3A_1458, %parallel_loop3A_1669, %parallel_loop3A_1670] : memref<4x128x128xf32, #tpu.memory_space<vmem>> -> memref<1x128x128xf32, #tpu.memory_space<vmem>>
        %parallel_loop3A_1672 = tpu.memref_squeeze %parallel_loop3A_1671 : memref<1x128x128xf32, #tpu.memory_space<vmem>> -> memref<128x128xf32, #tpu.memory_space<vmem>>
        %parallel_loop3A_1673 = tpu.vector_load_idx %parallel_loop3A_1672[%parallel_loop3A_1668, %parallel_loop3A_1652] : memref<128x128xf32, #tpu.memory_space<vmem>>[vector<16xi32>, vector<16xi32>], vector<16xf32>,
        %parallel_loop3A_1674 = arith.constant 1 : i32
        %parallel_loop3A_1675 = arith.index_cast %parallel_loop3A_1674 : i32 to index
        %parallel_loop3A_1676 = arith.index_cast %parallel_loop3A_1648 : i32 to index
        %parallel_loop3A_1677 = arith.constant 16 : index
        %parallel_loop3A_1678 = tpu.vector_load %arg7[%parallel_loop3A_1675, %parallel_loop3A_1676, %parallel_loop3A_1677] {strides = array<i32>} : memref<2x64x128xf32, #tpu.memory_space<vmem>>, vector<16xf32>,
        tpu.vector_store %arg7[%parallel_loop3A_1675, %parallel_loop3A_1676, %parallel_loop3A_1677], %parallel_loop3A_1673 {strides = array<i32>} : memref<2x64x128xf32, #tpu.memory_space<vmem>>, vector<16xf32>,
        %parallel_loop3A_1679 = arith.constant 32 : i32
        %parallel_loop3A_1680 = vector.broadcast %parallel_loop3A_1679 : i32 to vector<16xi32>
        %parallel_loop3A_1681 = arith.addi %iota3A, %parallel_loop3A_1680 : vector<16xi32>
        %parallel_loop3A_1682 = arith.constant 0 : i32
        %parallel_loop3A_1683 = arith.constant 0 : i32
        %parallel_loop3A_1684 = tpu.memref_slice %arg6[%parallel_loop3A_1458, %parallel_loop3A_1682, %parallel_loop3A_1683] : memref<4x128x128xf32, #tpu.memory_space<vmem>> -> memref<1x128x128xf32, #tpu.memory_space<vmem>>
        %parallel_loop3A_1685 = tpu.memref_squeeze %parallel_loop3A_1684 : memref<1x128x128xf32, #tpu.memory_space<vmem>> -> memref<128x128xf32, #tpu.memory_space<vmem>>
        %parallel_loop3A_1686 = tpu.vector_load_idx %parallel_loop3A_1685[%parallel_loop3A_1681, %parallel_loop3A_1652] : memref<128x128xf32, #tpu.memory_space<vmem>>[vector<16xi32>, vector<16xi32>], vector<16xf32>,
        %parallel_loop3A_1687 = arith.constant 1 : i32
        %parallel_loop3A_1688 = arith.index_cast %parallel_loop3A_1687 : i32 to index
        %parallel_loop3A_1689 = arith.index_cast %parallel_loop3A_1648 : i32 to index
        %parallel_loop3A_1690 = arith.constant 32 : index
        %parallel_loop3A_1691 = tpu.vector_load %arg7[%parallel_loop3A_1688, %parallel_loop3A_1689, %parallel_loop3A_1690] {strides = array<i32>} : memref<2x64x128xf32, #tpu.memory_space<vmem>>, vector<16xf32>,
        tpu.vector_store %arg7[%parallel_loop3A_1688, %parallel_loop3A_1689, %parallel_loop3A_1690], %parallel_loop3A_1686 {strides = array<i32>} : memref<2x64x128xf32, #tpu.memory_space<vmem>>, vector<16xf32>,
        %parallel_loop3A_1692 = arith.constant 48 : i32
        %parallel_loop3A_1693 = vector.broadcast %parallel_loop3A_1692 : i32 to vector<16xi32>
        %parallel_loop3A_1694 = arith.addi %iota3A, %parallel_loop3A_1693 : vector<16xi32>
        %parallel_loop3A_1695 = arith.constant 0 : i32
        %parallel_loop3A_1696 = arith.constant 0 : i32
        %parallel_loop3A_1697 = tpu.memref_slice %arg6[%parallel_loop3A_1458, %parallel_loop3A_1695, %parallel_loop3A_1696] : memref<4x128x128xf32, #tpu.memory_space<vmem>> -> memref<1x128x128xf32, #tpu.memory_space<vmem>>
        %parallel_loop3A_1698 = tpu.memref_squeeze %parallel_loop3A_1697 : memref<1x128x128xf32, #tpu.memory_space<vmem>> -> memref<128x128xf32, #tpu.memory_space<vmem>>
        %parallel_loop3A_1699 = tpu.vector_load_idx %parallel_loop3A_1698[%parallel_loop3A_1694, %parallel_loop3A_1652] : memref<128x128xf32, #tpu.memory_space<vmem>>[vector<16xi32>, vector<16xi32>], vector<16xf32>,
        %parallel_loop3A_1700 = arith.constant 1 : i32
        %parallel_loop3A_1701 = arith.index_cast %parallel_loop3A_1700 : i32 to index
        %parallel_loop3A_1702 = arith.index_cast %parallel_loop3A_1648 : i32 to index
        %parallel_loop3A_1703 = arith.constant 48 : index
        %parallel_loop3A_1704 = tpu.vector_load %arg7[%parallel_loop3A_1701, %parallel_loop3A_1702, %parallel_loop3A_1703] {strides = array<i32>} : memref<2x64x128xf32, #tpu.memory_space<vmem>>, vector<16xf32>,
        tpu.vector_store %arg7[%parallel_loop3A_1701, %parallel_loop3A_1702, %parallel_loop3A_1703], %parallel_loop3A_1699 {strides = array<i32>} : memref<2x64x128xf32, #tpu.memory_space<vmem>>, vector<16xf32>,
        %parallel_loop3A_1705 = arith.constant 64 : i32
        %parallel_loop3A_1706 = vector.broadcast %parallel_loop3A_1705 : i32 to vector<16xi32>
        %parallel_loop3A_1707 = arith.addi %iota3A, %parallel_loop3A_1706 : vector<16xi32>
        %parallel_loop3A_1708 = arith.constant 0 : i32
        %parallel_loop3A_1709 = arith.constant 0 : i32
        %parallel_loop3A_1710 = tpu.memref_slice %arg6[%parallel_loop3A_1458, %parallel_loop3A_1708, %parallel_loop3A_1709] : memref<4x128x128xf32, #tpu.memory_space<vmem>> -> memref<1x128x128xf32, #tpu.memory_space<vmem>>
        %parallel_loop3A_1711 = tpu.memref_squeeze %parallel_loop3A_1710 : memref<1x128x128xf32, #tpu.memory_space<vmem>> -> memref<128x128xf32, #tpu.memory_space<vmem>>
        %parallel_loop3A_1712 = tpu.vector_load_idx %parallel_loop3A_1711[%parallel_loop3A_1707, %parallel_loop3A_1652] : memref<128x128xf32, #tpu.memory_space<vmem>>[vector<16xi32>, vector<16xi32>], vector<16xf32>,
        %parallel_loop3A_1713 = arith.constant 1 : i32
        %parallel_loop3A_1714 = arith.index_cast %parallel_loop3A_1713 : i32 to index
        %parallel_loop3A_1715 = arith.index_cast %parallel_loop3A_1648 : i32 to index
        %parallel_loop3A_1716 = arith.constant 64 : index
        %parallel_loop3A_1717 = tpu.vector_load %arg7[%parallel_loop3A_1714, %parallel_loop3A_1715, %parallel_loop3A_1716] {strides = array<i32>} : memref<2x64x128xf32, #tpu.memory_space<vmem>>, vector<16xf32>,
        tpu.vector_store %arg7[%parallel_loop3A_1714, %parallel_loop3A_1715, %parallel_loop3A_1716], %parallel_loop3A_1712 {strides = array<i32>} : memref<2x64x128xf32, #tpu.memory_space<vmem>>, vector<16xf32>,
        %parallel_loop3A_1718 = arith.constant 80 : i32
        %parallel_loop3A_1719 = vector.broadcast %parallel_loop3A_1718 : i32 to vector<16xi32>
        %parallel_loop3A_1720 = arith.addi %iota3A, %parallel_loop3A_1719 : vector<16xi32>
        %parallel_loop3A_1721 = arith.constant 0 : i32
        %parallel_loop3A_1722 = arith.constant 0 : i32
        %parallel_loop3A_1723 = tpu.memref_slice %arg6[%parallel_loop3A_1458, %parallel_loop3A_1721, %parallel_loop3A_1722] : memref<4x128x128xf32, #tpu.memory_space<vmem>> -> memref<1x128x128xf32, #tpu.memory_space<vmem>>
        %parallel_loop3A_1724 = tpu.memref_squeeze %parallel_loop3A_1723 : memref<1x128x128xf32, #tpu.memory_space<vmem>> -> memref<128x128xf32, #tpu.memory_space<vmem>>
        %parallel_loop3A_1725 = tpu.vector_load_idx %parallel_loop3A_1724[%parallel_loop3A_1720, %parallel_loop3A_1652] : memref<128x128xf32, #tpu.memory_space<vmem>>[vector<16xi32>, vector<16xi32>], vector<16xf32>,
        %parallel_loop3A_1726 = arith.constant 1 : i32
        %parallel_loop3A_1727 = arith.index_cast %parallel_loop3A_1726 : i32 to index
        %parallel_loop3A_1728 = arith.index_cast %parallel_loop3A_1648 : i32 to index
        %parallel_loop3A_1729 = arith.constant 80 : index
        %parallel_loop3A_1730 = tpu.vector_load %arg7[%parallel_loop3A_1727, %parallel_loop3A_1728, %parallel_loop3A_1729] {strides = array<i32>} : memref<2x64x128xf32, #tpu.memory_space<vmem>>, vector<16xf32>,
        tpu.vector_store %arg7[%parallel_loop3A_1727, %parallel_loop3A_1728, %parallel_loop3A_1729], %parallel_loop3A_1725 {strides = array<i32>} : memref<2x64x128xf32, #tpu.memory_space<vmem>>, vector<16xf32>,
        %parallel_loop3A_1731 = arith.constant 96 : i32
        %parallel_loop3A_1732 = vector.broadcast %parallel_loop3A_1731 : i32 to vector<16xi32>
        %parallel_loop3A_1733 = arith.addi %iota3A, %parallel_loop3A_1732 : vector<16xi32>
        %parallel_loop3A_1734 = arith.constant 0 : i32
        %parallel_loop3A_1735 = arith.constant 0 : i32
        %parallel_loop3A_1736 = tpu.memref_slice %arg6[%parallel_loop3A_1458, %parallel_loop3A_1734, %parallel_loop3A_1735] : memref<4x128x128xf32, #tpu.memory_space<vmem>> -> memref<1x128x128xf32, #tpu.memory_space<vmem>>
        %parallel_loop3A_1737 = tpu.memref_squeeze %parallel_loop3A_1736 : memref<1x128x128xf32, #tpu.memory_space<vmem>> -> memref<128x128xf32, #tpu.memory_space<vmem>>
        %parallel_loop3A_1738 = tpu.vector_load_idx %parallel_loop3A_1737[%parallel_loop3A_1733, %parallel_loop3A_1652] : memref<128x128xf32, #tpu.memory_space<vmem>>[vector<16xi32>, vector<16xi32>], vector<16xf32>,
        %parallel_loop3A_1739 = arith.constant 1 : i32
        %parallel_loop3A_1740 = arith.index_cast %parallel_loop3A_1739 : i32 to index
        %parallel_loop3A_1741 = arith.index_cast %parallel_loop3A_1648 : i32 to index
        %parallel_loop3A_1742 = arith.constant 96 : index
        %parallel_loop3A_1743 = tpu.vector_load %arg7[%parallel_loop3A_1740, %parallel_loop3A_1741, %parallel_loop3A_1742] {strides = array<i32>} : memref<2x64x128xf32, #tpu.memory_space<vmem>>, vector<16xf32>,
        tpu.vector_store %arg7[%parallel_loop3A_1740, %parallel_loop3A_1741, %parallel_loop3A_1742], %parallel_loop3A_1738 {strides = array<i32>} : memref<2x64x128xf32, #tpu.memory_space<vmem>>, vector<16xf32>,
        %parallel_loop3A_1744 = arith.constant 112 : i32
        %parallel_loop3A_1745 = vector.broadcast %parallel_loop3A_1744 : i32 to vector<16xi32>
        %parallel_loop3A_1746 = arith.addi %iota3A, %parallel_loop3A_1745 : vector<16xi32>
        %parallel_loop3A_1747 = arith.constant 0 : i32
        %parallel_loop3A_1748 = arith.constant 0 : i32
        %parallel_loop3A_1749 = tpu.memref_slice %arg6[%parallel_loop3A_1458, %parallel_loop3A_1747, %parallel_loop3A_1748] : memref<4x128x128xf32, #tpu.memory_space<vmem>> -> memref<1x128x128xf32, #tpu.memory_space<vmem>>
        %parallel_loop3A_1750 = tpu.memref_squeeze %parallel_loop3A_1749 : memref<1x128x128xf32, #tpu.memory_space<vmem>> -> memref<128x128xf32, #tpu.memory_space<vmem>>
        %parallel_loop3A_1751 = tpu.vector_load_idx %parallel_loop3A_1750[%parallel_loop3A_1746, %parallel_loop3A_1652] : memref<128x128xf32, #tpu.memory_space<vmem>>[vector<16xi32>, vector<16xi32>], vector<16xf32>,
        %parallel_loop3A_1752 = arith.constant 1 : i32
        %parallel_loop3A_1753 = arith.index_cast %parallel_loop3A_1752 : i32 to index
        %parallel_loop3A_1754 = arith.index_cast %parallel_loop3A_1648 : i32 to index
        %parallel_loop3A_1755 = arith.constant 112 : index
        %parallel_loop3A_1756 = tpu.vector_load %arg7[%parallel_loop3A_1753, %parallel_loop3A_1754, %parallel_loop3A_1755] {strides = array<i32>} : memref<2x64x128xf32, #tpu.memory_space<vmem>>, vector<16xf32>,
        tpu.vector_store %arg7[%parallel_loop3A_1753, %parallel_loop3A_1754, %parallel_loop3A_1755], %parallel_loop3A_1751 {strides = array<i32>} : memref<2x64x128xf32, #tpu.memory_space<vmem>>, vector<16xf32>,
      } {sc.loop_unroll_factor = 8 : i64, sc.parallel_access}
      %add3A_1459 = arith.constant 3 : i32
      %add3A_1460 = arith.addi %mul3A_2, %add3A_1459 : i32
      %dma_start3A_1461 = arith.constant 1 : i32
      %dma_start3A_1462 = arith.constant 0 : i32
      %dma_start3A_1463 = arith.constant 1 : i32
      %dma_start3A_1464 = arith.constant 0 : i32
      %dma_start3A_1465 = arith.constant 0 : i32
      %dma_start3A_1466 = tpu.memref_slice %arg7[%dma_start3A_1461, %dma_start3A_1464, %dma_start3A_1465] : memref<2x64x128xf32, #tpu.memory_space<vmem>> -> memref<1x8x128xf32, #tpu.memory_space<vmem>>
      %dma_start3A_1467 = tpu.memref_squeeze %dma_start3A_1466 : memref<1x8x128xf32, #tpu.memory_space<vmem>> -> memref<8x128xf32, #tpu.memory_space<vmem>>
      %dma_start3A_1468 = arith.constant 0 : i32
      %dma_start3A_1469 = arith.constant 0 : i32
      %dma_start3A_1470 = tpu.memref_slice %arg4[%scan3A_438, %dma_start3A_1462, %add3A_1460, %dma_start3A_1468, %dma_start3A_1469] : memref<50x8x128x8x128xf32, #tpu.memory_space<hbm>> -> memref<1x1x1x8x128xf32, #tpu.memory_space<hbm>>
      %dma_start3A_1471 = tpu.memref_squeeze %dma_start3A_1470 : memref<1x1x1x8x128xf32, #tpu.memory_space<hbm>> -> memref<8x128xf32, #tpu.memory_space<hbm>>
      %dma_start3A_1472 = tpu.memref_slice %arg9[%dma_start3A_1463] : memref<2x!tpu.dma_semaphore, #tpu.memory_space<semaphore_mem>> -> memref<1x!tpu.dma_semaphore, #tpu.memory_space<semaphore_mem>>
      %dma_start3A_1473 = tpu.memref_squeeze %dma_start3A_1472 : memref<1x!tpu.dma_semaphore, #tpu.memory_space<semaphore_mem>> -> memref<!tpu.dma_semaphore, #tpu.memory_space<semaphore_mem>>
      %dma_start3A_1474 = arith.constant 0 : i32
      %dma_start3A_1475 = arith.constant 0 : i32
      %dma_start3A_1476 = tpu.memref_slice %arg4[%scan3A_438, %dma_start3A_1462, %add3A_1460, %dma_start3A_1474, %dma_start3A_1475] : memref<50x8x128x8x128xf32, #tpu.memory_space<hbm>> -> memref<1x1x1x8x128xf32, #tpu.memory_space<hbm>>
      %dma_start3A_1477 = tpu.memref_squeeze %dma_start3A_1476 : memref<1x1x1x8x128xf32, #tpu.memory_space<hbm>> -> memref<8x128xf32, #tpu.memory_space<hbm>>
      %dma_start3A_1478 = arith.constant 0 : i32
      %dma_start3A_1479 = arith.constant 0 : i32
      %dma_start3A_1480 = tpu.memref_slice %arg7[%dma_start3A_1461, %dma_start3A_1478, %dma_start3A_1479] : memref<2x64x128xf32, #tpu.memory_space<vmem>> -> memref<1x8x128xf32, #tpu.memory_space<vmem>>
      %dma_start3A_1481 = tpu.memref_squeeze %dma_start3A_1480 : memref<1x8x128xf32, #tpu.memory_space<vmem>> -> memref<8x128xf32, #tpu.memory_space<vmem>>
      tpu.enqueue_dma source(%dma_start3A_1481 : memref<8x128xf32, #tpu.memory_space<vmem>>) target(%dma_start3A_1477 : memref<8x128xf32, #tpu.memory_space<hbm>>) target_semaphore(%dma_start3A_1473 : memref<!tpu.dma_semaphore, #tpu.memory_space<semaphore_mem>>)
      %add3A_1482 = arith.constant 3 : i32
      %add3A_1483 = arith.addi %mul3A_2, %add3A_1482 : i32
      %dma_start3A_1484 = arith.constant 1 : i32
      %dma_start3A_1485 = arith.constant 1 : i32
      %dma_start3A_1486 = arith.constant 1 : i32
      %dma_start3A_1487 = arith.constant 8 : i32
      %dma_start3A_1488 = arith.constant 0 : i32
      %dma_start3A_1489 = tpu.memref_slice %arg7[%dma_start3A_1484, %dma_start3A_1487, %dma_start3A_1488] : memref<2x64x128xf32, #tpu.memory_space<vmem>> -> memref<1x8x128xf32, #tpu.memory_space<vmem>>
      %dma_start3A_1490 = tpu.memref_squeeze %dma_start3A_1489 : memref<1x8x128xf32, #tpu.memory_space<vmem>> -> memref<8x128xf32, #tpu.memory_space<vmem>>
      %dma_start3A_1491 = arith.constant 0 : i32
      %dma_start3A_1492 = arith.constant 0 : i32
      %dma_start3A_1493 = tpu.memref_slice %arg4[%scan3A_438, %dma_start3A_1485, %add3A_1483, %dma_start3A_1491, %dma_start3A_1492] : memref<50x8x128x8x128xf32, #tpu.memory_space<hbm>> -> memref<1x1x1x8x128xf32, #tpu.memory_space<hbm>>
      %dma_start3A_1494 = tpu.memref_squeeze %dma_start3A_1493 : memref<1x1x1x8x128xf32, #tpu.memory_space<hbm>> -> memref<8x128xf32, #tpu.memory_space<hbm>>
      %dma_start3A_1495 = tpu.memref_slice %arg9[%dma_start3A_1486] : memref<2x!tpu.dma_semaphore, #tpu.memory_space<semaphore_mem>> -> memref<1x!tpu.dma_semaphore, #tpu.memory_space<semaphore_mem>>
      %dma_start3A_1496 = tpu.memref_squeeze %dma_start3A_1495 : memref<1x!tpu.dma_semaphore, #tpu.memory_space<semaphore_mem>> -> memref<!tpu.dma_semaphore, #tpu.memory_space<semaphore_mem>>
      %dma_start3A_1497 = arith.constant 0 : i32
      %dma_start3A_1498 = arith.constant 0 : i32
      %dma_start3A_1499 = tpu.memref_slice %arg4[%scan3A_438, %dma_start3A_1485, %add3A_1483, %dma_start3A_1497, %dma_start3A_1498] : memref<50x8x128x8x128xf32, #tpu.memory_space<hbm>> -> memref<1x1x1x8x128xf32, #tpu.memory_space<hbm>>
      %dma_start3A_1500 = tpu.memref_squeeze %dma_start3A_1499 : memref<1x1x1x8x128xf32, #tpu.memory_space<hbm>> -> memref<8x128xf32, #tpu.memory_space<hbm>>
      %dma_start3A_1501 = arith.constant 8 : i32
      %dma_start3A_1502 = arith.constant 0 : i32
      %dma_start3A_1503 = tpu.memref_slice %arg7[%dma_start3A_1484, %dma_start3A_1501, %dma_start3A_1502] : memref<2x64x128xf32, #tpu.memory_space<vmem>> -> memref<1x8x128xf32, #tpu.memory_space<vmem>>
      %dma_start3A_1504 = tpu.memref_squeeze %dma_start3A_1503 : memref<1x8x128xf32, #tpu.memory_space<vmem>> -> memref<8x128xf32, #tpu.memory_space<vmem>>
      tpu.enqueue_dma source(%dma_start3A_1504 : memref<8x128xf32, #tpu.memory_space<vmem>>) target(%dma_start3A_1500 : memref<8x128xf32, #tpu.memory_space<hbm>>) target_semaphore(%dma_start3A_1496 : memref<!tpu.dma_semaphore, #tpu.memory_space<semaphore_mem>>)
      %add3A_1505 = arith.constant 3 : i32
      %add3A_1506 = arith.addi %mul3A_2, %add3A_1505 : i32
      %dma_start3A_1507 = arith.constant 1 : i32
      %dma_start3A_1508 = arith.constant 2 : i32
      %dma_start3A_1509 = arith.constant 1 : i32
      %dma_start3A_1510 = arith.constant 16 : i32
      %dma_start3A_1511 = arith.constant 0 : i32
      %dma_start3A_1512 = tpu.memref_slice %arg7[%dma_start3A_1507, %dma_start3A_1510, %dma_start3A_1511] : memref<2x64x128xf32, #tpu.memory_space<vmem>> -> memref<1x8x128xf32, #tpu.memory_space<vmem>>
      %dma_start3A_1513 = tpu.memref_squeeze %dma_start3A_1512 : memref<1x8x128xf32, #tpu.memory_space<vmem>> -> memref<8x128xf32, #tpu.memory_space<vmem>>
      %dma_start3A_1514 = arith.constant 0 : i32
      %dma_start3A_1515 = arith.constant 0 : i32
      %dma_start3A_1516 = tpu.memref_slice %arg4[%scan3A_438, %dma_start3A_1508, %add3A_1506, %dma_start3A_1514, %dma_start3A_1515] : memref<50x8x128x8x128xf32, #tpu.memory_space<hbm>> -> memref<1x1x1x8x128xf32, #tpu.memory_space<hbm>>
      %dma_start3A_1517 = tpu.memref_squeeze %dma_start3A_1516 : memref<1x1x1x8x128xf32, #tpu.memory_space<hbm>> -> memref<8x128xf32, #tpu.memory_space<hbm>>
      %dma_start3A_1518 = tpu.memref_slice %arg9[%dma_start3A_1509] : memref<2x!tpu.dma_semaphore, #tpu.memory_space<semaphore_mem>> -> memref<1x!tpu.dma_semaphore, #tpu.memory_space<semaphore_mem>>
      %dma_start3A_1519 = tpu.memref_squeeze %dma_start3A_1518 : memref<1x!tpu.dma_semaphore, #tpu.memory_space<semaphore_mem>> -> memref<!tpu.dma_semaphore, #tpu.memory_space<semaphore_mem>>
      %dma_start3A_1520 = arith.constant 0 : i32
      %dma_start3A_1521 = arith.constant 0 : i32
      %dma_start3A_1522 = tpu.memref_slice %arg4[%scan3A_438, %dma_start3A_1508, %add3A_1506, %dma_start3A_1520, %dma_start3A_1521] : memref<50x8x128x8x128xf32, #tpu.memory_space<hbm>> -> memref<1x1x1x8x128xf32, #tpu.memory_space<hbm>>
      %dma_start3A_1523 = tpu.memref_squeeze %dma_start3A_1522 : memref<1x1x1x8x128xf32, #tpu.memory_space<hbm>> -> memref<8x128xf32, #tpu.memory_space<hbm>>
      %dma_start3A_1524 = arith.constant 16 : i32
      %dma_start3A_1525 = arith.constant 0 : i32
      %dma_start3A_1526 = tpu.memref_slice %arg7[%dma_start3A_1507, %dma_start3A_1524, %dma_start3A_1525] : memref<2x64x128xf32, #tpu.memory_space<vmem>> -> memref<1x8x128xf32, #tpu.memory_space<vmem>>
      %dma_start3A_1527 = tpu.memref_squeeze %dma_start3A_1526 : memref<1x8x128xf32, #tpu.memory_space<vmem>> -> memref<8x128xf32, #tpu.memory_space<vmem>>
      tpu.enqueue_dma source(%dma_start3A_1527 : memref<8x128xf32, #tpu.memory_space<vmem>>) target(%dma_start3A_1523 : memref<8x128xf32, #tpu.memory_space<hbm>>) target_semaphore(%dma_start3A_1519 : memref<!tpu.dma_semaphore, #tpu.memory_space<semaphore_mem>>)
      %add3A_1528 = arith.constant 3 : i32
      %add3A_1529 = arith.addi %mul3A_2, %add3A_1528 : i32
      %dma_start3A_1530 = arith.constant 1 : i32
      %dma_start3A_1531 = arith.constant 3 : i32
      %dma_start3A_1532 = arith.constant 1 : i32
      %dma_start3A_1533 = arith.constant 24 : i32
      %dma_start3A_1534 = arith.constant 0 : i32
      %dma_start3A_1535 = tpu.memref_slice %arg7[%dma_start3A_1530, %dma_start3A_1533, %dma_start3A_1534] : memref<2x64x128xf32, #tpu.memory_space<vmem>> -> memref<1x8x128xf32, #tpu.memory_space<vmem>>
      %dma_start3A_1536 = tpu.memref_squeeze %dma_start3A_1535 : memref<1x8x128xf32, #tpu.memory_space<vmem>> -> memref<8x128xf32, #tpu.memory_space<vmem>>
      %dma_start3A_1537 = arith.constant 0 : i32
      %dma_start3A_1538 = arith.constant 0 : i32
      %dma_start3A_1539 = tpu.memref_slice %arg4[%scan3A_438, %dma_start3A_1531, %add3A_1529, %dma_start3A_1537, %dma_start3A_1538] : memref<50x8x128x8x128xf32, #tpu.memory_space<hbm>> -> memref<1x1x1x8x128xf32, #tpu.memory_space<hbm>>
      %dma_start3A_1540 = tpu.memref_squeeze %dma_start3A_1539 : memref<1x1x1x8x128xf32, #tpu.memory_space<hbm>> -> memref<8x128xf32, #tpu.memory_space<hbm>>
      %dma_start3A_1541 = tpu.memref_slice %arg9[%dma_start3A_1532] : memref<2x!tpu.dma_semaphore, #tpu.memory_space<semaphore_mem>> -> memref<1x!tpu.dma_semaphore, #tpu.memory_space<semaphore_mem>>
      %dma_start3A_1542 = tpu.memref_squeeze %dma_start3A_1541 : memref<1x!tpu.dma_semaphore, #tpu.memory_space<semaphore_mem>> -> memref<!tpu.dma_semaphore, #tpu.memory_space<semaphore_mem>>
      %dma_start3A_1543 = arith.constant 0 : i32
      %dma_start3A_1544 = arith.constant 0 : i32
      %dma_start3A_1545 = tpu.memref_slice %arg4[%scan3A_438, %dma_start3A_1531, %add3A_1529, %dma_start3A_1543, %dma_start3A_1544] : memref<50x8x128x8x128xf32, #tpu.memory_space<hbm>> -> memref<1x1x1x8x128xf32, #tpu.memory_space<hbm>>
      %dma_start3A_1546 = tpu.memref_squeeze %dma_start3A_1545 : memref<1x1x1x8x128xf32, #tpu.memory_space<hbm>> -> memref<8x128xf32, #tpu.memory_space<hbm>>
      %dma_start3A_1547 = arith.constant 24 : i32
      %dma_start3A_1548 = arith.constant 0 : i32
      %dma_start3A_1549 = tpu.memref_slice %arg7[%dma_start3A_1530, %dma_start3A_1547, %dma_start3A_1548] : memref<2x64x128xf32, #tpu.memory_space<vmem>> -> memref<1x8x128xf32, #tpu.memory_space<vmem>>
      %dma_start3A_1550 = tpu.memref_squeeze %dma_start3A_1549 : memref<1x8x128xf32, #tpu.memory_space<vmem>> -> memref<8x128xf32, #tpu.memory_space<vmem>>
      tpu.enqueue_dma source(%dma_start3A_1550 : memref<8x128xf32, #tpu.memory_space<vmem>>) target(%dma_start3A_1546 : memref<8x128xf32, #tpu.memory_space<hbm>>) target_semaphore(%dma_start3A_1542 : memref<!tpu.dma_semaphore, #tpu.memory_space<semaphore_mem>>)
      %add3A_1551 = arith.constant 3 : i32
      %add3A_1552 = arith.addi %mul3A_2, %add3A_1551 : i32
      %dma_start3A_1553 = arith.constant 1 : i32
      %dma_start3A_1554 = arith.constant 4 : i32
      %dma_start3A_1555 = arith.constant 1 : i32
      %dma_start3A_1556 = arith.constant 32 : i32
      %dma_start3A_1557 = arith.constant 0 : i32
      %dma_start3A_1558 = tpu.memref_slice %arg7[%dma_start3A_1553, %dma_start3A_1556, %dma_start3A_1557] : memref<2x64x128xf32, #tpu.memory_space<vmem>> -> memref<1x8x128xf32, #tpu.memory_space<vmem>>
      %dma_start3A_1559 = tpu.memref_squeeze %dma_start3A_1558 : memref<1x8x128xf32, #tpu.memory_space<vmem>> -> memref<8x128xf32, #tpu.memory_space<vmem>>
      %dma_start3A_1560 = arith.constant 0 : i32
      %dma_start3A_1561 = arith.constant 0 : i32
      %dma_start3A_1562 = tpu.memref_slice %arg4[%scan3A_438, %dma_start3A_1554, %add3A_1552, %dma_start3A_1560, %dma_start3A_1561] : memref<50x8x128x8x128xf32, #tpu.memory_space<hbm>> -> memref<1x1x1x8x128xf32, #tpu.memory_space<hbm>>
      %dma_start3A_1563 = tpu.memref_squeeze %dma_start3A_1562 : memref<1x1x1x8x128xf32, #tpu.memory_space<hbm>> -> memref<8x128xf32, #tpu.memory_space<hbm>>
      %dma_start3A_1564 = tpu.memref_slice %arg9[%dma_start3A_1555] : memref<2x!tpu.dma_semaphore, #tpu.memory_space<semaphore_mem>> -> memref<1x!tpu.dma_semaphore, #tpu.memory_space<semaphore_mem>>
      %dma_start3A_1565 = tpu.memref_squeeze %dma_start3A_1564 : memref<1x!tpu.dma_semaphore, #tpu.memory_space<semaphore_mem>> -> memref<!tpu.dma_semaphore, #tpu.memory_space<semaphore_mem>>
      %dma_start3A_1566 = arith.constant 0 : i32
      %dma_start3A_1567 = arith.constant 0 : i32
      %dma_start3A_1568 = tpu.memref_slice %arg4[%scan3A_438, %dma_start3A_1554, %add3A_1552, %dma_start3A_1566, %dma_start3A_1567] : memref<50x8x128x8x128xf32, #tpu.memory_space<hbm>> -> memref<1x1x1x8x128xf32, #tpu.memory_space<hbm>>
      %dma_start3A_1569 = tpu.memref_squeeze %dma_start3A_1568 : memref<1x1x1x8x128xf32, #tpu.memory_space<hbm>> -> memref<8x128xf32, #tpu.memory_space<hbm>>
      %dma_start3A_1570 = arith.constant 32 : i32
      %dma_start3A_1571 = arith.constant 0 : i32
      %dma_start3A_1572 = tpu.memref_slice %arg7[%dma_start3A_1553, %dma_start3A_1570, %dma_start3A_1571] : memref<2x64x128xf32, #tpu.memory_space<vmem>> -> memref<1x8x128xf32, #tpu.memory_space<vmem>>
      %dma_start3A_1573 = tpu.memref_squeeze %dma_start3A_1572 : memref<1x8x128xf32, #tpu.memory_space<vmem>> -> memref<8x128xf32, #tpu.memory_space<vmem>>
      tpu.enqueue_dma source(%dma_start3A_1573 : memref<8x128xf32, #tpu.memory_space<vmem>>) target(%dma_start3A_1569 : memref<8x128xf32, #tpu.memory_space<hbm>>) target_semaphore(%dma_start3A_1565 : memref<!tpu.dma_semaphore, #tpu.memory_space<semaphore_mem>>)
      %add3A_1574 = arith.constant 3 : i32
      %add3A_1575 = arith.addi %mul3A_2, %add3A_1574 : i32
      %dma_start3A_1576 = arith.constant 1 : i32
      %dma_start3A_1577 = arith.constant 5 : i32
      %dma_start3A_1578 = arith.constant 1 : i32
      %dma_start3A_1579 = arith.constant 40 : i32
      %dma_start3A_1580 = arith.constant 0 : i32
      %dma_start3A_1581 = tpu.memref_slice %arg7[%dma_start3A_1576, %dma_start3A_1579, %dma_start3A_1580] : memref<2x64x128xf32, #tpu.memory_space<vmem>> -> memref<1x8x128xf32, #tpu.memory_space<vmem>>
      %dma_start3A_1582 = tpu.memref_squeeze %dma_start3A_1581 : memref<1x8x128xf32, #tpu.memory_space<vmem>> -> memref<8x128xf32, #tpu.memory_space<vmem>>
      %dma_start3A_1583 = arith.constant 0 : i32
      %dma_start3A_1584 = arith.constant 0 : i32
      %dma_start3A_1585 = tpu.memref_slice %arg4[%scan3A_438, %dma_start3A_1577, %add3A_1575, %dma_start3A_1583, %dma_start3A_1584] : memref<50x8x128x8x128xf32, #tpu.memory_space<hbm>> -> memref<1x1x1x8x128xf32, #tpu.memory_space<hbm>>
      %dma_start3A_1586 = tpu.memref_squeeze %dma_start3A_1585 : memref<1x1x1x8x128xf32, #tpu.memory_space<hbm>> -> memref<8x128xf32, #tpu.memory_space<hbm>>
      %dma_start3A_1587 = tpu.memref_slice %arg9[%dma_start3A_1578] : memref<2x!tpu.dma_semaphore, #tpu.memory_space<semaphore_mem>> -> memref<1x!tpu.dma_semaphore, #tpu.memory_space<semaphore_mem>>
      %dma_start3A_1588 = tpu.memref_squeeze %dma_start3A_1587 : memref<1x!tpu.dma_semaphore, #tpu.memory_space<semaphore_mem>> -> memref<!tpu.dma_semaphore, #tpu.memory_space<semaphore_mem>>
      %dma_start3A_1589 = arith.constant 0 : i32
      %dma_start3A_1590 = arith.constant 0 : i32
      %dma_start3A_1591 = tpu.memref_slice %arg4[%scan3A_438, %dma_start3A_1577, %add3A_1575, %dma_start3A_1589, %dma_start3A_1590] : memref<50x8x128x8x128xf32, #tpu.memory_space<hbm>> -> memref<1x1x1x8x128xf32, #tpu.memory_space<hbm>>
      %dma_start3A_1592 = tpu.memref_squeeze %dma_start3A_1591 : memref<1x1x1x8x128xf32, #tpu.memory_space<hbm>> -> memref<8x128xf32, #tpu.memory_space<hbm>>
      %dma_start3A_1593 = arith.constant 40 : i32
      %dma_start3A_1594 = arith.constant 0 : i32
      %dma_start3A_1595 = tpu.memref_slice %arg7[%dma_start3A_1576, %dma_start3A_1593, %dma_start3A_1594] : memref<2x64x128xf32, #tpu.memory_space<vmem>> -> memref<1x8x128xf32, #tpu.memory_space<vmem>>
      %dma_start3A_1596 = tpu.memref_squeeze %dma_start3A_1595 : memref<1x8x128xf32, #tpu.memory_space<vmem>> -> memref<8x128xf32, #tpu.memory_space<vmem>>
      tpu.enqueue_dma source(%dma_start3A_1596 : memref<8x128xf32, #tpu.memory_space<vmem>>) target(%dma_start3A_1592 : memref<8x128xf32, #tpu.memory_space<hbm>>) target_semaphore(%dma_start3A_1588 : memref<!tpu.dma_semaphore, #tpu.memory_space<semaphore_mem>>)
      %add3A_1597 = arith.constant 3 : i32
      %add3A_1598 = arith.addi %mul3A_2, %add3A_1597 : i32
      %dma_start3A_1599 = arith.constant 1 : i32
      %dma_start3A_1600 = arith.constant 6 : i32
      %dma_start3A_1601 = arith.constant 1 : i32
      %dma_start3A_1602 = arith.constant 48 : i32
      %dma_start3A_1603 = arith.constant 0 : i32
      %dma_start3A_1604 = tpu.memref_slice %arg7[%dma_start3A_1599, %dma_start3A_1602, %dma_start3A_1603] : memref<2x64x128xf32, #tpu.memory_space<vmem>> -> memref<1x8x128xf32, #tpu.memory_space<vmem>>
      %dma_start3A_1605 = tpu.memref_squeeze %dma_start3A_1604 : memref<1x8x128xf32, #tpu.memory_space<vmem>> -> memref<8x128xf32, #tpu.memory_space<vmem>>
      %dma_start3A_1606 = arith.constant 0 : i32
      %dma_start3A_1607 = arith.constant 0 : i32
      %dma_start3A_1608 = tpu.memref_slice %arg4[%scan3A_438, %dma_start3A_1600, %add3A_1598, %dma_start3A_1606, %dma_start3A_1607] : memref<50x8x128x8x128xf32, #tpu.memory_space<hbm>> -> memref<1x1x1x8x128xf32, #tpu.memory_space<hbm>>
      %dma_start3A_1609 = tpu.memref_squeeze %dma_start3A_1608 : memref<1x1x1x8x128xf32, #tpu.memory_space<hbm>> -> memref<8x128xf32, #tpu.memory_space<hbm>>
      %dma_start3A_1610 = tpu.memref_slice %arg9[%dma_start3A_1601] : memref<2x!tpu.dma_semaphore, #tpu.memory_space<semaphore_mem>> -> memref<1x!tpu.dma_semaphore, #tpu.memory_space<semaphore_mem>>
      %dma_start3A_1611 = tpu.memref_squeeze %dma_start3A_1610 : memref<1x!tpu.dma_semaphore, #tpu.memory_space<semaphore_mem>> -> memref<!tpu.dma_semaphore, #tpu.memory_space<semaphore_mem>>
      %dma_start3A_1612 = arith.constant 0 : i32
      %dma_start3A_1613 = arith.constant 0 : i32
      %dma_start3A_1614 = tpu.memref_slice %arg4[%scan3A_438, %dma_start3A_1600, %add3A_1598, %dma_start3A_1612, %dma_start3A_1613] : memref<50x8x128x8x128xf32, #tpu.memory_space<hbm>> -> memref<1x1x1x8x128xf32, #tpu.memory_space<hbm>>
      %dma_start3A_1615 = tpu.memref_squeeze %dma_start3A_1614 : memref<1x1x1x8x128xf32, #tpu.memory_space<hbm>> -> memref<8x128xf32, #tpu.memory_space<hbm>>
      %dma_start3A_1616 = arith.constant 48 : i32
      %dma_start3A_1617 = arith.constant 0 : i32
      %dma_start3A_1618 = tpu.memref_slice %arg7[%dma_start3A_1599, %dma_start3A_1616, %dma_start3A_1617] : memref<2x64x128xf32, #tpu.memory_space<vmem>> -> memref<1x8x128xf32, #tpu.memory_space<vmem>>
      %dma_start3A_1619 = tpu.memref_squeeze %dma_start3A_1618 : memref<1x8x128xf32, #tpu.memory_space<vmem>> -> memref<8x128xf32, #tpu.memory_space<vmem>>
      tpu.enqueue_dma source(%dma_start3A_1619 : memref<8x128xf32, #tpu.memory_space<vmem>>) target(%dma_start3A_1615 : memref<8x128xf32, #tpu.memory_space<hbm>>) target_semaphore(%dma_start3A_1611 : memref<!tpu.dma_semaphore, #tpu.memory_space<semaphore_mem>>)
      %add3A_1620 = arith.constant 3 : i32
      %add3A_1621 = arith.addi %mul3A_2, %add3A_1620 : i32
      %dma_start3A_1622 = arith.constant 1 : i32
      %dma_start3A_1623 = arith.constant 7 : i32
      %dma_start3A_1624 = arith.constant 1 : i32
      %dma_start3A_1625 = arith.constant 56 : i32
      %dma_start3A_1626 = arith.constant 0 : i32
      %dma_start3A_1627 = tpu.memref_slice %arg7[%dma_start3A_1622, %dma_start3A_1625, %dma_start3A_1626] : memref<2x64x128xf32, #tpu.memory_space<vmem>> -> memref<1x8x128xf32, #tpu.memory_space<vmem>>
      %dma_start3A_1628 = tpu.memref_squeeze %dma_start3A_1627 : memref<1x8x128xf32, #tpu.memory_space<vmem>> -> memref<8x128xf32, #tpu.memory_space<vmem>>
      %dma_start3A_1629 = arith.constant 0 : i32
      %dma_start3A_1630 = arith.constant 0 : i32
      %dma_start3A_1631 = tpu.memref_slice %arg4[%scan3A_438, %dma_start3A_1623, %add3A_1621, %dma_start3A_1629, %dma_start3A_1630] : memref<50x8x128x8x128xf32, #tpu.memory_space<hbm>> -> memref<1x1x1x8x128xf32, #tpu.memory_space<hbm>>
      %dma_start3A_1632 = tpu.memref_squeeze %dma_start3A_1631 : memref<1x1x1x8x128xf32, #tpu.memory_space<hbm>> -> memref<8x128xf32, #tpu.memory_space<hbm>>
      %dma_start3A_1633 = tpu.memref_slice %arg9[%dma_start3A_1624] : memref<2x!tpu.dma_semaphore, #tpu.memory_space<semaphore_mem>> -> memref<1x!tpu.dma_semaphore, #tpu.memory_space<semaphore_mem>>
      %dma_start3A_1634 = tpu.memref_squeeze %dma_start3A_1633 : memref<1x!tpu.dma_semaphore, #tpu.memory_space<semaphore_mem>> -> memref<!tpu.dma_semaphore, #tpu.memory_space<semaphore_mem>>
      %dma_start3A_1635 = arith.constant 0 : i32
      %dma_start3A_1636 = arith.constant 0 : i32
      %dma_start3A_1637 = tpu.memref_slice %arg4[%scan3A_438, %dma_start3A_1623, %add3A_1621, %dma_start3A_1635, %dma_start3A_1636] : memref<50x8x128x8x128xf32, #tpu.memory_space<hbm>> -> memref<1x1x1x8x128xf32, #tpu.memory_space<hbm>>
      %dma_start3A_1638 = tpu.memref_squeeze %dma_start3A_1637 : memref<1x1x1x8x128xf32, #tpu.memory_space<hbm>> -> memref<8x128xf32, #tpu.memory_space<hbm>>
      %dma_start3A_1639 = arith.constant 56 : i32
      %dma_start3A_1640 = arith.constant 0 : i32
      %dma_start3A_1641 = tpu.memref_slice %arg7[%dma_start3A_1622, %dma_start3A_1639, %dma_start3A_1640] : memref<2x64x128xf32, #tpu.memory_space<vmem>> -> memref<1x8x128xf32, #tpu.memory_space<vmem>>
      %dma_start3A_1642 = tpu.memref_squeeze %dma_start3A_1641 : memref<1x8x128xf32, #tpu.memory_space<vmem>> -> memref<8x128xf32, #tpu.memory_space<vmem>>
      tpu.enqueue_dma source(%dma_start3A_1642 : memref<8x128xf32, #tpu.memory_space<vmem>>) target(%dma_start3A_1638 : memref<8x128xf32, #tpu.memory_space<hbm>>) target_semaphore(%dma_start3A_1634 : memref<!tpu.dma_semaphore, #tpu.memory_space<semaphore_mem>>)
      %lt3A_1643 = arith.constant 49 : i32
      %lt3A_1644 = arith.cmpi slt, %scan3A_438, %lt3A_1643 : i32
      %convert_element_type3A_1645 = arith.extui %lt3A_1644 : i1 to i32
      %cond3A_1646 = arith.constant 0 : i32
      %cond3A_1647 = arith.cmpi ne, %convert_element_type3A_1645, %cond3A_1646 : i32
      scf.if %cond3A_1647 {
        %add3A_1648 = arith.constant 1 : i32
        %add3A_1649 = arith.addi %scan3A_438, %add3A_1648 : i32
        %dma_start3A_1650 = arith.constant 3 : i32
        %dma_start3A_1651 = arith.constant 3 : i32
        %dma_start3A_1652 = arith.constant 3 : i32
        %dma_start3A_1653 = arith.constant 0 : i32
        %dma_start3A_1654 = arith.constant 0 : i32
        %dma_start3A_1655 = tpu.memref_slice %arg6[%dma_start3A_1651, %dma_start3A_1653, %dma_start3A_1654] : memref<4x128x128xf32, #tpu.memory_space<vmem>> -> memref<1x128x128xf32, #tpu.memory_space<vmem>>
        %dma_start3A_1656 = tpu.memref_squeeze %dma_start3A_1655 : memref<1x128x128xf32, #tpu.memory_space<vmem>> -> memref<128x128xf32, #tpu.memory_space<vmem>>
        %dma_start3A_1657 = arith.constant 0 : i32
        %dma_start3A_1658 = tpu.memref_slice %arg5[%dma_start3A_1650, %add3A_1649, %dma_start3A_1657] : memref<4x50x128xi32, #tpu.memory_space<vmem>> -> memref<1x1x128xi32, #tpu.memory_space<vmem>>
        %dma_start3A_1659 = tpu.memref_squeeze %dma_start3A_1658 : memref<1x1x128xi32, #tpu.memory_space<vmem>> -> memref<128xi32, #tpu.memory_space<vmem>>
        %dma_start3A_1660 = arith.constant 0 : i32
        %dma_start3A_1661 = arith.constant 0 : i32
        %dma_start3A_1662 = tpu.memref_slice %arg3[%dma_start3A_1660, %dma_start3A_1661] : memref<1000000x128xf32, #tpu.memory_space<hbm>> -> memref<1000000x128xf32, #tpu.memory_space<hbm>>
        %dma_start3A_1663 = tpu.memref_slice %arg8[%dma_start3A_1652] : memref<4x!tpu.dma_semaphore, #tpu.memory_space<semaphore_mem>> -> memref<1x!tpu.dma_semaphore, #tpu.memory_space<semaphore_mem>>
        %dma_start3A_1664 = tpu.memref_squeeze %dma_start3A_1663 : memref<1x!tpu.dma_semaphore, #tpu.memory_space<semaphore_mem>> -> memref<!tpu.dma_semaphore, #tpu.memory_space<semaphore_mem>>
        tpu.enqueue_indirect_dma source(%dma_start3A_1662 : memref<1000000x128xf32, #tpu.memory_space<hbm>>) target(%dma_start3A_1656 : memref<128x128xf32, #tpu.memory_space<vmem>>) offsets(%dma_start3A_1659 : memref<128xi32, #tpu.memory_space<vmem>>) semaphore(%dma_start3A_1664 : memref<!tpu.dma_semaphore, #tpu.memory_space<semaphore_mem>>)
      } else {
      }
    }
    %scan3A_70 = arith.constant 50 : i32
    %dma_wait3A = arith.constant 0 : i32
    %dma_wait3A_71 = arith.constant 0 : i32
    %dma_wait3A_72 = arith.constant 0 : i32
    %dma_wait3A_73 = arith.constant 0 : i32
    %dma_wait3A_74 = arith.constant 0 : i32
    %dma_wait3A_75 = arith.constant 0 : i32
    %dma_wait3A_76 = arith.constant 0 : i32
    %dma_wait3A_77 = tpu.memref_slice %arg7[%dma_wait3A, %dma_wait3A_75, %dma_wait3A_76] : memref<2x64x128xf32, #tpu.memory_space<vmem>> -> memref<1x8x128xf32, #tpu.memory_space<vmem>>
    %dma_wait3A_78 = tpu.memref_squeeze %dma_wait3A_77 : memref<1x8x128xf32, #tpu.memory_space<vmem>> -> memref<8x128xf32, #tpu.memory_space<vmem>>
    %dma_wait3A_79 = arith.constant 0 : i32
    %dma_wait3A_80 = arith.constant 0 : i32
    %dma_wait3A_81 = tpu.memref_slice %arg4[%dma_wait3A_71, %dma_wait3A_72, %dma_wait3A_73, %dma_wait3A_79, %dma_wait3A_80] : memref<50x8x128x8x128xf32, #tpu.memory_space<hbm>> -> memref<1x1x1x8x128xf32, #tpu.memory_space<hbm>>
    %dma_wait3A_82 = tpu.memref_squeeze %dma_wait3A_81 : memref<1x1x1x8x128xf32, #tpu.memory_space<hbm>> -> memref<8x128xf32, #tpu.memory_space<hbm>>
    %dma_wait3A_83 = tpu.memref_slice %arg9[%dma_wait3A_74] : memref<2x!tpu.dma_semaphore, #tpu.memory_space<semaphore_mem>> -> memref<1x!tpu.dma_semaphore, #tpu.memory_space<semaphore_mem>>
    %dma_wait3A_84 = tpu.memref_squeeze %dma_wait3A_83 : memref<1x!tpu.dma_semaphore, #tpu.memory_space<semaphore_mem>> -> memref<!tpu.dma_semaphore, #tpu.memory_space<semaphore_mem>>
    %dma_wait3A_85 = arith.constant 0 : i32
    %dma_wait3A_86 = arith.constant 0 : i32
    %dma_wait3A_87 = tpu.memref_slice %arg4[%dma_wait3A_71, %dma_wait3A_72, %dma_wait3A_73, %dma_wait3A_85, %dma_wait3A_86] : memref<50x8x128x8x128xf32, #tpu.memory_space<hbm>> -> memref<1x1x1x8x128xf32, #tpu.memory_space<hbm>>
    %dma_wait3A_88 = tpu.memref_squeeze %dma_wait3A_87 : memref<1x1x1x8x128xf32, #tpu.memory_space<hbm>> -> memref<8x128xf32, #tpu.memory_space<hbm>>
    %dma_wait3A_89 = arith.constant 0 : i32
    %dma_wait3A_90 = arith.constant 0 : i32
    %dma_wait3A_91 = tpu.memref_slice %arg7[%dma_wait3A, %dma_wait3A_89, %dma_wait3A_90] : memref<2x64x128xf32, #tpu.memory_space<vmem>> -> memref<1x8x128xf32, #tpu.memory_space<vmem>>
    %dma_wait3A_92 = tpu.memref_squeeze %dma_wait3A_91 : memref<1x8x128xf32, #tpu.memory_space<vmem>> -> memref<8x128xf32, #tpu.memory_space<vmem>>
    tpu.wait_dma2 semaphore(%dma_wait3A_84 : memref<!tpu.dma_semaphore, #tpu.memory_space<semaphore_mem>>) src(%dma_wait3A_92 : memref<8x128xf32, #tpu.memory_space<vmem>>) dst(%dma_wait3A_88 : memref<8x128xf32, #tpu.memory_space<hbm>>)
    %dma_wait3A_93 = arith.constant 0 : i32
    %dma_wait3A_94 = arith.constant 0 : i32
    %dma_wait3A_95 = arith.constant 0 : i32
    %dma_wait3A_96 = arith.constant 0 : i32
    %dma_wait3A_97 = arith.constant 0 : i32
    %dma_wait3A_98 = arith.constant 8 : i32
    %dma_wait3A_99 = arith.constant 0 : i32
    %dma_wait3A_100 = tpu.memref_slice %arg7[%dma_wait3A_93, %dma_wait3A_98, %dma_wait3A_99] : memref<2x64x128xf32, #tpu.memory_space<vmem>> -> memref<1x8x128xf32, #tpu.memory_space<vmem>>
    %dma_wait3A_101 = tpu.memref_squeeze %dma_wait3A_100 : memref<1x8x128xf32, #tpu.memory_space<vmem>> -> memref<8x128xf32, #tpu.memory_space<vmem>>
    %dma_wait3A_102 = arith.constant 0 : i32
    %dma_wait3A_103 = arith.constant 0 : i32
    %dma_wait3A_104 = tpu.memref_slice %arg4[%dma_wait3A_94, %dma_wait3A_95, %dma_wait3A_96, %dma_wait3A_102, %dma_wait3A_103] : memref<50x8x128x8x128xf32, #tpu.memory_space<hbm>> -> memref<1x1x1x8x128xf32, #tpu.memory_space<hbm>>
    %dma_wait3A_105 = tpu.memref_squeeze %dma_wait3A_104 : memref<1x1x1x8x128xf32, #tpu.memory_space<hbm>> -> memref<8x128xf32, #tpu.memory_space<hbm>>
    %dma_wait3A_106 = tpu.memref_slice %arg9[%dma_wait3A_97] : memref<2x!tpu.dma_semaphore, #tpu.memory_space<semaphore_mem>> -> memref<1x!tpu.dma_semaphore, #tpu.memory_space<semaphore_mem>>
    %dma_wait3A_107 = tpu.memref_squeeze %dma_wait3A_106 : memref<1x!tpu.dma_semaphore, #tpu.memory_space<semaphore_mem>> -> memref<!tpu.dma_semaphore, #tpu.memory_space<semaphore_mem>>
    %dma_wait3A_108 = arith.constant 0 : i32
    %dma_wait3A_109 = arith.constant 0 : i32
    %dma_wait3A_110 = tpu.memref_slice %arg4[%dma_wait3A_94, %dma_wait3A_95, %dma_wait3A_96, %dma_wait3A_108, %dma_wait3A_109] : memref<50x8x128x8x128xf32, #tpu.memory_space<hbm>> -> memref<1x1x1x8x128xf32, #tpu.memory_space<hbm>>
    %dma_wait3A_111 = tpu.memref_squeeze %dma_wait3A_110 : memref<1x1x1x8x128xf32, #tpu.memory_space<hbm>> -> memref<8x128xf32, #tpu.memory_space<hbm>>
    %dma_wait3A_112 = arith.constant 8 : i32
    %dma_wait3A_113 = arith.constant 0 : i32
    %dma_wait3A_114 = tpu.memref_slice %arg7[%dma_wait3A_93, %dma_wait3A_112, %dma_wait3A_113] : memref<2x64x128xf32, #tpu.memory_space<vmem>> -> memref<1x8x128xf32, #tpu.memory_space<vmem>>
    %dma_wait3A_115 = tpu.memref_squeeze %dma_wait3A_114 : memref<1x8x128xf32, #tpu.memory_space<vmem>> -> memref<8x128xf32, #tpu.memory_space<vmem>>
    tpu.wait_dma2 semaphore(%dma_wait3A_107 : memref<!tpu.dma_semaphore, #tpu.memory_space<semaphore_mem>>) src(%dma_wait3A_115 : memref<8x128xf32, #tpu.memory_space<vmem>>) dst(%dma_wait3A_111 : memref<8x128xf32, #tpu.memory_space<hbm>>)
    %dma_wait3A_116 = arith.constant 0 : i32
    %dma_wait3A_117 = arith.constant 0 : i32
    %dma_wait3A_118 = arith.constant 0 : i32
    %dma_wait3A_119 = arith.constant 0 : i32
    %dma_wait3A_120 = arith.constant 0 : i32
    %dma_wait3A_121 = arith.constant 16 : i32
    %dma_wait3A_122 = arith.constant 0 : i32
    %dma_wait3A_123 = tpu.memref_slice %arg7[%dma_wait3A_116, %dma_wait3A_121, %dma_wait3A_122] : memref<2x64x128xf32, #tpu.memory_space<vmem>> -> memref<1x8x128xf32, #tpu.memory_space<vmem>>
    %dma_wait3A_124 = tpu.memref_squeeze %dma_wait3A_123 : memref<1x8x128xf32, #tpu.memory_space<vmem>> -> memref<8x128xf32, #tpu.memory_space<vmem>>
    %dma_wait3A_125 = arith.constant 0 : i32
    %dma_wait3A_126 = arith.constant 0 : i32
    %dma_wait3A_127 = tpu.memref_slice %arg4[%dma_wait3A_117, %dma_wait3A_118, %dma_wait3A_119, %dma_wait3A_125, %dma_wait3A_126] : memref<50x8x128x8x128xf32, #tpu.memory_space<hbm>> -> memref<1x1x1x8x128xf32, #tpu.memory_space<hbm>>
    %dma_wait3A_128 = tpu.memref_squeeze %dma_wait3A_127 : memref<1x1x1x8x128xf32, #tpu.memory_space<hbm>> -> memref<8x128xf32, #tpu.memory_space<hbm>>
    %dma_wait3A_129 = tpu.memref_slice %arg9[%dma_wait3A_120] : memref<2x!tpu.dma_semaphore, #tpu.memory_space<semaphore_mem>> -> memref<1x!tpu.dma_semaphore, #tpu.memory_space<semaphore_mem>>
    %dma_wait3A_130 = tpu.memref_squeeze %dma_wait3A_129 : memref<1x!tpu.dma_semaphore, #tpu.memory_space<semaphore_mem>> -> memref<!tpu.dma_semaphore, #tpu.memory_space<semaphore_mem>>
    %dma_wait3A_131 = arith.constant 0 : i32
    %dma_wait3A_132 = arith.constant 0 : i32
    %dma_wait3A_133 = tpu.memref_slice %arg4[%dma_wait3A_117, %dma_wait3A_118, %dma_wait3A_119, %dma_wait3A_131, %dma_wait3A_132] : memref<50x8x128x8x128xf32, #tpu.memory_space<hbm>> -> memref<1x1x1x8x128xf32, #tpu.memory_space<hbm>>
    %dma_wait3A_134 = tpu.memref_squeeze %dma_wait3A_133 : memref<1x1x1x8x128xf32, #tpu.memory_space<hbm>> -> memref<8x128xf32, #tpu.memory_space<hbm>>
    %dma_wait3A_135 = arith.constant 16 : i32
    %dma_wait3A_136 = arith.constant 0 : i32
    %dma_wait3A_137 = tpu.memref_slice %arg7[%dma_wait3A_116, %dma_wait3A_135, %dma_wait3A_136] : memref<2x64x128xf32, #tpu.memory_space<vmem>> -> memref<1x8x128xf32, #tpu.memory_space<vmem>>
    %dma_wait3A_138 = tpu.memref_squeeze %dma_wait3A_137 : memref<1x8x128xf32, #tpu.memory_space<vmem>> -> memref<8x128xf32, #tpu.memory_space<vmem>>
    tpu.wait_dma2 semaphore(%dma_wait3A_130 : memref<!tpu.dma_semaphore, #tpu.memory_space<semaphore_mem>>) src(%dma_wait3A_138 : memref<8x128xf32, #tpu.memory_space<vmem>>) dst(%dma_wait3A_134 : memref<8x128xf32, #tpu.memory_space<hbm>>)
    %dma_wait3A_139 = arith.constant 0 : i32
    %dma_wait3A_140 = arith.constant 0 : i32
    %dma_wait3A_141 = arith.constant 0 : i32
    %dma_wait3A_142 = arith.constant 0 : i32
    %dma_wait3A_143 = arith.constant 0 : i32
    %dma_wait3A_144 = arith.constant 24 : i32
    %dma_wait3A_145 = arith.constant 0 : i32
    %dma_wait3A_146 = tpu.memref_slice %arg7[%dma_wait3A_139, %dma_wait3A_144, %dma_wait3A_145] : memref<2x64x128xf32, #tpu.memory_space<vmem>> -> memref<1x8x128xf32, #tpu.memory_space<vmem>>
    %dma_wait3A_147 = tpu.memref_squeeze %dma_wait3A_146 : memref<1x8x128xf32, #tpu.memory_space<vmem>> -> memref<8x128xf32, #tpu.memory_space<vmem>>
    %dma_wait3A_148 = arith.constant 0 : i32
    %dma_wait3A_149 = arith.constant 0 : i32
    %dma_wait3A_150 = tpu.memref_slice %arg4[%dma_wait3A_140, %dma_wait3A_141, %dma_wait3A_142, %dma_wait3A_148, %dma_wait3A_149] : memref<50x8x128x8x128xf32, #tpu.memory_space<hbm>> -> memref<1x1x1x8x128xf32, #tpu.memory_space<hbm>>
    %dma_wait3A_151 = tpu.memref_squeeze %dma_wait3A_150 : memref<1x1x1x8x128xf32, #tpu.memory_space<hbm>> -> memref<8x128xf32, #tpu.memory_space<hbm>>
    %dma_wait3A_152 = tpu.memref_slice %arg9[%dma_wait3A_143] : memref<2x!tpu.dma_semaphore, #tpu.memory_space<semaphore_mem>> -> memref<1x!tpu.dma_semaphore, #tpu.memory_space<semaphore_mem>>
    %dma_wait3A_153 = tpu.memref_squeeze %dma_wait3A_152 : memref<1x!tpu.dma_semaphore, #tpu.memory_space<semaphore_mem>> -> memref<!tpu.dma_semaphore, #tpu.memory_space<semaphore_mem>>
    %dma_wait3A_154 = arith.constant 0 : i32
    %dma_wait3A_155 = arith.constant 0 : i32
    %dma_wait3A_156 = tpu.memref_slice %arg4[%dma_wait3A_140, %dma_wait3A_141, %dma_wait3A_142, %dma_wait3A_154, %dma_wait3A_155] : memref<50x8x128x8x128xf32, #tpu.memory_space<hbm>> -> memref<1x1x1x8x128xf32, #tpu.memory_space<hbm>>
    %dma_wait3A_157 = tpu.memref_squeeze %dma_wait3A_156 : memref<1x1x1x8x128xf32, #tpu.memory_space<hbm>> -> memref<8x128xf32, #tpu.memory_space<hbm>>
    %dma_wait3A_158 = arith.constant 24 : i32
    %dma_wait3A_159 = arith.constant 0 : i32
    %dma_wait3A_160 = tpu.memref_slice %arg7[%dma_wait3A_139, %dma_wait3A_158, %dma_wait3A_159] : memref<2x64x128xf32, #tpu.memory_space<vmem>> -> memref<1x8x128xf32, #tpu.memory_space<vmem>>
    %dma_wait3A_161 = tpu.memref_squeeze %dma_wait3A_160 : memref<1x8x128xf32, #tpu.memory_space<vmem>> -> memref<8x128xf32, #tpu.memory_space<vmem>>
    tpu.wait_dma2 semaphore(%dma_wait3A_153 : memref<!tpu.dma_semaphore, #tpu.memory_space<semaphore_mem>>) src(%dma_wait3A_161 : memref<8x128xf32, #tpu.memory_space<vmem>>) dst(%dma_wait3A_157 : memref<8x128xf32, #tpu.memory_space<hbm>>)
    %dma_wait3A_162 = arith.constant 0 : i32
    %dma_wait3A_163 = arith.constant 0 : i32
    %dma_wait3A_164 = arith.constant 0 : i32
    %dma_wait3A_165 = arith.constant 0 : i32
    %dma_wait3A_166 = arith.constant 0 : i32
    %dma_wait3A_167 = arith.constant 32 : i32
    %dma_wait3A_168 = arith.constant 0 : i32
    %dma_wait3A_169 = tpu.memref_slice %arg7[%dma_wait3A_162, %dma_wait3A_167, %dma_wait3A_168] : memref<2x64x128xf32, #tpu.memory_space<vmem>> -> memref<1x8x128xf32, #tpu.memory_space<vmem>>
    %dma_wait3A_170 = tpu.memref_squeeze %dma_wait3A_169 : memref<1x8x128xf32, #tpu.memory_space<vmem>> -> memref<8x128xf32, #tpu.memory_space<vmem>>
    %dma_wait3A_171 = arith.constant 0 : i32
    %dma_wait3A_172 = arith.constant 0 : i32
    %dma_wait3A_173 = tpu.memref_slice %arg4[%dma_wait3A_163, %dma_wait3A_164, %dma_wait3A_165, %dma_wait3A_171, %dma_wait3A_172] : memref<50x8x128x8x128xf32, #tpu.memory_space<hbm>> -> memref<1x1x1x8x128xf32, #tpu.memory_space<hbm>>
    %dma_wait3A_174 = tpu.memref_squeeze %dma_wait3A_173 : memref<1x1x1x8x128xf32, #tpu.memory_space<hbm>> -> memref<8x128xf32, #tpu.memory_space<hbm>>
    %dma_wait3A_175 = tpu.memref_slice %arg9[%dma_wait3A_166] : memref<2x!tpu.dma_semaphore, #tpu.memory_space<semaphore_mem>> -> memref<1x!tpu.dma_semaphore, #tpu.memory_space<semaphore_mem>>
    %dma_wait3A_176 = tpu.memref_squeeze %dma_wait3A_175 : memref<1x!tpu.dma_semaphore, #tpu.memory_space<semaphore_mem>> -> memref<!tpu.dma_semaphore, #tpu.memory_space<semaphore_mem>>
    %dma_wait3A_177 = arith.constant 0 : i32
    %dma_wait3A_178 = arith.constant 0 : i32
    %dma_wait3A_179 = tpu.memref_slice %arg4[%dma_wait3A_163, %dma_wait3A_164, %dma_wait3A_165, %dma_wait3A_177, %dma_wait3A_178] : memref<50x8x128x8x128xf32, #tpu.memory_space<hbm>> -> memref<1x1x1x8x128xf32, #tpu.memory_space<hbm>>
    %dma_wait3A_180 = tpu.memref_squeeze %dma_wait3A_179 : memref<1x1x1x8x128xf32, #tpu.memory_space<hbm>> -> memref<8x128xf32, #tpu.memory_space<hbm>>
    %dma_wait3A_181 = arith.constant 32 : i32
    %dma_wait3A_182 = arith.constant 0 : i32
    %dma_wait3A_183 = tpu.memref_slice %arg7[%dma_wait3A_162, %dma_wait3A_181, %dma_wait3A_182] : memref<2x64x128xf32, #tpu.memory_space<vmem>> -> memref<1x8x128xf32, #tpu.memory_space<vmem>>
    %dma_wait3A_184 = tpu.memref_squeeze %dma_wait3A_183 : memref<1x8x128xf32, #tpu.memory_space<vmem>> -> memref<8x128xf32, #tpu.memory_space<vmem>>
    tpu.wait_dma2 semaphore(%dma_wait3A_176 : memref<!tpu.dma_semaphore, #tpu.memory_space<semaphore_mem>>) src(%dma_wait3A_184 : memref<8x128xf32, #tpu.memory_space<vmem>>) dst(%dma_wait3A_180 : memref<8x128xf32, #tpu.memory_space<hbm>>)
    %dma_wait3A_185 = arith.constant 0 : i32
    %dma_wait3A_186 = arith.constant 0 : i32
    %dma_wait3A_187 = arith.constant 0 : i32
    %dma_wait3A_188 = arith.constant 0 : i32
    %dma_wait3A_189 = arith.constant 0 : i32
    %dma_wait3A_190 = arith.constant 40 : i32
    %dma_wait3A_191 = arith.constant 0 : i32
    %dma_wait3A_192 = tpu.memref_slice %arg7[%dma_wait3A_185, %dma_wait3A_190, %dma_wait3A_191] : memref<2x64x128xf32, #tpu.memory_space<vmem>> -> memref<1x8x128xf32, #tpu.memory_space<vmem>>
    %dma_wait3A_193 = tpu.memref_squeeze %dma_wait3A_192 : memref<1x8x128xf32, #tpu.memory_space<vmem>> -> memref<8x128xf32, #tpu.memory_space<vmem>>
    %dma_wait3A_194 = arith.constant 0 : i32
    %dma_wait3A_195 = arith.constant 0 : i32
    %dma_wait3A_196 = tpu.memref_slice %arg4[%dma_wait3A_186, %dma_wait3A_187, %dma_wait3A_188, %dma_wait3A_194, %dma_wait3A_195] : memref<50x8x128x8x128xf32, #tpu.memory_space<hbm>> -> memref<1x1x1x8x128xf32, #tpu.memory_space<hbm>>
    %dma_wait3A_197 = tpu.memref_squeeze %dma_wait3A_196 : memref<1x1x1x8x128xf32, #tpu.memory_space<hbm>> -> memref<8x128xf32, #tpu.memory_space<hbm>>
    %dma_wait3A_198 = tpu.memref_slice %arg9[%dma_wait3A_189] : memref<2x!tpu.dma_semaphore, #tpu.memory_space<semaphore_mem>> -> memref<1x!tpu.dma_semaphore, #tpu.memory_space<semaphore_mem>>
    %dma_wait3A_199 = tpu.memref_squeeze %dma_wait3A_198 : memref<1x!tpu.dma_semaphore, #tpu.memory_space<semaphore_mem>> -> memref<!tpu.dma_semaphore, #tpu.memory_space<semaphore_mem>>
    %dma_wait3A_200 = arith.constant 0 : i32
    %dma_wait3A_201 = arith.constant 0 : i32
    %dma_wait3A_202 = tpu.memref_slice %arg4[%dma_wait3A_186, %dma_wait3A_187, %dma_wait3A_188, %dma_wait3A_200, %dma_wait3A_201] : memref<50x8x128x8x128xf32, #tpu.memory_space<hbm>> -> memref<1x1x1x8x128xf32, #tpu.memory_space<hbm>>
    %dma_wait3A_203 = tpu.memref_squeeze %dma_wait3A_202 : memref<1x1x1x8x128xf32, #tpu.memory_space<hbm>> -> memref<8x128xf32, #tpu.memory_space<hbm>>
    %dma_wait3A_204 = arith.constant 40 : i32
    %dma_wait3A_205 = arith.constant 0 : i32
    %dma_wait3A_206 = tpu.memref_slice %arg7[%dma_wait3A_185, %dma_wait3A_204, %dma_wait3A_205] : memref<2x64x128xf32, #tpu.memory_space<vmem>> -> memref<1x8x128xf32, #tpu.memory_space<vmem>>
    %dma_wait3A_207 = tpu.memref_squeeze %dma_wait3A_206 : memref<1x8x128xf32, #tpu.memory_space<vmem>> -> memref<8x128xf32, #tpu.memory_space<vmem>>
    tpu.wait_dma2 semaphore(%dma_wait3A_199 : memref<!tpu.dma_semaphore, #tpu.memory_space<semaphore_mem>>) src(%dma_wait3A_207 : memref<8x128xf32, #tpu.memory_space<vmem>>) dst(%dma_wait3A_203 : memref<8x128xf32, #tpu.memory_space<hbm>>)
    %dma_wait3A_208 = arith.constant 0 : i32
    %dma_wait3A_209 = arith.constant 0 : i32
    %dma_wait3A_210 = arith.constant 0 : i32
    %dma_wait3A_211 = arith.constant 0 : i32
    %dma_wait3A_212 = arith.constant 0 : i32
    %dma_wait3A_213 = arith.constant 48 : i32
    %dma_wait3A_214 = arith.constant 0 : i32
    %dma_wait3A_215 = tpu.memref_slice %arg7[%dma_wait3A_208, %dma_wait3A_213, %dma_wait3A_214] : memref<2x64x128xf32, #tpu.memory_space<vmem>> -> memref<1x8x128xf32, #tpu.memory_space<vmem>>
    %dma_wait3A_216 = tpu.memref_squeeze %dma_wait3A_215 : memref<1x8x128xf32, #tpu.memory_space<vmem>> -> memref<8x128xf32, #tpu.memory_space<vmem>>
    %dma_wait3A_217 = arith.constant 0 : i32
    %dma_wait3A_218 = arith.constant 0 : i32
    %dma_wait3A_219 = tpu.memref_slice %arg4[%dma_wait3A_209, %dma_wait3A_210, %dma_wait3A_211, %dma_wait3A_217, %dma_wait3A_218] : memref<50x8x128x8x128xf32, #tpu.memory_space<hbm>> -> memref<1x1x1x8x128xf32, #tpu.memory_space<hbm>>
    %dma_wait3A_220 = tpu.memref_squeeze %dma_wait3A_219 : memref<1x1x1x8x128xf32, #tpu.memory_space<hbm>> -> memref<8x128xf32, #tpu.memory_space<hbm>>
    %dma_wait3A_221 = tpu.memref_slice %arg9[%dma_wait3A_212] : memref<2x!tpu.dma_semaphore, #tpu.memory_space<semaphore_mem>> -> memref<1x!tpu.dma_semaphore, #tpu.memory_space<semaphore_mem>>
    %dma_wait3A_222 = tpu.memref_squeeze %dma_wait3A_221 : memref<1x!tpu.dma_semaphore, #tpu.memory_space<semaphore_mem>> -> memref<!tpu.dma_semaphore, #tpu.memory_space<semaphore_mem>>
    %dma_wait3A_223 = arith.constant 0 : i32
    %dma_wait3A_224 = arith.constant 0 : i32
    %dma_wait3A_225 = tpu.memref_slice %arg4[%dma_wait3A_209, %dma_wait3A_210, %dma_wait3A_211, %dma_wait3A_223, %dma_wait3A_224] : memref<50x8x128x8x128xf32, #tpu.memory_space<hbm>> -> memref<1x1x1x8x128xf32, #tpu.memory_space<hbm>>
    %dma_wait3A_226 = tpu.memref_squeeze %dma_wait3A_225 : memref<1x1x1x8x128xf32, #tpu.memory_space<hbm>> -> memref<8x128xf32, #tpu.memory_space<hbm>>
    %dma_wait3A_227 = arith.constant 48 : i32
    %dma_wait3A_228 = arith.constant 0 : i32
    %dma_wait3A_229 = tpu.memref_slice %arg7[%dma_wait3A_208, %dma_wait3A_227, %dma_wait3A_228] : memref<2x64x128xf32, #tpu.memory_space<vmem>> -> memref<1x8x128xf32, #tpu.memory_space<vmem>>
    %dma_wait3A_230 = tpu.memref_squeeze %dma_wait3A_229 : memref<1x8x128xf32, #tpu.memory_space<vmem>> -> memref<8x128xf32, #tpu.memory_space<vmem>>
    tpu.wait_dma2 semaphore(%dma_wait3A_222 : memref<!tpu.dma_semaphore, #tpu.memory_space<semaphore_mem>>) src(%dma_wait3A_230 : memref<8x128xf32, #tpu.memory_space<vmem>>) dst(%dma_wait3A_226 : memref<8x128xf32, #tpu.memory_space<hbm>>)
    %dma_wait3A_231 = arith.constant 0 : i32
    %dma_wait3A_232 = arith.constant 0 : i32
    %dma_wait3A_233 = arith.constant 0 : i32
    %dma_wait3A_234 = arith.constant 0 : i32
    %dma_wait3A_235 = arith.constant 0 : i32
    %dma_wait3A_236 = arith.constant 56 : i32
    %dma_wait3A_237 = arith.constant 0 : i32
    %dma_wait3A_238 = tpu.memref_slice %arg7[%dma_wait3A_231, %dma_wait3A_236, %dma_wait3A_237] : memref<2x64x128xf32, #tpu.memory_space<vmem>> -> memref<1x8x128xf32, #tpu.memory_space<vmem>>
    %dma_wait3A_239 = tpu.memref_squeeze %dma_wait3A_238 : memref<1x8x128xf32, #tpu.memory_space<vmem>> -> memref<8x128xf32, #tpu.memory_space<vmem>>
    %dma_wait3A_240 = arith.constant 0 : i32
    %dma_wait3A_241 = arith.constant 0 : i32
    %dma_wait3A_242 = tpu.memref_slice %arg4[%dma_wait3A_232, %dma_wait3A_233, %dma_wait3A_234, %dma_wait3A_240, %dma_wait3A_241] : memref<50x8x128x8x128xf32, #tpu.memory_space<hbm>> -> memref<1x1x1x8x128xf32, #tpu.memory_space<hbm>>
    %dma_wait3A_243 = tpu.memref_squeeze %dma_wait3A_242 : memref<1x1x1x8x128xf32, #tpu.memory_space<hbm>> -> memref<8x128xf32, #tpu.memory_space<hbm>>
    %dma_wait3A_244 = tpu.memref_slice %arg9[%dma_wait3A_235] : memref<2x!tpu.dma_semaphore, #tpu.memory_space<semaphore_mem>> -> memref<1x!tpu.dma_semaphore, #tpu.memory_space<semaphore_mem>>
    %dma_wait3A_245 = tpu.memref_squeeze %dma_wait3A_244 : memref<1x!tpu.dma_semaphore, #tpu.memory_space<semaphore_mem>> -> memref<!tpu.dma_semaphore, #tpu.memory_space<semaphore_mem>>
    %dma_wait3A_246 = arith.constant 0 : i32
    %dma_wait3A_247 = arith.constant 0 : i32
    %dma_wait3A_248 = tpu.memref_slice %arg4[%dma_wait3A_232, %dma_wait3A_233, %dma_wait3A_234, %dma_wait3A_246, %dma_wait3A_247] : memref<50x8x128x8x128xf32, #tpu.memory_space<hbm>> -> memref<1x1x1x8x128xf32, #tpu.memory_space<hbm>>
    %dma_wait3A_249 = tpu.memref_squeeze %dma_wait3A_248 : memref<1x1x1x8x128xf32, #tpu.memory_space<hbm>> -> memref<8x128xf32, #tpu.memory_space<hbm>>
    %dma_wait3A_250 = arith.constant 56 : i32
    %dma_wait3A_251 = arith.constant 0 : i32
    %dma_wait3A_252 = tpu.memref_slice %arg7[%dma_wait3A_231, %dma_wait3A_250, %dma_wait3A_251] : memref<2x64x128xf32, #tpu.memory_space<vmem>> -> memref<1x8x128xf32, #tpu.memory_space<vmem>>
    %dma_wait3A_253 = tpu.memref_squeeze %dma_wait3A_252 : memref<1x8x128xf32, #tpu.memory_space<vmem>> -> memref<8x128xf32, #tpu.memory_space<vmem>>
    tpu.wait_dma2 semaphore(%dma_wait3A_245 : memref<!tpu.dma_semaphore, #tpu.memory_space<semaphore_mem>>) src(%dma_wait3A_253 : memref<8x128xf32, #tpu.memory_space<vmem>>) dst(%dma_wait3A_249 : memref<8x128xf32, #tpu.memory_space<hbm>>)
    %dma_wait3A_254 = arith.constant 1 : i32
    %dma_wait3A_255 = arith.constant 0 : i32
    %dma_wait3A_256 = arith.constant 0 : i32
    %dma_wait3A_257 = arith.constant 0 : i32
    %dma_wait3A_258 = arith.constant 1 : i32
    %dma_wait3A_259 = arith.constant 0 : i32
    %dma_wait3A_260 = arith.constant 0 : i32
    %dma_wait3A_261 = tpu.memref_slice %arg7[%dma_wait3A_254, %dma_wait3A_259, %dma_wait3A_260] : memref<2x64x128xf32, #tpu.memory_space<vmem>> -> memref<1x8x128xf32, #tpu.memory_space<vmem>>
    %dma_wait3A_262 = tpu.memref_squeeze %dma_wait3A_261 : memref<1x8x128xf32, #tpu.memory_space<vmem>> -> memref<8x128xf32, #tpu.memory_space<vmem>>
    %dma_wait3A_263 = arith.constant 0 : i32
    %dma_wait3A_264 = arith.constant 0 : i32
    %dma_wait3A_265 = tpu.memref_slice %arg4[%dma_wait3A_255, %dma_wait3A_256, %dma_wait3A_257, %dma_wait3A_263, %dma_wait3A_264] : memref<50x8x128x8x128xf32, #tpu.memory_space<hbm>> -> memref<1x1x1x8x128xf32, #tpu.memory_space<hbm>>
    %dma_wait3A_266 = tpu.memref_squeeze %dma_wait3A_265 : memref<1x1x1x8x128xf32, #tpu.memory_space<hbm>> -> memref<8x128xf32, #tpu.memory_space<hbm>>
    %dma_wait3A_267 = tpu.memref_slice %arg9[%dma_wait3A_258] : memref<2x!tpu.dma_semaphore, #tpu.memory_space<semaphore_mem>> -> memref<1x!tpu.dma_semaphore, #tpu.memory_space<semaphore_mem>>
    %dma_wait3A_268 = tpu.memref_squeeze %dma_wait3A_267 : memref<1x!tpu.dma_semaphore, #tpu.memory_space<semaphore_mem>> -> memref<!tpu.dma_semaphore, #tpu.memory_space<semaphore_mem>>
    %dma_wait3A_269 = arith.constant 0 : i32
    %dma_wait3A_270 = arith.constant 0 : i32
    %dma_wait3A_271 = tpu.memref_slice %arg4[%dma_wait3A_255, %dma_wait3A_256, %dma_wait3A_257, %dma_wait3A_269, %dma_wait3A_270] : memref<50x8x128x8x128xf32, #tpu.memory_space<hbm>> -> memref<1x1x1x8x128xf32, #tpu.memory_space<hbm>>
    %dma_wait3A_272 = tpu.memref_squeeze %dma_wait3A_271 : memref<1x1x1x8x128xf32, #tpu.memory_space<hbm>> -> memref<8x128xf32, #tpu.memory_space<hbm>>
    %dma_wait3A_273 = arith.constant 0 : i32
    %dma_wait3A_274 = arith.constant 0 : i32
    %dma_wait3A_275 = tpu.memref_slice %arg7[%dma_wait3A_254, %dma_wait3A_273, %dma_wait3A_274] : memref<2x64x128xf32, #tpu.memory_space<vmem>> -> memref<1x8x128xf32, #tpu.memory_space<vmem>>
    %dma_wait3A_276 = tpu.memref_squeeze %dma_wait3A_275 : memref<1x8x128xf32, #tpu.memory_space<vmem>> -> memref<8x128xf32, #tpu.memory_space<vmem>>
    tpu.wait_dma2 semaphore(%dma_wait3A_268 : memref<!tpu.dma_semaphore, #tpu.memory_space<semaphore_mem>>) src(%dma_wait3A_276 : memref<8x128xf32, #tpu.memory_space<vmem>>) dst(%dma_wait3A_272 : memref<8x128xf32, #tpu.memory_space<hbm>>)
    %dma_wait3A_277 = arith.constant 1 : i32
    %dma_wait3A_278 = arith.constant 0 : i32
    %dma_wait3A_279 = arith.constant 0 : i32
    %dma_wait3A_280 = arith.constant 0 : i32
    %dma_wait3A_281 = arith.constant 1 : i32
    %dma_wait3A_282 = arith.constant 8 : i32
    %dma_wait3A_283 = arith.constant 0 : i32
    %dma_wait3A_284 = tpu.memref_slice %arg7[%dma_wait3A_277, %dma_wait3A_282, %dma_wait3A_283] : memref<2x64x128xf32, #tpu.memory_space<vmem>> -> memref<1x8x128xf32, #tpu.memory_space<vmem>>
    %dma_wait3A_285 = tpu.memref_squeeze %dma_wait3A_284 : memref<1x8x128xf32, #tpu.memory_space<vmem>> -> memref<8x128xf32, #tpu.memory_space<vmem>>
    %dma_wait3A_286 = arith.constant 0 : i32
    %dma_wait3A_287 = arith.constant 0 : i32
    %dma_wait3A_288 = tpu.memref_slice %arg4[%dma_wait3A_278, %dma_wait3A_279, %dma_wait3A_280, %dma_wait3A_286, %dma_wait3A_287] : memref<50x8x128x8x128xf32, #tpu.memory_space<hbm>> -> memref<1x1x1x8x128xf32, #tpu.memory_space<hbm>>
    %dma_wait3A_289 = tpu.memref_squeeze %dma_wait3A_288 : memref<1x1x1x8x128xf32, #tpu.memory_space<hbm>> -> memref<8x128xf32, #tpu.memory_space<hbm>>
    %dma_wait3A_290 = tpu.memref_slice %arg9[%dma_wait3A_281] : memref<2x!tpu.dma_semaphore, #tpu.memory_space<semaphore_mem>> -> memref<1x!tpu.dma_semaphore, #tpu.memory_space<semaphore_mem>>
    %dma_wait3A_291 = tpu.memref_squeeze %dma_wait3A_290 : memref<1x!tpu.dma_semaphore, #tpu.memory_space<semaphore_mem>> -> memref<!tpu.dma_semaphore, #tpu.memory_space<semaphore_mem>>
    %dma_wait3A_292 = arith.constant 0 : i32
    %dma_wait3A_293 = arith.constant 0 : i32
    %dma_wait3A_294 = tpu.memref_slice %arg4[%dma_wait3A_278, %dma_wait3A_279, %dma_wait3A_280, %dma_wait3A_292, %dma_wait3A_293] : memref<50x8x128x8x128xf32, #tpu.memory_space<hbm>> -> memref<1x1x1x8x128xf32, #tpu.memory_space<hbm>>
    %dma_wait3A_295 = tpu.memref_squeeze %dma_wait3A_294 : memref<1x1x1x8x128xf32, #tpu.memory_space<hbm>> -> memref<8x128xf32, #tpu.memory_space<hbm>>
    %dma_wait3A_296 = arith.constant 8 : i32
    %dma_wait3A_297 = arith.constant 0 : i32
    %dma_wait3A_298 = tpu.memref_slice %arg7[%dma_wait3A_277, %dma_wait3A_296, %dma_wait3A_297] : memref<2x64x128xf32, #tpu.memory_space<vmem>> -> memref<1x8x128xf32, #tpu.memory_space<vmem>>
    %dma_wait3A_299 = tpu.memref_squeeze %dma_wait3A_298 : memref<1x8x128xf32, #tpu.memory_space<vmem>> -> memref<8x128xf32, #tpu.memory_space<vmem>>
    tpu.wait_dma2 semaphore(%dma_wait3A_291 : memref<!tpu.dma_semaphore, #tpu.memory_space<semaphore_mem>>) src(%dma_wait3A_299 : memref<8x128xf32, #tpu.memory_space<vmem>>) dst(%dma_wait3A_295 : memref<8x128xf32, #tpu.memory_space<hbm>>)
    %dma_wait3A_300 = arith.constant 1 : i32
    %dma_wait3A_301 = arith.constant 0 : i32
    %dma_wait3A_302 = arith.constant 0 : i32
    %dma_wait3A_303 = arith.constant 0 : i32
    %dma_wait3A_304 = arith.constant 1 : i32
    %dma_wait3A_305 = arith.constant 16 : i32
    %dma_wait3A_306 = arith.constant 0 : i32
    %dma_wait3A_307 = tpu.memref_slice %arg7[%dma_wait3A_300, %dma_wait3A_305, %dma_wait3A_306] : memref<2x64x128xf32, #tpu.memory_space<vmem>> -> memref<1x8x128xf32, #tpu.memory_space<vmem>>
    %dma_wait3A_308 = tpu.memref_squeeze %dma_wait3A_307 : memref<1x8x128xf32, #tpu.memory_space<vmem>> -> memref<8x128xf32, #tpu.memory_space<vmem>>
    %dma_wait3A_309 = arith.constant 0 : i32
    %dma_wait3A_310 = arith.constant 0 : i32
    %dma_wait3A_311 = tpu.memref_slice %arg4[%dma_wait3A_301, %dma_wait3A_302, %dma_wait3A_303, %dma_wait3A_309, %dma_wait3A_310] : memref<50x8x128x8x128xf32, #tpu.memory_space<hbm>> -> memref<1x1x1x8x128xf32, #tpu.memory_space<hbm>>
    %dma_wait3A_312 = tpu.memref_squeeze %dma_wait3A_311 : memref<1x1x1x8x128xf32, #tpu.memory_space<hbm>> -> memref<8x128xf32, #tpu.memory_space<hbm>>
    %dma_wait3A_313 = tpu.memref_slice %arg9[%dma_wait3A_304] : memref<2x!tpu.dma_semaphore, #tpu.memory_space<semaphore_mem>> -> memref<1x!tpu.dma_semaphore, #tpu.memory_space<semaphore_mem>>
    %dma_wait3A_314 = tpu.memref_squeeze %dma_wait3A_313 : memref<1x!tpu.dma_semaphore, #tpu.memory_space<semaphore_mem>> -> memref<!tpu.dma_semaphore, #tpu.memory_space<semaphore_mem>>
    %dma_wait3A_315 = arith.constant 0 : i32
    %dma_wait3A_316 = arith.constant 0 : i32
    %dma_wait3A_317 = tpu.memref_slice %arg4[%dma_wait3A_301, %dma_wait3A_302, %dma_wait3A_303, %dma_wait3A_315, %dma_wait3A_316] : memref<50x8x128x8x128xf32, #tpu.memory_space<hbm>> -> memref<1x1x1x8x128xf32, #tpu.memory_space<hbm>>
    %dma_wait3A_318 = tpu.memref_squeeze %dma_wait3A_317 : memref<1x1x1x8x128xf32, #tpu.memory_space<hbm>> -> memref<8x128xf32, #tpu.memory_space<hbm>>
    %dma_wait3A_319 = arith.constant 16 : i32
    %dma_wait3A_320 = arith.constant 0 : i32
    %dma_wait3A_321 = tpu.memref_slice %arg7[%dma_wait3A_300, %dma_wait3A_319, %dma_wait3A_320] : memref<2x64x128xf32, #tpu.memory_space<vmem>> -> memref<1x8x128xf32, #tpu.memory_space<vmem>>
    %dma_wait3A_322 = tpu.memref_squeeze %dma_wait3A_321 : memref<1x8x128xf32, #tpu.memory_space<vmem>> -> memref<8x128xf32, #tpu.memory_space<vmem>>
    tpu.wait_dma2 semaphore(%dma_wait3A_314 : memref<!tpu.dma_semaphore, #tpu.memory_space<semaphore_mem>>) src(%dma_wait3A_322 : memref<8x128xf32, #tpu.memory_space<vmem>>) dst(%dma_wait3A_318 : memref<8x128xf32, #tpu.memory_space<hbm>>)
    %dma_wait3A_323 = arith.constant 1 : i32
    %dma_wait3A_324 = arith.constant 0 : i32
    %dma_wait3A_325 = arith.constant 0 : i32
    %dma_wait3A_326 = arith.constant 0 : i32
    %dma_wait3A_327 = arith.constant 1 : i32
    %dma_wait3A_328 = arith.constant 24 : i32
    %dma_wait3A_329 = arith.constant 0 : i32
    %dma_wait3A_330 = tpu.memref_slice %arg7[%dma_wait3A_323, %dma_wait3A_328, %dma_wait3A_329] : memref<2x64x128xf32, #tpu.memory_space<vmem>> -> memref<1x8x128xf32, #tpu.memory_space<vmem>>
    %dma_wait3A_331 = tpu.memref_squeeze %dma_wait3A_330 : memref<1x8x128xf32, #tpu.memory_space<vmem>> -> memref<8x128xf32, #tpu.memory_space<vmem>>
    %dma_wait3A_332 = arith.constant 0 : i32
    %dma_wait3A_333 = arith.constant 0 : i32
    %dma_wait3A_334 = tpu.memref_slice %arg4[%dma_wait3A_324, %dma_wait3A_325, %dma_wait3A_326, %dma_wait3A_332, %dma_wait3A_333] : memref<50x8x128x8x128xf32, #tpu.memory_space<hbm>> -> memref<1x1x1x8x128xf32, #tpu.memory_space<hbm>>
    %dma_wait3A_335 = tpu.memref_squeeze %dma_wait3A_334 : memref<1x1x1x8x128xf32, #tpu.memory_space<hbm>> -> memref<8x128xf32, #tpu.memory_space<hbm>>
    %dma_wait3A_336 = tpu.memref_slice %arg9[%dma_wait3A_327] : memref<2x!tpu.dma_semaphore, #tpu.memory_space<semaphore_mem>> -> memref<1x!tpu.dma_semaphore, #tpu.memory_space<semaphore_mem>>
    %dma_wait3A_337 = tpu.memref_squeeze %dma_wait3A_336 : memref<1x!tpu.dma_semaphore, #tpu.memory_space<semaphore_mem>> -> memref<!tpu.dma_semaphore, #tpu.memory_space<semaphore_mem>>
    %dma_wait3A_338 = arith.constant 0 : i32
    %dma_wait3A_339 = arith.constant 0 : i32
    %dma_wait3A_340 = tpu.memref_slice %arg4[%dma_wait3A_324, %dma_wait3A_325, %dma_wait3A_326, %dma_wait3A_338, %dma_wait3A_339] : memref<50x8x128x8x128xf32, #tpu.memory_space<hbm>> -> memref<1x1x1x8x128xf32, #tpu.memory_space<hbm>>
    %dma_wait3A_341 = tpu.memref_squeeze %dma_wait3A_340 : memref<1x1x1x8x128xf32, #tpu.memory_space<hbm>> -> memref<8x128xf32, #tpu.memory_space<hbm>>
    %dma_wait3A_342 = arith.constant 24 : i32
    %dma_wait3A_343 = arith.constant 0 : i32
    %dma_wait3A_344 = tpu.memref_slice %arg7[%dma_wait3A_323, %dma_wait3A_342, %dma_wait3A_343] : memref<2x64x128xf32, #tpu.memory_space<vmem>> -> memref<1x8x128xf32, #tpu.memory_space<vmem>>
    %dma_wait3A_345 = tpu.memref_squeeze %dma_wait3A_344 : memref<1x8x128xf32, #tpu.memory_space<vmem>> -> memref<8x128xf32, #tpu.memory_space<vmem>>
    tpu.wait_dma2 semaphore(%dma_wait3A_337 : memref<!tpu.dma_semaphore, #tpu.memory_space<semaphore_mem>>) src(%dma_wait3A_345 : memref<8x128xf32, #tpu.memory_space<vmem>>) dst(%dma_wait3A_341 : memref<8x128xf32, #tpu.memory_space<hbm>>)
    %dma_wait3A_346 = arith.constant 1 : i32
    %dma_wait3A_347 = arith.constant 0 : i32
    %dma_wait3A_348 = arith.constant 0 : i32
    %dma_wait3A_349 = arith.constant 0 : i32
    %dma_wait3A_350 = arith.constant 1 : i32
    %dma_wait3A_351 = arith.constant 32 : i32
    %dma_wait3A_352 = arith.constant 0 : i32
    %dma_wait3A_353 = tpu.memref_slice %arg7[%dma_wait3A_346, %dma_wait3A_351, %dma_wait3A_352] : memref<2x64x128xf32, #tpu.memory_space<vmem>> -> memref<1x8x128xf32, #tpu.memory_space<vmem>>
    %dma_wait3A_354 = tpu.memref_squeeze %dma_wait3A_353 : memref<1x8x128xf32, #tpu.memory_space<vmem>> -> memref<8x128xf32, #tpu.memory_space<vmem>>
    %dma_wait3A_355 = arith.constant 0 : i32
    %dma_wait3A_356 = arith.constant 0 : i32
    %dma_wait3A_357 = tpu.memref_slice %arg4[%dma_wait3A_347, %dma_wait3A_348, %dma_wait3A_349, %dma_wait3A_355, %dma_wait3A_356] : memref<50x8x128x8x128xf32, #tpu.memory_space<hbm>> -> memref<1x1x1x8x128xf32, #tpu.memory_space<hbm>>
    %dma_wait3A_358 = tpu.memref_squeeze %dma_wait3A_357 : memref<1x1x1x8x128xf32, #tpu.memory_space<hbm>> -> memref<8x128xf32, #tpu.memory_space<hbm>>
    %dma_wait3A_359 = tpu.memref_slice %arg9[%dma_wait3A_350] : memref<2x!tpu.dma_semaphore, #tpu.memory_space<semaphore_mem>> -> memref<1x!tpu.dma_semaphore, #tpu.memory_space<semaphore_mem>>
    %dma_wait3A_360 = tpu.memref_squeeze %dma_wait3A_359 : memref<1x!tpu.dma_semaphore, #tpu.memory_space<semaphore_mem>> -> memref<!tpu.dma_semaphore, #tpu.memory_space<semaphore_mem>>
    %dma_wait3A_361 = arith.constant 0 : i32
    %dma_wait3A_362 = arith.constant 0 : i32
    %dma_wait3A_363 = tpu.memref_slice %arg4[%dma_wait3A_347, %dma_wait3A_348, %dma_wait3A_349, %dma_wait3A_361, %dma_wait3A_362] : memref<50x8x128x8x128xf32, #tpu.memory_space<hbm>> -> memref<1x1x1x8x128xf32, #tpu.memory_space<hbm>>
    %dma_wait3A_364 = tpu.memref_squeeze %dma_wait3A_363 : memref<1x1x1x8x128xf32, #tpu.memory_space<hbm>> -> memref<8x128xf32, #tpu.memory_space<hbm>>
    %dma_wait3A_365 = arith.constant 32 : i32
    %dma_wait3A_366 = arith.constant 0 : i32
    %dma_wait3A_367 = tpu.memref_slice %arg7[%dma_wait3A_346, %dma_wait3A_365, %dma_wait3A_366] : memref<2x64x128xf32, #tpu.memory_space<vmem>> -> memref<1x8x128xf32, #tpu.memory_space<vmem>>
    %dma_wait3A_368 = tpu.memref_squeeze %dma_wait3A_367 : memref<1x8x128xf32, #tpu.memory_space<vmem>> -> memref<8x128xf32, #tpu.memory_space<vmem>>
    tpu.wait_dma2 semaphore(%dma_wait3A_360 : memref<!tpu.dma_semaphore, #tpu.memory_space<semaphore_mem>>) src(%dma_wait3A_368 : memref<8x128xf32, #tpu.memory_space<vmem>>) dst(%dma_wait3A_364 : memref<8x128xf32, #tpu.memory_space<hbm>>)
    %dma_wait3A_369 = arith.constant 1 : i32
    %dma_wait3A_370 = arith.constant 0 : i32
    %dma_wait3A_371 = arith.constant 0 : i32
    %dma_wait3A_372 = arith.constant 0 : i32
    %dma_wait3A_373 = arith.constant 1 : i32
    %dma_wait3A_374 = arith.constant 40 : i32
    %dma_wait3A_375 = arith.constant 0 : i32
    %dma_wait3A_376 = tpu.memref_slice %arg7[%dma_wait3A_369, %dma_wait3A_374, %dma_wait3A_375] : memref<2x64x128xf32, #tpu.memory_space<vmem>> -> memref<1x8x128xf32, #tpu.memory_space<vmem>>
    %dma_wait3A_377 = tpu.memref_squeeze %dma_wait3A_376 : memref<1x8x128xf32, #tpu.memory_space<vmem>> -> memref<8x128xf32, #tpu.memory_space<vmem>>
    %dma_wait3A_378 = arith.constant 0 : i32
    %dma_wait3A_379 = arith.constant 0 : i32
    %dma_wait3A_380 = tpu.memref_slice %arg4[%dma_wait3A_370, %dma_wait3A_371, %dma_wait3A_372, %dma_wait3A_378, %dma_wait3A_379] : memref<50x8x128x8x128xf32, #tpu.memory_space<hbm>> -> memref<1x1x1x8x128xf32, #tpu.memory_space<hbm>>
    %dma_wait3A_381 = tpu.memref_squeeze %dma_wait3A_380 : memref<1x1x1x8x128xf32, #tpu.memory_space<hbm>> -> memref<8x128xf32, #tpu.memory_space<hbm>>
    %dma_wait3A_382 = tpu.memref_slice %arg9[%dma_wait3A_373] : memref<2x!tpu.dma_semaphore, #tpu.memory_space<semaphore_mem>> -> memref<1x!tpu.dma_semaphore, #tpu.memory_space<semaphore_mem>>
    %dma_wait3A_383 = tpu.memref_squeeze %dma_wait3A_382 : memref<1x!tpu.dma_semaphore, #tpu.memory_space<semaphore_mem>> -> memref<!tpu.dma_semaphore, #tpu.memory_space<semaphore_mem>>
    %dma_wait3A_384 = arith.constant 0 : i32
    %dma_wait3A_385 = arith.constant 0 : i32
    %dma_wait3A_386 = tpu.memref_slice %arg4[%dma_wait3A_370, %dma_wait3A_371, %dma_wait3A_372, %dma_wait3A_384, %dma_wait3A_385] : memref<50x8x128x8x128xf32, #tpu.memory_space<hbm>> -> memref<1x1x1x8x128xf32, #tpu.memory_space<hbm>>
    %dma_wait3A_387 = tpu.memref_squeeze %dma_wait3A_386 : memref<1x1x1x8x128xf32, #tpu.memory_space<hbm>> -> memref<8x128xf32, #tpu.memory_space<hbm>>
    %dma_wait3A_388 = arith.constant 40 : i32
    %dma_wait3A_389 = arith.constant 0 : i32
    %dma_wait3A_390 = tpu.memref_slice %arg7[%dma_wait3A_369, %dma_wait3A_388, %dma_wait3A_389] : memref<2x64x128xf32, #tpu.memory_space<vmem>> -> memref<1x8x128xf32, #tpu.memory_space<vmem>>
    %dma_wait3A_391 = tpu.memref_squeeze %dma_wait3A_390 : memref<1x8x128xf32, #tpu.memory_space<vmem>> -> memref<8x128xf32, #tpu.memory_space<vmem>>
    tpu.wait_dma2 semaphore(%dma_wait3A_383 : memref<!tpu.dma_semaphore, #tpu.memory_space<semaphore_mem>>) src(%dma_wait3A_391 : memref<8x128xf32, #tpu.memory_space<vmem>>) dst(%dma_wait3A_387 : memref<8x128xf32, #tpu.memory_space<hbm>>)
    %dma_wait3A_392 = arith.constant 1 : i32
    %dma_wait3A_393 = arith.constant 0 : i32
    %dma_wait3A_394 = arith.constant 0 : i32
    %dma_wait3A_395 = arith.constant 0 : i32
    %dma_wait3A_396 = arith.constant 1 : i32
    %dma_wait3A_397 = arith.constant 48 : i32
    %dma_wait3A_398 = arith.constant 0 : i32
    %dma_wait3A_399 = tpu.memref_slice %arg7[%dma_wait3A_392, %dma_wait3A_397, %dma_wait3A_398] : memref<2x64x128xf32, #tpu.memory_space<vmem>> -> memref<1x8x128xf32, #tpu.memory_space<vmem>>
    %dma_wait3A_400 = tpu.memref_squeeze %dma_wait3A_399 : memref<1x8x128xf32, #tpu.memory_space<vmem>> -> memref<8x128xf32, #tpu.memory_space<vmem>>
    %dma_wait3A_401 = arith.constant 0 : i32
    %dma_wait3A_402 = arith.constant 0 : i32
    %dma_wait3A_403 = tpu.memref_slice %arg4[%dma_wait3A_393, %dma_wait3A_394, %dma_wait3A_395, %dma_wait3A_401, %dma_wait3A_402] : memref<50x8x128x8x128xf32, #tpu.memory_space<hbm>> -> memref<1x1x1x8x128xf32, #tpu.memory_space<hbm>>
    %dma_wait3A_404 = tpu.memref_squeeze %dma_wait3A_403 : memref<1x1x1x8x128xf32, #tpu.memory_space<hbm>> -> memref<8x128xf32, #tpu.memory_space<hbm>>
    %dma_wait3A_405 = tpu.memref_slice %arg9[%dma_wait3A_396] : memref<2x!tpu.dma_semaphore, #tpu.memory_space<semaphore_mem>> -> memref<1x!tpu.dma_semaphore, #tpu.memory_space<semaphore_mem>>
    %dma_wait3A_406 = tpu.memref_squeeze %dma_wait3A_405 : memref<1x!tpu.dma_semaphore, #tpu.memory_space<semaphore_mem>> -> memref<!tpu.dma_semaphore, #tpu.memory_space<semaphore_mem>>
    %dma_wait3A_407 = arith.constant 0 : i32
    %dma_wait3A_408 = arith.constant 0 : i32
    %dma_wait3A_409 = tpu.memref_slice %arg4[%dma_wait3A_393, %dma_wait3A_394, %dma_wait3A_395, %dma_wait3A_407, %dma_wait3A_408] : memref<50x8x128x8x128xf32, #tpu.memory_space<hbm>> -> memref<1x1x1x8x128xf32, #tpu.memory_space<hbm>>
    %dma_wait3A_410 = tpu.memref_squeeze %dma_wait3A_409 : memref<1x1x1x8x128xf32, #tpu.memory_space<hbm>> -> memref<8x128xf32, #tpu.memory_space<hbm>>
    %dma_wait3A_411 = arith.constant 48 : i32
    %dma_wait3A_412 = arith.constant 0 : i32
    %dma_wait3A_413 = tpu.memref_slice %arg7[%dma_wait3A_392, %dma_wait3A_411, %dma_wait3A_412] : memref<2x64x128xf32, #tpu.memory_space<vmem>> -> memref<1x8x128xf32, #tpu.memory_space<vmem>>
    %dma_wait3A_414 = tpu.memref_squeeze %dma_wait3A_413 : memref<1x8x128xf32, #tpu.memory_space<vmem>> -> memref<8x128xf32, #tpu.memory_space<vmem>>
    tpu.wait_dma2 semaphore(%dma_wait3A_406 : memref<!tpu.dma_semaphore, #tpu.memory_space<semaphore_mem>>) src(%dma_wait3A_414 : memref<8x128xf32, #tpu.memory_space<vmem>>) dst(%dma_wait3A_410 : memref<8x128xf32, #tpu.memory_space<hbm>>)
    %dma_wait3A_415 = arith.constant 1 : i32
    %dma_wait3A_416 = arith.constant 0 : i32
    %dma_wait3A_417 = arith.constant 0 : i32
    %dma_wait3A_418 = arith.constant 0 : i32
    %dma_wait3A_419 = arith.constant 1 : i32
    %dma_wait3A_420 = arith.constant 56 : i32
    %dma_wait3A_421 = arith.constant 0 : i32
    %dma_wait3A_422 = tpu.memref_slice %arg7[%dma_wait3A_415, %dma_wait3A_420, %dma_wait3A_421] : memref<2x64x128xf32, #tpu.memory_space<vmem>> -> memref<1x8x128xf32, #tpu.memory_space<vmem>>
    %dma_wait3A_423 = tpu.memref_squeeze %dma_wait3A_422 : memref<1x8x128xf32, #tpu.memory_space<vmem>> -> memref<8x128xf32, #tpu.memory_space<vmem>>
    %dma_wait3A_424 = arith.constant 0 : i32
    %dma_wait3A_425 = arith.constant 0 : i32
    %dma_wait3A_426 = tpu.memref_slice %arg4[%dma_wait3A_416, %dma_wait3A_417, %dma_wait3A_418, %dma_wait3A_424, %dma_wait3A_425] : memref<50x8x128x8x128xf32, #tpu.memory_space<hbm>> -> memref<1x1x1x8x128xf32, #tpu.memory_space<hbm>>
    %dma_wait3A_427 = tpu.memref_squeeze %dma_wait3A_426 : memref<1x1x1x8x128xf32, #tpu.memory_space<hbm>> -> memref<8x128xf32, #tpu.memory_space<hbm>>
    %dma_wait3A_428 = tpu.memref_slice %arg9[%dma_wait3A_419] : memref<2x!tpu.dma_semaphore, #tpu.memory_space<semaphore_mem>> -> memref<1x!tpu.dma_semaphore, #tpu.memory_space<semaphore_mem>>
    %dma_wait3A_429 = tpu.memref_squeeze %dma_wait3A_428 : memref<1x!tpu.dma_semaphore, #tpu.memory_space<semaphore_mem>> -> memref<!tpu.dma_semaphore, #tpu.memory_space<semaphore_mem>>
    %dma_wait3A_430 = arith.constant 0 : i32
    %dma_wait3A_431 = arith.constant 0 : i32
    %dma_wait3A_432 = tpu.memref_slice %arg4[%dma_wait3A_416, %dma_wait3A_417, %dma_wait3A_418, %dma_wait3A_430, %dma_wait3A_431] : memref<50x8x128x8x128xf32, #tpu.memory_space<hbm>> -> memref<1x1x1x8x128xf32, #tpu.memory_space<hbm>>
    %dma_wait3A_433 = tpu.memref_squeeze %dma_wait3A_432 : memref<1x1x1x8x128xf32, #tpu.memory_space<hbm>> -> memref<8x128xf32, #tpu.memory_space<hbm>>
    %dma_wait3A_434 = arith.constant 56 : i32
    %dma_wait3A_435 = arith.constant 0 : i32
    %dma_wait3A_436 = tpu.memref_slice %arg7[%dma_wait3A_415, %dma_wait3A_434, %dma_wait3A_435] : memref<2x64x128xf32, #tpu.memory_space<vmem>> -> memref<1x8x128xf32, #tpu.memory_space<vmem>>
    %dma_wait3A_437 = tpu.memref_squeeze %dma_wait3A_436 : memref<1x8x128xf32, #tpu.memory_space<vmem>> -> memref<8x128xf32, #tpu.memory_space<vmem>>
    tpu.wait_dma2 semaphore(%dma_wait3A_429 : memref<!tpu.dma_semaphore, #tpu.memory_space<semaphore_mem>>) src(%dma_wait3A_437 : memref<8x128xf32, #tpu.memory_space<vmem>>) dst(%dma_wait3A_433 : memref<8x128xf32, #tpu.memory_space<hbm>>)
    return
  }
}

</mosaic_0001>

<sc_bundles>
// kernel: kernel.3.cloned.1.call-start
scs
__scs_entry_jumppad:
0x0: {  	(pc) =	sbr.rel $0x88, $3  }
0x1: {  	(tag) =	ssettag $0x0;
	lr =	simm.s32 $0x1  }
0x2: {  	[smem:$0x3F9F] =	sst lr;
	_ =	strace $0xD0000000  }
0x3: {  	_ = 	snop  }
0x4: {  	_ = 	snop  }
0x5: {  	_ = 	snop  }
0x6: {  	_ = 	snop  }
0x7: {  	_ = 	snop  }
__scs_overlays_trampoline_lowered:
0x8: {  	[smem:$0x3FAE] =	sst s0  }
0x9: {  	[smem:$0x3FAF] =	sst s1  }
0xa: {  	[smem:$0x3FB0] =	sst s2  }
0xb: {  	[smem:$0x3FB1] =	sst s3  }
0xc: {  	[smem:$0x3FB2] =	sst s4  }
0xd: {  	[smem:$0x3FB3] =	sst s5  }
0xe: {  	[smem:$0x3FB4] =	sst s6  }
0xf: {  	[smem:$0x3FB5] =	sst s7  }
0x10: {  	[smem:$0x3FB6] =	sst s8  }
0x11: {  	[smem:$0x3FB7] =	sst s9;
	s0 =	simm.s32 @!p0 $0x0  }
0x12: {  	s1 =	sld [smem:$0x3F9D];
	s0 =	simm.s32 @p0 $0x1  }
0x13: {  	[smem:$0x3FB8] =	sst s0;
	s0 =	simm.s32 @!p1 $0x0  }
0x14: {  	s2 =	sld [smem:$0x3F9C];
	s0 =	simm.s32 @p1 $0x1  }
0x15: {  	[smem:$0x3FB9] =	sst s0;
	s0 =	simm.s32 @!p2 $0x0  }
0x16: {  	s3 =	sld [smem:$0x3FDB];
	s0 =	simm.s32 @p2 $0x1  }
0x17: {  	s4 =	simm.s32 $0x1BF5;
	[smem:$0x3FBB] =	sst s0  }
0x18: {  	s0 =	sld [smem:$0x3F9E];
	_ =	swait.ge [sflag:s4], $0x0  }
0x19: {  	s7 =	sld [smem:$0x3F9F]  }
0x1a: {  	s8 =	sadd.s32 $0xFFFFE003, lr  }
0x1b: {  	s9 =	sadd.s32 $0xFFFFFEF7, lr;
	s5 =	simm.s32 $0xFFFFFFFF;
	p2 =	slt.u32 s8, $0xFFFFF086  }
0x1c: {  	p1 =	slt.u32 s9, $0xF7A;
	s5 =	simm.s32 @!p2 $0x0  }
0x1d: {  	s5 =	simm.s32 @p1 $0x1;
	p0 =	seq.s32 s7, s2  }
0x1e: {  	s7 =	smul.u32 @!p0 $0xF7A, s2;
	p2 =	seq.s32 @!p0 s5, $0x0  }
0x1f: {  	s9 =	smul.u32 $0xF7A, s1;
	s8 =	simm.s32 @!p0 $0x1BF5;
	p2 =	por !p2, p0  }
0x20: {  	[sflag:s8] =	ssyncset.s32 @!p0 $0xFFFFF086;
	s6 =	sadd.s32 @!p0 s3, s7;
	s7 =	simm.s32 @!p0 $0x108  }
0x21: {  	s3 =	sadd.s32 s3, s9;
	s6 =	sadd.s32 @!p0 $0x88, s6;
	s7 =	simm.s32 @p2 $0x1082  }
0x22: {  	[simem:s7], [sflag:s8] =	dma.local @!p0 [hbm:s6], $0xF7A  }
0x23: {  	s9 =	sor.u32 $0xD0000000, s2;
	s6 =	simm.s32 $0x108;
	_ =	swait.ge @!p0 [sflag:s8], $0x0  }
0x24: {  	s3 =	sadd.s32 $0x88, s3;
	s6 =	simm.s32 @!p1 $0x1082;
	[sflag:s4] =	ssyncset.s32 $0xFFFFF086  }
0x25: {  	[simem:s6], [sflag:s4] =	dma.local [hbm:s3], $0xF7A  }
0x26: {  	[smem:$0x3F9F] =	sst s1;
	(tag) =	ssettag s2;
	_ =	strace s9  }
0x27: {  	s1 =	sld [smem:$0x3FAF]  }
0x28: {  	s2 =	sld [smem:$0x3FB0]  }
0x29: {  	s4 =	sld [smem:$0x3FB2]  }
0x2a: {  	p0 =	seq.s32 s5, $0x0;
	s5 =	sld [smem:$0x3FB3]  }
0x2b: {  	s6 =	sld [smem:$0x3FB4]  }
0x2c: {  	s7 =	sld [smem:$0x3FB5]  }
0x2d: {  	s3 =	simm.s32 $0x108;
	s8 =	sld [smem:$0x3FB6]  }
0x2e: {  	s3 =	simm.s32 @!p0 $0x1082;
	s9 =	sld [smem:$0x3FB7]  }
0x2f: {  	lr =	sadd.s32 s0, s3;
	s0 =	sld [smem:$0x3FAE]  }
0x30: {  	s3 =	sld [smem:$0x3FB1]  }
0x31: {  	[smem:$0x3FBA] =	sst s10  }
0x32: {  	s10 =	sld [smem:$0x3FB8];
	_ =	sdelay $0x3  }
0x33: {  	p0 =	seq.s32 s10, $0x1;
	s10 =	sld [smem:$0x3FBA];
	_ =	sdelay $0x3  }
0x34: {  	[smem:$0x3FBA] =	sst s10  }
0x35: {  	s10 =	sld [smem:$0x3FB9];
	_ =	sdelay $0x3  }
0x36: {  	p1 =	seq.s32 s10, $0x1;
	s10 =	sld [smem:$0x3FBA];
	_ =	sdelay $0x3  }
0x37: {  	[smem:$0x3FBA] =	sst s10  }
0x38: {  	s10 =	sld [smem:$0x3FBB]  }
0x39: {  	_ = 	snop;
	(pc) =	sbr.ind lr, $3  }
0x3a: {  	_ = 	snop  }
0x3b: {  	_ = 	snop  }
0x3c: {  	p2 =	seq.s32 s10, $0x1;
	s10 =	sld [smem:$0x3FBA]  }
0x3d: {  	_ =	shalt  }
0x3e: {  	_ =	shalt  }
0x3f: {  	_ =	shalt  }
0x40: {  	_ =	shalt  }
0x41: {  	_ =	shalt  }
0x42: {  	_ =	shalt  }
0x43: {  	_ =	shalt  }
0x44: {  	_ =	shalt  }
0x45: {  	_ =	shalt  }
0x46: {  	_ =	shalt  }
0x47: {  	_ =	shalt  }
0x48: {  	_ =	shalt  }
0x49: {  	_ =	shalt  }
0x4a: {  	_ =	shalt  }
0x4b: {  	_ =	shalt  }
0x4c: {  	_ =	shalt  }
0x4d: {  	_ =	shalt  }
0x4e: {  	_ =	shalt  }
0x4f: {  	_ =	shalt  }
0x50: {  	_ =	shalt  }
0x51: {  	_ =	shalt  }
0x52: {  	_ =	shalt  }
0x53: {  	_ =	shalt  }
0x54: {  	_ =	shalt  }
0x55: {  	_ =	shalt  }
0x56: {  	_ =	shalt  }
0x57: {  	_ =	shalt  }
0x58: {  	_ =	shalt  }
0x59: {  	_ =	shalt  }
0x5a: {  	_ =	shalt  }
0x5b: {  	_ =	shalt  }
0x5c: {  	_ =	shalt  }
0x5d: {  	_ =	shalt  }
0x5e: {  	_ =	shalt  }
0x5f: {  	_ =	shalt  }
0x60: {  	_ =	shalt  }
0x61: {  	_ =	shalt  }
0x62: {  	_ =	shalt  }
0x63: {  	_ =	shalt  }
0x64: {  	_ =	shalt  }
0x65: {  	_ =	shalt  }
0x66: {  	_ =	shalt  }
0x67: {  	_ =	shalt  }
0x68: {  	_ =	shalt  }
0x69: {  	_ =	shalt  }
0x6a: {  	_ =	shalt  }
0x6b: {  	_ =	shalt  }
0x6c: {  	_ =	shalt  }
0x6d: {  	_ =	shalt  }
0x6e: {  	_ =	shalt  }
0x6f: {  	_ =	shalt  }
0x70: {  	_ =	shalt  }
0x71: {  	_ =	shalt  }
0x72: {  	_ =	shalt  }
0x73: {  	_ =	shalt  }
0x74: {  	_ =	shalt  }
0x75: {  	_ =	shalt  }
0x76: {  	_ =	shalt  }
0x77: {  	_ =	shalt  }
0x78: {  	_ =	shalt  }
0x79: {  	_ =	shalt  }
0x7a: {  	_ =	shalt  }
0x7b: {  	_ =	shalt  }
0x7c: {  	_ =	shalt  }
0x7d: {  	_ =	shalt  }
0x7e: {  	_ =	shalt  }
0x7f: {  	_ =	shalt  }
0x80: {  	_ =	shalt  }
0x81: {  	_ =	shalt  }
0x82: {  	_ =	shalt  }
0x83: {  	_ =	shalt  }
0x84: {  	_ =	shalt  }
0x85: {  	_ =	shalt  }
0x86: {  	_ =	shalt  }
0x87: {  	_ =	shalt  }
.Lfunc_end0:
.L_simem_size_0:
called_computation_lowered:
.L_overlay_start_0:
0x88: {  	s2 =	sld [smem:$0x3FD9]  }
0x89: {  	s3 =	sld [smem:$0x3FFE];
	_ =	sdelay $0x1  }
0x8a: {  	s1 =	srdreg.scid  }
0x8b: {  	s0 =	sand.u32 $0x1, s1  }
0x8c: {  	s17 =	sshll.u32 s0, $0xA;
	s2 =	sadd.s32 s3, s2  }
0x8d: {  	s2 =	sadd.s32 s2, s17  }
0x8e: {  	[smem:$0x3FC6] =	sst s2  }
0x8f: {  	_ = 	snop  }
0x90: {  	s2 =	sld [smem:$0x3FD0];
	(tm) =	ssettm $0x1  }
0x91: {  	s18 =	sld [smem:$0x3FFB];
	_ =	sdelay $0x3  }
0x92: {  	_ =	strace s18  }
0x93: {  	s3 =	sld [smem:$0x3FFC];
	_ =	sdelay $0x3  }
0x94: {  	_ =	strace s3  }
0x95: {  	s3 =	sld [smem:$0x3FFD];
	_ =	sdelay $0x3  }
0x96: {  	_ =	strace s3  }
0x97: {  	_ =	strace $0x8FFFFFFF  }
0x98: {  	s19 =	sld [smem:$0x3FDB];
	_ =	sdelay $0x1  }
0x99: {  	s4 =	simm.s32 $_scs_section_size  }
0x9a: {  	s5 =	simm.s32 $_size__tile_overlayer_lowered;
	s6 =	simm.s32 $_tile_overlayer_lowered  }
0x9b: {  	s22 =	simm.s32 $0x1BFF;
	s21 =	sshll.u32 s6, $0x1;
	s3 =	sadd.s32 s4, s19  }
0x9c: {  	s7 =	simm.s32 $0x0;
	s20 =	sshll.u32 s5, $0x1;
	s5 =	sadd.s32 s21, s3  }
0x9d: {  	[timem:s7], [sflag:s22] =	dma.local [hbm:s5], s20  }
0x9e: {  	_ =	swait.ge [sflag:s22], s20  }
0x9f: {  	s4 =	ssub.s32 $0x0, s20;
	[sflag:s22] =	ssyncset.done $0x0  }
0xa0: {  	[sflag:s22] =	ssyncadd.s32 s4;
	_ =	sdelay $0x1  }
0xa1: {  	s23 =	simm.s32 $0x1B8B  }
0xa2: {  	_ =	swait.ge [sflag:s23], $0x1  }
0xa3: {  	[sflag:s23] =	ssyncset.done $0x0  }
0xa4: {  	s25 =	simm.s32 $0x1B8E;
	s24 =	sld [smem:$0x3FFE];
	[sflag:s23] =	ssyncadd.s32 $0xFFFFFFFF  }
0xa5: {  	s26 =	simm.s32 $execute0_lowered;
	[smem:$0x3FD2] =	sst s25  }
0xa6: {  	s5 =	sshll.u32 s26, $0x1;
	_ =	strace $0x80000046;
	[dreg:$0x1] =	wrdreg $0xFFFFFFFF  }
0xa7: {  	s28 =	simm.s32 $_size_execute0_lowered;
	s3 =	sadd.s32 s3, s5;
	[dreg:$0x0] =	wrdreg $0x0  }
0xa8: {  	s5 =	sshll.u32 s28, $0x1;
	[dreg:$0x2] =	wrdreg s3  }
0xa9: {  	[dreg:$0x3] =	wrdreg s5  }
0xaa: {  	[dreg:$0x4] =	wrdreg $0xC0  }
0xab: {  	_ =	task [dreg:s7], $0x5FFFF  }
0xac: {  	[dreg:$0x1] =	wrdreg $0xFFFFFFFF  }
0xad: {  	[dreg:$0x0] =	wrdreg $0x60  }
0xae: {  	[dreg:$0x2] =	wrdreg s24  }
0xaf: {  	[dreg:$0x3] =	wrdreg s2  }
0xb0: {  	[dreg:$0x4] =	wrdreg $0x9  }
0xb1: {  	_ =	task.clear_ibuf [dreg:s7], $0x5FFFF;
	_ =	strace $0x90000046  }
0xb2: {  	s29 =	simm.s32 $0x9;
	_ =	strace $0x80000048  }
0xb3: {  	_ =	swait.ge [sflag:s29], $0x1  }
0xb4: {  	[sflag:s29] =	ssyncadd.s32 $0xFFFFFFFF  }
0xb5: {  	_ =	strace $0x90000048  }
0xb6: {  	_ =	sfence  }
0xb7: {  	s30 =	sld [smem:$0x0];
	_ =	sdelay $0x2  }
0xb8: {  	s31 =	sshll.u32 s1, $0xD;
	s1 =	sshrl.u32 s1, $0x2  }
0xb9: {  	s3 =	sand.u32 $0x4000, s31;
	s1 =	sadd.s32 s1, s30  }
0xba: {  	s0 =	sor.u32 s3, s0;
	s1 =	sshll.u32 s1, $0x11  }
0xbb: {  	s0 =	sor.u32 s1, s0  }
0xbc: {  	s0 =	sadd.s32 $0x8F2B, s0  }
0xbd: {  	[sflag:s0] =	ssyncadd.remote.s32 $0x1  }
0xbe: {  	_ =	sfence.sel $0xFFFF  }
0xbf: {  	[dreg:$0x0] =	wrdreg $0xFFFFFFFF;
	(pc) =	sbr.abs _section_cstart, $3  }
0xc0: {  	[dreg:$0x1] =	wrdreg $0xFFFFFFFF  }
0xc1: {  	_ =	task.clear_ibuf [dreg:s7], $0x2FFFF;
	_ =	strace $0x9FFFFFFF  }
0xc2: {  	(tm) =	ssettm $0x7FFFFFFF  }
0xc3: {  	_ =	shalt  }
tec
execute0_lowered:
.L_overlay_start_1:
0x0: {  	(tag) =	ssettag $0x1  }
0x1: {  	s0 =	srdreg.scid  }
0x2: {  	v0 =	vlaneseq.u32;
	s2 =	stileid.u32;
	s0 =	sand.u32 $0x1, s0  }
0x3: {  	v37 =	vmul.u32 $0x80, v0;
	s3 =	sshll.u32 s2, $0x3;
	s4 =	sshll.u32 s0, $0x2  }
0x4: {  	s1 =	rddreg [dreg:$0x0];
	s5 =	sor.u32 s4, s3;
	s3 =	simm.s32 $0x0  }
0x5: {  	v6 =	vor.u32 $0x3005, v37;
	[smem:$0x7FF] =	sst s3  }
0x6: {  	s2 =	rddreg [dreg:$0x1];
	v7 =	vor.u32 $0x6, v37;
	_ =	strace $0x80000047;
	[tilespmem:$0x1FC70] =	vst v6  }
0x7: {  	v54 =	vor.u32 $0x806, v37;
	[tilespmem:$0x1FC80] =	vst v7  }
0x8: {  	[tilespmem:$0x1FC90] =	vst v54  }
0x9: {  	v20 =	vor.u32 $0x3000, v37;
	[tilespmem:$0x1FCA0] =	vst v37  }
0xa: {  	v25 =	vor.u32 $0x3004, v37;
	[tilespmem:$0x1FCB0] =	vst v20  }
0xb: {  	v62 =	vor.u32 $0x3804, v37;
	[tilespmem:$0x1FCC0] =	vst v25  }
0xc: {  	v38 =	vor.u32 $0x2004, v37;
	[tilespmem:$0x1FCD0] =	vst v62  }
0xd: {  	v2 =	vor.u32 $0x1005, v37;
	[tilespmem:$0x1FCE0] =	vst v38  }
0xe: {  	v3 =	vor.u32 $0x1805, v37;
	[tilespmem:$0x1FCF0] =	vst v2  }
0xf: {  	v4 =	vor.u32 $0x2005, v37;
	[tilespmem:$0x1FD00] =	vst v3  }
0x10: {  	v5 =	vor.u32 $0x2805, v37;
	[tilespmem:$0x1FD10] =	vst v4  }
0x11: {  	v8 =	vor.u32 $0x1806, v37;
	[tilespmem:$0x1FD20] =	vst v5  }
0x12: {  	v10 =	vor.u32 $0x2806, v37;
	[tilespmem:$0x1FD50] =	vst v8  }
0x13: {  	v11 =	vor.u32 $0x3006, v37;
	[tilespmem:$0x1FD70] =	vst v10  }
0x14: {  	v12 =	vor.u32 $0x3806, v37;
	[tilespmem:$0x1FD80] =	vst v11  }
0x15: {  	v13 =	vor.u32 $0x7, v37;
	[tilespmem:$0x1FD90] =	vst v12  }
0x16: {  	v14 =	vor.u32 $0x1007, v37;
	[tilespmem:$0x1FDA0] =	vst v13  }
0x17: {  	v15 =	vor.u32 $0x1807, v37;
	[tilespmem:$0x1FDB0] =	vst v14  }
0x18: {  	v16 =	vor.u32 $0x2007, v37;
	[tilespmem:$0x1FDC0] =	vst v15  }
0x19: {  	v17 =	vor.u32 $0x2807, v37;
	[tilespmem:$0x1FDD0] =	vst v16  }
0x1a: {  	v18 =	vor.u32 $0x3007, v37;
	[tilespmem:$0x1FDE0] =	vst v17  }
0x1b: {  	v46 =	vor.u32 $0x5, v37;
	[tilespmem:$0x1FDF0] =	vst v18  }
0x1c: {  	v22 =	vor.u32 $0x805, v37;
	[tilespmem:$0x1FE00] =	vst v46  }
0x1d: {  	v21 =	vor.u32 $0x807, v37;
	[tilespmem:$0x1FE10] =	vst v22  }
0x1e: {  	v23 =	vor.u32 $0x2804, v37;
	[tilespmem:$0x1FE20] =	vst v21  }
0x1f: {  	v61 =	vor.u32 $0x3003, v37;
	[tilespmem:$0x1FE30] =	vst v23  }
0x20: {  	v53 =	vor.u32 $0x3002, v37;
	[tilespmem:$0x1FE40] =	vst v61  }
0x21: {  	v45 =	vor.u32 $0x3001, v37;
	[tilespmem:$0x1FE50] =	vst v53  }
0x22: {  	v36 =	vor.u32 $0x2800, v37;
	[tilespmem:$0x1FE60] =	vst v45  }
0x23: {  	v44 =	vor.u32 $0x2801, v37;
	[tilespmem:$0x1FE70] =	vst v36  }
0x24: {  	v35 =	vor.u32 $0x2000, v37;
	[tilespmem:$0x1FE80] =	vst v44  }
0x25: {  	v31 =	vor.u32 $0x1804, v37;
	[tilespmem:$0x1FE90] =	vst v35  }
0x26: {  	v24 =	vor.u32 $0x1004, v37;
	[tilespmem:$0x1FEA0] =	vst v31  }
0x27: {  	v26 =	vor.u32 $0x3801, v37;
	[tilespmem:$0x1FEB0] =	vst v24  }
0x28: {  	v30 =	vor.u32 $0x3802, v37;
	[tilespmem:$0x1FEC0] =	vst v26  }
0x29: {  	v47 =	vor.u32 $0x2, v37;
	[tilespmem:$0x1FED0] =	vst v30  }
0x2a: {  	v55 =	vor.u32 $0x3, v37;
	[tilespmem:$0x1FEE0] =	vst v47  }
0x2b: {  	v63 =	vor.u32 $0x4, v37;
	[tilespmem:$0x1FEF0] =	vst v55  }
0x2c: {  	s28 =	simm.s32 $0x1;
	v40 =	vor.u32 $0x801, v37;
	[tilespmem:$0x1FF00] =	vst v63  }
0x2d: {  	s17 =	simm.s32 $0x18400;
	s18 =	simm.s32 $0x18800;
	s7 =	simm.s32 $0x19000;
	v48 =	vor.u32 $0x802, v37;
	[tilespmem:$0x1FF10] =	vst v40  }
0x2e: {  	s8 =	simm.s32 $0x19400;
	s9 =	simm.s32 $0x19800;
	s10 =	simm.s32 $0x19C00;
	v60 =	vor.u32 $0x2803, v37;
	[tilespmem:$0x1FF20] =	vst v48  }
0x2f: {  	s11 =	simm.s32 $0x5;
	s12 =	simm.s32 $0x3;
	s13 =	simm.s32 $0x6;
	v41 =	vor.u32 $0x1001, v37;
	[tilespmem:$0x1FF30] =	vst v60  }
0x30: {  	s14 =	simm.s32 $0x4;
	s0 =	ssub.s32 $0x2, s0;
	s21 =	sadd.s32 $0x4000, s2;
	v42 =	vor.u32 $0x1801, v37;
	[tilespmem:$0x1FF40] =	vst v41  }
0x31: {  	s22 =	sadd.s32 $0x8000, s2;
	s23 =	sadd.s32 $0xC000, s2;
	v43 =	vor.u32 $0x2001, v37;
	[dreg:$0x5] =	wrdreg s21;
	[tilespmem:$0x1FF50] =	vst v42  }
0x32: {  	s24 =	sadd.s32 $0x10000, s2;
	s25 =	sadd.s32 $0x14000, s2;
	v49 =	vor.u32 $0x1002, v37;
	[dreg:$0x6] =	wrdreg s22;
	[tilespmem:$0x1FF60] =	vst v43  }
0x33: {  	s26 =	sadd.s32 $0x18000, s2;
	s29 =	sadd.s32 $0x1C000, s2;
	v50 =	vor.u32 $0x1802, v37;
	[dreg:$0x7] =	wrdreg s23;
	[tilespmem:$0x1FF70] =	vst v49  }
0x34: {  	s19 =	sshrl.u32 s0, $0x1;
	v57 =	vor.u32 $0x1003, v37;
	s4 =	smul.u32 $0x320, s5;
	[dreg:$0x8] =	wrdreg s24;
	[tilespmem:$0x1FF80] =	vst v50  }
0x35: {  	v32 =	vor.u32 $0x800, v37;
	s0 =	ssub.s32 s0, s19;
	s20 =	sshll.u32 s5, $0xA;
	[dreg:$0x9] =	wrdreg s25;
	[tilespmem:$0x1FF90] =	vst v57  }
0x36: {  	v33 =	vor.u32 $0x1000, v37;
	s5 =	simm.s32 $0x2;
	s19 =	simm.s32 $0x18C00;
	[dreg:$0xa] =	wrdreg s26;
	[tilespmem:$0x1FFA0] =	vst v32  }
0x37: {  	v34 =	vor.u32 $0x1800, v37;
	[dreg:$0xb] =	wrdreg s29;
	s30 =	sor.u32 $0x400, s20;
	s31 =	sor.u32 $0x800, s20;
	[tilespmem:$0x1FFB0] =	vst v33  }
0x38: {  	v29 =	vor.u32 $0x804, v37;
	[dreg:$0x4] =	wrdreg s20;
	s0 =	smax.u32 s0, $0x1;
	s22 =	simm.s32 $0xA400;
	[tilespmem:$0x1FFC0] =	vst v34  }
0x39: {  	v51 =	vor.u32 $0x2002, v37;
	s24 =	simm.s32 $0xE400;
	s26 =	simm.s32 $0x12400;
	s21 =	simm.s32 $0x17800;
	[tilespmem:$0x1FFD0] =	vst v29  }
.Ltmp0:
0x3a: {  	v58 =	vor.u32 $0x1803, v37;
	s23 =	simm.s32 $0x17C00;
	[tilespmem:$0x1FFE0] =	vst v51;
	[dreg:$0xc] =	wrdreg s30;
	(pc) =	sbr.rel .LBB2_1-.Ltmp0, $4  }
0x3b: {  	vm0 =	vcmask $0x300;
	v0 =	vimm.s32 $0x0;
	v6 =	vor.u32 $0x3805, v37;
	s25 =	simm.s32 $0x18000;
	[tilespmem:$0x1FFF0] =	vst v58;
	s6 =	sadd.s32 s4, s1;
	[dreg:$0xd] =	wrdreg s31  }
0x3c: {  	v1 =	vsel vm0, $0x3, v0;
	v27 =	vor.u32 $0x3800, v37;
	v7 =	vor.u32 $0x1006, v37;
	s4 =	sadd.s32 $0xF5BA00, s1;
	s1 =	sor.u32 $0xC00, s20;
	[dreg:$0xf] =	wrdreg s0;
	[tilespmem:$0x1FD30] =	vst v6  }
0x3d: {  	v39 =	vor.u32 $0x1, v37;
	v52 =	vor.u32 $0x2802, v37;
	v54 =	vor.u32 $0x2006, v37;
	s20 =	simm.s32 $0x6400;
	[tilespmem:$0x1FD40] =	vst v7;
	s6 =	sadd.s32 $0xF42A00, s6;
	[dreg:$0xe] =	wrdreg s1  }
0x3e: {  	v56 =	vor.u32 $0x803, v37;
	v59 =	vor.u32 $0x2003, v37;
	v28 =	vor.u32 $0x3803, v37;
	[tilespmem:$0x1FD60] =	vst v54;
	s1 =	simm.s32 $0x0;
	[dreg:$0x3] =	wrdreg s6;
	s6 =	simm.s32 $0x1A000  }
.LBB2_12:
0x3f: {  	_ =	swait.ge [sflag:s11], $0x400  }
0x40: {  	[sflag:s11] =	ssyncset.done $0x0  }
0x41: {  	[sflag:s11] =	ssyncadd.s32 $0xFFFFFC00  }
0x42: {  	_ =	swait.ge [sflag:s11], $0x400  }
0x43: {  	[sflag:s11] =	ssyncset.done $0x0  }
0x44: {  	[sflag:s11] =	ssyncadd.s32 $0xFFFFFC00  }
0x45: {  	_ =	swait.ge [sflag:s11], $0x400  }
0x46: {  	[sflag:s11] =	ssyncset.done $0x0  }
0x47: {  	[sflag:s11] =	ssyncadd.s32 $0xFFFFFC00  }
0x48: {  	_ =	swait.ge [sflag:s11], $0x400  }
0x49: {  	[sflag:s11] =	ssyncset.done $0x0  }
0x4a: {  	[sflag:s11] =	ssyncadd.s32 $0xFFFFFC00  }
0x4b: {  	_ =	swait.ge [sflag:s11], $0x400  }
0x4c: {  	[sflag:s11] =	ssyncset.done $0x0  }
0x4d: {  	[sflag:s11] =	ssyncadd.s32 $0xFFFFFC00  }
0x4e: {  	_ =	swait.ge [sflag:s11], $0x400  }
0x4f: {  	[sflag:s11] =	ssyncset.done $0x0  }
0x50: {  	[sflag:s11] =	ssyncadd.s32 $0xFFFFFC00  }
0x51: {  	_ =	swait.ge [sflag:s11], $0x400  }
0x52: {  	[sflag:s11] =	ssyncset.done $0x0  }
0x53: {  	[sflag:s11] =	ssyncadd.s32 $0xFFFFFC00  }
0x54: {  	_ =	swait.ge [sflag:s11], $0x400  }
0x55: {  	[sflag:s11] =	ssyncset.done $0x0  }
0x56: {  	[sflag:s11] =	ssyncadd.s32 $0xFFFFFC00  }
0x57: {  	_ =	swait.ge [sflag:s13], $0x400  }
0x58: {  	[sflag:s13] =	ssyncset.done $0x0  }
0x59: {  	[sflag:s13] =	ssyncadd.s32 $0xFFFFFC00  }
0x5a: {  	_ =	swait.ge [sflag:s13], $0x400  }
0x5b: {  	[sflag:s13] =	ssyncset.done $0x0  }
0x5c: {  	[sflag:s13] =	ssyncadd.s32 $0xFFFFFC00  }
0x5d: {  	_ =	swait.ge [sflag:s13], $0x400  }
0x5e: {  	[sflag:s13] =	ssyncset.done $0x0  }
0x5f: {  	[sflag:s13] =	ssyncadd.s32 $0xFFFFFC00  }
0x60: {  	_ =	swait.ge [sflag:s13], $0x400  }
0x61: {  	[sflag:s13] =	ssyncset.done $0x0  }
0x62: {  	[sflag:s13] =	ssyncadd.s32 $0xFFFFFC00  }
0x63: {  	_ =	swait.ge [sflag:s13], $0x400  }
0x64: {  	[sflag:s13] =	ssyncset.done $0x0  }
0x65: {  	[sflag:s13] =	ssyncadd.s32 $0xFFFFFC00  }
0x66: {  	_ =	swait.ge [sflag:s13], $0x400  }
0x67: {  	[sflag:s13] =	ssyncset.done $0x0  }
0x68: {  	[sflag:s13] =	ssyncadd.s32 $0xFFFFFC00  }
0x69: {  	_ =	swait.ge [sflag:s13], $0x400  }
0x6a: {  	[sflag:s13] =	ssyncset.done $0x0  }
0x6b: {  	[sflag:s13] =	ssyncadd.s32 $0xFFFFFC00  }
0x6c: {  	_ =	swait.ge [sflag:s13], $0x400  }
0x6d: {  	s1 =	rddreg [dreg:$0x10]  }
0x6e: {  	s0 =	rddreg [dreg:$0xf];
	s1 =	sadd.s32 $0x1, s1  }
0x6f: {  	p0 =	sne.s32 s1, s0  }
.Ltmp1:
0x70: {  	_ = 	snop;
	(pc) =	sbr.rel @!p0 .LBB2_13-.Ltmp1, $4  }
0x71: {  	_ = 	snop  }
0x72: {  	v37 =	vld [tilespmem:$0x1FCA0]  }
0x73: {  	[sflag:s13] =	ssyncset.done $0x0;
	v13 =	vld [tilespmem:$0x1FDA0]  }
0x74: {  	v23 =	vmov v0;
	v25 =	vmov v19;
	v21 =	vld [tilespmem:$0x1FE20];
	[sflag:s13] =	ssyncadd.s32 $0xFFFFFC00  }
.LBB2_1:
0x75: {  	[dreg:$0x10] =	wrdreg s1  }
0x76: {  	s0 =	rddreg [dreg:$0x3];
	s15 =	simm.s32 $0x7  }
0x77: {  	[tilespmem:s3], [sflag:$0x7] =	stream.linear.gather [hbm4b:s0+s3], $0x6400, $0x38;
	[tilespmem:$0x1A400] =	vst v63  }
0x78: {  	_ =	swait.ge [sflag:s15], $0x6400  }
0x79: {  	[sflag:s15] =	ssyncset.done $0x0  }
0x7a: {  	s16 =	simm.s32 $0x80;
	[sflag:s15] =	ssyncadd.s32 $0xFFFF9C00  }
0x7b: {  	[tilespmem:s20], [sflag:$0x1] =	stream.indirect.gather [hbm4b:s4+s16], $0x80, s3, s16, $0xb8;
	[tilespmem:$0x1A400] =	vst v63  }
0x7c: {  	s29 =	simm.s32 $0x1900  }
0x7d: {  	[tilespmem:s22], [sflag:$0x2] =	stream.indirect.gather [hbm4b:s4+s16], $0x80, s29, s16, $0xb8;
	[tilespmem:$0x1A400] =	vst v63  }
0x7e: {  	s30 =	simm.s32 $0x3200  }
0x7f: {  	[tilespmem:s24], [sflag:$0x3] =	stream.indirect.gather [hbm4b:s4+s16], $0x80, s30, s16, $0xb8;
	[tilespmem:$0x1A400] =	vst v63  }
0x80: {  	s31 =	simm.s32 $0x4B00;
	s15 =	simm.s32 $0x0  }
0x81: {  	[tilespmem:s26], [sflag:$0x4] =	stream.indirect.gather [hbm4b:s4+s16], $0x80, s31, s16, $0xb8;
	[tilespmem:$0x1A400] =	vst v63  }
.LBB2_2:
0x82: {  	p0 =	seq.s32 s15, $0x0  }
0x83: {  	s1 =	simm.s32 @!p0 $0x5  }
0x84: {  	_ =	swait.ge @!p0 [sflag:s1], $0x400  }
0x85: {  	[sflag:s1] =	ssyncset.done @!p0 $0x0  }
0x86: {  	[sflag:s1] =	ssyncadd.s32 @!p0 $0xFFFFFC00  }
0x87: {  	_ =	swait.ge @!p0 [sflag:s1], $0x400  }
0x88: {  	[sflag:s1] =	ssyncset.done @!p0 $0x0  }
0x89: {  	[sflag:s1] =	ssyncadd.s32 @!p0 $0xFFFFFC00  }
0x8a: {  	_ =	swait.ge @!p0 [sflag:s1], $0x400  }
0x8b: {  	[sflag:s1] =	ssyncset.done @!p0 $0x0  }
0x8c: {  	[sflag:s1] =	ssyncadd.s32 @!p0 $0xFFFFFC00  }
0x8d: {  	_ =	swait.ge @!p0 [sflag:s1], $0x400  }
0x8e: {  	[sflag:s1] =	ssyncset.done @!p0 $0x0  }
0x8f: {  	[sflag:s1] =	ssyncadd.s32 @!p0 $0xFFFFFC00  }
0x90: {  	_ =	swait.ge @!p0 [sflag:s1], $0x400  }
0x91: {  	[sflag:s1] =	ssyncset.done @!p0 $0x0  }
0x92: {  	s16 =	simm.s32 $0x0;
	s29 =	simm.s32 $0x2;
	[sflag:s1] =	ssyncadd.s32 @!p0 $0xFFFFFC00  }
0x93: {  	v0 =	vmov s16;
	v3 =	vmov s29;
	s29 =	simm.s32 $0x4;
	_ =	swait.ge @!p0 [sflag:s1], $0x400  }
0x94: {  	v0 =	vshrl.u32 v0, $0x3;
	v5 =	vmov s29;
	s29 =	simm.s32 $0x7;
	[sflag:s1] =	ssyncset.done @!p0 $0x0  }
0x95: {  	s31 =	simm.s32 $0x1;
	v0 =	vshll.u32 v0, v1;
	v7 =	vmov s29;
	[sflag:s1] =	ssyncadd.s32 @!p0 $0xFFFFFC00  }
0x96: {  	v2 =	vbroadcast v0, $0x0;
	v0 =	vmov s31;
	v7 =	vshrl.u32 v7, $0x3;
	_ =	swait.ge @!p0 [sflag:s1], $0x400  }
0x97: {  	v0 =	vshrl.u32 v0, $0x3;
	v7 =	vshll.u32 v7, v1;
	[sflag:s1] =	ssyncset.done @!p0 $0x0  }
0x98: {  	v3 =	vshrl.u32 v3, $0x3;
	v0 =	vshll.u32 v0, v1;
	v7 =	vbroadcast v7, $0x0;
	[sflag:s1] =	ssyncadd.s32 @!p0 $0xFFFFFC00  }
0x99: {  	s0 =	simm.s32 $0x3;
	v9 =	vbroadcast v0, $0x0;
	v0 =	vshll.u32 v3, v1;
	_ =	swait.ge @!p0 [sflag:s1], $0x400  }
0x9a: {  	v4 =	vmov s0;
	s0 =	simm.s32 $0x6;
	v54 =	vbroadcast v0, $0x0;
	v13 =	vor.u32 v13, v7;
	[sflag:s1] =	ssyncset.done @!p0 $0x0  }
0x9b: {  	v8 =	vmov s0;
	v14 =	vor.u32 v39, v9;
	[sflag:s1] =	ssyncadd.s32 @!p0 $0xFFFFFC00  }
0x9c: {  	v4 =	vshrl.u32 v4, $0x3;
	v5 =	vshrl.u32 v5, $0x3;
	s31 =	simm.s32 $0x5;
	v15 =	vor.u32 v47, v54;
	_ =	swait.ge [sflag:s28], $0x4000  }
0x9d: {  	v12 =	vshrl.u32 v8, $0x3;
	v6 =	vmov s31;
	v0 =	vshll.u32 v4, v1;
	[sflag:s28] =	ssyncset.done $0x0  }
0x9e: {  	v11 =	vshrl.u32 v6, $0x3;
	v6 =	vbroadcast v0, $0x0;
	v0 =	vshll.u32 v5, v1;
	v8 =	vld [tilespmem:$0x1FC80];
	[sflag:s28] =	ssyncadd.s32 $0xFFFFC000  }
0x9f: {  	v10 =	vor.u32 v37, v2;
	v5 =	vbroadcast v0, $0x0;
	v13 =	vld.idx.msk [tilespmem:v13+s20+$0x0], $0xffff  }
0xa0: {  	v0 =	vshll.u32 v11, v1;
	v11 =	vor.u32 v55, v6;
	v14 =	vld.idx.msk [tilespmem:v14+s20+$0x0], $0xffff  }
0xa1: {  	v4 =	vbroadcast v0, $0x0;
	v0 =	vshll.u32 v12, v1;
	v12 =	vor.u32 v63, v5;
	v15 =	vld.idx.msk [tilespmem:v15+s20+$0x0], $0xffff;
	_ =	sdelay $0x1  }
0xa2: {  	s16 =	simm.s32 $0x16600;
	v3 =	vbroadcast v0, $0x0;
	v0 =	vor.u32 v46, v4  }
0xa3: {  	v17 =	vor.u32 v21, v7;
	v10 =	vld.idx.msk [tilespmem:v10+s20+$0x0], $0xffff;
	[tilespmem:s16+$0x180] =	vst v13  }
0xa4: {  	v18 =	vor.u32 v40, v9;
	v11 =	vld.idx.msk [tilespmem:v11+s20+$0x0], $0xffff;
	[tilespmem:s16+$0xFFFFFE80] =	vst v14  }
0xa5: {  	v12 =	vld.idx.msk [tilespmem:v12+s20+$0x0], $0xffff;
	v16 =	vor.u32 v8, v3;
	[tilespmem:s16+$0xFFFFFF00] =	vst v15  }
0xa6: {  	v8 =	vld [tilespmem:$0x1FC90]  }
0xa7: {  	v0 =	vld.idx.msk [tilespmem:v0+s20+$0x0], $0xffff  }
0xa8: {  	v14 =	vld.idx.msk [tilespmem:v17+s20+$0x0], $0xffff  }
0xa9: {  	v17 =	vld.idx.msk [tilespmem:v18+s20+$0x0], $0xffff  }
0xaa: {  	[tilespmem:s16+$0xFFFFFF80] =	vst v11;
	v16 =	vld.idx.msk [tilespmem:v16+s20+$0x0], $0xffff  }
0xab: {  	v19 =	vor.u32 v48, v54;
	v15 =	vor.u32 v8, v3;
	v8 =	vld [tilespmem:$0x1FDB0];
	[tilespmem:s16+$0x0] =	vst v12  }
0xac: {  	[tilespmem:s16+$0x80] =	vst v0  }
0xad: {  	[tilespmem:s16+$0x190] =	vst v14  }
0xae: {  	[tilespmem:s16+$0xFFFFFE00] =	vst v10  }
0xaf: {  	v20 =	vor.u32 v56, v6;
	[tilespmem:s16+$0xFFFFFE90] =	vst v17  }
0xb0: {  	v21 =	vor.u32 v29, v5;
	v18 =	vld.idx.msk [tilespmem:v19+s20+$0x0], $0xffff;
	[tilespmem:s16+$0x100] =	vst v16  }
0xb1: {  	v11 =	vor.u32 v8, v7;
	v8 =	vld [tilespmem:$0x1FCF0]  }
0xb2: {  	v13 =	vor.u32 v22, v4  }
0xb3: {  	v19 =	vor.u32 v32, v2  }
0xb4: {  	v20 =	vld.idx.msk [tilespmem:v20+s20+$0x0], $0xffff  }
0xb5: {  	v21 =	vld.idx.msk [tilespmem:v21+s20+$0x0], $0xffff;
	[tilespmem:s16+$0xFFFFFF10] =	vst v18  }
0xb6: {  	v17 =	vor.u32 v8, v4;
	v8 =	vld [tilespmem:$0x1FDC0]  }
0xb7: {  	v12 =	vor.u32 v41, v9;
	v13 =	vld.idx.msk [tilespmem:v13+s20+$0x0], $0xffff  }
0xb8: {  	v14 =	vld.idx.msk [tilespmem:v19+s20+$0x0], $0xffff  }
0xb9: {  	v0 =	vor.u32 v49, v54;
	v11 =	vld.idx.msk [tilespmem:v11+s20+$0x0], $0xffff  }
0xba: {  	v16 =	vor.u32 v57, v6;
	v15 =	vld.idx.msk [tilespmem:v15+s20+$0x0], $0xffff;
	[tilespmem:s16+$0xFFFFFF90] =	vst v20  }
0xbb: {  	v10 =	vor.u32 v24, v5;
	v18 =	vor.u32 v8, v7;
	v8 =	vld [tilespmem:$0x1FD40]  }
0xbc: {  	v12 =	vld.idx.msk [tilespmem:v12+s20+$0x0], $0xffff;
	[tilespmem:s16+$0x10] =	vst v21  }
0xbd: {  	[tilespmem:s16+$0x90] =	vst v13  }
0xbe: {  	v0 =	vld.idx.msk [tilespmem:v0+s20+$0x0], $0xffff;
	[tilespmem:s16+$0x1A0] =	vst v11  }
0xbf: {  	v16 =	vld.idx.msk [tilespmem:v16+s20+$0x0], $0xffff;
	[tilespmem:s16+$0x110] =	vst v15  }
0xc0: {  	[tilespmem:s16+$0xFFFFFE10] =	vst v14;
	v10 =	vld.idx.msk [tilespmem:v10+s20+$0x0], $0xffff;
	v19 =	vor.u32 v8, v3  }
0xc1: {  	v20 =	vor.u32 v33, v2;
	[tilespmem:s16+$0xFFFFFEA0] =	vst v12;
	v17 =	vld.idx.msk [tilespmem:v17+s20+$0x0], $0xffff  }
0xc2: {  	v8 =	vld [tilespmem:$0x1FDD0]  }
0xc3: {  	v15 =	vld.idx.msk [tilespmem:v18+s20+$0x0], $0xffff;
	[tilespmem:s16+$0xFFFFFF20] =	vst v0  }
0xc4: {  	v0 =	vld [tilespmem:$0x1FD00]  }
0xc5: {  	v21 =	vor.u32 v42, v9;
	v18 =	vld.idx.msk [tilespmem:v19+s20+$0x0], $0xffff  }
0xc6: {  	v13 =	vor.u32 v50, v54;
	[tilespmem:s16+$0xFFFFFFA0] =	vst v16;
	v19 =	vld.idx.msk [tilespmem:v20+s20+$0x0], $0xffff  }
0xc7: {  	v12 =	vor.u32 v8, v7;
	v8 =	vld [tilespmem:$0x1FD50];
	[tilespmem:s16+$0x20] =	vst v10  }
0xc8: {  	[tilespmem:s16+$0x1B0] =	vst v15  }
0xc9: {  	v11 =	vor.u32 v58, v6;
	[tilespmem:s16+$0xA0] =	vst v17  }
0xca: {  	v14 =	vor.u32 v31, v5;
	v20 =	vld.idx.msk [tilespmem:v21+s20+$0x0], $0xffff;
	[tilespmem:s16+$0x120] =	vst v18  }
0xcb: {  	v13 =	vld.idx.msk [tilespmem:v13+s20+$0x0], $0xffff;
	[tilespmem:s16+$0xFFFFFE20] =	vst v19  }
0xcc: {  	v16 =	vor.u32 v8, v3;
	v8 =	vld [tilespmem:$0x1FDE0]  }
0xcd: {  	v0 =	vor.u32 v0, v4  }
0xce: {  	v11 =	vld.idx.msk [tilespmem:v11+s20+$0x0], $0xffff;
	v21 =	vor.u32 v34, v2  }
0xcf: {  	v14 =	vld.idx.msk [tilespmem:v14+s20+$0x0], $0xffff;
	[tilespmem:s16+$0xFFFFFEB0] =	vst v20  }
0xd0: {  	v10 =	vor.u32 v43, v9;
	v12 =	vld.idx.msk [tilespmem:v12+s20+$0x0], $0xffff;
	[tilespmem:s16+$0xFFFFFF30] =	vst v13  }
0xd1: {  	v18 =	vor.u32 v8, v7;
	v8 =	vld [tilespmem:$0x1FD10]  }
0xd2: {  	v15 =	vor.u32 v51, v54;
	v0 =	vld.idx.msk [tilespmem:v0+s20+$0x0], $0xffff  }
0xd3: {  	v19 =	vld.idx.msk [tilespmem:v21+s20+$0x0], $0xffff  }
0xd4: {  	v17 =	vor.u32 v59, v6;
	v16 =	vld.idx.msk [tilespmem:v16+s20+$0x0], $0xffff  }
0xd5: {  	v10 =	vld.idx.msk [tilespmem:v10+s20+$0x0], $0xffff;
	[tilespmem:s16+$0xFFFFFFB0] =	vst v11  }
0xd6: {  	v13 =	vor.u32 v8, v4;
	v8 =	vld [tilespmem:$0x1FD60];
	[tilespmem:s16+$0x1C0] =	vst v12  }
0xd7: {  	v20 =	vor.u32 v38, v5;
	v15 =	vld.idx.msk [tilespmem:v15+s20+$0x0], $0xffff;
	[tilespmem:s16+$0x30] =	vst v14  }
0xd8: {  	[tilespmem:s16+$0xB0] =	vst v0  }
0xd9: {  	v21 =	vor.u32 v35, v2;
	v17 =	vld.idx.msk [tilespmem:v17+s20+$0x0], $0xffff;
	[tilespmem:s16+$0x130] =	vst v16  }
0xda: {  	v0 =	vld [tilespmem:$0x1FDF0];
	[tilespmem:s16+$0xFFFFFE30] =	vst v19  }
0xdb: {  	v12 =	vor.u32 v44, v9;
	v14 =	vld.idx.msk [tilespmem:v18+s20+$0x0], $0xffff;
	[tilespmem:s16+$0xFFFFFEC0] =	vst v10  }
0xdc: {  	v18 =	vor.u32 v52, v54;
	v20 =	vld.idx.msk [tilespmem:v20+s20+$0x0], $0xffff;
	[tilespmem:s16+$0xFFFFFF40] =	vst v15  }
0xdd: {  	v11 =	vor.u32 v8, v3;
	v8 =	vld [tilespmem:$0x1FD20]  }
0xde: {  	v19 =	vld.idx.msk [tilespmem:v21+s20+$0x0], $0xffff  }
0xdf: {  	v13 =	vld.idx.msk [tilespmem:v13+s20+$0x0], $0xffff;
	v0 =	vor.u32 v0, v7  }
0xe0: {  	v16 =	vor.u32 v60, v6;
	v21 =	vld.idx.msk [tilespmem:v12+s20+$0x0], $0xffff  }
0xe1: {  	v10 =	vor.u32 v23, v5;
	v15 =	vld.idx.msk [tilespmem:v18+s20+$0x0], $0xffff  }
0xe2: {  	v12 =	vor.u32 v8, v4;
	v8 =	vld [tilespmem:$0x1FD70];
	[tilespmem:s16+$0x1D0] =	vst v14  }
0xe3: {  	v11 =	vld.idx.msk [tilespmem:v11+s20+$0x0], $0xffff;
	[tilespmem:s16+$0xFFFFFFC0] =	vst v17  }
0xe4: {  	[tilespmem:s16+$0x40] =	vst v20;
	v17 =	vld.idx.msk [tilespmem:v0+s20+$0x0], $0xffff  }
0xe5: {  	[tilespmem:s16+$0xC0] =	vst v13;
	v24 =	vld.idx.msk [tilespmem:v16+s20+$0x0], $0xffff;
	v0 =	vor.u32 $0x3807, v37  }
0xe6: {  	v14 =	vor.u32 v36, v2;
	v23 =	vld.idx.msk [tilespmem:v10+s20+$0x0], $0xffff;
	[tilespmem:$0x1FC60] =	vst v0  }
0xe7: {  	v22 =	vor.u32 v45, v9;
	[tilespmem:s16+$0xFFFFFE40] =	vst v19  }
0xe8: {  	[tilespmem:s16+$0xFFFFFED0] =	vst v21  }
0xe9: {  	v13 =	vor.u32 v53, v54;
	v38 =	vld.idx.msk [tilespmem:v12+s20+$0x0], $0xffff;
	[tilespmem:s16+$0x140] =	vst v11  }
0xea: {  	v10 =	vor.u32 v0, v7;
	v18 =	vor.u32 v8, v3;
	v0 =	vld [tilespmem:$0x1FC70]  }
0xeb: {  	v12 =	vld.idx.msk [tilespmem:v14+s20+$0x0], $0xffff;
	[tilespmem:s16+$0x1E0] =	vst v17  }
0xec: {  	v11 =	vld.idx.msk [tilespmem:v22+s20+$0x0], $0xffff;
	[tilespmem:s16+$0xFFFFFF50] =	vst v15  }
0xed: {  	v19 =	vor.u32 v61, v6;
	v8 =	vld [tilespmem:$0x1FD80]  }
0xee: {  	v21 =	vor.u32 v25, v5;
	v13 =	vld.idx.msk [tilespmem:v13+s20+$0x0], $0xffff  }
0xef: {  	s31 =	simm.s32 $0x8;
	v46 =	vld.idx.msk [tilespmem:v18+s20+$0x0], $0xffff;
	v62 =	vor.u32 v0, v4  }
0xf0: {  	v7 =	vmov s31;
	v18 =	vld.idx.msk [tilespmem:v10+s20+$0x0], $0xffff  }
0xf1: {  	v7 =	vshrl.u32 v7, $0x3;
	v10 =	vld [tilespmem:$0x1FCB0];
	[tilespmem:s16+$0xFFFFFFD0] =	vst v24  }
0xf2: {  	s29 =	simm.s32 $0xB;
	v7 =	vshll.u32 v7, v1;
	[tilespmem:s16+$0x50] =	vst v23;
	v14 =	vld.idx.msk [tilespmem:v19+s20+$0x0], $0xffff  }
0xf3: {  	v9 =	vor.u32 v26, v9;
	v16 =	vmov s29;
	s31 =	simm.s32 $0xA;
	v7 =	vbroadcast v7, $0x0;
	[tilespmem:s16+$0xD0] =	vst v38;
	v15 =	vld.idx.msk [tilespmem:v21+s20+$0x0], $0xffff  }
0xf4: {  	s0 =	simm.s32 $0x9;
	v19 =	vshrl.u32 v16, $0x3;
	v17 =	vor.u32 v8, v3;
	v8 =	vmov s31;
	[tilespmem:s16+$0x150] =	vst v46;
	v16 =	vld.idx.msk [tilespmem:v62+s20+$0x0], $0xffff  }
0xf5: {  	s29 =	simm.s32 $0xD;
	v22 =	vmov s0;
	s0 =	simm.s32 $0xC;
	v21 =	vshrl.u32 v8, $0x3;
	v8 =	vor.u32 v30, v54;
	v54 =	vld [tilespmem:$0x1FCD0]  }
0xf6: {  	v25 =	vmov s0;
	v22 =	vshrl.u32 v22, $0x3;
	v24 =	vmov s29;
	s31 =	simm.s32 $0xE;
	v46 =	vld [tilespmem:$0x1FD30]  }
0xf7: {  	s30 =	simm.s32 $0xF;
	v31 =	vmovc v37;
	s29 =	simm.s32 $0x10;
	v23 =	vmov s31;
	v20 =	vor.u32 v10, v2;
	v10 =	vor.u32 v37, v7;
	v37 =	vld [tilespmem:$0x1FD90]  }
.LBB2_3:
0xf8: {  	_ = 	snop  }
0xf9: {  	[tilespmem:s16+$0xFFFFFF60] =	vst v13  }
0xfa: {  	[tilespmem:s16+$0xFFFFFFE0] =	vst v14;
	v14 =	vld [tilespmem:$0x1FDA0]  }
0xfb: {  	v26 =	vmov s30;
	v6 =	vor.u32 v28, v6;
	[tilespmem:s16+$0xFFFFFE50] =	vst v12;
	v12 =	vld.idx.msk [tilespmem:v17+s20+$0x0], $0xffff  }
0xfc: {  	v5 =	vor.u32 v54, v5;
	v4 =	vor.u32 v46, v4;
	v3 =	vor.u32 v37, v3;
	v13 =	vld.idx.msk [tilespmem:v8+s20+$0x0], $0xffff  }
0xfd: {  	[tilespmem:s16+$0x1F0] =	vst v18;
	v2 =	vor.u32 v27, v2;
	v17 =	vshrl.u32 v24, $0x3;
	v24 =	vshrl.u32 v26, $0x3;
	v20 =	vld.idx.msk [tilespmem:v20+s20+$0x0], $0xffff  }
0xfe: {  	v18 =	vld.idx.msk [tilespmem:v10+s20+$0x0], $0xffff;
	v10 =	vshll.u32 v24, v1;
	[tilespmem:s16+$0xFFFFFEE0] =	vst v11;
	v11 =	vshll.u32 v22, v1  }
0xff: {  	v10 =	vbroadcast v10, $0x0;
	v22 =	vld.idx.msk [tilespmem:v9+s20+$0x0], $0xffff;
	v9 =	vbroadcast v11, $0x0;
	v11 =	vshll.u32 v21, v1  }
0x100: {  	v25 =	vshrl.u32 v25, $0x3;
	[tilespmem:s16+$0x60] =	vst v15;
	v8 =	vbroadcast v11, $0x0;
	v11 =	vshll.u32 v19, v1;
	v19 =	vld.idx.msk [tilespmem:v6+s20+$0x0], $0xffff  }
0x101: {  	[tilespmem:s16+$0xE0] =	vst v16;
	v14 =	vor.u32 v14, v10;
	v21 =	vld.idx.msk [tilespmem:v5+s20+$0x0], $0xffff;
	v6 =	vbroadcast v11, $0x0;
	v11 =	vshll.u32 v25, v1  }
0x102: {  	v23 =	vshrl.u32 v23, $0x3;
	[tilespmem:s16+$0x160] =	vst v12;
	v5 =	vbroadcast v11, $0x0;
	v11 =	vshll.u32 v17, v1;
	v17 =	vld.idx.msk [tilespmem:v4+s20+$0x0], $0xffff  }
0x103: {  	v15 =	vor.u32 v39, v9;
	[tilespmem:s16+$0xFFFFFE60] =	vst v20;
	v20 =	vld.idx.msk [tilespmem:v3+s20+$0x0], $0xffff;
	v4 =	vbroadcast v11, $0x0;
	v11 =	vshll.u32 v23, v1  }
0x104: {  	v16 =	vor.u32 v47, v8;
	v3 =	vbroadcast v11, $0x0;
	v11 =	vld.idx.msk [tilespmem:v2+s20+$0x0], $0xffff  }
0x105: {  	v2 =	vmov v7;
	v7 =	vld [tilespmem:$0x1FE00]  }
0x106: {  	v12 =	vor.u32 v55, v6;
	[tilespmem:s16+$0xFFFFFEF0] =	vst v22;
	v14 =	vld.idx.msk [tilespmem:v14+s20+$0x0], $0xffff  }
0x107: {  	v23 =	vor.u32 v63, v5;
	[tilespmem:s16+$0xFFFFFFF0] =	vst v19;
	v19 =	vld [tilespmem:$0x1FE20]  }
0x108: {  	[tilespmem:s16+$0xFFFFFF70] =	vst v13;
	v13 =	vld.idx.msk [tilespmem:v15+s20+$0x0], $0xffff  }
0x109: {  	[tilespmem:s16+$0x70] =	vst v21;
	v16 =	vld.idx.msk [tilespmem:v16+s20+$0x0], $0xffff  }
0x10a: {  	v15 =	vld [tilespmem:$0x1FC80];
	[tilespmem:s16+$0xF0] =	vst v17;
	v17 =	vor.u32 v48, v8  }
0x10b: {  	[tilespmem:s16+$0x170] =	vst v20;
	v12 =	vld.idx.msk [tilespmem:v12+s20+$0x0], $0xffff  }
0x10c: {  	v7 =	vor.u32 v7, v4;
	v22 =	vld.idx.msk [tilespmem:v23+s20+$0x0], $0xffff;
	[tilespmem:s16+$0xFFFFFE70] =	vst v11;
	s16 =	sadd.s32 $0x400, s16  }
0x10d: {  	v20 =	vor.u32 v56, v6;
	[tilespmem:s16+$0xFFFFFE80] =	vst v13;
	v13 =	vld [tilespmem:$0x1FE10]  }
0x10e: {  	v19 =	vor.u32 v19, v10;
	[tilespmem:s16+$0xFFFFFF00] =	vst v16;
	v16 =	vld [tilespmem:$0x1FC90]  }
0x10f: {  	v21 =	vor.u32 v40, v9;
	v17 =	vld.idx.msk [tilespmem:v17+s20+$0x0], $0xffff  }
0x110: {  	v11 =	vor.u32 v29, v5;
	[tilespmem:s16+$0xFFFFFF80] =	vst v12;
	v12 =	vld [tilespmem:$0x1FDB0]  }
0x111: {  	v15 =	vor.u32 v15, v3;
	v7 =	vld.idx.msk [tilespmem:v7+s20+$0x0], $0xffff  }
0x112: {  	[tilespmem:s16+$0x180] =	vst v14;
	v20 =	vld.idx.msk [tilespmem:v20+s20+$0x0], $0xffff  }
0x113: {  	v14 =	vld.idx.msk [tilespmem:v19+s20+$0x0], $0xffff  }
0x114: {  	[tilespmem:s16+$0x0] =	vst v22;
	v19 =	vld.idx.msk [tilespmem:v21+s20+$0x0], $0xffff  }
0x115: {  	v21 =	vor.u32 v32, v2;
	v11 =	vld.idx.msk [tilespmem:v11+s20+$0x0], $0xffff  }
0x116: {  	[tilespmem:s16+$0xFFFFFE00] =	vst v18;
	v15 =	vld.idx.msk [tilespmem:v15+s20+$0x0], $0xffff  }
0x117: {  	v13 =	vor.u32 v13, v4;
	[tilespmem:s16+$0xFFFFFF10] =	vst v17;
	v17 =	vld [tilespmem:$0x1FDC0]  }
0x118: {  	v22 =	vor.u32 v41, v9;
	[tilespmem:s16+$0xFFFFFF90] =	vst v20;
	v20 =	vld [tilespmem:$0x1FD40]  }
0x119: {  	v12 =	vor.u32 v12, v10;
	[tilespmem:s16+$0x190] =	vst v14;
	v14 =	vld [tilespmem:$0x1FEB0]  }
0x11a: {  	v16 =	vor.u32 v16, v3;
	[tilespmem:s16+$0x80] =	vst v7;
	v18 =	vld.idx.msk [tilespmem:v21+s20+$0x0], $0xffff  }
0x11b: {  	v7 =	vor.u32 v49, v8;
	[tilespmem:s16+$0xFFFFFE90] =	vst v19;
	v19 =	vld [tilespmem:$0x1FCF0]  }
0x11c: {  	v13 =	vld.idx.msk [tilespmem:v13+s20+$0x0], $0xffff;
	[tilespmem:s16+$0x100] =	vst v15;
	v15 =	vor.u32 v57, v6  }
0x11d: {  	v21 =	vld.idx.msk [tilespmem:v22+s20+$0x0], $0xffff  }
0x11e: {  	[tilespmem:s16+$0x10] =	vst v11;
	v11 =	vor.u32 v42, v9;
	v12 =	vld.idx.msk [tilespmem:v12+s20+$0x0], $0xffff  }
0x11f: {  	v16 =	vld.idx.msk [tilespmem:v16+s20+$0x0], $0xffff;
	v17 =	vor.u32 v17, v10  }
0x120: {  	v7 =	vld.idx.msk [tilespmem:v7+s20+$0x0], $0xffff  }
0x121: {  	v20 =	vor.u32 v20, v3;
	v15 =	vld.idx.msk [tilespmem:v15+s20+$0x0], $0xffff  }
0x122: {  	v22 =	vor.u32 v33, v2;
	[tilespmem:s16+$0xFFFFFEA0] =	vst v21;
	v21 =	vld [tilespmem:$0x1FDD0]  }
0x123: {  	v11 =	vld.idx.msk [tilespmem:v11+s20+$0x0], $0xffff;
	[tilespmem:s16+$0x1A0] =	vst v12  }
0x124: {  	v14 =	vor.u32 v14, v5;
	[tilespmem:s16+$0x110] =	vst v16;
	v16 =	vld.idx.msk [tilespmem:v17+s20+$0x0], $0xffff  }
0x125: {  	v19 =	vor.u32 v19, v4;
	[tilespmem:s16+$0xFFFFFE10] =	vst v18;
	v17 =	vld [tilespmem:$0x1FEA0]  }
0x126: {  	[tilespmem:s16+$0x90] =	vst v13;
	v13 =	vor.u32 v50, v8;
	v18 =	vld.idx.msk [tilespmem:v20+s20+$0x0], $0xffff  }
0x127: {  	v20 =	vld.idx.msk [tilespmem:v22+s20+$0x0], $0xffff  }
0x128: {  	[tilespmem:s16+$0xFFFFFF20] =	vst v7;
	v7 =	vld [tilespmem:$0x1FD00]  }
0x129: {  	v12 =	vor.u32 v58, v6;
	v14 =	vld.idx.msk [tilespmem:v14+s20+$0x0], $0xffff  }
0x12a: {  	v19 =	vld.idx.msk [tilespmem:v19+s20+$0x0], $0xffff  }
0x12b: {  	v22 =	vor.u32 v34, v2;
	v13 =	vld.idx.msk [tilespmem:v13+s20+$0x0], $0xffff;
	[tilespmem:s16+$0xFFFFFFA0] =	vst v15  }
0x12c: {  	v21 =	vor.u32 v21, v10;
	v15 =	vld [tilespmem:$0x1FD50];
	[tilespmem:s16+$0xFFFFFEB0] =	vst v11  }
0x12d: {  	v11 =	vld [tilespmem:$0x1FCE0];
	[tilespmem:s16+$0x1B0] =	vst v16  }
0x12e: {  	v12 =	vld.idx.msk [tilespmem:v12+s20+$0x0], $0xffff;
	[tilespmem:s16+$0x120] =	vst v18  }
0x12f: {  	v17 =	vor.u32 v17, v5;
	[tilespmem:s16+$0xFFFFFE20] =	vst v20;
	v18 =	vld [tilespmem:$0x1FDE0]  }
0x130: {  	v7 =	vor.u32 v7, v4;
	[tilespmem:s16+$0x20] =	vst v14;
	v20 =	vld.idx.msk [tilespmem:v22+s20+$0x0], $0xffff  }
0x131: {  	v16 =	vor.u32 v51, v8;
	[tilespmem:s16+$0xA0] =	vst v19;
	v19 =	vld.idx.msk [tilespmem:v21+s20+$0x0], $0xffff  }
0x132: {  	v14 =	vor.u32 v43, v9;
	[tilespmem:s16+$0xFFFFFF30] =	vst v13;
	v13 =	vld [tilespmem:$0x1FD10]  }
0x133: {  	v15 =	vor.u32 v15, v3;
	[tilespmem:s16+$0xFFFFFFB0] =	vst v12;
	v12 =	vld [tilespmem:$0x1FD60]  }
0x134: {  	v21 =	vor.u32 v59, v6;
	v17 =	vld.idx.msk [tilespmem:v17+s20+$0x0], $0xffff  }
0x135: {  	v22 =	vor.u32 v35, v2;
	v7 =	vld.idx.msk [tilespmem:v7+s20+$0x0], $0xffff  }
0x136: {  	v16 =	vld.idx.msk [tilespmem:v16+s20+$0x0], $0xffff  }
0x137: {  	v18 =	vor.u32 v18, v10;
	v14 =	vld.idx.msk [tilespmem:v14+s20+$0x0], $0xffff  }
0x138: {  	v15 =	vld.idx.msk [tilespmem:v15+s20+$0x0], $0xffff  }
0x139: {  	[tilespmem:s16+$0xFFFFFE30] =	vst v20;
	v13 =	vor.u32 v13, v4;
	v21 =	vld.idx.msk [tilespmem:v21+s20+$0x0], $0xffff  }
0x13a: {  	[tilespmem:s16+$0x1C0] =	vst v19;
	v20 =	vld.idx.msk [tilespmem:v22+s20+$0x0], $0xffff  }
0x13b: {  	v11 =	vor.u32 v11, v5;
	v22 =	vld [tilespmem:$0x1FD70];
	[tilespmem:s16+$0x30] =	vst v17  }
0x13c: {  	v17 =	vld.idx.msk [tilespmem:v18+s20+$0x0], $0xffff;
	[tilespmem:s16+$0xB0] =	vst v7  }
0x13d: {  	v19 =	vor.u32 v44, v9;
	[tilespmem:s16+$0xFFFFFEC0] =	vst v14;
	v14 =	vld [tilespmem:$0x1FE30]  }
0x13e: {  	v12 =	vor.u32 v12, v3;
	v7 =	vld.idx.msk [tilespmem:v13+s20+$0x0], $0xffff  }
0x13f: {  	v18 =	vor.u32 v52, v8;
	v13 =	vld [tilespmem:$0x1FDF0]  }
0x140: {  	[tilespmem:s16+$0xFFFFFF40] =	vst v16;
	v11 =	vld.idx.msk [tilespmem:v11+s20+$0x0], $0xffff  }
0x141: {  	v16 =	vld [tilespmem:$0x1FD20];
	[tilespmem:s16+$0x130] =	vst v15;
	v15 =	vor.u32 v60, v6  }
0x142: {  	v19 =	vld.idx.msk [tilespmem:v19+s20+$0x0], $0xffff  }
0x143: {  	v12 =	vld.idx.msk [tilespmem:v12+s20+$0x0], $0xffff;
	v14 =	vor.u32 v14, v5  }
0x144: {  	[tilespmem:s16+$0xFFFFFFC0] =	vst v21;
	v18 =	vld.idx.msk [tilespmem:v18+s20+$0x0], $0xffff;
	v13 =	vor.u32 v13, v10  }
0x145: {  	[tilespmem:s16+$0x40] =	vst v11;
	v11 =	vld [tilespmem:$0x1FCC0]  }
0x146: {  	v15 =	vld.idx.msk [tilespmem:v15+s20+$0x0], $0xffff  }
0x147: {  	v16 =	vor.u32 v16, v4;
	[tilespmem:s16+$0xC0] =	vst v7;
	v7 =	vld [tilespmem:$0x1FC60]  }
0x148: {  	v22 =	vor.u32 v22, v3;
	[tilespmem:s16+$0x1D0] =	vst v17;
	v23 =	vld.idx.msk [tilespmem:v14+s20+$0x0], $0xffff  }
0x149: {  	v14 =	vor.u32 v53, v8;
	v13 =	vld.idx.msk [tilespmem:v13+s20+$0x0], $0xffff  }
0x14a: {  	v26 =	vor.u32 v61, v6;
	[tilespmem:s16+$0xFFFFFED0] =	vst v19  }
0x14b: {  	v62 =	vmov v28;
	v28 =	vor.u32 v0, v4;
	v0 =	vld [tilespmem:$0x1FD80];
	[tilespmem:s16+$0x140] =	vst v12  }
0x14c: {  	v16 =	vld.idx.msk [tilespmem:v16+s20+$0x0], $0xffff;
	[tilespmem:s16+$0xFFFFFF50] =	vst v18;
	v19 =	vor.u32 v11, v5  }
0x14d: {  	v38 =	vmov v27;
	v27 =	vld.idx.msk [tilespmem:v22+s20+$0x0], $0xffff;
	[tilespmem:s16+$0xFFFFFFD0] =	vst v15  }
0x14e: {  	v10 =	vor.u32 v7, v10;
	[tilespmem:s16+$0x1E0] =	vst v13;
	v13 =	vld.idx.msk [tilespmem:v14+s20+$0x0], $0xffff  }
0x14f: {  	v14 =	vld.idx.msk [tilespmem:v26+s20+$0x0], $0xffff  }
0x150: {  	s30 =	sadd.s32 $0x3, s29;
	v17 =	vor.u32 v36, v2;
	[tilespmem:s16+$0x50] =	vst v23;
	v26 =	vld [tilespmem:$0x1FEC0]  }
0x151: {  	v30 =	vmov s30;
	v21 =	vor.u32 v45, v9;
	v15 =	vld.idx.msk [tilespmem:v19+s20+$0x0], $0xffff  }
0x152: {  	v19 =	vshrl.u32 v30, $0x3;
	v30 =	vld [tilespmem:$0x1FED0]  }
0x153: {  	v18 =	vld.idx.msk [tilespmem:v10+s20+$0x0], $0xffff  }
0x154: {  	p0 =	slt.u32 s29, $0x38;
	s31 =	sadd.s32 $0x2, s29;
	[tilespmem:s16+$0xFFFFFE40] =	vst v20;
	v7 =	vmov s29;
	v10 =	vld [tilespmem:$0x1FCB0]  }
.Ltmp2:
0x155: {  	s1 =	sadd.s32 $0x1, s29;
	s30 =	sadd.s32 $0x5, s29;
	v12 =	vld.idx.msk [tilespmem:v17+s20+$0x0], $0xffff;
	v17 =	vor.u32 v0, v3;
	v0 =	vmovc v29;
	v29 =	vmov s31;
	v7 =	vshrl.u32 v7, $0x3;
	(pc) =	sbr.rel @p0 .LBB2_3-.Ltmp2, $4  }
0x156: {  	s0 =	sadd.s32 $0x4, s29;
	v24 =	vmov s30;
	v11 =	vld.idx.msk [tilespmem:v21+s20+$0x0], $0xffff;
	v21 =	vmov s1;
	v7 =	vshll.u32 v7, v1  }
0x157: {  	v25 =	vmov s0;
	s31 =	sadd.s32 $0x6, s29;
	v22 =	vshrl.u32 v21, $0x3;
	v7 =	vbroadcast v7, $0x0;
	[tilespmem:s16+$0xD0] =	vst v16  }
0x158: {  	v21 =	vshrl.u32 v29, $0x3;
	v29 =	vmovc v0;
	[tilespmem:s16+$0x150] =	vst v27;
	v27 =	vmovc v38;
	v23 =	vmov s31;
	v16 =	vld.idx.msk [tilespmem:v28+s20+$0x0], $0xffff;
	v9 =	vor.u32 v26, v9  }
0x159: {  	s30 =	sadd.s32 $0x7, s29;
	s29 =	sadd.s32 $0x8, s29;
	v0 =	vld [tilespmem:$0x1FC70];
	v28 =	vmovc v62;
	v8 =	vor.u32 v30, v8;
	v20 =	vor.u32 v10, v2;
	v10 =	vor.u32 v31, v7  }
0x15a: {  	_ = 	snop  }
0x15b: {  	[tilespmem:s16+$0xFFFFFE50] =	vst v12  }
0x15c: {  	[tilespmem:s16+$0x1F0] =	vst v18  }
0x15d: {  	[tilespmem:s16+$0xFFFFFF60] =	vst v13  }
0x15e: {  	v6 =	vor.u32 v28, v6;
	v17 =	vld.idx.msk [tilespmem:v17+s20+$0x0], $0xffff;
	[tilespmem:s16+$0xFFFFFFE0] =	vst v14  }
0x15f: {  	v5 =	vor.u32 v54, v5;
	[tilespmem:s16+$0x60] =	vst v15;
	v13 =	vld.idx.msk [tilespmem:v20+s20+$0x0], $0xffff  }
0x160: {  	[tilespmem:s16+$0xFFFFFEE0] =	vst v11;
	v20 =	vor.u32 v46, v4;
	v4 =	vshll.u32 v22, v1;
	v8 =	vld.idx.msk [tilespmem:v8+s20+$0x0], $0xffff  }
0x161: {  	v14 =	vor.u32 v37, v3;
	v9 =	vld.idx.msk [tilespmem:v9+s20+$0x0], $0xffff;
	v3 =	vbroadcast v4, $0x0;
	[tilespmem:s16+$0xE0] =	vst v16  }
0x162: {  	v12 =	vshrl.u32 v25, $0x3;
	v15 =	vor.u32 v27, v2;
	v4 =	vshll.u32 v21, v1;
	v16 =	vld [tilespmem:$0x1FDA0]  }
0x163: {  	v2 =	vbroadcast v4, $0x0;
	v4 =	vshll.u32 v19, v1;
	v19 =	vld.idx.msk [tilespmem:v6+s20+$0x0], $0xffff;
	[tilespmem:s16+$0x160] =	vst v17;
	v17 =	vor.u32 v39, v3  }
0x164: {  	v18 =	vmov s30;
	v6 =	vshll.u32 v12, v1;
	v12 =	vld.idx.msk [tilespmem:v5+s20+$0x0], $0xffff  }
0x165: {  	v11 =	vshrl.u32 v18, $0x3;
	v4 =	vbroadcast v4, $0x0;
	[tilespmem:s16+$0xFFFFFE60] =	vst v13;
	v13 =	vor.u32 v47, v2;
	v20 =	vld.idx.msk [tilespmem:v20+s20+$0x0], $0xffff  }
0x166: {  	v11 =	vshll.u32 v11, v1;
	v14 =	vld.idx.msk [tilespmem:v14+s20+$0x0], $0xffff;
	[tilespmem:s16+$0xFFFFFF70] =	vst v8  }
0x167: {  	v18 =	vshrl.u32 v23, $0x3;
	v11 =	vbroadcast v11, $0x0;
	[tilespmem:s16+$0xFFFFFEF0] =	vst v9;
	v9 =	vor.u32 v55, v4;
	v15 =	vld.idx.msk [tilespmem:v15+s20+$0x0], $0xffff  }
0x168: {  	v18 =	vshll.u32 v18, v1;
	[tilespmem:s16+$0xFFFFFFF0] =	vst v19;
	v17 =	vld.idx.msk [tilespmem:v17+s20+$0x0], $0xffff  }
0x169: {  	v8 =	vbroadcast v18, $0x0;
	v16 =	vor.u32 v16, v11;
	v18 =	vld [tilespmem:$0x1FE00]  }
0x16a: {  	v24 =	vshrl.u32 v24, $0x3;
	[tilespmem:s16+$0x70] =	vst v12;
	v13 =	vld.idx.msk [tilespmem:v13+s20+$0x0], $0xffff  }
0x16b: {  	v5 =	vbroadcast v6, $0x0;
	v6 =	vshll.u32 v24, v1;
	v24 =	vld [tilespmem:$0x1FC80]  }
0x16c: {  	[tilespmem:s16+$0xF0] =	vst v20;
	v9 =	vld.idx.msk [tilespmem:v9+s20+$0x0], $0xffff  }
0x16d: {  	v21 =	vor.u32 v63, v5;
	v20 =	vld [tilespmem:$0x1FE20]  }
0x16e: {  	v6 =	vbroadcast v6, $0x0;
	[tilespmem:s16+$0x170] =	vst v14;
	v14 =	vor.u32 v40, v3;
	v16 =	vld.idx.msk [tilespmem:v16+s20+$0x0], $0xffff  }
0x16f: {  	s29 =	sadd.s32 $0x400, s16;
	[tilespmem:s16+$0xFFFFFE70] =	vst v15  }
0x170: {  	[tilespmem:s29+$0xFFFFFE80] =	vst v17;
	v22 =	vmov v18;
	v18 =	vor.u32 v18, v6  }
0x171: {  	v10 =	vld.idx.msk [tilespmem:v10+s20+$0x0], $0xffff;
	[tilespmem:s29+$0xFFFFFF00] =	vst v13;
	v12 =	vor.u32 v24, v8  }
0x172: {  	v15 =	vld.idx.msk [tilespmem:v21+s20+$0x0], $0xffff;
	v17 =	vor.u32 v56, v4;
	[tilespmem:s29+$0xFFFFFF80] =	vst v9  }
0x173: {  	v14 =	vld.idx.msk [tilespmem:v14+s20+$0x0], $0xffff;
	[tilespmem:s29+$0x180] =	vst v16  }
0x174: {  	v19 =	vor.u32 v20, v11;
	v9 =	vld [tilespmem:$0x1FE10]  }
0x175: {  	v16 =	vor.u32 v48, v2;
	v18 =	vld.idx.msk [tilespmem:v18+s20+$0x0], $0xffff  }
0x176: {  	v12 =	vld.idx.msk [tilespmem:v12+s20+$0x0], $0xffff  }
0x177: {  	[tilespmem:s29+$0x0] =	vst v15;
	v17 =	vld.idx.msk [tilespmem:v17+s20+$0x0], $0xffff  }
0x178: {  	v13 =	vor.u32 v29, v5;
	v15 =	vld [tilespmem:$0x1FDB0]  }
0x179: {  	v19 =	vld.idx.msk [tilespmem:v19+s20+$0x0], $0xffff  }
0x17a: {  	v16 =	vld.idx.msk [tilespmem:v16+s20+$0x0], $0xffff;
	v23 =	vmov v9;
	v9 =	vor.u32 v9, v6;
	[tilespmem:s29+$0x80] =	vst v18  }
0x17b: {  	v21 =	vld [tilespmem:$0x1FC90];
	[tilespmem:s29+$0x100] =	vst v12  }
0x17c: {  	[tilespmem:s29+$0xFFFFFE00] =	vst v10  }
0x17d: {  	v13 =	vld.idx.msk [tilespmem:v13+s20+$0x0], $0xffff;
	v15 =	vor.u32 v15, v11;
	[tilespmem:s29+$0xFFFFFE90] =	vst v14  }
0x17e: {  	[tilespmem:s29+$0x190] =	vst v19  }
0x17f: {  	v12 =	vor.u32 v32, v7;
	[tilespmem:s29+$0xFFFFFF10] =	vst v16;
	v9 =	vld.idx.msk [tilespmem:v9+s20+$0x0], $0xffff  }
0x180: {  	v25 =	vmov v46;
	v10 =	vor.u32 v49, v2;
	v46 =	vld [tilespmem:$0x1FEB0];
	[tilespmem:s29+$0xFFFFFF90] =	vst v17  }
0x181: {  	v17 =	vld [tilespmem:$0x1FDC0]  }
0x182: {  	v19 =	vor.u32 v41, v3;
	v15 =	vld.idx.msk [tilespmem:v15+s20+$0x0], $0xffff;
	[tilespmem:s29+$0x10] =	vst v13  }
0x183: {  	v18 =	vor.u32 v21, v8;
	v13 =	vld [tilespmem:$0x1FCF0]  }
0x184: {  	v14 =	vor.u32 v57, v4;
	v12 =	vld.idx.msk [tilespmem:v12+s20+$0x0], $0xffff  }
0x185: {  	v10 =	vld.idx.msk [tilespmem:v10+s20+$0x0], $0xffff;
	v16 =	vor.u32 v46, v5;
	[tilespmem:s29+$0x90] =	vst v9  }
0x186: {  	v17 =	vor.u32 v17, v11;
	v9 =	vld [tilespmem:$0x1FD40]  }
0x187: {  	v19 =	vld.idx.msk [tilespmem:v19+s20+$0x0], $0xffff;
	[tilespmem:s29+$0x1A0] =	vst v15;
	v15 =	vor.u32 v33, v7  }
0x188: {  	v18 =	vld.idx.msk [tilespmem:v18+s20+$0x0], $0xffff;
	v13 =	vor.u32 v13, v6  }
0x189: {  	v14 =	vld.idx.msk [tilespmem:v14+s20+$0x0], $0xffff  }
0x18a: {  	[tilespmem:s29+$0xFFFFFE10] =	vst v12;
	v16 =	vld.idx.msk [tilespmem:v16+s20+$0x0], $0xffff  }
0x18b: {  	[tilespmem:s29+$0xFFFFFF20] =	vst v10;
	v9 =	vor.u32 v9, v8;
	v17 =	vld.idx.msk [tilespmem:v17+s20+$0x0], $0xffff  }
0x18c: {  	[tilespmem:s29+$0xFFFFFEA0] =	vst v19;
	v15 =	vld.idx.msk [tilespmem:v15+s20+$0x0], $0xffff  }
0x18d: {  	[tilespmem:s29+$0x110] =	vst v18;
	v18 =	vor.u32 v42, v3;
	v13 =	vld.idx.msk [tilespmem:v13+s20+$0x0], $0xffff  }
0x18e: {  	v10 =	vld [tilespmem:$0x1FDD0];
	[tilespmem:s29+$0xFFFFFFA0] =	vst v14  }
0x18f: {  	v31 =	vld [tilespmem:$0x1FEA0]  }
0x190: {  	v12 =	vor.u32 v50, v2;
	[tilespmem:s29+$0x20] =	vst v16;
	v9 =	vld.idx.msk [tilespmem:v9+s20+$0x0], $0xffff  }
0x191: {  	v19 =	vor.u32 v58, v4;
	v16 =	vld [tilespmem:$0x1FD00]  }
0x192: {  	[tilespmem:s29+$0x1B0] =	vst v17;
	v18 =	vld.idx.msk [tilespmem:v18+s20+$0x0], $0xffff  }
0x193: {  	v17 =	vld [tilespmem:$0x1FD50];
	[tilespmem:s29+$0xA0] =	vst v13;
	v13 =	vor.u32 v34, v7;
	_ =	sdelay $0x1  }
0x194: {  	v12 =	vld.idx.msk [tilespmem:v12+s20+$0x0], $0xffff;
	v10 =	vor.u32 v10, v11  }
0x195: {  	v19 =	vld.idx.msk [tilespmem:v19+s20+$0x0], $0xffff;
	[tilespmem:s29+$0xFFFFFE20] =	vst v15;
	v14 =	vor.u32 v31, v5  }
0x196: {  	[tilespmem:s29+$0x120] =	vst v9  }
0x197: {  	v15 =	vor.u32 v51, v2;
	[tilespmem:s29+$0xFFFFFEB0] =	vst v18;
	v13 =	vld.idx.msk [tilespmem:v13+s20+$0x0], $0xffff  }
0x198: {  	v16 =	vor.u32 v16, v6;
	v18 =	vld [tilespmem:$0x1FDE0]  }
0x199: {  	v9 =	vor.u32 v43, v3;
	v10 =	vld.idx.msk [tilespmem:v10+s20+$0x0], $0xffff;
	[tilespmem:s29+$0xFFFFFF30] =	vst v12  }
0x19a: {  	v17 =	vor.u32 v17, v8;
	[tilespmem:s29+$0xFFFFFFB0] =	vst v19;
	v14 =	vld.idx.msk [tilespmem:v14+s20+$0x0], $0xffff  }
0x19b: {  	v19 =	vld [tilespmem:$0x1FCE0]  }
0x19c: {  	v15 =	vld.idx.msk [tilespmem:v15+s20+$0x0], $0xffff  }
0x19d: {  	v16 =	vld.idx.msk [tilespmem:v16+s20+$0x0], $0xffff;
	v18 =	vor.u32 v18, v11  }
0x19e: {  	v9 =	vld.idx.msk [tilespmem:v9+s20+$0x0], $0xffff  }
0x19f: {  	v12 =	vor.u32 v59, v4;
	v17 =	vld.idx.msk [tilespmem:v17+s20+$0x0], $0xffff;
	[tilespmem:s29+$0x1C0] =	vst v10  }
0x1a0: {  	v10 =	vld [tilespmem:$0x1FD10];
	[tilespmem:s29+$0x30] =	vst v14  }
0x1a1: {  	v19 =	vor.u32 v19, v5;
	v14 =	vld [tilespmem:$0x1FD60]  }
0x1a2: {  	[tilespmem:s29+$0xB0] =	vst v16;
	v16 =	vor.u32 v35, v7;
	v18 =	vld.idx.msk [tilespmem:v18+s20+$0x0], $0xffff  }
0x1a3: {  	[tilespmem:s29+$0xFFFFFE30] =	vst v13  }
0x1a4: {  	v12 =	vld.idx.msk [tilespmem:v12+s20+$0x0], $0xffff;
	[tilespmem:s29+$0x130] =	vst v17;
	v17 =	vor.u32 v44, v3  }
0x1a5: {  	v13 =	vld [tilespmem:$0x1FDF0];
	[tilespmem:s29+$0xFFFFFEC0] =	vst v9;
	v10 =	vor.u32 v10, v6  }
0x1a6: {  	[tilespmem:s29+$0xFFFFFF40] =	vst v15;
	v19 =	vld.idx.msk [tilespmem:v19+s20+$0x0], $0xffff;
	v14 =	vor.u32 v14, v8  }
0x1a7: {  	v9 =	vor.u32 v52, v2;
	v16 =	vld.idx.msk [tilespmem:v16+s20+$0x0], $0xffff;
	[tilespmem:s29+$0x1D0] =	vst v18  }
0x1a8: {  	v18 =	vld [tilespmem:$0x1FE30]  }
0x1a9: {  	v17 =	vld.idx.msk [tilespmem:v17+s20+$0x0], $0xffff  }
0x1aa: {  	v13 =	vor.u32 v13, v11;
	v10 =	vld.idx.msk [tilespmem:v10+s20+$0x0], $0xffff  }
0x1ab: {  	v15 =	vor.u32 v60, v4;
	v14 =	vld.idx.msk [tilespmem:v14+s20+$0x0], $0xffff  }
0x1ac: {  	v9 =	vld.idx.msk [tilespmem:v9+s20+$0x0], $0xffff;
	[tilespmem:s29+$0xFFFFFFC0] =	vst v12  }
0x1ad: {  	v12 =	vld [tilespmem:$0x1FD20];
	[tilespmem:s29+$0x40] =	vst v19;
	v18 =	vor.u32 v18, v5  }
0x1ae: {  	v19 =	vld [tilespmem:$0x1FD70]  }
0x1af: {  	v13 =	vld.idx.msk [tilespmem:v13+s20+$0x0], $0xffff;
	[tilespmem:s29+$0xC0] =	vst v10  }
0x1b0: {  	[tilespmem:s29+$0x140] =	vst v14;
	v14 =	vld.idx.msk [tilespmem:v15+s20+$0x0], $0xffff  }
0x1b1: {  	v15 =	vld [tilespmem:$0x1FC60]  }
0x1b2: {  	v12 =	vor.u32 v12, v6;
	[tilespmem:s29+$0xFFFFFE40] =	vst v16;
	v16 =	vld.idx.msk [tilespmem:v18+s20+$0x0], $0xffff  }
0x1b3: {  	[tilespmem:s29+$0xFFFFFED0] =	vst v17  }
0x1b4: {  	[tilespmem:s29+$0xFFFFFF50] =	vst v9  }
0x1b5: {  	v10 =	vor.u32 v36, v7;
	[tilespmem:s29+$0x1E0] =	vst v13  }
0x1b6: {  	v19 =	vor.u32 v19, v8;
	v9 =	vld [tilespmem:$0x1FCC0];
	[tilespmem:s29+$0xFFFFFFD0] =	vst v14  }
0x1b7: {  	v17 =	vor.u32 v53, v2;
	v12 =	vld.idx.msk [tilespmem:v12+s20+$0x0], $0xffff;
	[tilespmem:s29+$0x50] =	vst v16  }
0x1b8: {  	v14 =	vor.u32 v0, v6;
	v0 =	vld [tilespmem:$0x1FD80]  }
0x1b9: {  	v13 =	vor.u32 v61, v4  }
0x1ba: {  	v10 =	vld.idx.msk [tilespmem:v10+s20+$0x0], $0xffff;
	v11 =	vor.u32 v15, v11;
	v15 =	vor.u32 v45, v3  }
0x1bb: {  	v18 =	vld.idx.msk [tilespmem:v19+s20+$0x0], $0xffff  }
0x1bc: {  	v17 =	vld.idx.msk [tilespmem:v17+s20+$0x0], $0xffff;
	v9 =	vor.u32 v9, v5;
	[tilespmem:s29+$0xD0] =	vst v12  }
0x1bd: {  	v16 =	vor.u32 v0, v8;
	v0 =	vld [tilespmem:$0x1FCB0]  }
0x1be: {  	v2 =	vor.u32 v30, v2;
	v13 =	vld.idx.msk [tilespmem:v13+s20+$0x0], $0xffff  }
0x1bf: {  	v4 =	vor.u32 v28, v4;
	v15 =	vld.idx.msk [tilespmem:v15+s20+$0x0], $0xffff  }
0x1c0: {  	v3 =	vor.u32 v26, v3;
	v11 =	vld.idx.msk [tilespmem:v11+s20+$0x0], $0xffff;
	[tilespmem:s29+$0x150] =	vst v18  }
0x1c1: {  	v9 =	vld.idx.msk [tilespmem:v9+s20+$0x0], $0xffff;
	[tilespmem:s29+$0xFFFFFE50] =	vst v10  }
0x1c2: {  	v10 =	vld.idx.msk [tilespmem:v14+s20+$0x0], $0xffff;
	[tilespmem:s29+$0xFFFFFF60] =	vst v17;
	v12 =	vor.u32 v0, v7  }
0x1c3: {  	v5 =	vor.u32 v54, v5;
	[tilespmem:s29+$0xFFFFFFE0] =	vst v13;
	v2 =	vld.idx.msk [tilespmem:v2+s20+$0x0], $0xffff  }
0x1c4: {  	v6 =	vor.u32 v25, v6;
	[tilespmem:s29+$0xFFFFFEE0] =	vst v15;
	v4 =	vld.idx.msk [tilespmem:v4+s20+$0x0], $0xffff  }
0x1c5: {  	[tilespmem:s29+$0x1F0] =	vst v11;
	v3 =	vld.idx.msk [tilespmem:v3+s20+$0x0], $0xffff  }
0x1c6: {  	[tilespmem:s29+$0x60] =	vst v9;
	v11 =	vld.idx.msk [tilespmem:v16+s20+$0x0], $0xffff  }
0x1c7: {  	v8 =	vor.u32 v37, v8;
	[tilespmem:s29+$0xE0] =	vst v10;
	v12 =	vld.idx.msk [tilespmem:v12+s20+$0x0], $0xffff  }
0x1c8: {  	v7 =	vor.u32 v27, v7;
	v5 =	vld.idx.msk [tilespmem:v5+s20+$0x0], $0xffff;
	[tilespmem:s29+$0xFFFFFF70] =	vst v2  }
0x1c9: {  	v6 =	vld.idx.msk [tilespmem:v6+s20+$0x0], $0xffff;
	[tilespmem:s29+$0xFFFFFFF0] =	vst v4  }
0x1ca: {  	[tilespmem:s29+$0xFFFFFEF0] =	vst v3  }
0x1cb: {  	[tilespmem:s29+$0x160] =	vst v11  }
0x1cc: {  	v3 =	vld.idx.msk [tilespmem:v8+s20+$0x0], $0xffff;
	[tilespmem:s29+$0xFFFFFE60] =	vst v12  }
0x1cd: {  	[tilespmem:s29+$0x70] =	vst v5;
	v2 =	vld.idx.msk [tilespmem:v7+s20+$0x0], $0xffff  }
0x1ce: {  	[tilespmem:s29+$0xF0] =	vst v6  }
0x1cf: {  	s16 =	sshll.u32 s15, $0x14;
	s0 =	rddreg [dreg:$0x4]  }
0x1d0: {  	s1 =	sor.u32 s0, s16  }
0x1d1: {  	[tilespmem:s29+$0x170] =	vst v3;
	s1 =	sshrl.u32 s1, $0x3  }
0x1d2: {  	s0 =	simm.s32 $0x16400;
	[tilespmem:s29+$0xFFFFFE70] =	vst v2;
	s29 =	sadd.s32 s2, s1  }
0x1d3: {  	[hbm4b:s29+s3] =	stream.linear.scatter [tilespmem:s0], [sflag:$0x5], $0x400, $0x38;
	[tilespmem:$0x1A400] =	vst v63  }
0x1d4: {  	s0 =	rddreg [dreg:$0x5]  }
0x1d5: {  	s29 =	sadd.s32 s1, s0;
	s0 =	simm.s32 $0x16800  }
0x1d6: {  	[hbm4b:s29+s3] =	stream.linear.scatter [tilespmem:s0], [sflag:$0x5], $0x400, $0x38;
	[tilespmem:$0x1A400] =	vst v63  }
0x1d7: {  	s0 =	rddreg [dreg:$0x6]  }
0x1d8: {  	s29 =	sadd.s32 s1, s0;
	s0 =	simm.s32 $0x16C00  }
0x1d9: {  	[hbm4b:s29+s3] =	stream.linear.scatter [tilespmem:s0], [sflag:$0x5], $0x400, $0x38;
	[tilespmem:$0x1A400] =	vst v63  }
0x1da: {  	s0 =	rddreg [dreg:$0x7]  }
0x1db: {  	s29 =	sadd.s32 s1, s0;
	s0 =	simm.s32 $0x17000  }
0x1dc: {  	[hbm4b:s29+s3] =	stream.linear.scatter [tilespmem:s0], [sflag:$0x5], $0x400, $0x38;
	[tilespmem:$0x1A400] =	vst v63  }
0x1dd: {  	s0 =	rddreg [dreg:$0x8]  }
0x1de: {  	s29 =	sadd.s32 s1, s0;
	s0 =	simm.s32 $0x17400  }
0x1df: {  	[hbm4b:s29+s3] =	stream.linear.scatter [tilespmem:s0], [sflag:$0x5], $0x400, $0x38;
	[tilespmem:$0x1A400] =	vst v63  }
0x1e0: {  	s0 =	rddreg [dreg:$0x9]  }
0x1e1: {  	s29 =	sadd.s32 s1, s0;
	s0 =	rddreg [dreg:$0xa]  }
0x1e2: {  	[hbm4b:s29+s3] =	stream.linear.scatter [tilespmem:s21], [sflag:$0x5], $0x400, $0x38;
	[tilespmem:$0x1A400] =	vst v63  }
0x1e3: {  	s29 =	sadd.s32 s1, s0;
	s0 =	rddreg [dreg:$0xb]  }
0x1e4: {  	[hbm4b:s29+s3] =	stream.linear.scatter [tilespmem:s23], [sflag:$0x5], $0x400, $0x38;
	[tilespmem:$0x1A400] =	vst v63  }
0x1e5: {  	p0 =	seq.s32 s15, $0x31;
	s1 =	sadd.s32 s1, s0  }
0x1e6: {  	[hbm4b:s1+s3] =	stream.linear.scatter [tilespmem:s25], [sflag:$0x5], $0x400, $0x38;
	[tilespmem:$0x1A400] =	vst v63  }
0x1e7: {  	s1 =	sshll.u32 @!p0 s15, $0x7  }
0x1e8: {  	p1 =	seq.s32 @!p0 s15, $0x0;
	s30 =	simm.s32 @!p0 $0x80;
	s29 =	sand.u32 @!p0 $0x3FFFFF80, s1  }
0x1e9: {  	s31 =	simm.s32 @!p0 $0x6400;
	p1 =	por p0, !p1;
	s1 =	sadd.s32 @!p0 $0x80, s29  }
0x1ea: {  	[tilespmem:s31], [sflag:$0x1] =	stream.indirect.gather @!p0 [hbm4b:s4+s30], $0x80, s1, s30, $0xb8;
	[tilespmem:$0x1A400] =	vst v63  }
0x1eb: {  	_ =	swait.ge @p1 [sflag:s13], $0x400  }
0x1ec: {  	[sflag:s13] =	ssyncset.done @p1 $0x0  }
0x1ed: {  	[sflag:s13] =	ssyncadd.s32 @p1 $0xFFFFFC00  }
0x1ee: {  	_ =	swait.ge @p1 [sflag:s13], $0x400  }
0x1ef: {  	[sflag:s13] =	ssyncset.done @p1 $0x0  }
0x1f0: {  	[sflag:s13] =	ssyncadd.s32 @p1 $0xFFFFFC00  }
0x1f1: {  	_ =	swait.ge @p1 [sflag:s13], $0x400  }
0x1f2: {  	[sflag:s13] =	ssyncset.done @p1 $0x0  }
0x1f3: {  	[sflag:s13] =	ssyncadd.s32 @p1 $0xFFFFFC00  }
0x1f4: {  	_ =	swait.ge @p1 [sflag:s13], $0x400  }
0x1f5: {  	[sflag:s13] =	ssyncset.done @p1 $0x0  }
0x1f6: {  	[sflag:s13] =	ssyncadd.s32 @p1 $0xFFFFFC00  }
0x1f7: {  	_ =	swait.ge @p1 [sflag:s13], $0x400  }
0x1f8: {  	[sflag:s13] =	ssyncset.done @p1 $0x0  }
0x1f9: {  	[sflag:s13] =	ssyncadd.s32 @p1 $0xFFFFFC00  }
0x1fa: {  	s0 =	simm.s32 $0x0;
	_ =	swait.ge @p1 [sflag:s13], $0x400  }
0x1fb: {  	v2 =	vmov s0;
	s0 =	simm.s32 $0x1;
	[sflag:s13] =	ssyncset.done @p1 $0x0  }
0x1fc: {  	v3 =	vmov s0;
	s0 =	simm.s32 $0x3;
	[sflag:s13] =	ssyncadd.s32 @p1 $0xFFFFFC00  }
0x1fd: {  	v5 =	vmov s0;
	s0 =	simm.s32 $0x5;
	_ =	swait.ge @p1 [sflag:s13], $0x400  }
0x1fe: {  	v2 =	vshrl.u32 v2, $0x3;
	v3 =	vshrl.u32 v3, $0x3;
	v7 =	vmov s0;
	s30 =	simm.s32 $0x2;
	[sflag:s13] =	ssyncset.done @p1 $0x0  }
0x1ff: {  	s0 =	simm.s32 $0x6;
	v5 =	vshrl.u32 v5, $0x3;
	v3 =	vshll.u32 v3, v1;
	v4 =	vmov s30;
	s30 =	simm.s32 $0x4;
	[sflag:s13] =	ssyncadd.s32 @p1 $0xFFFFFC00  }
0x200: {  	v9 =	vmov s0;
	v12 =	vshrl.u32 v7, $0x3;
	v6 =	vmov s30;
	s30 =	simm.s32 $0x7;
	_ =	swait.ge @p1 [sflag:s13], $0x400  }
0x201: {  	v37 =	vmovc v0;
	v13 =	vshrl.u32 v9, $0x3;
	v4 =	vshrl.u32 v4, $0x3;
	v8 =	vmov s30;
	v0 =	vld [tilespmem:$0x1FDA0]  }
0x202: {  	v9 =	vbroadcast v3, $0x0;
	v3 =	vshll.u32 v4, v1;
	v8 =	vshrl.u32 v8, $0x3  }
0x203: {  	v11 =	vshrl.u32 v6, $0x3;
	v6 =	vshll.u32 v8, v1;
	v8 =	vbroadcast v3, $0x0  }
0x204: {  	v15 =	vor.u32 v39, v9;
	v3 =	vshll.u32 v5, v1;
	v7 =	vbroadcast v6, $0x0;
	[sflag:s13] =	ssyncset.done @p1 $0x0  }
0x205: {  	v6 =	vbroadcast v3, $0x0;
	v3 =	vshll.u32 v11, v1;
	v11 =	vor.u32 v47, v8;
	[sflag:s13] =	ssyncadd.s32 @p1 $0xFFFFFC00  }
0x206: {  	v54 =	vmovc v31;
	v5 =	vbroadcast v3, $0x0;
	v3 =	vshll.u32 v12, v1;
	v31 =	vld [tilespmem:$0x1FCA0];
	_ =	swait.ge [sflag:s5], $0x4000;
	v14 =	vor.u32 v0, v7  }
0x207: {  	v12 =	vor.u32 v55, v6;
	v4 =	vbroadcast v3, $0x0;
	v3 =	vshll.u32 v13, v1;
	[sflag:s5] =	ssyncset.done $0x0  }
0x208: {  	v2 =	vshll.u32 v2, v1;
	v13 =	vor.u32 v63, v5;
	v3 =	vbroadcast v3, $0x0;
	[sflag:s5] =	ssyncadd.s32 $0xFFFFC000  }
0x209: {  	v30 =	vmov v24;
	v2 =	vbroadcast v2, $0x0;
	v16 =	vor.u32 v22, v4;
	v15 =	vld.idx.msk [tilespmem:v15+s22+$0x0], $0xffff  }
0x20a: {  	v17 =	vor.u32 v30, v3;
	v11 =	vld.idx.msk [tilespmem:v11+s22+$0x0], $0xffff  }
0x20b: {  	v10 =	vor.u32 v31, v2;
	v14 =	vld.idx.msk [tilespmem:v14+s22+$0x0], $0xffff  }
0x20c: {  	v18 =	vor.u32 v20, v7;
	v12 =	vld.idx.msk [tilespmem:v12+s22+$0x0], $0xffff  }
0x20d: {  	v19 =	vor.u32 v40, v9;
	v13 =	vld.idx.msk [tilespmem:v13+s22+$0x0], $0xffff  }
0x20e: {  	s30 =	simm.s32 $0x187F0;
	v16 =	vld.idx.msk [tilespmem:v16+s22+$0x0], $0xffff  }
0x20f: {  	v24 =	vmov v21;
	v21 =	vor.u32 v56, v6;
	v17 =	vld.idx.msk [tilespmem:v17+s22+$0x0], $0xffff;
	[tilespmem:s30+$0xFFFFFC90] =	vst v15  }
0x210: {  	v20 =	vor.u32 v48, v8;
	v10 =	vld.idx.msk [tilespmem:v10+s22+$0x0], $0xffff;
	[tilespmem:s30+$0xFFFFFF90] =	vst v14  }
0x211: {  	v22 =	vor.u32 v29, v5;
	[tilespmem:s30+$0xFFFFFD10] =	vst v11;
	v15 =	vld.idx.msk [tilespmem:v18+s22+$0x0], $0xffff  }
0x212: {  	v11 =	vor.u32 v24, v3;
	[tilespmem:s30+$0xFFFFFD90] =	vst v12;
	v18 =	vld.idx.msk [tilespmem:v19+s22+$0x0], $0xffff  }
0x213: {  	v14 =	vor.u32 v23, v4;
	v12 =	vld [tilespmem:$0x1FDB0];
	[tilespmem:s30+$0xFFFFFE10] =	vst v13  }
0x214: {  	v21 =	vld.idx.msk [tilespmem:v21+s22+$0x0], $0xffff;
	[tilespmem:s30+$0xFFFFFE90] =	vst v16  }
0x215: {  	v19 =	vld.idx.msk [tilespmem:v20+s22+$0x0], $0xffff;
	v20 =	vor.u32 v32, v2;
	[tilespmem:s30+$0xFFFFFF10] =	vst v17  }
0x216: {  	[tilespmem:s30+$0xFFFFFC10] =	vst v10;
	v22 =	vld.idx.msk [tilespmem:v22+s22+$0x0], $0xffff  }
0x217: {  	v13 =	vor.u32 v41, v9;
	v11 =	vld.idx.msk [tilespmem:v11+s22+$0x0], $0xffff;
	[tilespmem:s30+$0xFFFFFFA0] =	vst v15  }
0x218: {  	v14 =	vld.idx.msk [tilespmem:v14+s22+$0x0], $0xffff;
	[tilespmem:s30+$0xFFFFFCA0] =	vst v18  }
0x219: {  	v12 =	vor.u32 v12, v7;
	v18 =	vld [tilespmem:$0x1FCF0]  }
0x21a: {  	v15 =	vld.idx.msk [tilespmem:v20+s22+$0x0], $0xffff;
	[tilespmem:s30+$0xFFFFFD20] =	vst v19  }
0x21b: {  	v16 =	vor.u32 v49, v8;
	v19 =	vld [tilespmem:$0x1FDC0]  }
0x21c: {  	v17 =	vor.u32 v57, v6;
	v13 =	vld.idx.msk [tilespmem:v13+s22+$0x0], $0xffff;
	[tilespmem:s30+$0xFFFFFDA0] =	vst v21  }
0x21d: {  	v10 =	vor.u32 v46, v5;
	v20 =	vld [tilespmem:$0x1FD40]  }
0x21e: {  	[tilespmem:s30+$0xFFFFFE20] =	vst v22;
	v12 =	vld.idx.msk [tilespmem:v12+s22+$0x0], $0xffff;
	v18 =	vor.u32 v18, v4  }
0x21f: {  	[tilespmem:s30+$0xFFFFFF20] =	vst v11  }
0x220: {  	v16 =	vld.idx.msk [tilespmem:v16+s22+$0x0], $0xffff;
	[tilespmem:s30+$0xFFFFFEA0] =	vst v14;
	v19 =	vor.u32 v19, v7  }
0x221: {  	v17 =	vld.idx.msk [tilespmem:v17+s22+$0x0], $0xffff;
	[tilespmem:s30+$0xFFFFFC20] =	vst v15  }
0x222: {  	v10 =	vld.idx.msk [tilespmem:v10+s22+$0x0], $0xffff;
	[tilespmem:s30+$0xFFFFFCB0] =	vst v13;
	v20 =	vor.u32 v20, v3  }
0x223: {  	v21 =	vor.u32 v33, v2;
	[tilespmem:s30+$0xFFFFFFB0] =	vst v12;
	v18 =	vld.idx.msk [tilespmem:v18+s22+$0x0], $0xffff  }
0x224: {  	v13 =	vld [tilespmem:$0x1FDD0]  }
0x225: {  	v22 =	vor.u32 v42, v9;
	[tilespmem:s30+$0xFFFFFD30] =	vst v16;
	v11 =	vld.idx.msk [tilespmem:v19+s22+$0x0], $0xffff  }
0x226: {  	v14 =	vor.u32 v50, v8;
	v16 =	vld [tilespmem:$0x1FD00]  }
0x227: {  	v15 =	vor.u32 v54, v5;
	v19 =	vld.idx.msk [tilespmem:v20+s22+$0x0], $0xffff  }
0x228: {  	v12 =	vor.u32 v58, v6;
	[tilespmem:s30+$0xFFFFFDB0] =	vst v17;
	v20 =	vld.idx.msk [tilespmem:v21+s22+$0x0], $0xffff  }
0x229: {  	v17 =	vld [tilespmem:$0x1FD50];
	[tilespmem:s30+$0xFFFFFE30] =	vst v10  }
0x22a: {  	v21 =	vld.idx.msk [tilespmem:v22+s22+$0x0], $0xffff;
	v22 =	vor.u32 v34, v2;
	[tilespmem:s30+$0xFFFFFEB0] =	vst v18  }
0x22b: {  	v14 =	vld.idx.msk [tilespmem:v14+s22+$0x0], $0xffff;
	[tilespmem:s30+$0xFFFFFFC0] =	vst v11  }
0x22c: {  	v15 =	vld.idx.msk [tilespmem:v15+s22+$0x0], $0xffff;
	v13 =	vor.u32 v13, v7;
	[tilespmem:s30+$0xFFFFFF30] =	vst v19  }
0x22d: {  	v12 =	vld.idx.msk [tilespmem:v12+s22+$0x0], $0xffff;
	[tilespmem:s30+$0xFFFFFC30] =	vst v20  }
0x22e: {  	v16 =	vor.u32 v16, v4;
	v19 =	vld [tilespmem:$0x1FDE0]  }
0x22f: {  	v17 =	vor.u32 v17, v3;
	v20 =	vld.idx.msk [tilespmem:v22+s22+$0x0], $0xffff;
	[tilespmem:s30+$0xFFFFFCC0] =	vst v21  }
0x230: {  	v10 =	vor.u32 v43, v9;
	v21 =	vld [tilespmem:$0x1FCE0]  }
0x231: {  	[tilespmem:s30+$0xFFFFFD40] =	vst v14;
	v13 =	vld.idx.msk [tilespmem:v13+s22+$0x0], $0xffff  }
0x232: {  	v11 =	vor.u32 v51, v8;
	v14 =	vld [tilespmem:$0x1FD10]  }
0x233: {  	v18 =	vor.u32 v59, v6;
	v16 =	vld.idx.msk [tilespmem:v16+s22+$0x0], $0xffff  }
0x234: {  	v17 =	vld.idx.msk [tilespmem:v17+s22+$0x0], $0xffff;
	v19 =	vor.u32 v19, v7  }
0x235: {  	v10 =	vld.idx.msk [tilespmem:v10+s22+$0x0], $0xffff;
	[tilespmem:s30+$0xFFFFFDC0] =	vst v12  }
0x236: {  	v12 =	vld [tilespmem:$0x1FD60];
	[tilespmem:s30+$0xFFFFFE40] =	vst v15;
	v21 =	vor.u32 v21, v5  }
0x237: {  	v22 =	vor.u32 v35, v2;
	v11 =	vld.idx.msk [tilespmem:v11+s22+$0x0], $0xffff;
	[tilespmem:s30+$0xFFFFFFD0] =	vst v13  }
0x238: {  	v18 =	vld.idx.msk [tilespmem:v18+s22+$0x0], $0xffff;
	[tilespmem:s30+$0xFFFFFEC0] =	vst v16  }
0x239: {  	v14 =	vor.u32 v14, v4;
	[tilespmem:s30+$0xFFFFFF40] =	vst v17;
	v15 =	vld.idx.msk [tilespmem:v19+s22+$0x0], $0xffff  }
0x23a: {  	v16 =	vld [tilespmem:$0x1FDF0]  }
0x23b: {  	v12 =	vor.u32 v12, v3;
	[tilespmem:s30+$0xFFFFFC40] =	vst v20;
	v21 =	vld.idx.msk [tilespmem:v21+s22+$0x0], $0xffff  }
0x23c: {  	[tilespmem:s30+$0xFFFFFCD0] =	vst v10;
	v20 =	vld.idx.msk [tilespmem:v22+s22+$0x0], $0xffff  }
0x23d: {  	v13 =	vor.u32 v44, v9;
	v25 =	vld [tilespmem:$0x1FE30]  }
0x23e: {  	[tilespmem:s30+$0xFFFFFD50] =	vst v11;
	v14 =	vld.idx.msk [tilespmem:v14+s22+$0x0], $0xffff  }
0x23f: {  	v17 =	vor.u32 v60, v6;
	v11 =	vld [tilespmem:$0x1FD20]  }
0x240: {  	v12 =	vld.idx.msk [tilespmem:v12+s22+$0x0], $0xffff  }
0x241: {  	v19 =	vor.u32 v52, v8;
	v22 =	vld [tilespmem:$0x1FD70];
	[tilespmem:s30+$0xFFFFFDD0] =	vst v18  }
0x242: {  	v13 =	vld.idx.msk [tilespmem:v13+s22+$0x0], $0xffff;
	v16 =	vor.u32 v16, v7;
	[tilespmem:s30+$0xFFFFFFE0] =	vst v15  }
0x243: {  	[tilespmem:s30+$0xFFFFFE50] =	vst v21  }
0x244: {  	v23 =	vld.idx.msk [tilespmem:v17+s22+$0x0], $0xffff;
	v10 =	vor.u32 v25, v5;
	[tilespmem:s30+$0xFFFFFED0] =	vst v14  }
0x245: {  	v11 =	vor.u32 v11, v4;
	v0 =	vld [tilespmem:$0x1FC60];
	[tilespmem:s30+$0xFFFFFF50] =	vst v12  }
0x246: {  	v19 =	vld.idx.msk [tilespmem:v19+s22+$0x0], $0xffff;
	[tilespmem:s30+$0xFFFFFC50] =	vst v20  }
0x247: {  	v22 =	vor.u32 v22, v3;
	[tilespmem:s30+$0xFFFFFCE0] =	vst v13;
	v16 =	vld.idx.msk [tilespmem:v16+s22+$0x0], $0xffff  }
0x248: {  	v13 =	vld [tilespmem:$0x1FC70]  }
0x249: {  	v21 =	vld.idx.msk [tilespmem:v10+s22+$0x0], $0xffff  }
0x24a: {  	v15 =	vor.u32 v36, v2;
	v26 =	vld.idx.msk [tilespmem:v11+s22+$0x0], $0xffff  }
0x24b: {  	v11 =	vld [tilespmem:$0x1FCC0];
	[tilespmem:s30+$0xFFFFFD60] =	vst v19  }
0x24c: {  	v27 =	vor.u32 v61, v6;
	v18 =	vor.u32 v45, v9;
	v28 =	vld.idx.msk [tilespmem:v22+s22+$0x0], $0xffff;
	[tilespmem:s30+$0xFFFFFFF0] =	vst v16  }
0x24d: {  	s0 =	simm.s32 $0x8;
	v61 =	vmov v29;
	v10 =	vor.u32 v0, v7;
	v29 =	vor.u32 v13, v4;
	v13 =	vld [tilespmem:$0x1FD80];
	[tilespmem:s30+$0xFFFFFDE0] =	vst v23  }
0x24e: {  	v7 =	vmov s0;
	s0 =	simm.s32 $0x9;
	[tilespmem:s30+$0xFFFFFE60] =	vst v21  }
0x24f: {  	v12 =	vld.idx.msk [tilespmem:v15+s22+$0x0], $0xffff;
	v7 =	vshrl.u32 v7, $0x3;
	v16 =	vmov s0;
	[tilespmem:s30+$0xFFFFFEE0] =	vst v26  }
0x250: {  	v7 =	vshll.u32 v7, v1;
	v22 =	vshrl.u32 v16, $0x3;
	v16 =	vld [tilespmem:$0x1FEC0]  }
0x251: {  	v7 =	vbroadcast v7, $0x0;
	v15 =	vor.u32 v11, v5;
	v11 =	vld.idx.msk [tilespmem:v18+s22+$0x0], $0xffff  }
0x252: {  	v14 =	vor.u32 v53, v8;
	v17 =	vld.idx.msk [tilespmem:v10+s22+$0x0], $0xffff;
	[tilespmem:s30+$0xFFFFFF60] =	vst v28  }
0x253: {  	v0 =	vmov v31;
	v10 =	vor.u32 v31, v7;
	v31 =	vld [tilespmem:$0x1FCD0]  }
0x254: {  	v36 =	vld [tilespmem:$0x1FD30]  }
0x255: {  	v9 =	vor.u32 v16, v9;
	v16 =	vld [tilespmem:$0x1FED0]  }
0x256: {  	s31 =	simm.s32 $0xB;
	v45 =	vld [tilespmem:$0x1FD90]  }
0x257: {  	v35 =	vmovc v43;
	v43 =	vmov v30;
	v30 =	vmov s31;
	s31 =	simm.s32 $0xD;
	s0 =	simm.s32 $0xA;
	v19 =	vor.u32 v13, v3;
	v13 =	vld.idx.msk [tilespmem:v14+s22+$0x0], $0xffff  }
0x258: {  	v44 =	vmov v24;
	v24 =	vmov s31;
	v18 =	vmov s0;
	s0 =	simm.s32 $0xC;
	v14 =	vld.idx.msk [tilespmem:v27+s22+$0x0], $0xffff  }
0x259: {  	v20 =	vor.u32 v37, v2;
	v25 =	vmov s0;
	s0 =	simm.s32 $0xE;
	v21 =	vshrl.u32 v18, $0x3;
	v15 =	vld.idx.msk [tilespmem:v15+s22+$0x0], $0xffff  }
0x25a: {  	s1 =	simm.s32 $0xF;
	s31 =	simm.s32 $0x10;
	v53 =	vmovc v54;
	v18 =	vshrl.u32 v30, $0x3;
	v23 =	vmov s0;
	v8 =	vor.u32 v16, v8;
	v16 =	vld.idx.msk [tilespmem:v29+s22+$0x0], $0xffff  }
.LBB2_5:
0x25b: {  	_ =	sdelay $0x1  }
0x25c: {  	[tilespmem:s30+$0xFFFFFC60] =	vst v12;
	v12 =	vld.idx.msk [tilespmem:v19+s22+$0x0], $0xffff  }
0x25d: {  	v25 =	vshrl.u32 v25, $0x3;
	v6 =	vor.u32 v62, v6;
	[tilespmem:s30+$0xFFFFFDF0] =	vst v14;
	v14 =	vld [tilespmem:$0x1FDA0]  }
0x25e: {  	v26 =	vmov s1;
	v19 =	vshrl.u32 v24, $0x3;
	v5 =	vor.u32 v31, v5;
	[tilespmem:s30+$0x0] =	vst v17;
	v20 =	vld.idx.msk [tilespmem:v20+s22+$0x0], $0xffff  }
0x25f: {  	v23 =	vshrl.u32 v23, $0x3;
	[tilespmem:s30+$0xFFFFFCF0] =	vst v11;
	v4 =	vor.u32 v36, v4;
	v11 =	vshll.u32 v22, v1;
	v17 =	vld.idx.msk [tilespmem:v10+s22+$0x0], $0xffff  }
0x260: {  	[tilespmem:s30+$0xFFFFFD70] =	vst v13;
	v3 =	vor.u32 v45, v3;
	v2 =	vor.u32 v38, v2;
	v24 =	vshrl.u32 v26, $0x3;
	v22 =	vld.idx.msk [tilespmem:v9+s22+$0x0], $0xffff  }
0x261: {  	v9 =	vbroadcast v11, $0x0;
	v11 =	vshll.u32 v21, v1;
	v13 =	vld.idx.msk [tilespmem:v8+s22+$0x0], $0xffff;
	v10 =	vshll.u32 v24, v1  }
0x262: {  	v8 =	vbroadcast v11, $0x0;
	v11 =	vshll.u32 v18, v1;
	v10 =	vbroadcast v10, $0x0;
	[tilespmem:s30+$0xFFFFFE70] =	vst v15;
	v18 =	vld.idx.msk [tilespmem:v6+s22+$0x0], $0xffff  }
0x263: {  	v15 =	vor.u32 v39, v9;
	[tilespmem:s30+$0xFFFFFEF0] =	vst v16;
	v6 =	vbroadcast v11, $0x0;
	v11 =	vshll.u32 v25, v1;
	v21 =	vld.idx.msk [tilespmem:v5+s22+$0x0], $0xffff  }
0x264: {  	v16 =	vor.u32 v47, v8;
	[tilespmem:s30+$0xFFFFFF70] =	vst v12;
	v5 =	vbroadcast v11, $0x0;
	v11 =	vshll.u32 v19, v1;
	v19 =	vld.idx.msk [tilespmem:v4+s22+$0x0], $0xffff  }
0x265: {  	v14 =	vor.u32 v14, v10;
	[tilespmem:s30+$0xFFFFFC70] =	vst v20;
	v20 =	vld.idx.msk [tilespmem:v3+s22+$0x0], $0xffff;
	v4 =	vbroadcast v11, $0x0;
	v11 =	vshll.u32 v23, v1  }
0x266: {  	v3 =	vbroadcast v11, $0x0;
	v11 =	vld.idx.msk [tilespmem:v2+s22+$0x0], $0xffff  }
0x267: {  	[tilespmem:s30+$0xFFFFFD00] =	vst v22;
	v12 =	vor.u32 v55, v6;
	v2 =	vmov v7;
	v7 =	vld [tilespmem:$0x1FE00]  }
0x268: {  	[tilespmem:s30+$0xFFFFFD80] =	vst v13;
	v23 =	vor.u32 v63, v5;
	v13 =	vld.idx.msk [tilespmem:v15+s22+$0x0], $0xffff  }
0x269: {  	v16 =	vld.idx.msk [tilespmem:v16+s22+$0x0], $0xffff;
	[tilespmem:s30+$0xFFFFFE00] =	vst v18  }
0x26a: {  	v14 =	vld.idx.msk [tilespmem:v14+s22+$0x0], $0xffff;
	v15 =	vor.u32 v43, v3;
	[tilespmem:s30+$0xFFFFFE80] =	vst v21  }
0x26b: {  	v18 =	vld [tilespmem:$0x1FE20];
	[tilespmem:s30+$0xFFFFFF00] =	vst v19;
	v19 =	vor.u32 v48, v8  }
0x26c: {  	[tilespmem:s30+$0xFFFFFF80] =	vst v20;
	v12 =	vld.idx.msk [tilespmem:v12+s22+$0x0], $0xffff  }
0x26d: {  	v7 =	vor.u32 v7, v4;
	v22 =	vld.idx.msk [tilespmem:v23+s22+$0x0], $0xffff;
	[tilespmem:s30+$0xFFFFFC80] =	vst v11;
	s30 =	sadd.s32 $0x400, s30  }
0x26e: {  	v20 =	vor.u32 v56, v6;
	[tilespmem:s30+$0xFFFFFC90] =	vst v13;
	v13 =	vld [tilespmem:$0x1FE10]  }
0x26f: {  	v11 =	vor.u32 v61, v5;
	[tilespmem:s30+$0xFFFFFD10] =	vst v16;
	v15 =	vld.idx.msk [tilespmem:v15+s22+$0x0], $0xffff  }
0x270: {  	v18 =	vor.u32 v18, v10;
	v19 =	vld.idx.msk [tilespmem:v19+s22+$0x0], $0xffff  }
0x271: {  	v21 =	vor.u32 v40, v9;
	[tilespmem:s30+$0xFFFFFD90] =	vst v12;
	v12 =	vld [tilespmem:$0x1FDB0]  }
0x272: {  	v16 =	vor.u32 v44, v3;
	v7 =	vld.idx.msk [tilespmem:v7+s22+$0x0], $0xffff  }
0x273: {  	v20 =	vld.idx.msk [tilespmem:v20+s22+$0x0], $0xffff;
	[tilespmem:s30+$0xFFFFFE10] =	vst v22  }
0x274: {  	[tilespmem:s30+$0xFFFFFF90] =	vst v14;
	v11 =	vld.idx.msk [tilespmem:v11+s22+$0x0], $0xffff  }
0x275: {  	v13 =	vor.u32 v13, v4;
	v14 =	vld.idx.msk [tilespmem:v18+s22+$0x0], $0xffff  }
0x276: {  	v18 =	vld.idx.msk [tilespmem:v21+s22+$0x0], $0xffff;
	v21 =	vor.u32 v32, v2;
	[tilespmem:s30+$0xFFFFFF10] =	vst v15  }
0x277: {  	v16 =	vld.idx.msk [tilespmem:v16+s22+$0x0], $0xffff;
	[tilespmem:s30+$0xFFFFFD20] =	vst v19  }
0x278: {  	v15 =	vor.u32 v57, v6;
	v19 =	vld [tilespmem:$0x1FDC0];
	[tilespmem:s30+$0xFFFFFE90] =	vst v7  }
0x279: {  	v22 =	vor.u32 v41, v9;
	[tilespmem:s30+$0xFFFFFDA0] =	vst v20;
	v20 =	vld [tilespmem:$0x1FD40]  }
0x27a: {  	[tilespmem:s30+$0xFFFFFC10] =	vst v17;
	v12 =	vor.u32 v12, v10;
	v13 =	vld.idx.msk [tilespmem:v13+s22+$0x0], $0xffff  }
0x27b: {  	v7 =	vor.u32 v49, v8;
	[tilespmem:s30+$0xFFFFFFA0] =	vst v14;
	v17 =	vld.idx.msk [tilespmem:v21+s22+$0x0], $0xffff  }
0x27c: {  	v14 =	vor.u32 v46, v5;
	[tilespmem:s30+$0xFFFFFCA0] =	vst v18;
	v18 =	vld [tilespmem:$0x1FCF0]  }
0x27d: {  	v15 =	vld.idx.msk [tilespmem:v15+s22+$0x0], $0xffff  }
0x27e: {  	v21 =	vld.idx.msk [tilespmem:v22+s22+$0x0], $0xffff  }
0x27f: {  	[tilespmem:s30+$0xFFFFFE20] =	vst v11;
	v11 =	vor.u32 v42, v9;
	v12 =	vld.idx.msk [tilespmem:v12+s22+$0x0], $0xffff  }
0x280: {  	v19 =	vor.u32 v19, v10;
	v7 =	vld.idx.msk [tilespmem:v7+s22+$0x0], $0xffff  }
0x281: {  	v20 =	vor.u32 v20, v3;
	[tilespmem:s30+$0xFFFFFEA0] =	vst v13;
	v14 =	vld.idx.msk [tilespmem:v14+s22+$0x0], $0xffff  }
0x282: {  	v22 =	vor.u32 v33, v2;
	[tilespmem:s30+$0xFFFFFDB0] =	vst v15;
	v15 =	vld [tilespmem:$0x1FD50]  }
0x283: {  	[tilespmem:s30+$0xFFFFFCB0] =	vst v21;
	v21 =	vld [tilespmem:$0x1FDD0]  }
0x284: {  	v13 =	vor.u32 v50, v8;
	[tilespmem:s30+$0xFFFFFFB0] =	vst v12;
	v11 =	vld.idx.msk [tilespmem:v11+s22+$0x0], $0xffff  }
0x285: {  	[tilespmem:s30+$0xFFFFFF20] =	vst v16;
	v18 =	vor.u32 v18, v4;
	v16 =	vld.idx.msk [tilespmem:v19+s22+$0x0], $0xffff  }
0x286: {  	[tilespmem:s30+$0xFFFFFC20] =	vst v17;
	v17 =	vor.u32 v53, v5;
	v19 =	vld.idx.msk [tilespmem:v20+s22+$0x0], $0xffff  }
0x287: {  	v12 =	vor.u32 v58, v6;
	v20 =	vld.idx.msk [tilespmem:v22+s22+$0x0], $0xffff  }
0x288: {  	[tilespmem:s30+$0xFFFFFD30] =	vst v7;
	v7 =	vld [tilespmem:$0x1FD00]  }
0x289: {  	v13 =	vld.idx.msk [tilespmem:v13+s22+$0x0], $0xffff  }
0x28a: {  	v22 =	vor.u32 v34, v2;
	v18 =	vld.idx.msk [tilespmem:v18+s22+$0x0], $0xffff;
	[tilespmem:s30+$0xFFFFFE30] =	vst v14  }
0x28b: {  	v17 =	vld.idx.msk [tilespmem:v17+s22+$0x0], $0xffff  }
0x28c: {  	v12 =	vld.idx.msk [tilespmem:v12+s22+$0x0], $0xffff;
	[tilespmem:s30+$0xFFFFFCC0] =	vst v11  }
0x28d: {  	v15 =	vor.u32 v15, v3;
	v11 =	vld [tilespmem:$0x1FCE0];
	[tilespmem:s30+$0xFFFFFF30] =	vst v19  }
0x28e: {  	v14 =	vor.u32 v35, v9;
	[tilespmem:s30+$0xFFFFFC30] =	vst v20;
	v19 =	vld [tilespmem:$0x1FDE0]  }
0x28f: {  	v21 =	vor.u32 v21, v10;
	v20 =	vld.idx.msk [tilespmem:v22+s22+$0x0], $0xffff  }
0x290: {  	[tilespmem:s30+$0xFFFFFD40] =	vst v13;
	v13 =	vld [tilespmem:$0x1FD10]  }
0x291: {  	v7 =	vor.u32 v7, v4;
	v22 =	vld [tilespmem:$0x1FE90]  }
0x292: {  	[tilespmem:s30+$0xFFFFFFC0] =	vst v16;
	v16 =	vor.u32 v51, v8;
	v15 =	vld.idx.msk [tilespmem:v15+s22+$0x0], $0xffff  }
0x293: {  	v14 =	vld.idx.msk [tilespmem:v14+s22+$0x0], $0xffff  }
0x294: {  	[tilespmem:s30+$0xFFFFFEB0] =	vst v18;
	v18 =	vld.idx.msk [tilespmem:v21+s22+$0x0], $0xffff;
	v21 =	vor.u32 v59, v6  }
0x295: {  	[tilespmem:s30+$0xFFFFFDC0] =	vst v12;
	v12 =	vld [tilespmem:$0x1FD60]  }
0x296: {  	v11 =	vor.u32 v11, v5;
	v7 =	vld.idx.msk [tilespmem:v7+s22+$0x0], $0xffff  }
0x297: {  	v19 =	vor.u32 v19, v10;
	v16 =	vld.idx.msk [tilespmem:v16+s22+$0x0], $0xffff  }
0x298: {  	[tilespmem:s30+$0xFFFFFCD0] =	vst v14;
	v14 =	vld [tilespmem:$0x1FE30]  }
0x299: {  	[tilespmem:s30+$0xFFFFFE40] =	vst v17;
	v13 =	vor.u32 v13, v4;
	v21 =	vld.idx.msk [tilespmem:v21+s22+$0x0], $0xffff  }
0x29a: {  	[tilespmem:s30+$0xFFFFFFD0] =	vst v18;
	v18 =	vld [tilespmem:$0x1FE80]  }
0x29b: {  	v22 =	vor.u32 v22, v2;
	v11 =	vld.idx.msk [tilespmem:v11+s22+$0x0], $0xffff  }
0x29c: {  	v17 =	vld.idx.msk [tilespmem:v19+s22+$0x0], $0xffff;
	[tilespmem:s30+$0xFFFFFEC0] =	vst v7  }
0x29d: {  	[tilespmem:s30+$0xFFFFFD50] =	vst v16;
	v16 =	vld [tilespmem:$0x1FD20]  }
0x29e: {  	[tilespmem:s30+$0xFFFFFC40] =	vst v20;
	v12 =	vor.u32 v12, v3;
	v7 =	vld.idx.msk [tilespmem:v13+s22+$0x0], $0xffff  }
0x29f: {  	[tilespmem:s30+$0xFFFFFF40] =	vst v15;
	v15 =	vor.u32 v60, v6;
	v13 =	vld [tilespmem:$0x1FDF0]  }
0x2a0: {  	v20 =	vld.idx.msk [tilespmem:v22+s22+$0x0], $0xffff  }
0x2a1: {  	v22 =	vld [tilespmem:$0x1FD70]  }
0x2a2: {  	v19 =	vor.u32 v52, v8;
	[tilespmem:s30+$0xFFFFFDD0] =	vst v21;
	v21 =	vld [tilespmem:$0x1FE60]  }
0x2a3: {  	v12 =	vld.idx.msk [tilespmem:v12+s22+$0x0], $0xffff  }
0x2a4: {  	v14 =	vor.u32 v14, v5;
	v15 =	vld.idx.msk [tilespmem:v15+s22+$0x0], $0xffff  }
0x2a5: {  	v18 =	vor.u32 v18, v9;
	[tilespmem:s30+$0xFFFFFFE0] =	vst v17;
	v17 =	vld [tilespmem:$0x1FE70]  }
0x2a6: {  	[tilespmem:s30+$0xFFFFFE50] =	vst v11;
	v11 =	vld [tilespmem:$0x1FE40]  }
0x2a7: {  	v19 =	vld.idx.msk [tilespmem:v19+s22+$0x0], $0xffff;
	v13 =	vor.u32 v13, v10  }
0x2a8: {  	[tilespmem:s30+$0xFFFFFED0] =	vst v7;
	v7 =	vld [tilespmem:$0x1FC60]  }
0x2a9: {  	v16 =	vor.u32 v16, v4;
	v23 =	vld.idx.msk [tilespmem:v14+s22+$0x0], $0xffff  }
0x2aa: {  	v18 =	vld.idx.msk [tilespmem:v18+s22+$0x0], $0xffff;
	v17 =	vor.u32 v17, v2  }
0x2ab: {  	v26 =	vor.u32 v11, v6;
	v11 =	vld [tilespmem:$0x1FCC0]  }
0x2ac: {  	v22 =	vor.u32 v22, v3;
	v13 =	vld.idx.msk [tilespmem:v13+s22+$0x0], $0xffff  }
0x2ad: {  	v10 =	vor.u32 v7, v10;
	v7 =	vld [tilespmem:$0x1FE50]  }
0x2ae: {  	[tilespmem:s30+$0xFFFFFC50] =	vst v20;
	v21 =	vor.u32 v21, v9;
	v16 =	vld.idx.msk [tilespmem:v16+s22+$0x0], $0xffff  }
0x2af: {  	[tilespmem:s30+$0xFFFFFF50] =	vst v12;
	v12 =	vld.idx.msk [tilespmem:v17+s22+$0x0], $0xffff  }
0x2b0: {  	v17 =	vld [tilespmem:$0x1FC70]  }
0x2b1: {  	v27 =	vld.idx.msk [tilespmem:v22+s22+$0x0], $0xffff;
	[tilespmem:s30+$0xFFFFFCE0] =	vst v18  }
0x2b2: {  	s0 =	sadd.s32 $0x1, s31;
	s1 =	sadd.s32 $0x2, s31;
	v14 =	vor.u32 v7, v8;
	[tilespmem:s30+$0xFFFFFFF0] =	vst v13;
	v13 =	vld [tilespmem:$0x1FD80]  }
0x2b3: {  	v29 =	vmov s1;
	v18 =	vor.u32 v11, v5;
	v11 =	vld.idx.msk [tilespmem:v21+s22+$0x0], $0xffff;
	v21 =	vmov s0  }
0x2b4: {  	v22 =	vshrl.u32 v21, $0x3;
	v21 =	vshrl.u32 v29, $0x3;
	v29 =	vld [tilespmem:$0x1FED0]  }
0x2b5: {  	v28 =	vor.u32 v17, v4;
	v17 =	vld.idx.msk [tilespmem:v10+s22+$0x0], $0xffff  }
0x2b6: {  	[tilespmem:s30+$0xFFFFFD60] =	vst v19;
	v10 =	vld [tilespmem:$0x1FCB0]  }
0x2b7: {  	[tilespmem:s30+$0xFFFFFDE0] =	vst v15;
	v19 =	vor.u32 v13, v3;
	v13 =	vld.idx.msk [tilespmem:v14+s22+$0x0], $0xffff  }
0x2b8: {  	v14 =	vld.idx.msk [tilespmem:v26+s22+$0x0], $0xffff  }
0x2b9: {  	p1 =	slt.u32 s31, $0x38;
	v7 =	vmov s31;
	v26 =	vld [tilespmem:$0x1FEC0]  }
.Ltmp3:
0x2ba: {  	s1 =	sadd.s32 $0x5, s31;
	v7 =	vshrl.u32 v7, $0x3;
	(pc) =	sbr.rel @p1 .LBB2_5-.Ltmp3, $4  }
0x2bb: {  	v24 =	vmov s1;
	s1 =	sadd.s32 $0x6, s31;
	[tilespmem:s30+$0xFFFFFE60] =	vst v23;
	s0 =	sadd.s32 $0x3, s31;
	v7 =	vshll.u32 v7, v1  }
0x2bc: {  	v23 =	vmov s1;
	v30 =	vmov s0;
	s0 =	sadd.s32 $0x4, s31;
	[tilespmem:s30+$0xFFFFFEE0] =	vst v16;
	v7 =	vbroadcast v7, $0x0  }
0x2bd: {  	v25 =	vmov s0;
	[tilespmem:s30+$0xFFFFFF60] =	vst v27;
	v15 =	vld.idx.msk [tilespmem:v18+s22+$0x0], $0xffff;
	v18 =	vshrl.u32 v30, $0x3;
	v8 =	vor.u32 v29, v8  }
0x2be: {  	s1 =	sadd.s32 $0x7, s31;
	s31 =	sadd.s32 $0x8, s31;
	v20 =	vor.u32 v10, v2;
	v10 =	vor.u32 v0, v7;
	v16 =	vld.idx.msk [tilespmem:v28+s22+$0x0], $0xffff;
	v9 =	vor.u32 v26, v9  }
0x2bf: {  	_ = 	snop  }
0x2c0: {  	[tilespmem:s30+$0xFFFFFC60] =	vst v12  }
0x2c1: {  	[tilespmem:s30+$0x0] =	vst v17  }
0x2c2: {  	v12 =	vshrl.u32 v25, $0x3;
	[tilespmem:s30+$0xFFFFFCF0] =	vst v11  }
0x2c3: {  	v25 =	vmov s1;
	v6 =	vor.u32 v62, v6;
	v17 =	vld.idx.msk [tilespmem:v19+s22+$0x0], $0xffff;
	v19 =	vshrl.u32 v24, $0x3;
	[tilespmem:s30+$0xFFFFFD70] =	vst v13  }
0x2c4: {  	v5 =	vor.u32 v31, v5;
	v13 =	vor.u32 v45, v3;
	[tilespmem:s30+$0xFFFFFDF0] =	vst v14;
	v24 =	vshrl.u32 v25, $0x3;
	v20 =	vld.idx.msk [tilespmem:v20+s22+$0x0], $0xffff  }
0x2c5: {  	v9 =	vld.idx.msk [tilespmem:v9+s22+$0x0], $0xffff;
	v11 =	vshll.u32 v24, v1;
	v24 =	vor.u32 v36, v4;
	v4 =	vshll.u32 v22, v1  }
0x2c6: {  	v3 =	vbroadcast v4, $0x0;
	v4 =	vshll.u32 v21, v1;
	v21 =	vld.idx.msk [tilespmem:v8+s22+$0x0], $0xffff;
	[tilespmem:s30+$0xFFFFFE70] =	vst v15  }
0x2c7: {  	v37 =	vld [tilespmem:$0x1FDA0];
	[tilespmem:s30+$0xFFFFFEF0] =	vst v16  }
0x2c8: {  	v14 =	vor.u32 v38, v2;
	v2 =	vbroadcast v4, $0x0;
	v4 =	vshll.u32 v18, v1;
	v18 =	vld.idx.msk [tilespmem:v6+s22+$0x0], $0xffff;
	[tilespmem:s30+$0xFFFFFF70] =	vst v17  }
0x2c9: {  	v16 =	vor.u32 v39, v3;
	v6 =	vshll.u32 v12, v1;
	v12 =	vld.idx.msk [tilespmem:v5+s22+$0x0], $0xffff;
	[tilespmem:s30+$0xFFFFFC70] =	vst v20  }
0x2ca: {  	v11 =	vbroadcast v11, $0x0;
	v17 =	vor.u32 v47, v2;
	v13 =	vld.idx.msk [tilespmem:v13+s22+$0x0], $0xffff;
	[tilespmem:s30+$0xFFFFFD00] =	vst v9  }
0x2cb: {  	v4 =	vbroadcast v4, $0x0;
	v5 =	vbroadcast v6, $0x0;
	v6 =	vshll.u32 v19, v1;
	v19 =	vld.idx.msk [tilespmem:v24+s22+$0x0], $0xffff;
	[tilespmem:s30+$0xFFFFFD80] =	vst v21  }
0x2cc: {  	v23 =	vshrl.u32 v23, $0x3;
	v15 =	vor.u32 v37, v11;
	v21 =	vld [tilespmem:$0x1FE00]  }
0x2cd: {  	v8 =	vshll.u32 v23, v1;
	v20 =	vor.u32 v55, v4;
	v14 =	vld.idx.msk [tilespmem:v14+s22+$0x0], $0xffff  }
0x2ce: {  	v8 =	vbroadcast v8, $0x0;
	[tilespmem:s30+$0xFFFFFE00] =	vst v18;
	v16 =	vld.idx.msk [tilespmem:v16+s22+$0x0], $0xffff  }
0x2cf: {  	v6 =	vbroadcast v6, $0x0;
	v9 =	vor.u32 v63, v5;
	[tilespmem:s30+$0xFFFFFE80] =	vst v12;
	v12 =	vld.idx.msk [tilespmem:v17+s22+$0x0], $0xffff  }
0x2d0: {  	v18 =	vor.u32 v43, v8;
	v17 =	vld [tilespmem:$0x1FE20]  }
0x2d1: {  	[tilespmem:s30+$0xFFFFFF80] =	vst v13;
	v21 =	vor.u32 v21, v6;
	v15 =	vld.idx.msk [tilespmem:v15+s22+$0x0], $0xffff  }
0x2d2: {  	[tilespmem:s30+$0xFFFFFF00] =	vst v19;
	v19 =	vld.idx.msk [tilespmem:v20+s22+$0x0], $0xffff  }
0x2d3: {  	v10 =	vld.idx.msk [tilespmem:v10+s22+$0x0], $0xffff;
	[tilespmem:s30+$0xFFFFFC80] =	vst v14;
	s30 =	sadd.s32 $0x400, s30  }
0x2d4: {  	v13 =	vor.u32 v40, v3;
	v9 =	vld.idx.msk [tilespmem:v9+s22+$0x0], $0xffff;
	[tilespmem:s30+$0xFFFFFC90] =	vst v16  }
0x2d5: {  	v14 =	vor.u32 v48, v2;
	v18 =	vld.idx.msk [tilespmem:v18+s22+$0x0], $0xffff;
	[tilespmem:s30+$0xFFFFFD10] =	vst v12  }
0x2d6: {  	v17 =	vor.u32 v17, v11;
	v20 =	vld.idx.msk [tilespmem:v21+s22+$0x0], $0xffff;
	[tilespmem:s30+$0xFFFFFF90] =	vst v15  }
0x2d7: {  	v16 =	vor.u32 v61, v5;
	v12 =	vld [tilespmem:$0x1FE10];
	[tilespmem:s30+$0xFFFFFD90] =	vst v19  }
0x2d8: {  	v15 =	vor.u32 v56, v4;
	v19 =	vld [tilespmem:$0x1FDB0]  }
0x2d9: {  	v13 =	vld.idx.msk [tilespmem:v13+s22+$0x0], $0xffff;
	[tilespmem:s30+$0xFFFFFE10] =	vst v9;
	v9 =	vor.u32 v44, v8  }
0x2da: {  	v14 =	vld.idx.msk [tilespmem:v14+s22+$0x0], $0xffff;
	[tilespmem:s30+$0xFFFFFF10] =	vst v18;
	v18 =	vor.u32 v41, v3  }
0x2db: {  	v17 =	vld.idx.msk [tilespmem:v17+s22+$0x0], $0xffff;
	[tilespmem:s30+$0xFFFFFE90] =	vst v20;
	v20 =	vor.u32 v32, v7  }
0x2dc: {  	v16 =	vld.idx.msk [tilespmem:v16+s22+$0x0], $0xffff  }
0x2dd: {  	[tilespmem:s30+$0xFFFFFC10] =	vst v10;
	v15 =	vld.idx.msk [tilespmem:v15+s22+$0x0], $0xffff;
	v19 =	vor.u32 v19, v11  }
0x2de: {  	[tilespmem:s30+$0xFFFFFCA0] =	vst v13;
	v12 =	vor.u32 v12, v6;
	v9 =	vld.idx.msk [tilespmem:v9+s22+$0x0], $0xffff  }
0x2df: {  	[tilespmem:s30+$0xFFFFFD20] =	vst v14;
	v18 =	vld.idx.msk [tilespmem:v18+s22+$0x0], $0xffff  }
0x2e0: {  	[tilespmem:s30+$0xFFFFFFA0] =	vst v17;
	v17 =	vor.u32 v49, v2;
	v14 =	vld.idx.msk [tilespmem:v20+s22+$0x0], $0xffff  }
0x2e1: {  	v20 =	vld [tilespmem:$0x1FDC0]  }
0x2e2: {  	v10 =	vor.u32 v57, v4;
	v19 =	vld.idx.msk [tilespmem:v19+s22+$0x0], $0xffff  }
0x2e3: {  	[tilespmem:s30+$0xFFFFFDA0] =	vst v15;
	v12 =	vld.idx.msk [tilespmem:v12+s22+$0x0], $0xffff  }
0x2e4: {  	v15 =	vld [tilespmem:$0x1FCF0]  }
0x2e5: {  	v13 =	vor.u32 v46, v5;
	[tilespmem:s30+$0xFFFFFE20] =	vst v16;
	v16 =	vld.idx.msk [tilespmem:v17+s22+$0x0], $0xffff  }
0x2e6: {  	v17 =	vld [tilespmem:$0x1FD40];
	[tilespmem:s30+$0xFFFFFF20] =	vst v9  }
0x2e7: {  	v10 =	vld.idx.msk [tilespmem:v10+s22+$0x0], $0xffff;
	[tilespmem:s30+$0xFFFFFFB0] =	vst v19;
	v19 =	vor.u32 v42, v3  }
0x2e8: {  	[tilespmem:s30+$0xFFFFFCB0] =	vst v18  }
0x2e9: {  	v20 =	vor.u32 v20, v11;
	[tilespmem:s30+$0xFFFFFC20] =	vst v14  }
0x2ea: {  	v13 =	vld.idx.msk [tilespmem:v13+s22+$0x0], $0xffff;
	v15 =	vor.u32 v15, v6;
	[tilespmem:s30+$0xFFFFFEA0] =	vst v12  }
0x2eb: {  	v12 =	vor.u32 v33, v7;
	v18 =	vld [tilespmem:$0x1FDD0];
	[tilespmem:s30+$0xFFFFFD30] =	vst v16  }
0x2ec: {  	v17 =	vor.u32 v17, v8;
	[tilespmem:s30+$0xFFFFFDB0] =	vst v10;
	v10 =	vld.idx.msk [tilespmem:v19+s22+$0x0], $0xffff  }
0x2ed: {  	v19 =	vld [tilespmem:$0x1FD00]  }
0x2ee: {  	v9 =	vor.u32 v50, v2;
	v20 =	vld.idx.msk [tilespmem:v20+s22+$0x0], $0xffff  }
0x2ef: {  	v16 =	vor.u32 v53, v5;
	v14 =	vld.idx.msk [tilespmem:v15+s22+$0x0], $0xffff  }
0x2f0: {  	v15 =	vor.u32 v58, v4;
	v12 =	vld.idx.msk [tilespmem:v12+s22+$0x0], $0xffff  }
0x2f1: {  	v17 =	vld.idx.msk [tilespmem:v17+s22+$0x0], $0xffff;
	[tilespmem:s30+$0xFFFFFE30] =	vst v13;
	v18 =	vor.u32 v18, v11  }
0x2f2: {  	v13 =	vld [tilespmem:$0x1FD50];
	v19 =	vor.u32 v19, v6  }
0x2f3: {  	v9 =	vld.idx.msk [tilespmem:v9+s22+$0x0], $0xffff  }
0x2f4: {  	v16 =	vld.idx.msk [tilespmem:v16+s22+$0x0], $0xffff;
	[tilespmem:s30+$0xFFFFFFC0] =	vst v20;
	v20 =	vor.u32 v34, v7  }
0x2f5: {  	v15 =	vld.idx.msk [tilespmem:v15+s22+$0x0], $0xffff;
	[tilespmem:s30+$0xFFFFFEB0] =	vst v14  }
0x2f6: {  	[tilespmem:s30+$0xFFFFFC30] =	vst v12;
	v18 =	vld.idx.msk [tilespmem:v18+s22+$0x0], $0xffff  }
0x2f7: {  	[tilespmem:s30+$0xFFFFFF30] =	vst v17;
	v13 =	vor.u32 v13, v8;
	v12 =	vld.idx.msk [tilespmem:v19+s22+$0x0], $0xffff  }
0x2f8: {  	v19 =	vld [tilespmem:$0x1FDE0];
	[tilespmem:s30+$0xFFFFFCC0] =	vst v10  }
0x2f9: {  	v14 =	vor.u32 v35, v3;
	[tilespmem:s30+$0xFFFFFD40] =	vst v9;
	v9 =	vld.idx.msk [tilespmem:v20+s22+$0x0], $0xffff  }
0x2fa: {  	v20 =	vld [tilespmem:$0x1FCE0];
	_ =	sdelay $0x1  }
0x2fb: {  	v13 =	vld.idx.msk [tilespmem:v13+s22+$0x0], $0xffff;
	[tilespmem:s30+$0xFFFFFDC0] =	vst v15  }
0x2fc: {  	v17 =	vor.u32 v51, v2;
	v15 =	vld [tilespmem:$0x1FD10]  }
0x2fd: {  	v10 =	vor.u32 v59, v4;
	v14 =	vld.idx.msk [tilespmem:v14+s22+$0x0], $0xffff;
	[tilespmem:s30+$0xFFFFFFD0] =	vst v18  }
0x2fe: {  	v18 =	vld [tilespmem:$0x1FD60];
	[tilespmem:s30+$0xFFFFFE40] =	vst v16;
	v20 =	vor.u32 v20, v5  }
0x2ff: {  	v16 =	vld [tilespmem:$0x1FE90];
	[tilespmem:s30+$0xFFFFFEC0] =	vst v12  }
0x300: {  	v19 =	vor.u32 v19, v11;
	v12 =	vld [tilespmem:$0x1FE80]  }
0x301: {  	v17 =	vld.idx.msk [tilespmem:v17+s22+$0x0], $0xffff;
	v15 =	vor.u32 v15, v6  }
0x302: {  	v10 =	vld.idx.msk [tilespmem:v10+s22+$0x0], $0xffff  }
0x303: {  	[tilespmem:s30+$0xFFFFFF40] =	vst v13;
	v18 =	vor.u32 v18, v8;
	v13 =	vld.idx.msk [tilespmem:v20+s22+$0x0], $0xffff  }
0x304: {  	v16 =	vor.u32 v16, v7;
	v20 =	vld [tilespmem:$0x1FDF0];
	[tilespmem:s30+$0xFFFFFC40] =	vst v9  }
0x305: {  	v19 =	vld.idx.msk [tilespmem:v19+s22+$0x0], $0xffff;
	v12 =	vor.u32 v12, v3;
	[tilespmem:s30+$0xFFFFFCD0] =	vst v14  }
0x306: {  	[tilespmem:s30+$0xFFFFFD50] =	vst v17;
	v15 =	vld.idx.msk [tilespmem:v15+s22+$0x0], $0xffff  }
0x307: {  	v9 =	vor.u32 v52, v2;
	v17 =	vld [tilespmem:$0x1FE30]  }
0x308: {  	v18 =	vld.idx.msk [tilespmem:v18+s22+$0x0], $0xffff  }
0x309: {  	v14 =	vor.u32 v60, v4;
	v16 =	vld.idx.msk [tilespmem:v16+s22+$0x0], $0xffff  }
0x30a: {  	[tilespmem:s30+$0xFFFFFFE0] =	vst v19;
	v12 =	vld.idx.msk [tilespmem:v12+s22+$0x0], $0xffff  }
0x30b: {  	v19 =	vld [tilespmem:$0x1FD20]  }
0x30c: {  	[tilespmem:s30+$0xFFFFFDD0] =	vst v10;
	v9 =	vld.idx.msk [tilespmem:v9+s22+$0x0], $0xffff  }
0x30d: {  	v20 =	vor.u32 v20, v11;
	v10 =	vld [tilespmem:$0x1FD70]  }
0x30e: {  	[tilespmem:s30+$0xFFFFFE50] =	vst v13;
	v14 =	vld.idx.msk [tilespmem:v14+s22+$0x0], $0xffff  }
0x30f: {  	v17 =	vor.u32 v17, v5;
	v13 =	vld [tilespmem:$0x1FE70];
	[tilespmem:s30+$0xFFFFFED0] =	vst v15  }
0x310: {  	v15 =	vld [tilespmem:$0x1FC60];
	[tilespmem:s30+$0xFFFFFF50] =	vst v18  }
0x311: {  	v23 =	vld [tilespmem:$0x1FE60];
	v19 =	vor.u32 v19, v6  }
0x312: {  	[tilespmem:s30+$0xFFFFFC50] =	vst v16;
	v20 =	vld.idx.msk [tilespmem:v20+s22+$0x0], $0xffff;
	v10 =	vor.u32 v10, v8  }
0x313: {  	v16 =	vld [tilespmem:$0x1FE50]  }
0x314: {  	[tilespmem:s30+$0xFFFFFCE0] =	vst v12;
	v17 =	vld.idx.msk [tilespmem:v17+s22+$0x0], $0xffff  }
0x315: {  	v12 =	vld [tilespmem:$0x1FE40];
	v13 =	vor.u32 v13, v7  }
0x316: {  	v11 =	vor.u32 v15, v11;
	v15 =	vor.u32 v23, v3;
	v18 =	vld.idx.msk [tilespmem:v19+s22+$0x0], $0xffff  }
0x317: {  	[tilespmem:s30+$0xFFFFFFF0] =	vst v20;
	v10 =	vld.idx.msk [tilespmem:v10+s22+$0x0], $0xffff  }
0x318: {  	v19 =	vld [tilespmem:$0x1FCC0];
	[tilespmem:s30+$0xFFFFFD60] =	vst v9  }
0x319: {  	v16 =	vor.u32 v16, v2;
	v9 =	vld [tilespmem:$0x1FC70]  }
0x31a: {  	v12 =	vor.u32 v12, v4;
	v13 =	vld.idx.msk [tilespmem:v13+s22+$0x0], $0xffff  }
0x31b: {  	[tilespmem:s30+$0xFFFFFDE0] =	vst v14;
	v14 =	vld.idx.msk [tilespmem:v15+s22+$0x0], $0xffff  }
0x31c: {  	v3 =	vor.u32 v26, v3;
	v15 =	vld [tilespmem:$0x1FD80];
	[tilespmem:s30+$0xFFFFFE60] =	vst v17  }
0x31d: {  	v17 =	vld [tilespmem:$0x1FCB0];
	v19 =	vor.u32 v19, v5  }
0x31e: {  	v16 =	vld.idx.msk [tilespmem:v16+s22+$0x0], $0xffff;
	v9 =	vor.u32 v9, v6  }
0x31f: {  	v2 =	vor.u32 v29, v2;
	[tilespmem:s30+$0xFFFFFEE0] =	vst v18;
	v12 =	vld.idx.msk [tilespmem:v12+s22+$0x0], $0xffff  }
0x320: {  	v4 =	vor.u32 v62, v4;
	v11 =	vld.idx.msk [tilespmem:v11+s22+$0x0], $0xffff;
	[tilespmem:s30+$0xFFFFFCF0] =	vst v14  }
0x321: {  	[tilespmem:s30+$0xFFFFFF60] =	vst v10;
	v15 =	vor.u32 v15, v8;
	v3 =	vld.idx.msk [tilespmem:v3+s22+$0x0], $0xffff  }
0x322: {  	[tilespmem:s30+$0xFFFFFC60] =	vst v13;
	v17 =	vor.u32 v17, v7;
	v10 =	vld.idx.msk [tilespmem:v19+s22+$0x0], $0xffff  }
0x323: {  	v5 =	vor.u32 v31, v5;
	[tilespmem:s30+$0xFFFFFD70] =	vst v16;
	v9 =	vld.idx.msk [tilespmem:v9+s22+$0x0], $0xffff  }
0x324: {  	v6 =	vor.u32 v36, v6;
	[tilespmem:s30+$0xFFFFFDF0] =	vst v12;
	v2 =	vld.idx.msk [tilespmem:v2+s22+$0x0], $0xffff  }
0x325: {  	[tilespmem:s30+$0x0] =	vst v11;
	v4 =	vld.idx.msk [tilespmem:v4+s22+$0x0], $0xffff  }
0x326: {  	v11 =	vld.idx.msk [tilespmem:v15+s22+$0x0], $0xffff;
	[tilespmem:s30+$0xFFFFFD00] =	vst v3  }
0x327: {  	v8 =	vor.u32 v45, v8;
	v13 =	vld.idx.msk [tilespmem:v17+s22+$0x0], $0xffff;
	[tilespmem:s30+$0xFFFFFE70] =	vst v10  }
0x328: {  	v7 =	vor.u32 v38, v7;
	[tilespmem:s30+$0xFFFFFEF0] =	vst v9;
	v5 =	vld.idx.msk [tilespmem:v5+s22+$0x0], $0xffff  }
0x329: {  	[tilespmem:s30+$0xFFFFFD80] =	vst v2;
	v6 =	vld.idx.msk [tilespmem:v6+s22+$0x0], $0xffff  }
0x32a: {  	[tilespmem:s30+$0xFFFFFE00] =	vst v4  }
0x32b: {  	[tilespmem:s30+$0xFFFFFF70] =	vst v11  }
0x32c: {  	[tilespmem:s30+$0xFFFFFC70] =	vst v13;
	v8 =	vld.idx.msk [tilespmem:v8+s22+$0x0], $0xffff  }
0x32d: {  	v3 =	vld.idx.msk [tilespmem:v7+s22+$0x0], $0xffff;
	[tilespmem:s30+$0xFFFFFE80] =	vst v5  }
0x32e: {  	[tilespmem:s30+$0xFFFFFF00] =	vst v6  }
0x32f: {  	s0 =	rddreg [dreg:$0xc]  }
0x330: {  	s0 =	sor.u32 s0, s16  }
0x331: {  	[tilespmem:s30+$0xFFFFFF80] =	vst v8;
	s0 =	sshrl.u32 s0, $0x3  }
0x332: {  	[tilespmem:s30+$0xFFFFFC80] =	vst v3;
	s1 =	sadd.s32 s2, s0  }
0x333: {  	[hbm4b:s1+s3] =	stream.linear.scatter [tilespmem:s17], [sflag:$0x6], $0x400, $0x38;
	[tilespmem:$0x1A400] =	vst v63  }
0x334: {  	s1 =	sor.u32 $0x4000, s0  }
0x335: {  	s1 =	sadd.s32 s2, s1  }
0x336: {  	[hbm4b:s1+s3] =	stream.linear.scatter [tilespmem:s18], [sflag:$0x6], $0x400, $0x38;
	[tilespmem:$0x1A400] =	vst v63  }
0x337: {  	s1 =	sor.u32 $0x8000, s0  }
0x338: {  	s1 =	sadd.s32 s2, s1  }
0x339: {  	[hbm4b:s1+s3] =	stream.linear.scatter [tilespmem:s19], [sflag:$0x6], $0x400, $0x38;
	[tilespmem:$0x1A400] =	vst v63  }
0x33a: {  	s1 =	sor.u32 $0xC000, s0  }
0x33b: {  	s1 =	sadd.s32 s2, s1  }
0x33c: {  	[hbm4b:s1+s3] =	stream.linear.scatter [tilespmem:s7], [sflag:$0x6], $0x400, $0x38;
	[tilespmem:$0x1A400] =	vst v63  }
0x33d: {  	s1 =	sor.u32 $0x10000, s0  }
0x33e: {  	s1 =	sadd.s32 s2, s1  }
0x33f: {  	[hbm4b:s1+s3] =	stream.linear.scatter [tilespmem:s8], [sflag:$0x6], $0x400, $0x38;
	[tilespmem:$0x1A400] =	vst v63  }
0x340: {  	s1 =	sor.u32 $0x14000, s0  }
0x341: {  	s1 =	sadd.s32 s2, s1  }
0x342: {  	[hbm4b:s1+s3] =	stream.linear.scatter [tilespmem:s9], [sflag:$0x6], $0x400, $0x38;
	[tilespmem:$0x1A400] =	vst v63  }
0x343: {  	s1 =	sor.u32 $0x18000, s0  }
0x344: {  	s0 =	sor.u32 $0x1C000, s0;
	s1 =	sadd.s32 s2, s1  }
0x345: {  	[hbm4b:s1+s3] =	stream.linear.scatter [tilespmem:s10], [sflag:$0x6], $0x400, $0x38;
	[tilespmem:$0x1A400] =	vst v63  }
0x346: {  	s0 =	sadd.s32 s2, s0  }
0x347: {  	[hbm4b:s0+s3] =	stream.linear.scatter [tilespmem:s6], [sflag:$0x6], $0x400, $0x38;
	[tilespmem:$0x1A400] =	vst v63  }
0x348: {  	s30 =	simm.s32 @!p0 $0xA400;
	s1 =	simm.s32 @!p0 $0x80;
	s0 =	sadd.s32 @!p0 $0x1980, s29  }
0x349: {  	[tilespmem:s30], [sflag:$0x2] =	stream.indirect.gather @!p0 [hbm4b:s4+s1], $0x80, s0, s1, $0xb8;
	[tilespmem:$0x1A400] =	vst v63  }
0x34a: {  	_ =	swait.ge [sflag:s11], $0x400  }
0x34b: {  	[sflag:s11] =	ssyncset.done $0x0  }
0x34c: {  	[sflag:s11] =	ssyncadd.s32 $0xFFFFFC00  }
0x34d: {  	_ =	swait.ge [sflag:s11], $0x400  }
0x34e: {  	[sflag:s11] =	ssyncset.done $0x0  }
0x34f: {  	[sflag:s11] =	ssyncadd.s32 $0xFFFFFC00  }
0x350: {  	_ =	swait.ge [sflag:s11], $0x400  }
0x351: {  	[sflag:s11] =	ssyncset.done $0x0  }
0x352: {  	[sflag:s11] =	ssyncadd.s32 $0xFFFFFC00  }
0x353: {  	_ =	swait.ge [sflag:s11], $0x400  }
0x354: {  	[sflag:s11] =	ssyncset.done $0x0  }
0x355: {  	[sflag:s11] =	ssyncadd.s32 $0xFFFFFC00  }
0x356: {  	_ =	swait.ge [sflag:s11], $0x400  }
0x357: {  	[sflag:s11] =	ssyncset.done $0x0  }
0x358: {  	[sflag:s11] =	ssyncadd.s32 $0xFFFFFC00  }
0x359: {  	_ =	swait.ge [sflag:s11], $0x400  }
0x35a: {  	[sflag:s11] =	ssyncset.done $0x0  }
0x35b: {  	[sflag:s11] =	ssyncadd.s32 $0xFFFFFC00  }
0x35c: {  	_ =	swait.ge [sflag:s11], $0x400  }
0x35d: {  	s1 =	simm.s32 $0x0;
	s0 =	simm.s32 $0x1;
	[sflag:s11] =	ssyncset.done $0x0  }
0x35e: {  	v2 =	vmov s1;
	s1 =	simm.s32 $0x2;
	v3 =	vmov s0;
	s0 =	simm.s32 $0x3;
	[sflag:s11] =	ssyncadd.s32 $0xFFFFFC00  }
0x35f: {  	v4 =	vmov s1;
	s1 =	simm.s32 $0x4;
	v5 =	vmov s0;
	s0 =	simm.s32 $0x5;
	v3 =	vshrl.u32 v3, $0x3;
	_ =	swait.ge [sflag:s11], $0x400  }
0x360: {  	v6 =	vmov s1;
	s1 =	simm.s32 $0x7;
	v7 =	vmov s0;
	s0 =	simm.s32 $0x6;
	v4 =	vshrl.u32 v4, $0x3;
	[sflag:s11] =	ssyncset.done $0x0  }
0x361: {  	v3 =	vshll.u32 v3, v1;
	v8 =	vmov s1;
	v9 =	vmov s0;
	[sflag:s11] =	ssyncadd.s32 $0xFFFFFC00  }
0x362: {  	v11 =	vshrl.u32 v6, $0x3;
	v8 =	vshrl.u32 v8, $0x3;
	v13 =	vshrl.u32 v9, $0x3;
	_ =	swait.ge [sflag:s12], $0x4000  }
0x363: {  	v9 =	vbroadcast v3, $0x0;
	v3 =	vshll.u32 v4, v1;
	v6 =	vshll.u32 v8, v1;
	v4 =	vld [tilespmem:$0x1FEE0]  }
0x364: {  	v12 =	vshrl.u32 v7, $0x3;
	v7 =	vbroadcast v6, $0x0;
	_ =	sdelay $0x1  }
0x365: {  	v5 =	vshrl.u32 v5, $0x3;
	v8 =	vbroadcast v3, $0x0;
	v14 =	vor.u32 v37, v7  }
0x366: {  	v2 =	vshrl.u32 v2, $0x3;
	v3 =	vshll.u32 v5, v1;
	v15 =	vor.u32 v39, v9;
	v18 =	vld [tilespmem:$0x1FE20]  }
0x367: {  	v6 =	vbroadcast v3, $0x0;
	v3 =	vshll.u32 v11, v1;
	v11 =	vor.u32 v4, v8;
	v4 =	vld [tilespmem:$0x1FEF0]  }
0x368: {  	v2 =	vshll.u32 v2, v1;
	[sflag:s12] =	ssyncset.done $0x0;
	v19 =	vld [tilespmem:$0x1FF10]  }
0x369: {  	v2 =	vbroadcast v2, $0x0;
	v20 =	vld [tilespmem:$0x1FF20];
	[sflag:s12] =	ssyncadd.s32 $0xFFFFC000  }
0x36a: {  	v14 =	vld.idx.msk [tilespmem:v14+s24+$0x0], $0xffff  }
0x36b: {  	v10 =	vor.u32 v0, v2;
	v5 =	vbroadcast v3, $0x0;
	v3 =	vshll.u32 v12, v1;
	v15 =	vld.idx.msk [tilespmem:v15+s24+$0x0], $0xffff  }
0x36c: {  	v12 =	vor.u32 v4, v6;
	v4 =	vbroadcast v3, $0x0;
	v3 =	vshll.u32 v13, v1;
	v13 =	vld [tilespmem:$0x1FF00]  }
0x36d: {  	v16 =	vld [tilespmem:$0x1FE00];
	v18 =	vor.u32 v18, v7  }
0x36e: {  	s30 =	simm.s32 $0x16600;
	v22 =	vld [tilespmem:$0x1FFD0]  }
0x36f: {  	v19 =	vor.u32 v19, v9;
	v11 =	vld.idx.msk [tilespmem:v11+s24+$0x0], $0xffff;
	[tilespmem:s30+$0x180] =	vst v14  }
0x370: {  	v10 =	vld.idx.msk [tilespmem:v10+s24+$0x0], $0xffff;
	v20 =	vor.u32 v20, v8;
	[tilespmem:s30+$0xFFFFFE80] =	vst v15  }
0x371: {  	v3 =	vbroadcast v3, $0x0;
	v14 =	vld [tilespmem:$0x1FE10];
	v13 =	vor.u32 v13, v5  }
0x372: {  	v15 =	vld.idx.msk [tilespmem:v18+s24+$0x0], $0xffff;
	v16 =	vor.u32 v16, v4  }
0x373: {  	v17 =	vor.u32 v43, v3;
	v12 =	vld.idx.msk [tilespmem:v12+s24+$0x0], $0xffff  }
0x374: {  	v18 =	vld.idx.msk [tilespmem:v19+s24+$0x0], $0xffff;
	[tilespmem:s30+$0xFFFFFF00] =	vst v11  }
0x375: {  	v19 =	vld.idx.msk [tilespmem:v20+s24+$0x0], $0xffff  }
0x376: {  	v21 =	vor.u32 v56, v6;
	v13 =	vld.idx.msk [tilespmem:v13+s24+$0x0], $0xffff  }
0x377: {  	v16 =	vld.idx.msk [tilespmem:v16+s24+$0x0], $0xffff  }
0x378: {  	v22 =	vor.u32 v22, v5;
	v17 =	vld.idx.msk [tilespmem:v17+s24+$0x0], $0xffff;
	[tilespmem:s30+$0xFFFFFF80] =	vst v12  }
0x379: {  	v12 =	vld [tilespmem:$0x1FDB0]  }
0x37a: {  	v14 =	vor.u32 v14, v4;
	v20 =	vld [tilespmem:$0x1FFA0]  }
0x37b: {  	v21 =	vld.idx.msk [tilespmem:v21+s24+$0x0], $0xffff;
	[tilespmem:s30+$0x0] =	vst v13  }
0x37c: {  	v11 =	vor.u32 v44, v3;
	v13 =	vld [tilespmem:$0x1FF40]  }
0x37d: {  	v22 =	vld.idx.msk [tilespmem:v22+s24+$0x0], $0xffff;
	[tilespmem:s30+$0x80] =	vst v16  }
0x37e: {  	v16 =	vld [tilespmem:$0x1FF70]  }
0x37f: {  	v12 =	vor.u32 v12, v7;
	v14 =	vld.idx.msk [tilespmem:v14+s24+$0x0], $0xffff;
	[tilespmem:s30+$0x100] =	vst v17  }
0x380: {  	v20 =	vor.u32 v20, v2;
	v17 =	vld [tilespmem:$0x1FF90];
	[tilespmem:s30+$0x190] =	vst v15  }
0x381: {  	v11 =	vld.idx.msk [tilespmem:v11+s24+$0x0], $0xffff;
	[tilespmem:s30+$0xFFFFFE00] =	vst v10  }
0x382: {  	v10 =	vld [tilespmem:$0x1FEB0];
	[tilespmem:s30+$0xFFFFFE90] =	vst v18  }
0x383: {  	v18 =	vld [tilespmem:$0x1FCF0]  }
0x384: {  	v12 =	vld.idx.msk [tilespmem:v12+s24+$0x0], $0xffff  }
0x385: {  	[tilespmem:s30+$0xFFFFFF10] =	vst v19;
	v15 =	vld.idx.msk [tilespmem:v20+s24+$0x0], $0xffff  }
0x386: {  	v13 =	vor.u32 v13, v9;
	v19 =	vld [tilespmem:$0x1FDC0];
	[tilespmem:s30+$0xFFFFFF90] =	vst v21  }
0x387: {  	v16 =	vor.u32 v16, v8;
	v20 =	vld [tilespmem:$0x1FD40]  }
0x388: {  	v21 =	vld [tilespmem:$0x1FFB0];
	[tilespmem:s30+$0x10] =	vst v22  }
0x389: {  	v17 =	vor.u32 v17, v6;
	v22 =	vld [tilespmem:$0x1FF50];
	[tilespmem:s30+$0x90] =	vst v14  }
0x38a: {  	v10 =	vor.u32 v10, v5;
	v14 =	vld [tilespmem:$0x1FF80]  }
0x38b: {  	v18 =	vor.u32 v18, v4;
	v13 =	vld.idx.msk [tilespmem:v13+s24+$0x0], $0xffff  }
0x38c: {  	v19 =	vor.u32 v19, v7;
	[tilespmem:s30+$0x1A0] =	vst v12;
	v16 =	vld.idx.msk [tilespmem:v16+s24+$0x0], $0xffff  }
0x38d: {  	v20 =	vor.u32 v20, v3;
	v12 =	vld [tilespmem:$0x1FFF0]  }
0x38e: {  	v21 =	vor.u32 v21, v2;
	v17 =	vld.idx.msk [tilespmem:v17+s24+$0x0], $0xffff  }
0x38f: {  	v10 =	vld.idx.msk [tilespmem:v10+s24+$0x0], $0xffff  }
0x390: {  	v22 =	vor.u32 v22, v9;
	v18 =	vld.idx.msk [tilespmem:v18+s24+$0x0], $0xffff  }
0x391: {  	[tilespmem:s30+$0x110] =	vst v11;
	v11 =	vld.idx.msk [tilespmem:v19+s24+$0x0], $0xffff  }
0x392: {  	[tilespmem:s30+$0xFFFFFE10] =	vst v15;
	v14 =	vor.u32 v14, v8;
	v19 =	vld.idx.msk [tilespmem:v20+s24+$0x0], $0xffff  }
0x393: {  	[tilespmem:s30+$0xFFFFFEA0] =	vst v13;
	v20 =	vld.idx.msk [tilespmem:v21+s24+$0x0], $0xffff  }
0x394: {  	v13 =	vld [tilespmem:$0x1FDD0]  }
0x395: {  	[tilespmem:s30+$0xFFFFFF20] =	vst v16;
	v21 =	vld.idx.msk [tilespmem:v22+s24+$0x0], $0xffff  }
0x396: {  	v16 =	vld [tilespmem:$0x1FD00]  }
0x397: {  	v15 =	vor.u32 v53, v5;
	[tilespmem:s30+$0xFFFFFFA0] =	vst v17;
	v14 =	vld.idx.msk [tilespmem:v14+s24+$0x0], $0xffff  }
0x398: {  	v12 =	vor.u32 v12, v6;
	v17 =	vld [tilespmem:$0x1FD50]  }
0x399: {  	v22 =	vld [tilespmem:$0x1FFC0];
	[tilespmem:s30+$0x20] =	vst v10  }
0x39a: {  	v10 =	vld [tilespmem:$0x1FF60];
	[tilespmem:s30+$0x1B0] =	vst v11  }
0x39b: {  	v11 =	vld [tilespmem:$0x1FFE0];
	[tilespmem:s30+$0xA0] =	vst v18  }
0x39c: {  	v15 =	vld.idx.msk [tilespmem:v15+s24+$0x0], $0xffff;
	v13 =	vor.u32 v13, v7;
	[tilespmem:s30+$0x120] =	vst v19  }
0x39d: {  	v12 =	vld.idx.msk [tilespmem:v12+s24+$0x0], $0xffff;
	[tilespmem:s30+$0xFFFFFE20] =	vst v20;
	v16 =	vor.u32 v16, v4  }
0x39e: {  	v19 =	vld [tilespmem:$0x1FDE0];
	[tilespmem:s30+$0xFFFFFEB0] =	vst v21  }
0x39f: {  	v17 =	vor.u32 v17, v3;
	v21 =	vld [tilespmem:$0x1FCE0];
	[tilespmem:s30+$0xFFFFFF30] =	vst v14  }
0x3a0: {  	v22 =	vor.u32 v22, v2;
	v14 =	vld [tilespmem:$0x1FD10]  }
0x3a1: {  	v13 =	vld.idx.msk [tilespmem:v13+s24+$0x0], $0xffff  }
0x3a2: {  	v10 =	vor.u32 v10, v9;
	[tilespmem:s30+$0xFFFFFFB0] =	vst v12;
	v16 =	vld.idx.msk [tilespmem:v16+s24+$0x0], $0xffff  }
0x3a3: {  	v12 =	vld [tilespmem:$0x1FD60]  }
0x3a4: {  	v17 =	vld.idx.msk [tilespmem:v17+s24+$0x0], $0xffff  }
0x3a5: {  	v11 =	vor.u32 v11, v8;
	v20 =	vld.idx.msk [tilespmem:v22+s24+$0x0], $0xffff  }
0x3a6: {  	v22 =	vld [tilespmem:$0x1FE90]  }
0x3a7: {  	v10 =	vld.idx.msk [tilespmem:v10+s24+$0x0], $0xffff;
	[tilespmem:s30+$0x1C0] =	vst v13  }
0x3a8: {  	v13 =	vld [tilespmem:$0x1FE80];
	[tilespmem:s30+$0x30] =	vst v15  }
0x3a9: {  	v18 =	vor.u32 v59, v6;
	[tilespmem:s30+$0xB0] =	vst v16  }
0x3aa: {  	v19 =	vor.u32 v19, v7;
	v11 =	vld.idx.msk [tilespmem:v11+s24+$0x0], $0xffff;
	[tilespmem:s30+$0x130] =	vst v17  }
0x3ab: {  	v21 =	vor.u32 v21, v5;
	v16 =	vld [tilespmem:$0x1FDF0];
	[tilespmem:s30+$0xFFFFFE30] =	vst v20  }
0x3ac: {  	v14 =	vor.u32 v14, v4;
	v17 =	vld [tilespmem:$0x1FF30];
	[tilespmem:s30+$0xFFFFFEC0] =	vst v10  }
0x3ad: {  	v10 =	vld [tilespmem:$0x1FE30]  }
0x3ae: {  	v18 =	vld.idx.msk [tilespmem:v18+s24+$0x0], $0xffff;
	v22 =	vor.u32 v22, v2  }
0x3af: {  	v15 =	vld.idx.msk [tilespmem:v19+s24+$0x0], $0xffff  }
0x3b0: {  	v21 =	vld.idx.msk [tilespmem:v21+s24+$0x0], $0xffff  }
0x3b1: {  	v12 =	vor.u32 v12, v3;
	v14 =	vld.idx.msk [tilespmem:v14+s24+$0x0], $0xffff;
	[tilespmem:s30+$0xFFFFFF40] =	vst v11  }
0x3b2: {  	v11 =	vld [tilespmem:$0x1FD20];
	v10 =	vor.u32 v10, v5  }
0x3b3: {  	v20 =	vld.idx.msk [tilespmem:v22+s24+$0x0], $0xffff  }
0x3b4: {  	v22 =	vld [tilespmem:$0x1FD70];
	[tilespmem:s30+$0x1D0] =	vst v15  }
0x3b5: {  	v15 =	vld [tilespmem:$0x1FE70];
	[tilespmem:s30+$0xFFFFFFC0] =	vst v18  }
0x3b6: {  	v13 =	vor.u32 v13, v9;
	v12 =	vld.idx.msk [tilespmem:v12+s24+$0x0], $0xffff;
	[tilespmem:s30+$0x40] =	vst v21  }
0x3b7: {  	v16 =	vor.u32 v16, v7;
	[tilespmem:s30+$0xC0] =	vst v14;
	v21 =	vld.idx.msk [tilespmem:v10+s24+$0x0], $0xffff  }
0x3b8: {  	v10 =	vld [tilespmem:$0x1FC60]  }
0x3b9: {  	v11 =	vor.u32 v11, v4;
	_ =	sdelay $0x1  }
0x3ba: {  	v19 =	vor.u32 v52, v8;
	v13 =	vld.idx.msk [tilespmem:v13+s24+$0x0], $0xffff  }
0x3bb: {  	v16 =	vld.idx.msk [tilespmem:v16+s24+$0x0], $0xffff  }
0x3bc: {  	v10 =	vor.u32 v10, v7;
	v7 =	vld [tilespmem:$0x1FE50];
	[tilespmem:s30+$0x140] =	vst v12  }
0x3bd: {  	v17 =	vor.u32 v17, v6;
	v26 =	vld.idx.msk [tilespmem:v11+s24+$0x0], $0xffff;
	[tilespmem:s30+$0xFFFFFE40] =	vst v20  }
0x3be: {  	v11 =	vld [tilespmem:$0x1FE40]  }
0x3bf: {  	v19 =	vld.idx.msk [tilespmem:v19+s24+$0x0], $0xffff;
	[tilespmem:s30+$0xFFFFFED0] =	vst v13  }
0x3c0: {  	v13 =	vld [tilespmem:$0x1FC70];
	_ =	sdelay $0x1  }
0x3c1: {  	v18 =	vor.u32 v23, v9;
	v23 =	vld.idx.msk [tilespmem:v17+s24+$0x0], $0xffff  }
0x3c2: {  	v27 =	vor.u32 v11, v6;
	v11 =	vld [tilespmem:$0x1FCC0];
	[tilespmem:s30+$0x1E0] =	vst v16  }
0x3c3: {  	v22 =	vor.u32 v22, v3;
	[tilespmem:s30+$0xFFFFFF50] =	vst v19  }
0x3c4: {  	v29 =	vor.u32 v13, v4;
	v13 =	vld [tilespmem:$0x1FD80]  }
0x3c5: {  	v17 =	vld.idx.msk [tilespmem:v10+s24+$0x0], $0xffff  }
0x3c6: {  	s1 =	simm.s32 $0x8;
	v10 =	vld [tilespmem:$0x1FCB0];
	[tilespmem:s30+$0xFFFFFFD0] =	vst v23  }
0x3c7: {  	v14 =	vor.u32 v7, v8;
	v7 =	vmov s1;
	s1 =	simm.s32 $0x9;
	[tilespmem:s30+$0x50] =	vst v21  }
0x3c8: {  	v15 =	vor.u32 v15, v2;
	v28 =	vld.idx.msk [tilespmem:v22+s24+$0x0], $0xffff;
	v16 =	vmov s1;
	[tilespmem:s30+$0xD0] =	vst v26  }
0x3c9: {  	v22 =	vshrl.u32 v16, $0x3;
	v16 =	vld [tilespmem:$0x1FEC0];
	_ =	sdelay $0x3  }
0x3ca: {  	v12 =	vld.idx.msk [tilespmem:v15+s24+$0x0], $0xffff;
	[tilespmem:s30+$0x150] =	vst v28;
	v15 =	vor.u32 v11, v5  }
0x3cb: {  	v7 =	vshrl.u32 v7, $0x3;
	s1 =	simm.s32 $0xB;
	v9 =	vor.u32 v16, v9;
	v16 =	vld [tilespmem:$0x1FED0]  }
0x3cc: {  	v7 =	vshll.u32 v7, v1;
	v30 =	vmov s1;
	s1 =	simm.s32 $0xD;
	v11 =	vld.idx.msk [tilespmem:v18+s24+$0x0], $0xffff  }
0x3cd: {  	s0 =	simm.s32 $0xA;
	v7 =	vbroadcast v7, $0x0;
	v24 =	vmov s1;
	s1 =	simm.s32 $0xE;
	v19 =	vor.u32 v13, v3;
	v13 =	vld.idx.msk [tilespmem:v14+s24+$0x0], $0xffff  }
0x3ce: {  	v23 =	vmov s1;
	v18 =	vmov s0;
	s0 =	simm.s32 $0xC;
	v14 =	vld.idx.msk [tilespmem:v27+s24+$0x0], $0xffff  }
0x3cf: {  	v20 =	vor.u32 v10, v2;
	v10 =	vor.u32 v0, v7;
	v25 =	vmov s0;
	v15 =	vld.idx.msk [tilespmem:v15+s24+$0x0], $0xffff  }
0x3d0: {  	s31 =	simm.s32 $0x10;
	s1 =	simm.s32 $0xF;
	v21 =	vshrl.u32 v18, $0x3;
	v18 =	vshrl.u32 v30, $0x3;
	v8 =	vor.u32 v16, v8;
	v16 =	vld.idx.msk [tilespmem:v29+s24+$0x0], $0xffff  }
.LBB2_7:
0x3d1: {  	_ =	sdelay $0x1  }
0x3d2: {  	[tilespmem:s30+$0xFFFFFE50] =	vst v12;
	v12 =	vld.idx.msk [tilespmem:v19+s24+$0x0], $0xffff  }
0x3d3: {  	v25 =	vshrl.u32 v25, $0x3;
	v6 =	vor.u32 v62, v6;
	[tilespmem:s30+$0xFFFFFFE0] =	vst v14;
	v14 =	vld [tilespmem:$0x1FDA0]  }
0x3d4: {  	v26 =	vmov s1;
	v19 =	vshrl.u32 v24, $0x3;
	v5 =	vor.u32 v31, v5;
	[tilespmem:s30+$0x1F0] =	vst v17;
	v20 =	vld.idx.msk [tilespmem:v20+s24+$0x0], $0xffff  }
0x3d5: {  	v23 =	vshrl.u32 v23, $0x3;
	[tilespmem:s30+$0xFFFFFEE0] =	vst v11;
	v4 =	vor.u32 v36, v4;
	v11 =	vshll.u32 v22, v1;
	v17 =	vld.idx.msk [tilespmem:v10+s24+$0x0], $0xffff  }
0x3d6: {  	[tilespmem:s30+$0xFFFFFF60] =	vst v13;
	v3 =	vor.u32 v45, v3;
	v2 =	vor.u32 v38, v2;
	v24 =	vshrl.u32 v26, $0x3;
	v22 =	vld.idx.msk [tilespmem:v9+s24+$0x0], $0xffff  }
0x3d7: {  	v9 =	vbroadcast v11, $0x0;
	v11 =	vshll.u32 v21, v1;
	v13 =	vld.idx.msk [tilespmem:v8+s24+$0x0], $0xffff;
	v10 =	vshll.u32 v24, v1  }
0x3d8: {  	v8 =	vbroadcast v11, $0x0;
	v11 =	vshll.u32 v18, v1;
	v10 =	vbroadcast v10, $0x0;
	[tilespmem:s30+$0x60] =	vst v15;
	v18 =	vld.idx.msk [tilespmem:v6+s24+$0x0], $0xffff  }
0x3d9: {  	v15 =	vor.u32 v39, v9;
	[tilespmem:s30+$0xE0] =	vst v16;
	v6 =	vbroadcast v11, $0x0;
	v11 =	vshll.u32 v25, v1;
	v21 =	vld.idx.msk [tilespmem:v5+s24+$0x0], $0xffff  }
0x3da: {  	v16 =	vor.u32 v47, v8;
	[tilespmem:s30+$0x160] =	vst v12;
	v5 =	vbroadcast v11, $0x0;
	v11 =	vshll.u32 v19, v1;
	v19 =	vld.idx.msk [tilespmem:v4+s24+$0x0], $0xffff  }
0x3db: {  	v14 =	vor.u32 v14, v10;
	[tilespmem:s30+$0xFFFFFE60] =	vst v20;
	v20 =	vld.idx.msk [tilespmem:v3+s24+$0x0], $0xffff;
	v4 =	vbroadcast v11, $0x0;
	v11 =	vshll.u32 v23, v1  }
0x3dc: {  	v3 =	vbroadcast v11, $0x0;
	v11 =	vld.idx.msk [tilespmem:v2+s24+$0x0], $0xffff  }
0x3dd: {  	[tilespmem:s30+$0xFFFFFEF0] =	vst v22;
	v12 =	vor.u32 v55, v6;
	v2 =	vmov v7;
	v7 =	vld [tilespmem:$0x1FE00]  }
0x3de: {  	[tilespmem:s30+$0xFFFFFF70] =	vst v13;
	v23 =	vor.u32 v63, v5;
	v13 =	vld.idx.msk [tilespmem:v15+s24+$0x0], $0xffff  }
0x3df: {  	v16 =	vld.idx.msk [tilespmem:v16+s24+$0x0], $0xffff;
	[tilespmem:s30+$0xFFFFFFF0] =	vst v18  }
0x3e0: {  	v14 =	vld.idx.msk [tilespmem:v14+s24+$0x0], $0xffff;
	v15 =	vor.u32 v43, v3;
	[tilespmem:s30+$0x70] =	vst v21  }
0x3e1: {  	v18 =	vld [tilespmem:$0x1FE20];
	[tilespmem:s30+$0xF0] =	vst v19;
	v19 =	vor.u32 v48, v8  }
0x3e2: {  	[tilespmem:s30+$0x170] =	vst v20;
	v12 =	vld.idx.msk [tilespmem:v12+s24+$0x0], $0xffff  }
0x3e3: {  	v7 =	vor.u32 v7, v4;
	v22 =	vld.idx.msk [tilespmem:v23+s24+$0x0], $0xffff;
	[tilespmem:s30+$0xFFFFFE70] =	vst v11;
	s30 =	sadd.s32 $0x400, s30  }
0x3e4: {  	v20 =	vor.u32 v56, v6;
	[tilespmem:s30+$0xFFFFFE80] =	vst v13;
	v13 =	vld [tilespmem:$0x1FE10]  }
0x3e5: {  	v11 =	vor.u32 v61, v5;
	[tilespmem:s30+$0xFFFFFF00] =	vst v16;
	v15 =	vld.idx.msk [tilespmem:v15+s24+$0x0], $0xffff  }
0x3e6: {  	v18 =	vor.u32 v18, v10;
	v19 =	vld.idx.msk [tilespmem:v19+s24+$0x0], $0xffff  }
0x3e7: {  	v21 =	vor.u32 v40, v9;
	[tilespmem:s30+$0xFFFFFF80] =	vst v12;
	v12 =	vld [tilespmem:$0x1FDB0]  }
0x3e8: {  	v16 =	vor.u32 v44, v3;
	v7 =	vld.idx.msk [tilespmem:v7+s24+$0x0], $0xffff  }
0x3e9: {  	v20 =	vld.idx.msk [tilespmem:v20+s24+$0x0], $0xffff;
	[tilespmem:s30+$0x0] =	vst v22  }
0x3ea: {  	[tilespmem:s30+$0x180] =	vst v14;
	v11 =	vld.idx.msk [tilespmem:v11+s24+$0x0], $0xffff  }
0x3eb: {  	v13 =	vor.u32 v13, v4;
	v14 =	vld.idx.msk [tilespmem:v18+s24+$0x0], $0xffff  }
0x3ec: {  	v18 =	vld.idx.msk [tilespmem:v21+s24+$0x0], $0xffff;
	v21 =	vor.u32 v32, v2;
	[tilespmem:s30+$0x100] =	vst v15  }
0x3ed: {  	v16 =	vld.idx.msk [tilespmem:v16+s24+$0x0], $0xffff;
	[tilespmem:s30+$0xFFFFFF10] =	vst v19  }
0x3ee: {  	v15 =	vor.u32 v57, v6;
	v19 =	vld [tilespmem:$0x1FDC0];
	[tilespmem:s30+$0x80] =	vst v7  }
0x3ef: {  	v22 =	vor.u32 v41, v9;
	[tilespmem:s30+$0xFFFFFF90] =	vst v20;
	v20 =	vld [tilespmem:$0x1FD40]  }
0x3f0: {  	[tilespmem:s30+$0xFFFFFE00] =	vst v17;
	v12 =	vor.u32 v12, v10;
	v13 =	vld.idx.msk [tilespmem:v13+s24+$0x0], $0xffff  }
0x3f1: {  	v7 =	vor.u32 v49, v8;
	[tilespmem:s30+$0x190] =	vst v14;
	v17 =	vld.idx.msk [tilespmem:v21+s24+$0x0], $0xffff  }
0x3f2: {  	v14 =	vor.u32 v46, v5;
	[tilespmem:s30+$0xFFFFFE90] =	vst v18;
	v18 =	vld [tilespmem:$0x1FCF0]  }
0x3f3: {  	v15 =	vld.idx.msk [tilespmem:v15+s24+$0x0], $0xffff  }
0x3f4: {  	v21 =	vld.idx.msk [tilespmem:v22+s24+$0x0], $0xffff  }
0x3f5: {  	[tilespmem:s30+$0x10] =	vst v11;
	v11 =	vor.u32 v42, v9;
	v12 =	vld.idx.msk [tilespmem:v12+s24+$0x0], $0xffff  }
0x3f6: {  	v19 =	vor.u32 v19, v10;
	v7 =	vld.idx.msk [tilespmem:v7+s24+$0x0], $0xffff  }
0x3f7: {  	v20 =	vor.u32 v20, v3;
	[tilespmem:s30+$0x90] =	vst v13;
	v14 =	vld.idx.msk [tilespmem:v14+s24+$0x0], $0xffff  }
0x3f8: {  	v22 =	vor.u32 v33, v2;
	[tilespmem:s30+$0xFFFFFFA0] =	vst v15;
	v15 =	vld [tilespmem:$0x1FD50]  }
0x3f9: {  	[tilespmem:s30+$0xFFFFFEA0] =	vst v21;
	v21 =	vld [tilespmem:$0x1FDD0]  }
0x3fa: {  	v13 =	vor.u32 v50, v8;
	[tilespmem:s30+$0x1A0] =	vst v12;
	v11 =	vld.idx.msk [tilespmem:v11+s24+$0x0], $0xffff  }
0x3fb: {  	[tilespmem:s30+$0x110] =	vst v16;
	v18 =	vor.u32 v18, v4;
	v16 =	vld.idx.msk [tilespmem:v19+s24+$0x0], $0xffff  }
0x3fc: {  	[tilespmem:s30+$0xFFFFFE10] =	vst v17;
	v17 =	vor.u32 v53, v5;
	v19 =	vld.idx.msk [tilespmem:v20+s24+$0x0], $0xffff  }
0x3fd: {  	v12 =	vor.u32 v58, v6;
	v20 =	vld.idx.msk [tilespmem:v22+s24+$0x0], $0xffff  }
0x3fe: {  	[tilespmem:s30+$0xFFFFFF20] =	vst v7;
	v7 =	vld [tilespmem:$0x1FD00]  }
0x3ff: {  	v13 =	vld.idx.msk [tilespmem:v13+s24+$0x0], $0xffff  }
0x400: {  	v22 =	vor.u32 v34, v2;
	v18 =	vld.idx.msk [tilespmem:v18+s24+$0x0], $0xffff;
	[tilespmem:s30+$0x20] =	vst v14  }
0x401: {  	v17 =	vld.idx.msk [tilespmem:v17+s24+$0x0], $0xffff  }
0x402: {  	v12 =	vld.idx.msk [tilespmem:v12+s24+$0x0], $0xffff;
	[tilespmem:s30+$0xFFFFFEB0] =	vst v11  }
0x403: {  	v15 =	vor.u32 v15, v3;
	v11 =	vld [tilespmem:$0x1FCE0];
	[tilespmem:s30+$0x120] =	vst v19  }
0x404: {  	v14 =	vor.u32 v35, v9;
	[tilespmem:s30+$0xFFFFFE20] =	vst v20;
	v19 =	vld [tilespmem:$0x1FDE0]  }
0x405: {  	v21 =	vor.u32 v21, v10;
	v20 =	vld.idx.msk [tilespmem:v22+s24+$0x0], $0xffff  }
0x406: {  	[tilespmem:s30+$0xFFFFFF30] =	vst v13;
	v13 =	vld [tilespmem:$0x1FD10]  }
0x407: {  	v7 =	vor.u32 v7, v4;
	v22 =	vld [tilespmem:$0x1FE90]  }
0x408: {  	[tilespmem:s30+$0x1B0] =	vst v16;
	v16 =	vor.u32 v51, v8;
	v15 =	vld.idx.msk [tilespmem:v15+s24+$0x0], $0xffff  }
0x409: {  	v14 =	vld.idx.msk [tilespmem:v14+s24+$0x0], $0xffff  }
0x40a: {  	[tilespmem:s30+$0xA0] =	vst v18;
	v18 =	vld.idx.msk [tilespmem:v21+s24+$0x0], $0xffff;
	v21 =	vor.u32 v59, v6  }
0x40b: {  	[tilespmem:s30+$0xFFFFFFB0] =	vst v12;
	v12 =	vld [tilespmem:$0x1FD60]  }
0x40c: {  	v11 =	vor.u32 v11, v5;
	v7 =	vld.idx.msk [tilespmem:v7+s24+$0x0], $0xffff  }
0x40d: {  	v19 =	vor.u32 v19, v10;
	v16 =	vld.idx.msk [tilespmem:v16+s24+$0x0], $0xffff  }
0x40e: {  	[tilespmem:s30+$0xFFFFFEC0] =	vst v14;
	v14 =	vld [tilespmem:$0x1FE30]  }
0x40f: {  	[tilespmem:s30+$0x30] =	vst v17;
	v13 =	vor.u32 v13, v4;
	v21 =	vld.idx.msk [tilespmem:v21+s24+$0x0], $0xffff  }
0x410: {  	[tilespmem:s30+$0x1C0] =	vst v18;
	v18 =	vld [tilespmem:$0x1FE80]  }
0x411: {  	v22 =	vor.u32 v22, v2;
	v11 =	vld.idx.msk [tilespmem:v11+s24+$0x0], $0xffff  }
0x412: {  	v17 =	vld.idx.msk [tilespmem:v19+s24+$0x0], $0xffff;
	[tilespmem:s30+$0xB0] =	vst v7  }
0x413: {  	[tilespmem:s30+$0xFFFFFF40] =	vst v16;
	v16 =	vld [tilespmem:$0x1FD20]  }
0x414: {  	[tilespmem:s30+$0xFFFFFE30] =	vst v20;
	v12 =	vor.u32 v12, v3;
	v7 =	vld.idx.msk [tilespmem:v13+s24+$0x0], $0xffff  }
0x415: {  	[tilespmem:s30+$0x130] =	vst v15;
	v15 =	vor.u32 v60, v6;
	v13 =	vld [tilespmem:$0x1FDF0]  }
0x416: {  	v20 =	vld.idx.msk [tilespmem:v22+s24+$0x0], $0xffff  }
0x417: {  	v22 =	vld [tilespmem:$0x1FD70]  }
0x418: {  	v19 =	vor.u32 v52, v8;
	[tilespmem:s30+$0xFFFFFFC0] =	vst v21;
	v21 =	vld [tilespmem:$0x1FE60]  }
0x419: {  	v12 =	vld.idx.msk [tilespmem:v12+s24+$0x0], $0xffff  }
0x41a: {  	v14 =	vor.u32 v14, v5;
	v15 =	vld.idx.msk [tilespmem:v15+s24+$0x0], $0xffff  }
0x41b: {  	v18 =	vor.u32 v18, v9;
	[tilespmem:s30+$0x1D0] =	vst v17;
	v17 =	vld [tilespmem:$0x1FE70]  }
0x41c: {  	[tilespmem:s30+$0x40] =	vst v11;
	v11 =	vld [tilespmem:$0x1FE40]  }
0x41d: {  	v19 =	vld.idx.msk [tilespmem:v19+s24+$0x0], $0xffff;
	v13 =	vor.u32 v13, v10  }
0x41e: {  	[tilespmem:s30+$0xC0] =	vst v7;
	v7 =	vld [tilespmem:$0x1FC60]  }
0x41f: {  	v16 =	vor.u32 v16, v4;
	v23 =	vld.idx.msk [tilespmem:v14+s24+$0x0], $0xffff  }
0x420: {  	v18 =	vld.idx.msk [tilespmem:v18+s24+$0x0], $0xffff;
	v17 =	vor.u32 v17, v2  }
0x421: {  	v26 =	vor.u32 v11, v6;
	v11 =	vld [tilespmem:$0x1FCC0]  }
0x422: {  	v21 =	vor.u32 v21, v9;
	v13 =	vld.idx.msk [tilespmem:v13+s24+$0x0], $0xffff  }
0x423: {  	v10 =	vor.u32 v7, v10;
	v7 =	vld [tilespmem:$0x1FE50]  }
0x424: {  	v22 =	vor.u32 v22, v3;
	[tilespmem:s30+$0xFFFFFE40] =	vst v20;
	v16 =	vld.idx.msk [tilespmem:v16+s24+$0x0], $0xffff  }
0x425: {  	[tilespmem:s30+$0x140] =	vst v12;
	v12 =	vld.idx.msk [tilespmem:v17+s24+$0x0], $0xffff  }
0x426: {  	[tilespmem:s30+$0xFFFFFED0] =	vst v18;
	v17 =	vld [tilespmem:$0x1FC70]  }
0x427: {  	s0 =	sadd.s32 $0x1, s31;
	v18 =	vor.u32 v11, v5;
	v11 =	vld.idx.msk [tilespmem:v21+s24+$0x0], $0xffff  }
0x428: {  	v21 =	vmov s0;
	s0 =	sadd.s32 $0x2, s31;
	v14 =	vor.u32 v7, v8;
	[tilespmem:s30+$0x1E0] =	vst v13;
	v13 =	vld [tilespmem:$0x1FD80]  }
0x429: {  	v27 =	vld.idx.msk [tilespmem:v22+s24+$0x0], $0xffff;
	v29 =	vmov s0  }
0x42a: {  	v22 =	vshrl.u32 v21, $0x3;
	v21 =	vshrl.u32 v29, $0x3;
	v29 =	vld [tilespmem:$0x1FED0]  }
0x42b: {  	v28 =	vor.u32 v17, v4;
	v17 =	vld.idx.msk [tilespmem:v10+s24+$0x0], $0xffff  }
0x42c: {  	[tilespmem:s30+$0xFFFFFF50] =	vst v19;
	v10 =	vld [tilespmem:$0x1FCB0]  }
0x42d: {  	[tilespmem:s30+$0xFFFFFFD0] =	vst v15;
	v19 =	vor.u32 v13, v3;
	v13 =	vld.idx.msk [tilespmem:v14+s24+$0x0], $0xffff  }
0x42e: {  	v14 =	vld.idx.msk [tilespmem:v26+s24+$0x0], $0xffff  }
0x42f: {  	p1 =	slt.u32 s31, $0x38;
	s1 =	sadd.s32 $0x3, s31;
	v7 =	vmov s31;
	v26 =	vld [tilespmem:$0x1FEC0]  }
.Ltmp4:
0x430: {  	v30 =	vmov s1;
	s1 =	sadd.s32 $0x5, s31;
	v7 =	vshrl.u32 v7, $0x3;
	(pc) =	sbr.rel @p1 .LBB2_7-.Ltmp4, $4  }
0x431: {  	v24 =	vmov s1;
	s1 =	sadd.s32 $0x6, s31;
	[tilespmem:s30+$0x50] =	vst v23;
	v7 =	vshll.u32 v7, v1  }
0x432: {  	v23 =	vmov s1;
	s0 =	sadd.s32 $0x4, s31;
	[tilespmem:s30+$0xD0] =	vst v16;
	v7 =	vbroadcast v7, $0x0  }
0x433: {  	v25 =	vmov s0;
	[tilespmem:s30+$0x150] =	vst v27;
	v15 =	vld.idx.msk [tilespmem:v18+s24+$0x0], $0xffff;
	v18 =	vshrl.u32 v30, $0x3;
	v8 =	vor.u32 v29, v8  }
0x434: {  	s1 =	sadd.s32 $0x7, s31;
	s31 =	sadd.s32 $0x8, s31;
	v20 =	vor.u32 v10, v2;
	v10 =	vor.u32 v0, v7;
	v16 =	vld.idx.msk [tilespmem:v28+s24+$0x0], $0xffff;
	v9 =	vor.u32 v26, v9  }
0x435: {  	_ = 	snop  }
0x436: {  	[tilespmem:s30+$0xFFFFFE50] =	vst v12  }
0x437: {  	[tilespmem:s30+$0x1F0] =	vst v17  }
0x438: {  	v12 =	vshrl.u32 v25, $0x3;
	[tilespmem:s30+$0xFFFFFEE0] =	vst v11  }
0x439: {  	v25 =	vmov s1;
	v6 =	vor.u32 v62, v6;
	v17 =	vld.idx.msk [tilespmem:v19+s24+$0x0], $0xffff;
	v19 =	vshrl.u32 v24, $0x3;
	[tilespmem:s30+$0xFFFFFF60] =	vst v13  }
0x43a: {  	v5 =	vor.u32 v31, v5;
	v13 =	vor.u32 v45, v3;
	[tilespmem:s30+$0xFFFFFFE0] =	vst v14;
	v24 =	vshrl.u32 v25, $0x3;
	v20 =	vld.idx.msk [tilespmem:v20+s24+$0x0], $0xffff  }
0x43b: {  	v9 =	vld.idx.msk [tilespmem:v9+s24+$0x0], $0xffff;
	v11 =	vshll.u32 v24, v1;
	v24 =	vor.u32 v36, v4;
	v4 =	vshll.u32 v22, v1  }
0x43c: {  	v3 =	vbroadcast v4, $0x0;
	v4 =	vshll.u32 v21, v1;
	v21 =	vld.idx.msk [tilespmem:v8+s24+$0x0], $0xffff;
	[tilespmem:s30+$0x60] =	vst v15  }
0x43d: {  	v37 =	vld [tilespmem:$0x1FDA0];
	[tilespmem:s30+$0xE0] =	vst v16  }
0x43e: {  	v14 =	vor.u32 v38, v2;
	v2 =	vbroadcast v4, $0x0;
	v4 =	vshll.u32 v18, v1;
	v18 =	vld.idx.msk [tilespmem:v6+s24+$0x0], $0xffff;
	[tilespmem:s30+$0x160] =	vst v17  }
0x43f: {  	v16 =	vor.u32 v39, v3;
	v6 =	vshll.u32 v12, v1;
	v12 =	vld.idx.msk [tilespmem:v5+s24+$0x0], $0xffff;
	[tilespmem:s30+$0xFFFFFE60] =	vst v20  }
0x440: {  	v11 =	vbroadcast v11, $0x0;
	v17 =	vor.u32 v47, v2;
	v13 =	vld.idx.msk [tilespmem:v13+s24+$0x0], $0xffff;
	[tilespmem:s30+$0xFFFFFEF0] =	vst v9  }
0x441: {  	v4 =	vbroadcast v4, $0x0;
	v5 =	vbroadcast v6, $0x0;
	v6 =	vshll.u32 v19, v1;
	v19 =	vld.idx.msk [tilespmem:v24+s24+$0x0], $0xffff;
	[tilespmem:s30+$0xFFFFFF70] =	vst v21  }
0x442: {  	v23 =	vshrl.u32 v23, $0x3;
	v15 =	vor.u32 v37, v11;
	v21 =	vld [tilespmem:$0x1FE00]  }
0x443: {  	v8 =	vshll.u32 v23, v1;
	v20 =	vor.u32 v55, v4;
	v14 =	vld.idx.msk [tilespmem:v14+s24+$0x0], $0xffff  }
0x444: {  	v8 =	vbroadcast v8, $0x0;
	[tilespmem:s30+$0xFFFFFFF0] =	vst v18;
	v16 =	vld.idx.msk [tilespmem:v16+s24+$0x0], $0xffff  }
0x445: {  	v6 =	vbroadcast v6, $0x0;
	v9 =	vor.u32 v63, v5;
	[tilespmem:s30+$0x70] =	vst v12;
	v12 =	vld.idx.msk [tilespmem:v17+s24+$0x0], $0xffff  }
0x446: {  	v18 =	vor.u32 v43, v8;
	v17 =	vld [tilespmem:$0x1FE20]  }
0x447: {  	[tilespmem:s30+$0x170] =	vst v13;
	v21 =	vor.u32 v21, v6;
	v15 =	vld.idx.msk [tilespmem:v15+s24+$0x0], $0xffff  }
0x448: {  	[tilespmem:s30+$0xF0] =	vst v19;
	v19 =	vld.idx.msk [tilespmem:v20+s24+$0x0], $0xffff  }
0x449: {  	v10 =	vld.idx.msk [tilespmem:v10+s24+$0x0], $0xffff;
	[tilespmem:s30+$0xFFFFFE70] =	vst v14;
	s30 =	sadd.s32 $0x400, s30  }
0x44a: {  	v13 =	vor.u32 v40, v3;
	v9 =	vld.idx.msk [tilespmem:v9+s24+$0x0], $0xffff;
	[tilespmem:s30+$0xFFFFFE80] =	vst v16  }
0x44b: {  	v14 =	vor.u32 v48, v2;
	v18 =	vld.idx.msk [tilespmem:v18+s24+$0x0], $0xffff;
	[tilespmem:s30+$0xFFFFFF00] =	vst v12  }
0x44c: {  	v17 =	vor.u32 v17, v11;
	v20 =	vld.idx.msk [tilespmem:v21+s24+$0x0], $0xffff;
	[tilespmem:s30+$0x180] =	vst v15  }
0x44d: {  	v16 =	vor.u32 v61, v5;
	v12 =	vld [tilespmem:$0x1FE10];
	[tilespmem:s30+$0xFFFFFF80] =	vst v19  }
0x44e: {  	v15 =	vor.u32 v56, v4;
	v19 =	vld [tilespmem:$0x1FDB0]  }
0x44f: {  	v13 =	vld.idx.msk [tilespmem:v13+s24+$0x0], $0xffff;
	[tilespmem:s30+$0x0] =	vst v9;
	v9 =	vor.u32 v44, v8  }
0x450: {  	v14 =	vld.idx.msk [tilespmem:v14+s24+$0x0], $0xffff;
	[tilespmem:s30+$0x100] =	vst v18;
	v18 =	vor.u32 v41, v3  }
0x451: {  	v17 =	vld.idx.msk [tilespmem:v17+s24+$0x0], $0xffff;
	[tilespmem:s30+$0x80] =	vst v20;
	v20 =	vor.u32 v32, v7  }
0x452: {  	v16 =	vld.idx.msk [tilespmem:v16+s24+$0x0], $0xffff  }
0x453: {  	[tilespmem:s30+$0xFFFFFE00] =	vst v10;
	v15 =	vld.idx.msk [tilespmem:v15+s24+$0x0], $0xffff;
	v19 =	vor.u32 v19, v11  }
0x454: {  	[tilespmem:s30+$0xFFFFFE90] =	vst v13;
	v12 =	vor.u32 v12, v6;
	v9 =	vld.idx.msk [tilespmem:v9+s24+$0x0], $0xffff  }
0x455: {  	[tilespmem:s30+$0xFFFFFF10] =	vst v14;
	v18 =	vld.idx.msk [tilespmem:v18+s24+$0x0], $0xffff  }
0x456: {  	[tilespmem:s30+$0x190] =	vst v17;
	v17 =	vor.u32 v49, v2;
	v14 =	vld.idx.msk [tilespmem:v20+s24+$0x0], $0xffff  }
0x457: {  	v20 =	vld [tilespmem:$0x1FDC0]  }
0x458: {  	v10 =	vor.u32 v57, v4;
	v19 =	vld.idx.msk [tilespmem:v19+s24+$0x0], $0xffff  }
0x459: {  	[tilespmem:s30+$0xFFFFFF90] =	vst v15;
	v12 =	vld.idx.msk [tilespmem:v12+s24+$0x0], $0xffff  }
0x45a: {  	v15 =	vld [tilespmem:$0x1FCF0]  }
0x45b: {  	v13 =	vor.u32 v46, v5;
	[tilespmem:s30+$0x10] =	vst v16;
	v16 =	vld.idx.msk [tilespmem:v17+s24+$0x0], $0xffff  }
0x45c: {  	v17 =	vld [tilespmem:$0x1FD40];
	[tilespmem:s30+$0x110] =	vst v9  }
0x45d: {  	v10 =	vld.idx.msk [tilespmem:v10+s24+$0x0], $0xffff;
	[tilespmem:s30+$0x1A0] =	vst v19;
	v19 =	vor.u32 v42, v3  }
0x45e: {  	[tilespmem:s30+$0xFFFFFEA0] =	vst v18  }
0x45f: {  	v20 =	vor.u32 v20, v11;
	[tilespmem:s30+$0xFFFFFE10] =	vst v14  }
0x460: {  	v13 =	vld.idx.msk [tilespmem:v13+s24+$0x0], $0xffff;
	v15 =	vor.u32 v15, v6;
	[tilespmem:s30+$0x90] =	vst v12  }
0x461: {  	v12 =	vor.u32 v33, v7;
	v18 =	vld [tilespmem:$0x1FDD0];
	[tilespmem:s30+$0xFFFFFF20] =	vst v16  }
0x462: {  	v17 =	vor.u32 v17, v8;
	[tilespmem:s30+$0xFFFFFFA0] =	vst v10;
	v10 =	vld.idx.msk [tilespmem:v19+s24+$0x0], $0xffff  }
0x463: {  	v19 =	vld [tilespmem:$0x1FD00]  }
0x464: {  	v9 =	vor.u32 v50, v2;
	v20 =	vld.idx.msk [tilespmem:v20+s24+$0x0], $0xffff  }
0x465: {  	v16 =	vor.u32 v53, v5;
	v14 =	vld.idx.msk [tilespmem:v15+s24+$0x0], $0xffff  }
0x466: {  	v15 =	vor.u32 v58, v4;
	v12 =	vld.idx.msk [tilespmem:v12+s24+$0x0], $0xffff  }
0x467: {  	v17 =	vld.idx.msk [tilespmem:v17+s24+$0x0], $0xffff;
	[tilespmem:s30+$0x20] =	vst v13;
	v18 =	vor.u32 v18, v11  }
0x468: {  	v13 =	vld [tilespmem:$0x1FD50];
	v19 =	vor.u32 v19, v6  }
0x469: {  	v9 =	vld.idx.msk [tilespmem:v9+s24+$0x0], $0xffff  }
0x46a: {  	v16 =	vld.idx.msk [tilespmem:v16+s24+$0x0], $0xffff;
	[tilespmem:s30+$0x1B0] =	vst v20;
	v20 =	vor.u32 v34, v7  }
0x46b: {  	v15 =	vld.idx.msk [tilespmem:v15+s24+$0x0], $0xffff;
	[tilespmem:s30+$0xA0] =	vst v14  }
0x46c: {  	[tilespmem:s30+$0xFFFFFE20] =	vst v12;
	v18 =	vld.idx.msk [tilespmem:v18+s24+$0x0], $0xffff  }
0x46d: {  	[tilespmem:s30+$0x120] =	vst v17;
	v13 =	vor.u32 v13, v8;
	v12 =	vld.idx.msk [tilespmem:v19+s24+$0x0], $0xffff  }
0x46e: {  	v19 =	vld [tilespmem:$0x1FDE0];
	[tilespmem:s30+$0xFFFFFEB0] =	vst v10  }
0x46f: {  	v14 =	vor.u32 v35, v3;
	[tilespmem:s30+$0xFFFFFF30] =	vst v9;
	v9 =	vld.idx.msk [tilespmem:v20+s24+$0x0], $0xffff  }
0x470: {  	v20 =	vld [tilespmem:$0x1FCE0];
	_ =	sdelay $0x1  }
0x471: {  	v13 =	vld.idx.msk [tilespmem:v13+s24+$0x0], $0xffff;
	[tilespmem:s30+$0xFFFFFFB0] =	vst v15  }
0x472: {  	v17 =	vor.u32 v51, v2;
	v15 =	vld [tilespmem:$0x1FD10]  }
0x473: {  	v10 =	vor.u32 v59, v4;
	v14 =	vld.idx.msk [tilespmem:v14+s24+$0x0], $0xffff;
	[tilespmem:s30+$0x1C0] =	vst v18  }
0x474: {  	v18 =	vld [tilespmem:$0x1FD60];
	[tilespmem:s30+$0x30] =	vst v16;
	v20 =	vor.u32 v20, v5  }
0x475: {  	v16 =	vld [tilespmem:$0x1FE90];
	[tilespmem:s30+$0xB0] =	vst v12  }
0x476: {  	v19 =	vor.u32 v19, v11;
	v12 =	vld [tilespmem:$0x1FE80]  }
0x477: {  	v17 =	vld.idx.msk [tilespmem:v17+s24+$0x0], $0xffff;
	v15 =	vor.u32 v15, v6  }
0x478: {  	v10 =	vld.idx.msk [tilespmem:v10+s24+$0x0], $0xffff  }
0x479: {  	[tilespmem:s30+$0x130] =	vst v13;
	v18 =	vor.u32 v18, v8;
	v13 =	vld.idx.msk [tilespmem:v20+s24+$0x0], $0xffff  }
0x47a: {  	v16 =	vor.u32 v16, v7;
	v20 =	vld [tilespmem:$0x1FDF0];
	[tilespmem:s30+$0xFFFFFE30] =	vst v9  }
0x47b: {  	v19 =	vld.idx.msk [tilespmem:v19+s24+$0x0], $0xffff;
	v12 =	vor.u32 v12, v3;
	[tilespmem:s30+$0xFFFFFEC0] =	vst v14  }
0x47c: {  	[tilespmem:s30+$0xFFFFFF40] =	vst v17;
	v15 =	vld.idx.msk [tilespmem:v15+s24+$0x0], $0xffff  }
0x47d: {  	v9 =	vor.u32 v52, v2;
	v17 =	vld [tilespmem:$0x1FE30]  }
0x47e: {  	v18 =	vld.idx.msk [tilespmem:v18+s24+$0x0], $0xffff  }
0x47f: {  	v14 =	vor.u32 v60, v4;
	v16 =	vld.idx.msk [tilespmem:v16+s24+$0x0], $0xffff  }
0x480: {  	[tilespmem:s30+$0x1D0] =	vst v19;
	v12 =	vld.idx.msk [tilespmem:v12+s24+$0x0], $0xffff  }
0x481: {  	v19 =	vld [tilespmem:$0x1FD20]  }
0x482: {  	[tilespmem:s30+$0xFFFFFFC0] =	vst v10;
	v9 =	vld.idx.msk [tilespmem:v9+s24+$0x0], $0xffff  }
0x483: {  	v20 =	vor.u32 v20, v11;
	v10 =	vld [tilespmem:$0x1FD70]  }
0x484: {  	[tilespmem:s30+$0x40] =	vst v13;
	v14 =	vld.idx.msk [tilespmem:v14+s24+$0x0], $0xffff  }
0x485: {  	v17 =	vor.u32 v17, v5;
	v13 =	vld [tilespmem:$0x1FE70];
	[tilespmem:s30+$0xC0] =	vst v15  }
0x486: {  	v15 =	vld [tilespmem:$0x1FC60];
	[tilespmem:s30+$0x140] =	vst v18  }
0x487: {  	v23 =	vld [tilespmem:$0x1FE60];
	v19 =	vor.u32 v19, v6  }
0x488: {  	[tilespmem:s30+$0xFFFFFE40] =	vst v16;
	v20 =	vld.idx.msk [tilespmem:v20+s24+$0x0], $0xffff;
	v10 =	vor.u32 v10, v8  }
0x489: {  	v16 =	vld [tilespmem:$0x1FE50]  }
0x48a: {  	[tilespmem:s30+$0xFFFFFED0] =	vst v12;
	v17 =	vld.idx.msk [tilespmem:v17+s24+$0x0], $0xffff  }
0x48b: {  	v12 =	vld [tilespmem:$0x1FE40];
	v13 =	vor.u32 v13, v7  }
0x48c: {  	v11 =	vor.u32 v15, v11;
	v15 =	vor.u32 v23, v3;
	v18 =	vld.idx.msk [tilespmem:v19+s24+$0x0], $0xffff  }
0x48d: {  	[tilespmem:s30+$0x1E0] =	vst v20;
	v10 =	vld.idx.msk [tilespmem:v10+s24+$0x0], $0xffff  }
0x48e: {  	v19 =	vld [tilespmem:$0x1FCC0];
	[tilespmem:s30+$0xFFFFFF50] =	vst v9  }
0x48f: {  	v16 =	vor.u32 v16, v2;
	v9 =	vld [tilespmem:$0x1FC70]  }
0x490: {  	v12 =	vor.u32 v12, v4;
	v13 =	vld.idx.msk [tilespmem:v13+s24+$0x0], $0xffff  }
0x491: {  	[tilespmem:s30+$0xFFFFFFD0] =	vst v14;
	v14 =	vld.idx.msk [tilespmem:v15+s24+$0x0], $0xffff  }
0x492: {  	v3 =	vor.u32 v26, v3;
	v15 =	vld [tilespmem:$0x1FD80];
	[tilespmem:s30+$0x50] =	vst v17  }
0x493: {  	v17 =	vld [tilespmem:$0x1FCB0];
	v19 =	vor.u32 v19, v5  }
0x494: {  	v16 =	vld.idx.msk [tilespmem:v16+s24+$0x0], $0xffff;
	v9 =	vor.u32 v9, v6  }
0x495: {  	v2 =	vor.u32 v29, v2;
	[tilespmem:s30+$0xD0] =	vst v18;
	v12 =	vld.idx.msk [tilespmem:v12+s24+$0x0], $0xffff  }
0x496: {  	v4 =	vor.u32 v62, v4;
	v11 =	vld.idx.msk [tilespmem:v11+s24+$0x0], $0xffff;
	[tilespmem:s30+$0xFFFFFEE0] =	vst v14  }
0x497: {  	[tilespmem:s30+$0x150] =	vst v10;
	v15 =	vor.u32 v15, v8;
	v3 =	vld.idx.msk [tilespmem:v3+s24+$0x0], $0xffff  }
0x498: {  	[tilespmem:s30+$0xFFFFFE50] =	vst v13;
	v17 =	vor.u32 v17, v7;
	v10 =	vld.idx.msk [tilespmem:v19+s24+$0x0], $0xffff  }
0x499: {  	v5 =	vor.u32 v31, v5;
	[tilespmem:s30+$0xFFFFFF60] =	vst v16;
	v9 =	vld.idx.msk [tilespmem:v9+s24+$0x0], $0xffff  }
0x49a: {  	v6 =	vor.u32 v36, v6;
	[tilespmem:s30+$0xFFFFFFE0] =	vst v12;
	v2 =	vld.idx.msk [tilespmem:v2+s24+$0x0], $0xffff  }
0x49b: {  	[tilespmem:s30+$0x1F0] =	vst v11;
	v4 =	vld.idx.msk [tilespmem:v4+s24+$0x0], $0xffff  }
0x49c: {  	v11 =	vld.idx.msk [tilespmem:v15+s24+$0x0], $0xffff;
	[tilespmem:s30+$0xFFFFFEF0] =	vst v3  }
0x49d: {  	v8 =	vor.u32 v45, v8;
	v13 =	vld.idx.msk [tilespmem:v17+s24+$0x0], $0xffff;
	[tilespmem:s30+$0x60] =	vst v10  }
0x49e: {  	v7 =	vor.u32 v38, v7;
	[tilespmem:s30+$0xE0] =	vst v9;
	v5 =	vld.idx.msk [tilespmem:v5+s24+$0x0], $0xffff  }
0x49f: {  	[tilespmem:s30+$0xFFFFFF70] =	vst v2;
	v6 =	vld.idx.msk [tilespmem:v6+s24+$0x0], $0xffff  }
0x4a0: {  	[tilespmem:s30+$0xFFFFFFF0] =	vst v4  }
0x4a1: {  	[tilespmem:s30+$0x160] =	vst v11  }
0x4a2: {  	[tilespmem:s30+$0xFFFFFE60] =	vst v13;
	v8 =	vld.idx.msk [tilespmem:v8+s24+$0x0], $0xffff  }
0x4a3: {  	v3 =	vld.idx.msk [tilespmem:v7+s24+$0x0], $0xffff;
	[tilespmem:s30+$0x70] =	vst v5  }
0x4a4: {  	[tilespmem:s30+$0xF0] =	vst v6  }
0x4a5: {  	s0 =	rddreg [dreg:$0xd]  }
0x4a6: {  	s0 =	sor.u32 s0, s16  }
0x4a7: {  	[tilespmem:s30+$0x170] =	vst v8;
	s0 =	sshrl.u32 s0, $0x3  }
0x4a8: {  	[tilespmem:s30+$0xFFFFFE70] =	vst v3;
	s30 =	simm.s32 $0x16400;
	s1 =	sadd.s32 s2, s0  }
0x4a9: {  	[hbm4b:s1+s3] =	stream.linear.scatter [tilespmem:s30], [sflag:$0x5], $0x400, $0x38;
	[tilespmem:$0x1A400] =	vst v63  }
0x4aa: {  	s1 =	sor.u32 $0x4000, s0  }
0x4ab: {  	s30 =	simm.s32 $0x16800;
	s1 =	sadd.s32 s2, s1  }
0x4ac: {  	[hbm4b:s1+s3] =	stream.linear.scatter [tilespmem:s30], [sflag:$0x5], $0x400, $0x38;
	[tilespmem:$0x1A400] =	vst v63  }
0x4ad: {  	s1 =	sor.u32 $0x8000, s0  }
0x4ae: {  	s30 =	simm.s32 $0x16C00;
	s1 =	sadd.s32 s2, s1  }
0x4af: {  	[hbm4b:s1+s3] =	stream.linear.scatter [tilespmem:s30], [sflag:$0x5], $0x400, $0x38;
	[tilespmem:$0x1A400] =	vst v63  }
0x4b0: {  	s1 =	sor.u32 $0xC000, s0  }
0x4b1: {  	s30 =	simm.s32 $0x17000;
	s1 =	sadd.s32 s2, s1  }
0x4b2: {  	[hbm4b:s1+s3] =	stream.linear.scatter [tilespmem:s30], [sflag:$0x5], $0x400, $0x38;
	[tilespmem:$0x1A400] =	vst v63  }
0x4b3: {  	s1 =	sor.u32 $0x10000, s0  }
0x4b4: {  	s30 =	simm.s32 $0x17400;
	s1 =	sadd.s32 s2, s1  }
0x4b5: {  	[hbm4b:s1+s3] =	stream.linear.scatter [tilespmem:s30], [sflag:$0x5], $0x400, $0x38;
	[tilespmem:$0x1A400] =	vst v63  }
0x4b6: {  	s1 =	sor.u32 $0x14000, s0  }
0x4b7: {  	s1 =	sadd.s32 s2, s1  }
0x4b8: {  	[hbm4b:s1+s3] =	stream.linear.scatter [tilespmem:s21], [sflag:$0x5], $0x400, $0x38;
	[tilespmem:$0x1A400] =	vst v63  }
0x4b9: {  	s1 =	sor.u32 $0x18000, s0  }
0x4ba: {  	s0 =	sor.u32 $0x1C000, s0;
	s1 =	sadd.s32 s2, s1  }
0x4bb: {  	[hbm4b:s1+s3] =	stream.linear.scatter [tilespmem:s23], [sflag:$0x5], $0x400, $0x38;
	[tilespmem:$0x1A400] =	vst v63  }
0x4bc: {  	s0 =	sadd.s32 s2, s0  }
0x4bd: {  	[hbm4b:s0+s3] =	stream.linear.scatter [tilespmem:s25], [sflag:$0x5], $0x400, $0x38;
	[tilespmem:$0x1A400] =	vst v63  }
0x4be: {  	s1 =	simm.s32 @!p0 $0x80;
	s0 =	sadd.s32 @!p0 $0x3280, s29;
	s29 =	simm.s32 @!p0 $0xE400  }
0x4bf: {  	[tilespmem:s29], [sflag:$0x3] =	stream.indirect.gather @!p0 [hbm4b:s4+s1], $0x80, s0, s1, $0xb8;
	[tilespmem:$0x1A400] =	vst v63  }
0x4c0: {  	_ =	swait.ge [sflag:s13], $0x400  }
0x4c1: {  	[sflag:s13] =	ssyncset.done $0x0  }
0x4c2: {  	[sflag:s13] =	ssyncadd.s32 $0xFFFFFC00  }
0x4c3: {  	_ =	swait.ge [sflag:s13], $0x400  }
0x4c4: {  	[sflag:s13] =	ssyncset.done $0x0  }
0x4c5: {  	[sflag:s13] =	ssyncadd.s32 $0xFFFFFC00  }
0x4c6: {  	_ =	swait.ge [sflag:s13], $0x400  }
0x4c7: {  	[sflag:s13] =	ssyncset.done $0x0  }
0x4c8: {  	[sflag:s13] =	ssyncadd.s32 $0xFFFFFC00  }
0x4c9: {  	_ =	swait.ge [sflag:s13], $0x400  }
0x4ca: {  	[sflag:s13] =	ssyncset.done $0x0  }
0x4cb: {  	[sflag:s13] =	ssyncadd.s32 $0xFFFFFC00  }
0x4cc: {  	_ =	swait.ge [sflag:s13], $0x400  }
0x4cd: {  	[sflag:s13] =	ssyncset.done $0x0  }
0x4ce: {  	[sflag:s13] =	ssyncadd.s32 $0xFFFFFC00  }
0x4cf: {  	_ =	swait.ge [sflag:s13], $0x400  }
0x4d0: {  	[sflag:s13] =	ssyncset.done $0x0  }
0x4d1: {  	[sflag:s13] =	ssyncadd.s32 $0xFFFFFC00  }
0x4d2: {  	_ =	swait.ge [sflag:s13], $0x400  }
0x4d3: {  	s1 =	simm.s32 $0x0;
	s0 =	simm.s32 $0x1;
	[sflag:s13] =	ssyncset.done $0x0  }
0x4d4: {  	v2 =	vmov s1;
	s1 =	simm.s32 $0x2;
	v3 =	vmov s0;
	s0 =	simm.s32 $0x3;
	[sflag:s13] =	ssyncadd.s32 $0xFFFFFC00  }
0x4d5: {  	v4 =	vmov s1;
	s1 =	simm.s32 $0x4;
	v5 =	vmov s0;
	s0 =	simm.s32 $0x5;
	v3 =	vshrl.u32 v3, $0x3;
	_ =	swait.ge [sflag:s13], $0x400  }
0x4d6: {  	v6 =	vmov s1;
	s1 =	simm.s32 $0x7;
	v7 =	vmov s0;
	s0 =	simm.s32 $0x6;
	v4 =	vshrl.u32 v4, $0x3;
	[sflag:s13] =	ssyncset.done $0x0  }
0x4d7: {  	v3 =	vshll.u32 v3, v1;
	v8 =	vmov s1;
	v9 =	vmov s0;
	[sflag:s13] =	ssyncadd.s32 $0xFFFFFC00  }
0x4d8: {  	v11 =	vshrl.u32 v6, $0x3;
	v8 =	vshrl.u32 v8, $0x3;
	v13 =	vshrl.u32 v9, $0x3;
	_ =	swait.ge [sflag:s14], $0x4000  }
0x4d9: {  	v9 =	vbroadcast v3, $0x0;
	v3 =	vshll.u32 v4, v1;
	v6 =	vshll.u32 v8, v1;
	v4 =	vld [tilespmem:$0x1FEE0]  }
0x4da: {  	v12 =	vshrl.u32 v7, $0x3;
	v7 =	vbroadcast v6, $0x0;
	_ =	sdelay $0x1  }
0x4db: {  	v5 =	vshrl.u32 v5, $0x3;
	v8 =	vbroadcast v3, $0x0;
	v14 =	vor.u32 v37, v7  }
0x4dc: {  	v2 =	vshrl.u32 v2, $0x3;
	v3 =	vshll.u32 v5, v1;
	v15 =	vor.u32 v39, v9;
	v18 =	vld [tilespmem:$0x1FE20]  }
0x4dd: {  	v6 =	vbroadcast v3, $0x0;
	v3 =	vshll.u32 v11, v1;
	v11 =	vor.u32 v4, v8;
	v4 =	vld [tilespmem:$0x1FEF0]  }
0x4de: {  	v2 =	vshll.u32 v2, v1;
	[sflag:s14] =	ssyncset.done $0x0;
	v19 =	vld [tilespmem:$0x1FF10]  }
0x4df: {  	v2 =	vbroadcast v2, $0x0;
	v20 =	vld [tilespmem:$0x1FF20];
	[sflag:s14] =	ssyncadd.s32 $0xFFFFC000  }
0x4e0: {  	v14 =	vld.idx.msk [tilespmem:v14+s26+$0x0], $0xffff  }
0x4e1: {  	v10 =	vor.u32 v0, v2;
	v5 =	vbroadcast v3, $0x0;
	v3 =	vshll.u32 v12, v1;
	v15 =	vld.idx.msk [tilespmem:v15+s26+$0x0], $0xffff  }
0x4e2: {  	v12 =	vor.u32 v4, v6;
	v4 =	vbroadcast v3, $0x0;
	v3 =	vshll.u32 v13, v1;
	v13 =	vld [tilespmem:$0x1FF00]  }
0x4e3: {  	v16 =	vld [tilespmem:$0x1FE00];
	v18 =	vor.u32 v18, v7  }
0x4e4: {  	s29 =	simm.s32 $0x187F0;
	v22 =	vld [tilespmem:$0x1FFD0]  }
0x4e5: {  	v19 =	vor.u32 v19, v9;
	v11 =	vld.idx.msk [tilespmem:v11+s26+$0x0], $0xffff;
	[tilespmem:s29+$0xFFFFFF90] =	vst v14  }
0x4e6: {  	v10 =	vld.idx.msk [tilespmem:v10+s26+$0x0], $0xffff;
	v20 =	vor.u32 v20, v8;
	[tilespmem:s29+$0xFFFFFC90] =	vst v15  }
0x4e7: {  	v3 =	vbroadcast v3, $0x0;
	v14 =	vld [tilespmem:$0x1FE10];
	v13 =	vor.u32 v13, v5  }
0x4e8: {  	v15 =	vld.idx.msk [tilespmem:v18+s26+$0x0], $0xffff;
	v16 =	vor.u32 v16, v4  }
0x4e9: {  	v17 =	vor.u32 v43, v3;
	v12 =	vld.idx.msk [tilespmem:v12+s26+$0x0], $0xffff  }
0x4ea: {  	v18 =	vld.idx.msk [tilespmem:v19+s26+$0x0], $0xffff;
	[tilespmem:s29+$0xFFFFFD10] =	vst v11  }
0x4eb: {  	v19 =	vld.idx.msk [tilespmem:v20+s26+$0x0], $0xffff  }
0x4ec: {  	v21 =	vor.u32 v56, v6;
	v13 =	vld.idx.msk [tilespmem:v13+s26+$0x0], $0xffff  }
0x4ed: {  	v16 =	vld.idx.msk [tilespmem:v16+s26+$0x0], $0xffff  }
0x4ee: {  	v22 =	vor.u32 v22, v5;
	v17 =	vld.idx.msk [tilespmem:v17+s26+$0x0], $0xffff;
	[tilespmem:s29+$0xFFFFFD90] =	vst v12  }
0x4ef: {  	v12 =	vld [tilespmem:$0x1FDB0]  }
0x4f0: {  	v14 =	vor.u32 v14, v4;
	v20 =	vld [tilespmem:$0x1FFA0]  }
0x4f1: {  	v21 =	vld.idx.msk [tilespmem:v21+s26+$0x0], $0xffff;
	[tilespmem:s29+$0xFFFFFE10] =	vst v13  }
0x4f2: {  	v11 =	vor.u32 v44, v3;
	v13 =	vld [tilespmem:$0x1FF40]  }
0x4f3: {  	v22 =	vld.idx.msk [tilespmem:v22+s26+$0x0], $0xffff;
	[tilespmem:s29+$0xFFFFFE90] =	vst v16  }
0x4f4: {  	v16 =	vld [tilespmem:$0x1FF70]  }
0x4f5: {  	v12 =	vor.u32 v12, v7;
	v14 =	vld.idx.msk [tilespmem:v14+s26+$0x0], $0xffff;
	[tilespmem:s29+$0xFFFFFF10] =	vst v17  }
0x4f6: {  	v20 =	vor.u32 v20, v2;
	v17 =	vld [tilespmem:$0x1FF90];
	[tilespmem:s29+$0xFFFFFFA0] =	vst v15  }
0x4f7: {  	v11 =	vld.idx.msk [tilespmem:v11+s26+$0x0], $0xffff;
	[tilespmem:s29+$0xFFFFFC10] =	vst v10  }
0x4f8: {  	v10 =	vld [tilespmem:$0x1FEB0];
	[tilespmem:s29+$0xFFFFFCA0] =	vst v18  }
0x4f9: {  	v18 =	vld [tilespmem:$0x1FCF0]  }
0x4fa: {  	v12 =	vld.idx.msk [tilespmem:v12+s26+$0x0], $0xffff  }
0x4fb: {  	[tilespmem:s29+$0xFFFFFD20] =	vst v19;
	v15 =	vld.idx.msk [tilespmem:v20+s26+$0x0], $0xffff  }
0x4fc: {  	v13 =	vor.u32 v13, v9;
	v19 =	vld [tilespmem:$0x1FDC0];
	[tilespmem:s29+$0xFFFFFDA0] =	vst v21  }
0x4fd: {  	v16 =	vor.u32 v16, v8;
	v20 =	vld [tilespmem:$0x1FD40]  }
0x4fe: {  	v21 =	vld [tilespmem:$0x1FFB0];
	[tilespmem:s29+$0xFFFFFE20] =	vst v22  }
0x4ff: {  	v17 =	vor.u32 v17, v6;
	v22 =	vld [tilespmem:$0x1FF50];
	[tilespmem:s29+$0xFFFFFEA0] =	vst v14  }
0x500: {  	v10 =	vor.u32 v10, v5;
	v14 =	vld [tilespmem:$0x1FF80]  }
0x501: {  	v18 =	vor.u32 v18, v4;
	v13 =	vld.idx.msk [tilespmem:v13+s26+$0x0], $0xffff  }
0x502: {  	v19 =	vor.u32 v19, v7;
	[tilespmem:s29+$0xFFFFFFB0] =	vst v12;
	v16 =	vld.idx.msk [tilespmem:v16+s26+$0x0], $0xffff  }
0x503: {  	v20 =	vor.u32 v20, v3;
	v12 =	vld [tilespmem:$0x1FFF0]  }
0x504: {  	v21 =	vor.u32 v21, v2;
	v17 =	vld.idx.msk [tilespmem:v17+s26+$0x0], $0xffff  }
0x505: {  	v10 =	vld.idx.msk [tilespmem:v10+s26+$0x0], $0xffff  }
0x506: {  	v22 =	vor.u32 v22, v9;
	v18 =	vld.idx.msk [tilespmem:v18+s26+$0x0], $0xffff  }
0x507: {  	[tilespmem:s29+$0xFFFFFF20] =	vst v11;
	v11 =	vld.idx.msk [tilespmem:v19+s26+$0x0], $0xffff  }
0x508: {  	[tilespmem:s29+$0xFFFFFC20] =	vst v15;
	v14 =	vor.u32 v14, v8;
	v19 =	vld.idx.msk [tilespmem:v20+s26+$0x0], $0xffff  }
0x509: {  	[tilespmem:s29+$0xFFFFFCB0] =	vst v13;
	v20 =	vld.idx.msk [tilespmem:v21+s26+$0x0], $0xffff  }
0x50a: {  	v13 =	vld [tilespmem:$0x1FDD0]  }
0x50b: {  	[tilespmem:s29+$0xFFFFFD30] =	vst v16;
	v21 =	vld.idx.msk [tilespmem:v22+s26+$0x0], $0xffff  }
0x50c: {  	v16 =	vld [tilespmem:$0x1FD00]  }
0x50d: {  	v15 =	vor.u32 v53, v5;
	[tilespmem:s29+$0xFFFFFDB0] =	vst v17;
	v14 =	vld.idx.msk [tilespmem:v14+s26+$0x0], $0xffff  }
0x50e: {  	v12 =	vor.u32 v12, v6;
	v17 =	vld [tilespmem:$0x1FD50]  }
0x50f: {  	v22 =	vld [tilespmem:$0x1FFC0];
	[tilespmem:s29+$0xFFFFFE30] =	vst v10  }
0x510: {  	v10 =	vld [tilespmem:$0x1FF60];
	[tilespmem:s29+$0xFFFFFFC0] =	vst v11  }
0x511: {  	v11 =	vld [tilespmem:$0x1FFE0];
	[tilespmem:s29+$0xFFFFFEB0] =	vst v18  }
0x512: {  	v15 =	vld.idx.msk [tilespmem:v15+s26+$0x0], $0xffff;
	v13 =	vor.u32 v13, v7;
	[tilespmem:s29+$0xFFFFFF30] =	vst v19  }
0x513: {  	v12 =	vld.idx.msk [tilespmem:v12+s26+$0x0], $0xffff;
	[tilespmem:s29+$0xFFFFFC30] =	vst v20;
	v16 =	vor.u32 v16, v4  }
0x514: {  	v19 =	vld [tilespmem:$0x1FDE0];
	[tilespmem:s29+$0xFFFFFCC0] =	vst v21  }
0x515: {  	v17 =	vor.u32 v17, v3;
	v21 =	vld [tilespmem:$0x1FCE0];
	[tilespmem:s29+$0xFFFFFD40] =	vst v14  }
0x516: {  	v22 =	vor.u32 v22, v2;
	v14 =	vld [tilespmem:$0x1FD10]  }
0x517: {  	v13 =	vld.idx.msk [tilespmem:v13+s26+$0x0], $0xffff  }
0x518: {  	v10 =	vor.u32 v10, v9;
	[tilespmem:s29+$0xFFFFFDC0] =	vst v12;
	v16 =	vld.idx.msk [tilespmem:v16+s26+$0x0], $0xffff  }
0x519: {  	v12 =	vld [tilespmem:$0x1FD60]  }
0x51a: {  	v17 =	vld.idx.msk [tilespmem:v17+s26+$0x0], $0xffff  }
0x51b: {  	v11 =	vor.u32 v11, v8;
	v20 =	vld.idx.msk [tilespmem:v22+s26+$0x0], $0xffff  }
0x51c: {  	v22 =	vld [tilespmem:$0x1FE90]  }
0x51d: {  	v10 =	vld.idx.msk [tilespmem:v10+s26+$0x0], $0xffff;
	[tilespmem:s29+$0xFFFFFFD0] =	vst v13  }
0x51e: {  	v13 =	vld [tilespmem:$0x1FE80];
	[tilespmem:s29+$0xFFFFFE40] =	vst v15  }
0x51f: {  	v18 =	vor.u32 v59, v6;
	[tilespmem:s29+$0xFFFFFEC0] =	vst v16  }
0x520: {  	v19 =	vor.u32 v19, v7;
	v11 =	vld.idx.msk [tilespmem:v11+s26+$0x0], $0xffff;
	[tilespmem:s29+$0xFFFFFF40] =	vst v17  }
0x521: {  	v21 =	vor.u32 v21, v5;
	v16 =	vld [tilespmem:$0x1FDF0];
	[tilespmem:s29+$0xFFFFFC40] =	vst v20  }
0x522: {  	v14 =	vor.u32 v14, v4;
	v17 =	vld [tilespmem:$0x1FF30];
	[tilespmem:s29+$0xFFFFFCD0] =	vst v10  }
0x523: {  	v10 =	vld [tilespmem:$0x1FE30]  }
0x524: {  	v18 =	vld.idx.msk [tilespmem:v18+s26+$0x0], $0xffff;
	v22 =	vor.u32 v22, v2  }
0x525: {  	v15 =	vld.idx.msk [tilespmem:v19+s26+$0x0], $0xffff  }
0x526: {  	v21 =	vld.idx.msk [tilespmem:v21+s26+$0x0], $0xffff  }
0x527: {  	v12 =	vor.u32 v12, v3;
	v14 =	vld.idx.msk [tilespmem:v14+s26+$0x0], $0xffff;
	[tilespmem:s29+$0xFFFFFD50] =	vst v11  }
0x528: {  	v11 =	vld [tilespmem:$0x1FD20];
	v10 =	vor.u32 v10, v5  }
0x529: {  	v20 =	vld.idx.msk [tilespmem:v22+s26+$0x0], $0xffff  }
0x52a: {  	v22 =	vld [tilespmem:$0x1FD70];
	[tilespmem:s29+$0xFFFFFFE0] =	vst v15  }
0x52b: {  	v15 =	vld [tilespmem:$0x1FE70];
	[tilespmem:s29+$0xFFFFFDD0] =	vst v18  }
0x52c: {  	v12 =	vld.idx.msk [tilespmem:v12+s26+$0x0], $0xffff;
	[tilespmem:s29+$0xFFFFFE50] =	vst v21  }
0x52d: {  	v13 =	vor.u32 v13, v9;
	[tilespmem:s29+$0xFFFFFED0] =	vst v14;
	v21 =	vld.idx.msk [tilespmem:v10+s26+$0x0], $0xffff  }
0x52e: {  	v10 =	vld [tilespmem:$0x1FC60]  }
0x52f: {  	v11 =	vor.u32 v11, v4;
	_ =	sdelay $0x2  }
0x530: {  	v16 =	vor.u32 v16, v7;
	v13 =	vld.idx.msk [tilespmem:v13+s26+$0x0], $0xffff  }
0x531: {  	v19 =	vor.u32 v52, v8;
	v10 =	vor.u32 v10, v7;
	v7 =	vld [tilespmem:$0x1FE50];
	[tilespmem:s29+$0xFFFFFF50] =	vst v12  }
0x532: {  	v26 =	vld.idx.msk [tilespmem:v11+s26+$0x0], $0xffff;
	[tilespmem:s29+$0xFFFFFC50] =	vst v20  }
0x533: {  	v11 =	vld [tilespmem:$0x1FE40];
	_ =	sdelay $0x1  }
0x534: {  	v17 =	vor.u32 v17, v6;
	v16 =	vld.idx.msk [tilespmem:v16+s26+$0x0], $0xffff  }
0x535: {  	v19 =	vld.idx.msk [tilespmem:v19+s26+$0x0], $0xffff;
	v15 =	vor.u32 v15, v2;
	[tilespmem:s29+$0xFFFFFCE0] =	vst v13  }
0x536: {  	v13 =	vld [tilespmem:$0x1FC70]  }
0x537: {  	v18 =	vor.u32 v23, v9;
	v27 =	vor.u32 v11, v6;
	v11 =	vld [tilespmem:$0x1FCC0];
	_ =	sdelay $0x1  }
0x538: {  	v23 =	vld.idx.msk [tilespmem:v17+s26+$0x0], $0xffff;
	[tilespmem:s29+$0xFFFFFFF0] =	vst v16  }
0x539: {  	v12 =	vld.idx.msk [tilespmem:v15+s26+$0x0], $0xffff;
	[tilespmem:s29+$0xFFFFFD60] =	vst v19  }
0x53a: {  	v22 =	vor.u32 v22, v3;
	v29 =	vor.u32 v13, v4;
	v13 =	vld [tilespmem:$0x1FD80]  }
0x53b: {  	v15 =	vor.u32 v11, v5;
	v11 =	vld.idx.msk [tilespmem:v18+s26+$0x0], $0xffff  }
0x53c: {  	v18 =	vld.idx.msk [tilespmem:v10+s26+$0x0], $0xffff  }
0x53d: {  	s1 =	simm.s32 $0x8;
	v10 =	vld [tilespmem:$0x1FCB0];
	[tilespmem:s29+$0xFFFFFDE0] =	vst v23  }
0x53e: {  	v14 =	vor.u32 v7, v8;
	v7 =	vmov s1;
	s1 =	simm.s32 $0x9;
	[tilespmem:s29+$0xFFFFFE60] =	vst v21  }
0x53f: {  	v28 =	vld.idx.msk [tilespmem:v22+s26+$0x0], $0xffff;
	v16 =	vmov s1;
	[tilespmem:s29+$0xFFFFFEE0] =	vst v26  }
0x540: {  	v22 =	vshrl.u32 v16, $0x3;
	v16 =	vld [tilespmem:$0x1FEC0];
	_ =	sdelay $0x3  }
0x541: {  	[tilespmem:s29+$0xFFFFFF60] =	vst v28  }
0x542: {  	s0 =	simm.s32 $0xA;
	v9 =	vor.u32 v16, v9;
	v16 =	vld [tilespmem:$0x1FED0]  }
0x543: {  	v7 =	vshrl.u32 v7, $0x3;
	s1 =	simm.s32 $0xB;
	v19 =	vmov s0  }
0x544: {  	s0 =	simm.s32 $0xC;
	v7 =	vshll.u32 v7, v1;
	v30 =	vmov s1;
	s1 =	simm.s32 $0xD;
	v17 =	vor.u32 v13, v3;
	v13 =	vld.idx.msk [tilespmem:v14+s26+$0x0], $0xffff  }
0x545: {  	v25 =	vmov s0;
	v7 =	vbroadcast v7, $0x0;
	v24 =	vmov s1;
	s1 =	simm.s32 $0xE;
	v14 =	vld.idx.msk [tilespmem:v27+s26+$0x0], $0xffff  }
0x546: {  	v23 =	vmov s1;
	v21 =	vshrl.u32 v19, $0x3;
	v20 =	vor.u32 v10, v2;
	v15 =	vld.idx.msk [tilespmem:v15+s26+$0x0], $0xffff  }
0x547: {  	s31 =	simm.s32 $0xF;
	s30 =	simm.s32 $0x10;
	v19 =	vshrl.u32 v30, $0x3;
	v10 =	vor.u32 v0, v7;
	v8 =	vor.u32 v16, v8;
	v16 =	vld.idx.msk [tilespmem:v29+s26+$0x0], $0xffff  }
.LBB2_9:
0x548: {  	_ = 	snop  }
0x549: {  	[tilespmem:s29+$0xFFFFFC60] =	vst v12;
	v12 =	vld.idx.msk [tilespmem:v17+s26+$0x0], $0xffff  }
0x54a: {  	v26 =	vmov s31;
	v6 =	vor.u32 v62, v6;
	[tilespmem:s29+$0xFFFFFDF0] =	vst v14;
	v14 =	vld [tilespmem:$0x1FDA0]  }
0x54b: {  	v17 =	vshrl.u32 v24, $0x3;
	v5 =	vor.u32 v31, v5;
	[tilespmem:s29+$0x0] =	vst v18;
	v4 =	vor.u32 v36, v4;
	v20 =	vld.idx.msk [tilespmem:v20+s26+$0x0], $0xffff  }
0x54c: {  	[tilespmem:s29+$0xFFFFFD70] =	vst v13;
	v3 =	vor.u32 v45, v3;
	v2 =	vor.u32 v38, v2;
	v24 =	vshrl.u32 v26, $0x3;
	v18 =	vld.idx.msk [tilespmem:v10+s26+$0x0], $0xffff  }
0x54d: {  	v25 =	vshrl.u32 v25, $0x3;
	v13 =	vld.idx.msk [tilespmem:v8+s26+$0x0], $0xffff;
	v10 =	vshll.u32 v24, v1;
	[tilespmem:s29+$0xFFFFFCF0] =	vst v11;
	v11 =	vshll.u32 v22, v1  }
0x54e: {  	v10 =	vbroadcast v10, $0x0;
	v22 =	vld.idx.msk [tilespmem:v9+s26+$0x0], $0xffff;
	v9 =	vbroadcast v11, $0x0;
	v11 =	vshll.u32 v21, v1  }
0x54f: {  	v23 =	vshrl.u32 v23, $0x3;
	[tilespmem:s29+$0xFFFFFE70] =	vst v15;
	v8 =	vbroadcast v11, $0x0;
	v11 =	vshll.u32 v19, v1;
	v19 =	vld.idx.msk [tilespmem:v6+s26+$0x0], $0xffff  }
0x550: {  	[tilespmem:s29+$0xFFFFFEF0] =	vst v16;
	v14 =	vor.u32 v14, v10;
	v6 =	vbroadcast v11, $0x0;
	v11 =	vshll.u32 v25, v1;
	v21 =	vld.idx.msk [tilespmem:v5+s26+$0x0], $0xffff  }
0x551: {  	v15 =	vor.u32 v39, v9;
	[tilespmem:s29+$0xFFFFFF70] =	vst v12;
	v5 =	vbroadcast v11, $0x0;
	v11 =	vshll.u32 v17, v1;
	v17 =	vld.idx.msk [tilespmem:v4+s26+$0x0], $0xffff  }
0x552: {  	v16 =	vor.u32 v47, v8;
	[tilespmem:s29+$0xFFFFFC70] =	vst v20;
	v20 =	vld.idx.msk [tilespmem:v3+s26+$0x0], $0xffff;
	v4 =	vbroadcast v11, $0x0;
	v11 =	vshll.u32 v23, v1  }
0x553: {  	v3 =	vbroadcast v11, $0x0;
	v11 =	vld.idx.msk [tilespmem:v2+s26+$0x0], $0xffff  }
0x554: {  	[tilespmem:s29+$0xFFFFFD80] =	vst v13;
	v12 =	vor.u32 v55, v6;
	v2 =	vmov v7;
	v7 =	vld [tilespmem:$0x1FE00]  }
0x555: {  	v23 =	vor.u32 v63, v5;
	[tilespmem:s29+$0xFFFFFD00] =	vst v22;
	v14 =	vld.idx.msk [tilespmem:v14+s26+$0x0], $0xffff  }
0x556: {  	v13 =	vld.idx.msk [tilespmem:v15+s26+$0x0], $0xffff;
	v15 =	vor.u32 v43, v3;
	[tilespmem:s29+$0xFFFFFE00] =	vst v19  }
0x557: {  	[tilespmem:s29+$0xFFFFFE80] =	vst v21;
	v16 =	vld.idx.msk [tilespmem:v16+s26+$0x0], $0xffff  }
0x558: {  	v19 =	vld [tilespmem:$0x1FE20];
	[tilespmem:s29+$0xFFFFFF00] =	vst v17;
	v17 =	vor.u32 v48, v8  }
0x559: {  	[tilespmem:s29+$0xFFFFFF80] =	vst v20;
	v12 =	vld.idx.msk [tilespmem:v12+s26+$0x0], $0xffff  }
0x55a: {  	v7 =	vor.u32 v7, v4;
	v22 =	vld.idx.msk [tilespmem:v23+s26+$0x0], $0xffff;
	[tilespmem:s29+$0xFFFFFC80] =	vst v11;
	s29 =	sadd.s32 $0x400, s29  }
0x55b: {  	v20 =	vor.u32 v56, v6;
	v15 =	vld.idx.msk [tilespmem:v15+s26+$0x0], $0xffff;
	[tilespmem:s29+$0xFFFFFC90] =	vst v13  }
0x55c: {  	v11 =	vor.u32 v61, v5;
	v13 =	vld [tilespmem:$0x1FE10];
	[tilespmem:s29+$0xFFFFFD10] =	vst v16  }
0x55d: {  	v19 =	vor.u32 v19, v10;
	v17 =	vld.idx.msk [tilespmem:v17+s26+$0x0], $0xffff  }
0x55e: {  	v21 =	vor.u32 v40, v9;
	[tilespmem:s29+$0xFFFFFD90] =	vst v12;
	v12 =	vld [tilespmem:$0x1FDB0]  }
0x55f: {  	v16 =	vor.u32 v44, v3;
	v7 =	vld.idx.msk [tilespmem:v7+s26+$0x0], $0xffff  }
0x560: {  	v20 =	vld.idx.msk [tilespmem:v20+s26+$0x0], $0xffff;
	[tilespmem:s29+$0xFFFFFE10] =	vst v22  }
0x561: {  	[tilespmem:s29+$0xFFFFFF90] =	vst v14;
	v11 =	vld.idx.msk [tilespmem:v11+s26+$0x0], $0xffff  }
0x562: {  	v13 =	vor.u32 v13, v4;
	v14 =	vld.idx.msk [tilespmem:v19+s26+$0x0], $0xffff  }
0x563: {  	v19 =	vld.idx.msk [tilespmem:v21+s26+$0x0], $0xffff;
	v21 =	vor.u32 v32, v2;
	[tilespmem:s29+$0xFFFFFF10] =	vst v15  }
0x564: {  	v16 =	vld.idx.msk [tilespmem:v16+s26+$0x0], $0xffff;
	[tilespmem:s29+$0xFFFFFD20] =	vst v17  }
0x565: {  	v15 =	vor.u32 v57, v6;
	v17 =	vld [tilespmem:$0x1FDC0];
	[tilespmem:s29+$0xFFFFFE90] =	vst v7  }
0x566: {  	v22 =	vor.u32 v41, v9;
	[tilespmem:s29+$0xFFFFFDA0] =	vst v20;
	v20 =	vld [tilespmem:$0x1FD40]  }
0x567: {  	[tilespmem:s29+$0xFFFFFC10] =	vst v18;
	v12 =	vor.u32 v12, v10;
	v13 =	vld.idx.msk [tilespmem:v13+s26+$0x0], $0xffff  }
0x568: {  	v7 =	vor.u32 v49, v8;
	[tilespmem:s29+$0xFFFFFFA0] =	vst v14;
	v18 =	vld.idx.msk [tilespmem:v21+s26+$0x0], $0xffff  }
0x569: {  	v14 =	vor.u32 v46, v5;
	[tilespmem:s29+$0xFFFFFCA0] =	vst v19;
	v19 =	vld [tilespmem:$0x1FCF0]  }
0x56a: {  	v15 =	vld.idx.msk [tilespmem:v15+s26+$0x0], $0xffff  }
0x56b: {  	v21 =	vld.idx.msk [tilespmem:v22+s26+$0x0], $0xffff  }
0x56c: {  	[tilespmem:s29+$0xFFFFFE20] =	vst v11;
	v11 =	vor.u32 v42, v9;
	v12 =	vld.idx.msk [tilespmem:v12+s26+$0x0], $0xffff  }
0x56d: {  	v17 =	vor.u32 v17, v10;
	v7 =	vld.idx.msk [tilespmem:v7+s26+$0x0], $0xffff  }
0x56e: {  	[tilespmem:s29+$0xFFFFFF20] =	vst v16;
	v20 =	vor.u32 v20, v3;
	v14 =	vld.idx.msk [tilespmem:v14+s26+$0x0], $0xffff  }
0x56f: {  	v22 =	vor.u32 v33, v2;
	[tilespmem:s29+$0xFFFFFDB0] =	vst v15;
	v15 =	vld [tilespmem:$0x1FD50]  }
0x570: {  	[tilespmem:s29+$0xFFFFFCB0] =	vst v21;
	v21 =	vld [tilespmem:$0x1FDD0]  }
0x571: {  	v19 =	vor.u32 v19, v4;
	[tilespmem:s29+$0xFFFFFFB0] =	vst v12;
	v11 =	vld.idx.msk [tilespmem:v11+s26+$0x0], $0xffff  }
0x572: {  	[tilespmem:s29+$0xFFFFFEA0] =	vst v13;
	v13 =	vor.u32 v50, v8;
	v16 =	vld.idx.msk [tilespmem:v17+s26+$0x0], $0xffff  }
0x573: {  	[tilespmem:s29+$0xFFFFFC20] =	vst v18;
	v12 =	vor.u32 v58, v6;
	v18 =	vld.idx.msk [tilespmem:v20+s26+$0x0], $0xffff  }
0x574: {  	v20 =	vld.idx.msk [tilespmem:v22+s26+$0x0], $0xffff  }
0x575: {  	v17 =	vor.u32 v53, v5;
	[tilespmem:s29+$0xFFFFFD30] =	vst v7;
	v7 =	vld [tilespmem:$0x1FD00]  }
0x576: {  	v19 =	vld.idx.msk [tilespmem:v19+s26+$0x0], $0xffff  }
0x577: {  	v22 =	vor.u32 v34, v2;
	v13 =	vld.idx.msk [tilespmem:v13+s26+$0x0], $0xffff  }
0x578: {  	[tilespmem:s29+$0xFFFFFE30] =	vst v14;
	v12 =	vld.idx.msk [tilespmem:v12+s26+$0x0], $0xffff  }
0x579: {  	v15 =	vor.u32 v15, v3;
	[tilespmem:s29+$0xFFFFFCC0] =	vst v11;
	v11 =	vld [tilespmem:$0x1FCE0]  }
0x57a: {  	v14 =	vor.u32 v35, v9;
	v17 =	vld.idx.msk [tilespmem:v17+s26+$0x0], $0xffff;
	[tilespmem:s29+$0xFFFFFF30] =	vst v18  }
0x57b: {  	[tilespmem:s29+$0xFFFFFC30] =	vst v20;
	v18 =	vld [tilespmem:$0x1FDE0]  }
0x57c: {  	v21 =	vor.u32 v21, v10;
	v20 =	vld.idx.msk [tilespmem:v22+s26+$0x0], $0xffff  }
0x57d: {  	v22 =	vld [tilespmem:$0x1FE90]  }
0x57e: {  	v7 =	vor.u32 v7, v4;
	v15 =	vld.idx.msk [tilespmem:v15+s26+$0x0], $0xffff  }
0x57f: {  	[tilespmem:s29+$0xFFFFFFC0] =	vst v16;
	v16 =	vor.u32 v51, v8;
	v14 =	vld.idx.msk [tilespmem:v14+s26+$0x0], $0xffff  }
0x580: {  	[tilespmem:s29+$0xFFFFFD40] =	vst v13;
	v13 =	vld [tilespmem:$0x1FD10]  }
0x581: {  	[tilespmem:s29+$0xFFFFFEB0] =	vst v19;
	v19 =	vld.idx.msk [tilespmem:v21+s26+$0x0], $0xffff;
	v21 =	vor.u32 v59, v6  }
0x582: {  	[tilespmem:s29+$0xFFFFFDC0] =	vst v12;
	v12 =	vld [tilespmem:$0x1FD60]  }
0x583: {  	v11 =	vor.u32 v11, v5;
	v7 =	vld.idx.msk [tilespmem:v7+s26+$0x0], $0xffff  }
0x584: {  	v18 =	vor.u32 v18, v10;
	v16 =	vld.idx.msk [tilespmem:v16+s26+$0x0], $0xffff  }
0x585: {  	[tilespmem:s29+$0xFFFFFCD0] =	vst v14;
	v14 =	vld [tilespmem:$0x1FE30]  }
0x586: {  	[tilespmem:s29+$0xFFFFFE40] =	vst v17;
	v22 =	vor.u32 v22, v2;
	v21 =	vld.idx.msk [tilespmem:v21+s26+$0x0], $0xffff  }
0x587: {  	[tilespmem:s29+$0xFFFFFFD0] =	vst v19;
	v19 =	vld [tilespmem:$0x1FE80]  }
0x588: {  	v13 =	vor.u32 v13, v4;
	v11 =	vld.idx.msk [tilespmem:v11+s26+$0x0], $0xffff  }
0x589: {  	[tilespmem:s29+$0xFFFFFC40] =	vst v20;
	v17 =	vld.idx.msk [tilespmem:v18+s26+$0x0], $0xffff  }
0x58a: {  	[tilespmem:s29+$0xFFFFFD50] =	vst v16;
	v16 =	vld [tilespmem:$0x1FD20]  }
0x58b: {  	[tilespmem:s29+$0xFFFFFF40] =	vst v15;
	v12 =	vor.u32 v12, v3;
	v20 =	vld.idx.msk [tilespmem:v22+s26+$0x0], $0xffff  }
0x58c: {  	v15 =	vor.u32 v60, v6;
	[tilespmem:s29+$0xFFFFFEC0] =	vst v7;
	v22 =	vld [tilespmem:$0x1FD70]  }
0x58d: {  	v7 =	vld.idx.msk [tilespmem:v13+s26+$0x0], $0xffff  }
0x58e: {  	v13 =	vld [tilespmem:$0x1FDF0]  }
0x58f: {  	v18 =	vor.u32 v52, v8;
	[tilespmem:s29+$0xFFFFFDD0] =	vst v21;
	v21 =	vld [tilespmem:$0x1FE60]  }
0x590: {  	v12 =	vld.idx.msk [tilespmem:v12+s26+$0x0], $0xffff  }
0x591: {  	v14 =	vor.u32 v14, v5;
	v15 =	vld.idx.msk [tilespmem:v15+s26+$0x0], $0xffff  }
0x592: {  	v19 =	vor.u32 v19, v9;
	[tilespmem:s29+$0xFFFFFE50] =	vst v11;
	v11 =	vld [tilespmem:$0x1FE40]  }
0x593: {  	[tilespmem:s29+$0xFFFFFFE0] =	vst v17;
	v17 =	vld [tilespmem:$0x1FE70]  }
0x594: {  	v18 =	vld.idx.msk [tilespmem:v18+s26+$0x0], $0xffff;
	v13 =	vor.u32 v13, v10  }
0x595: {  	[tilespmem:s29+$0xFFFFFED0] =	vst v7;
	v7 =	vld [tilespmem:$0x1FC60]  }
0x596: {  	v16 =	vor.u32 v16, v4;
	v23 =	vld.idx.msk [tilespmem:v14+s26+$0x0], $0xffff  }
0x597: {  	v22 =	vor.u32 v22, v3;
	v19 =	vld.idx.msk [tilespmem:v19+s26+$0x0], $0xffff  }
0x598: {  	v26 =	vor.u32 v11, v6;
	v11 =	vld [tilespmem:$0x1FCC0];
	v17 =	vor.u32 v17, v2  }
0x599: {  	v13 =	vld.idx.msk [tilespmem:v13+s26+$0x0], $0xffff  }
0x59a: {  	v10 =	vor.u32 v7, v10;
	v7 =	vld [tilespmem:$0x1FE50]  }
0x59b: {  	[tilespmem:s29+$0xFFFFFF50] =	vst v12;
	v16 =	vld.idx.msk [tilespmem:v16+s26+$0x0], $0xffff  }
0x59c: {  	[tilespmem:s29+$0xFFFFFC50] =	vst v20;
	v27 =	vld.idx.msk [tilespmem:v22+s26+$0x0], $0xffff  }
0x59d: {  	[tilespmem:s29+$0xFFFFFCE0] =	vst v19;
	v19 =	vor.u32 v11, v5;
	v12 =	vld.idx.msk [tilespmem:v17+s26+$0x0], $0xffff  }
0x59e: {  	v17 =	vld [tilespmem:$0x1FC70]  }
0x59f: {  	v14 =	vor.u32 v7, v8;
	[tilespmem:s29+$0xFFFFFFF0] =	vst v13;
	v13 =	vld [tilespmem:$0x1FD80]  }
0x5a0: {  	[tilespmem:s29+$0xFFFFFD60] =	vst v18;
	v18 =	vld.idx.msk [tilespmem:v10+s26+$0x0], $0xffff  }
0x5a1: {  	s1 =	sadd.s32 $0x3, s30;
	[tilespmem:s29+$0xFFFFFE60] =	vst v23;
	v10 =	vld [tilespmem:$0x1FCB0]  }
0x5a2: {  	v30 =	vmov s1;
	[tilespmem:s29+$0xFFFFFDE0] =	vst v15;
	v15 =	vld.idx.msk [tilespmem:v19+s26+$0x0], $0xffff  }
0x5a3: {  	v21 =	vor.u32 v21, v9;
	v19 =	vshrl.u32 v30, $0x3;
	v30 =	vld [tilespmem:$0x1FED0]  }
0x5a4: {  	v28 =	vor.u32 v17, v4;
	v17 =	vor.u32 v13, v3;
	v13 =	vld.idx.msk [tilespmem:v14+s26+$0x0], $0xffff  }
0x5a5: {  	v14 =	vld.idx.msk [tilespmem:v26+s26+$0x0], $0xffff  }
0x5a6: {  	p1 =	slt.u32 s30, $0x38;
	s1 =	sadd.s32 $0x5, s30;
	v7 =	vmov s30;
	v26 =	vld [tilespmem:$0x1FEC0]  }
.Ltmp5:
0x5a7: {  	s0 =	sadd.s32 $0x1, s30;
	v24 =	vmov s1;
	s1 =	sadd.s32 $0x6, s30;
	v7 =	vshrl.u32 v7, $0x3;
	(pc) =	sbr.rel @p1 .LBB2_9-.Ltmp5, $4  }
0x5a8: {  	v23 =	vmov s1;
	v11 =	vld.idx.msk [tilespmem:v21+s26+$0x0], $0xffff;
	v21 =	vmov s0;
	s0 =	sadd.s32 $0x2, s30;
	v7 =	vshll.u32 v7, v1  }
0x5a9: {  	v29 =	vmov s0;
	s0 =	sadd.s32 $0x4, s30;
	v22 =	vshrl.u32 v21, $0x3;
	[tilespmem:s29+$0xFFFFFEE0] =	vst v16;
	v7 =	vbroadcast v7, $0x0  }
0x5aa: {  	v25 =	vmov s0;
	v21 =	vshrl.u32 v29, $0x3;
	[tilespmem:s29+$0xFFFFFF60] =	vst v27;
	v20 =	vor.u32 v10, v2  }
0x5ab: {  	s31 =	sadd.s32 $0x7, s30;
	s30 =	sadd.s32 $0x8, s30;
	v10 =	vor.u32 v0, v7;
	v8 =	vor.u32 v30, v8;
	v16 =	vld.idx.msk [tilespmem:v28+s26+$0x0], $0xffff;
	v9 =	vor.u32 v26, v9  }
0x5ac: {  	_ =	sdelay $0x1  }
0x5ad: {  	[tilespmem:s29+$0xFFFFFC60] =	vst v12  }
0x5ae: {  	[tilespmem:s29+$0x0] =	vst v18;
	v6 =	vor.u32 v62, v6  }
0x5af: {  	v17 =	vld.idx.msk [tilespmem:v17+s26+$0x0], $0xffff;
	[tilespmem:s29+$0xFFFFFD70] =	vst v13  }
0x5b0: {  	v5 =	vor.u32 v31, v5;
	[tilespmem:s29+$0xFFFFFDF0] =	vst v14;
	v13 =	vld.idx.msk [tilespmem:v20+s26+$0x0], $0xffff  }
0x5b1: {  	v12 =	vshrl.u32 v25, $0x3;
	v54 =	vshll.u32 v22, v1;
	[tilespmem:s29+$0xFFFFFCF0] =	vst v11;
	v20 =	vor.u32 v36, v4;
	v8 =	vld.idx.msk [tilespmem:v8+s26+$0x0], $0xffff  }
0x5b2: {  	v18 =	vmov s31;
	v14 =	vor.u32 v45, v3;
	[tilespmem:s29+$0xFFFFFE70] =	vst v15;
	v15 =	vor.u32 v38, v2;
	v9 =	vld.idx.msk [tilespmem:v9+s26+$0x0], $0xffff  }
0x5b3: {  	v37 =	vshrl.u32 v18, $0x3;
	v3 =	vbroadcast v54, $0x0;
	v54 =	vshll.u32 v19, v1;
	[tilespmem:s29+$0xFFFFFEF0] =	vst v16;
	v19 =	vld.idx.msk [tilespmem:v6+s26+$0x0], $0xffff  }
0x5b4: {  	v11 =	vshll.u32 v37, v1;
	v37 =	vshll.u32 v21, v1;
	v4 =	vbroadcast v54, $0x0;
	v16 =	vld [tilespmem:$0x1FDA0];
	[tilespmem:s29+$0xFFFFFF70] =	vst v17  }
0x5b5: {  	v2 =	vbroadcast v37, $0x0;
	v37 =	vshll.u32 v12, v1;
	v17 =	vor.u32 v39, v3;
	v12 =	vld.idx.msk [tilespmem:v5+s26+$0x0], $0xffff;
	[tilespmem:s29+$0xFFFFFC70] =	vst v13  }
0x5b6: {  	v5 =	vbroadcast v37, $0x0;
	v37 =	vor.u32 v55, v4;
	v20 =	vld.idx.msk [tilespmem:v20+s26+$0x0], $0xffff;
	[tilespmem:s29+$0xFFFFFD80] =	vst v8  }
0x5b7: {  	v11 =	vbroadcast v11, $0x0;
	v13 =	vor.u32 v47, v2;
	v14 =	vld.idx.msk [tilespmem:v14+s26+$0x0], $0xffff;
	[tilespmem:s29+$0xFFFFFD00] =	vst v9  }
0x5b8: {  	v15 =	vld.idx.msk [tilespmem:v15+s26+$0x0], $0xffff;
	[tilespmem:s29+$0xFFFFFE00] =	vst v19  }
0x5b9: {  	v16 =	vor.u32 v16, v11;
	v0 =	vld [tilespmem:$0x1FE00]  }
0x5ba: {  	v24 =	vshrl.u32 v24, $0x3;
	v17 =	vld.idx.msk [tilespmem:v17+s26+$0x0], $0xffff  }
0x5bb: {  	v54 =	vshll.u32 v24, v1;
	v9 =	vld.idx.msk [tilespmem:v37+s26+$0x0], $0xffff;
	[tilespmem:s29+$0xFFFFFE80] =	vst v12  }
0x5bc: {  	v18 =	vshrl.u32 v23, $0x3;
	v6 =	vbroadcast v54, $0x0;
	v13 =	vld.idx.msk [tilespmem:v13+s26+$0x0], $0xffff;
	[tilespmem:s29+$0xFFFFFF00] =	vst v20  }
0x5bd: {  	v18 =	vshll.u32 v18, v1;
	v21 =	vor.u32 v63, v5;
	v19 =	vld [tilespmem:$0x1FE20]  }
0x5be: {  	v8 =	vbroadcast v18, $0x0;
	[tilespmem:s29+$0xFFFFFF80] =	vst v14;
	v16 =	vld.idx.msk [tilespmem:v16+s26+$0x0], $0xffff;
	v18 =	vor.u32 v0, v6  }
0x5bf: {  	s1 =	sadd.s32 $0x400, s29;
	[tilespmem:s29+$0xFFFFFC80] =	vst v15  }
0x5c0: {  	v54 =	vor.u32 v43, v8;
	[tilespmem:s1+$0xFFFFFC90] =	vst v17  }
0x5c1: {  	v10 =	vld.idx.msk [tilespmem:v10+s26+$0x0], $0xffff;
	v37 =	vor.u32 v40, v3;
	[tilespmem:s1+$0xFFFFFD90] =	vst v9  }
0x5c2: {  	v43 =	vld.idx.msk [tilespmem:v21+s26+$0x0], $0xffff;
	v17 =	vor.u32 v56, v4;
	[tilespmem:s1+$0xFFFFFD10] =	vst v13  }
0x5c3: {  	v19 =	vor.u32 v19, v11;
	[tilespmem:s1+$0xFFFFFF90] =	vst v16;
	v18 =	vld.idx.msk [tilespmem:v18+s26+$0x0], $0xffff  }
0x5c4: {  	v0 =	vld [tilespmem:$0x1FE10]  }
0x5c5: {  	v12 =	vld.idx.msk [tilespmem:v54+s26+$0x0], $0xffff;
	v16 =	vor.u32 v48, v2  }
0x5c6: {  	v14 =	vld.idx.msk [tilespmem:v37+s26+$0x0], $0xffff  }
0x5c7: {  	v17 =	vld.idx.msk [tilespmem:v17+s26+$0x0], $0xffff  }
0x5c8: {  	[tilespmem:s1+$0xFFFFFE10] =	vst v43;
	v19 =	vld.idx.msk [tilespmem:v19+s26+$0x0], $0xffff  }
0x5c9: {  	v29 =	vmov v61;
	v54 =	vor.u32 v61, v5;
	v61 =	vor.u32 v0, v6;
	v0 =	vld [tilespmem:$0x1FDB0];
	[tilespmem:s1+$0xFFFFFE90] =	vst v18  }
0x5ca: {  	v16 =	vld.idx.msk [tilespmem:v16+s26+$0x0], $0xffff;
	[tilespmem:s1+$0xFFFFFF10] =	vst v12  }
0x5cb: {  	[tilespmem:s1+$0xFFFFFC10] =	vst v10  }
0x5cc: {  	[tilespmem:s1+$0xFFFFFCA0] =	vst v14  }
0x5cd: {  	[tilespmem:s1+$0xFFFFFDA0] =	vst v17  }
0x5ce: {  	[tilespmem:s1+$0xFFFFFFA0] =	vst v19  }
0x5cf: {  	v13 =	vld.idx.msk [tilespmem:v54+s26+$0x0], $0xffff;
	[tilespmem:s1+$0xFFFFFD20] =	vst v16;
	v37 =	vor.u32 v0, v11  }
0x5d0: {  	v0 =	vld [tilespmem:$0x1FDC0]  }
0x5d1: {  	v18 =	vor.u32 v44, v8  }
0x5d2: {  	v43 =	vor.u32 v32, v7  }
0x5d3: {  	v19 =	vor.u32 v41, v3;
	v9 =	vld.idx.msk [tilespmem:v61+s26+$0x0], $0xffff  }
0x5d4: {  	v44 =	vor.u32 v49, v2;
	[tilespmem:s1+$0xFFFFFE20] =	vst v13;
	v15 =	vld.idx.msk [tilespmem:v37+s26+$0x0], $0xffff  }
0x5d5: {  	v17 =	vor.u32 v0, v11;
	v0 =	vld [tilespmem:$0x1FCF0]  }
0x5d6: {  	v18 =	vld.idx.msk [tilespmem:v18+s26+$0x0], $0xffff  }
0x5d7: {  	v12 =	vld.idx.msk [tilespmem:v43+s26+$0x0], $0xffff  }
0x5d8: {  	v54 =	vor.u32 v57, v4;
	v19 =	vld.idx.msk [tilespmem:v19+s26+$0x0], $0xffff  }
0x5d9: {  	v16 =	vor.u32 v46, v5;
	v10 =	vld.idx.msk [tilespmem:v44+s26+$0x0], $0xffff;
	[tilespmem:s1+$0xFFFFFEA0] =	vst v9  }
0x5da: {  	v61 =	vor.u32 v0, v6;
	v0 =	vld [tilespmem:$0x1FD40];
	[tilespmem:s1+$0xFFFFFFB0] =	vst v15  }
0x5db: {  	[tilespmem:s1+$0xFFFFFF20] =	vst v18  }
0x5dc: {  	[tilespmem:s1+$0xFFFFFC20] =	vst v12  }
0x5dd: {  	v14 =	vld.idx.msk [tilespmem:v54+s26+$0x0], $0xffff;
	[tilespmem:s1+$0xFFFFFCB0] =	vst v19  }
0x5de: {  	v16 =	vld.idx.msk [tilespmem:v16+s26+$0x0], $0xffff;
	[tilespmem:s1+$0xFFFFFD30] =	vst v10  }
0x5df: {  	v37 =	vor.u32 v0, v8;
	v0 =	vld [tilespmem:$0x1FDD0]  }
0x5e0: {  	v43 =	vor.u32 v33, v7;
	_ =	sdelay $0x1  }
0x5e1: {  	[tilespmem:s1+$0xFFFFFDB0] =	vst v14  }
0x5e2: {  	v18 =	vor.u32 v42, v3;
	v17 =	vld.idx.msk [tilespmem:v17+s26+$0x0], $0xffff;
	[tilespmem:s1+$0xFFFFFE30] =	vst v16  }
0x5e3: {  	v24 =	vmov v46;
	v46 =	vor.u32 v0, v11;
	v0 =	vld [tilespmem:$0x1FD00]  }
0x5e4: {  	v15 =	vld.idx.msk [tilespmem:v43+s26+$0x0], $0xffff  }
0x5e5: {  	v44 =	vor.u32 v50, v2;
	v13 =	vld.idx.msk [tilespmem:v61+s26+$0x0], $0xffff  }
0x5e6: {  	v19 =	vor.u32 v58, v4;
	v9 =	vld.idx.msk [tilespmem:v37+s26+$0x0], $0xffff  }
0x5e7: {  	v54 =	vor.u32 v53, v5;
	v18 =	vld.idx.msk [tilespmem:v18+s26+$0x0], $0xffff;
	[tilespmem:s1+$0xFFFFFFC0] =	vst v17  }
0x5e8: {  	v16 =	vor.u32 v0, v6;
	v0 =	vld [tilespmem:$0x1FD50];
	_ =	sdelay $0x1  }
0x5e9: {  	v12 =	vld.idx.msk [tilespmem:v44+s26+$0x0], $0xffff;
	v61 =	vor.u32 v34, v7;
	[tilespmem:s1+$0xFFFFFEB0] =	vst v13  }
0x5ea: {  	v19 =	vld.idx.msk [tilespmem:v19+s26+$0x0], $0xffff;
	[tilespmem:s1+$0xFFFFFF30] =	vst v9  }
0x5eb: {  	v14 =	vld.idx.msk [tilespmem:v54+s26+$0x0], $0xffff;
	[tilespmem:s1+$0xFFFFFC30] =	vst v15  }
0x5ec: {  	v10 =	vld.idx.msk [tilespmem:v46+s26+$0x0], $0xffff;
	[tilespmem:s1+$0xFFFFFCC0] =	vst v18;
	v17 =	vor.u32 v0, v8  }
0x5ed: {  	v0 =	vld [tilespmem:$0x1FDE0]  }
0x5ee: {  	v13 =	vld.idx.msk [tilespmem:v61+s26+$0x0], $0xffff;
	[tilespmem:s1+$0xFFFFFD40] =	vst v12  }
0x5ef: {  	v37 =	vor.u32 v35, v3;
	v16 =	vld.idx.msk [tilespmem:v16+s26+$0x0], $0xffff;
	[tilespmem:s1+$0xFFFFFDC0] =	vst v19  }
0x5f0: {  	v44 =	vor.u32 v51, v2;
	v22 =	vld [tilespmem:$0x1FCE0]  }
0x5f1: {  	[tilespmem:s1+$0xFFFFFFD0] =	vst v10;
	v17 =	vld.idx.msk [tilespmem:v17+s26+$0x0], $0xffff  }
0x5f2: {  	v46 =	vor.u32 v59, v4;
	v18 =	vor.u32 v0, v11;
	v0 =	vld [tilespmem:$0x1FD10];
	[tilespmem:s1+$0xFFFFFE40] =	vst v14  }
0x5f3: {  	v54 =	vld [tilespmem:$0x1FD60]  }
0x5f4: {  	v9 =	vld.idx.msk [tilespmem:v37+s26+$0x0], $0xffff  }
0x5f5: {  	v15 =	vld.idx.msk [tilespmem:v44+s26+$0x0], $0xffff;
	v19 =	vor.u32 v22, v5;
	[tilespmem:s1+$0xFFFFFEC0] =	vst v16  }
0x5f6: {  	v43 =	vmov v35;
	v35 =	vld [tilespmem:$0x1FE90]  }
0x5f7: {  	v12 =	vld.idx.msk [tilespmem:v46+s26+$0x0], $0xffff;
	v61 =	vor.u32 v0, v6  }
0x5f8: {  	v18 =	vld.idx.msk [tilespmem:v18+s26+$0x0], $0xffff;
	[tilespmem:s1+$0xFFFFFF40] =	vst v17;
	v14 =	vor.u32 v54, v8  }
0x5f9: {  	v44 =	vld [tilespmem:$0x1FE80]  }
0x5fa: {  	v19 =	vld.idx.msk [tilespmem:v19+s26+$0x0], $0xffff;
	[tilespmem:s1+$0xFFFFFC40] =	vst v13;
	v54 =	vor.u32 v52, v2  }
0x5fb: {  	v16 =	vor.u32 v35, v7;
	v37 =	vld [tilespmem:$0x1FDF0];
	[tilespmem:s1+$0xFFFFFCD0] =	vst v9  }
0x5fc: {  	[tilespmem:s1+$0xFFFFFD50] =	vst v15;
	v10 =	vld.idx.msk [tilespmem:v61+s26+$0x0], $0xffff  }
0x5fd: {  	[tilespmem:s1+$0xFFFFFFE0] =	vst v18;
	v14 =	vld.idx.msk [tilespmem:v14+s26+$0x0], $0xffff  }
0x5fe: {  	v0 =	vld [tilespmem:$0x1FE30]  }
0x5ff: {  	v17 =	vor.u32 v44, v3;
	v9 =	vld.idx.msk [tilespmem:v54+s26+$0x0], $0xffff  }
0x600: {  	[tilespmem:s1+$0xFFFFFDD0] =	vst v12;
	v16 =	vld.idx.msk [tilespmem:v16+s26+$0x0], $0xffff  }
0x601: {  	v31 =	vmov v53;
	v53 =	vor.u32 v37, v11;
	v25 =	vld [tilespmem:$0x1FD20];
	[tilespmem:s1+$0xFFFFFE50] =	vst v19  }
0x602: {  	v23 =	vld [tilespmem:$0x1FD70];
	[tilespmem:s1+$0xFFFFFED0] =	vst v10  }
0x603: {  	v61 =	vor.u32 v60, v4;
	v20 =	vld [tilespmem:$0x1FC60]  }
0x604: {  	v18 =	vor.u32 v0, v5;
	v17 =	vld.idx.msk [tilespmem:v17+s26+$0x0], $0xffff  }
0x605: {  	v27 =	vld [tilespmem:$0x1FE70];
	[tilespmem:s1+$0xFFFFFF50] =	vst v14  }
0x606: {  	v12 =	vor.u32 v25, v6;
	v13 =	vld.idx.msk [tilespmem:v53+s26+$0x0], $0xffff;
	[tilespmem:s1+$0xFFFFFC50] =	vst v16  }
0x607: {  	v53 =	vld [tilespmem:$0x1FE60]  }
0x608: {  	v19 =	vor.u32 v23, v8;
	v20 =	vor.u32 v20, v11;
	v11 =	vld.idx.msk [tilespmem:v61+s26+$0x0], $0xffff  }
0x609: {  	v46 =	vld.idx.msk [tilespmem:v18+s26+$0x0], $0xffff;
	[tilespmem:s1+$0xFFFFFCE0] =	vst v17  }
0x60a: {  	v10 =	vor.u32 v27, v7;
	v61 =	vld [tilespmem:$0x1FE50]  }
0x60b: {  	v12 =	vld.idx.msk [tilespmem:v12+s26+$0x0], $0xffff;
	[tilespmem:s1+$0xFFFFFFF0] =	vst v13  }
0x60c: {  	v28 =	vld [tilespmem:$0x1FE40]  }
0x60d: {  	v37 =	vor.u32 v53, v3;
	v17 =	vld.idx.msk [tilespmem:v19+s26+$0x0], $0xffff;
	[tilespmem:s1+$0xFFFFFD60] =	vst v9  }
0x60e: {  	v19 =	vld [tilespmem:$0x1FCC0]  }
0x60f: {  	v10 =	vld.idx.msk [tilespmem:v10+s26+$0x0], $0xffff  }
0x610: {  	[tilespmem:s1+$0xFFFFFDE0] =	vst v11;
	v18 =	vld.idx.msk [tilespmem:v20+s26+$0x0], $0xffff  }
0x611: {  	v11 =	vld [tilespmem:$0x1FC70]  }
0x612: {  	[tilespmem:s1+$0xFFFFFE60] =	vst v46;
	v14 =	vld.idx.msk [tilespmem:v37+s26+$0x0], $0xffff  }
0x613: {  	v16 =	vor.u32 v61, v2;
	v21 =	vld [tilespmem:$0x1FD80]  }
0x614: {  	[tilespmem:s1+$0xFFFFFEE0] =	vst v12  }
0x615: {  	v13 =	vor.u32 v28, v4;
	v20 =	vld [tilespmem:$0x1FCB0];
	[tilespmem:s1+$0xFFFFFF60] =	vst v17  }
0x616: {  	v54 =	vor.u32 v19, v5;
	[tilespmem:s1+$0xFFFFFC60] =	vst v10  }
0x617: {  	[tilespmem:s1+$0x0] =	vst v18;
	v11 =	vor.u32 v11, v6  }
0x618: {  	v16 =	vld.idx.msk [tilespmem:v16+s26+$0x0], $0xffff;
	v37 =	vor.u32 v21, v8;
	[tilespmem:s1+$0xFFFFFCF0] =	vst v14  }
0x619: {  	v3 =	vor.u32 v26, v3;
	v14 =	vld [tilespmem:$0x1FCD0]  }
0x61a: {  	v2 =	vor.u32 v30, v2;
	v13 =	vld.idx.msk [tilespmem:v13+s26+$0x0], $0xffff  }
0x61b: {  	v46 =	vor.u32 v20, v7;
	v9 =	vld.idx.msk [tilespmem:v54+s26+$0x0], $0xffff  }
0x61c: {  	v4 =	vor.u32 v62, v4;
	v17 =	vld.idx.msk [tilespmem:v11+s26+$0x0], $0xffff  }
0x61d: {  	v6 =	vor.u32 v36, v6;
	v54 =	vld.idx.msk [tilespmem:v37+s26+$0x0], $0xffff  }
0x61e: {  	v3 =	vld.idx.msk [tilespmem:v3+s26+$0x0], $0xffff;
	[tilespmem:s1+$0xFFFFFD70] =	vst v16;
	v5 =	vor.u32 v14, v5  }
0x61f: {  	[tilespmem:s1+$0xFFFFFDF0] =	vst v13;
	v2 =	vld.idx.msk [tilespmem:v2+s26+$0x0], $0xffff  }
0x620: {  	v15 =	vld.idx.msk [tilespmem:v46+s26+$0x0], $0xffff;
	[tilespmem:s1+$0xFFFFFE70] =	vst v9  }
0x621: {  	v8 =	vor.u32 v45, v8;
	v45 =	vld.idx.msk [tilespmem:v4+s26+$0x0], $0xffff;
	[tilespmem:s1+$0xFFFFFEF0] =	vst v17  }
0x622: {  	v37 =	vor.u32 v38, v7;
	[tilespmem:s1+$0xFFFFFF70] =	vst v54;
	v54 =	vld.idx.msk [tilespmem:v6+s26+$0x0], $0xffff  }
0x623: {  	[tilespmem:s1+$0xFFFFFD00] =	vst v3;
	v46 =	vld.idx.msk [tilespmem:v5+s26+$0x0], $0xffff  }
0x624: {  	[tilespmem:s1+$0xFFFFFD80] =	vst v2  }
0x625: {  	[tilespmem:s1+$0xFFFFFC70] =	vst v15  }
0x626: {  	v3 =	vld.idx.msk [tilespmem:v8+s26+$0x0], $0xffff;
	[tilespmem:s1+$0xFFFFFE00] =	vst v45  }
0x627: {  	v2 =	vld.idx.msk [tilespmem:v37+s26+$0x0], $0xffff;
	[tilespmem:s1+$0xFFFFFF00] =	vst v54  }
0x628: {  	[tilespmem:s1+$0xFFFFFE80] =	vst v46  }
0x629: {  	s0 =	rddreg [dreg:$0xe]  }
0x62a: {  	s0 =	sor.u32 s0, s16  }
0x62b: {  	[tilespmem:s1+$0xFFFFFF80] =	vst v3;
	s0 =	sshrl.u32 s0, $0x3  }
0x62c: {  	[tilespmem:s1+$0xFFFFFC80] =	vst v2;
	s1 =	sadd.s32 s2, s0;
	s30 =	sor.u32 $0x4000, s0  }
0x62d: {  	[hbm4b:s1+s3] =	stream.linear.scatter [tilespmem:s17], [sflag:$0x6], $0x400, $0x38;
	[tilespmem:$0x1A400] =	vst v63  }
0x62e: {  	s31 =	sor.u32 $0x8000, s0;
	s1 =	sadd.s32 s2, s30  }
0x62f: {  	[hbm4b:s1+s3] =	stream.linear.scatter [tilespmem:s18], [sflag:$0x6], $0x400, $0x38;
	[tilespmem:$0x1A400] =	vst v63  }
0x630: {  	s16 =	sor.u32 $0xC000, s0;
	s1 =	sadd.s32 s2, s31  }
0x631: {  	[hbm4b:s1+s3] =	stream.linear.scatter [tilespmem:s19], [sflag:$0x6], $0x400, $0x38;
	[tilespmem:$0x1A400] =	vst v63  }
0x632: {  	s29 =	sor.u32 $0x10000, s0;
	s1 =	sadd.s32 s2, s16  }
0x633: {  	[hbm4b:s1+s3] =	stream.linear.scatter [tilespmem:s7], [sflag:$0x6], $0x400, $0x38;
	[tilespmem:$0x1A400] =	vst v63  }
0x634: {  	s30 =	sor.u32 $0x14000, s0;
	s1 =	sadd.s32 s2, s29  }
0x635: {  	[hbm4b:s1+s3] =	stream.linear.scatter [tilespmem:s8], [sflag:$0x6], $0x400, $0x38;
	[tilespmem:$0x1A400] =	vst v63  }
0x636: {  	s1 =	sadd.s32 s2, s30  }
0x637: {  	[hbm4b:s1+s3] =	stream.linear.scatter [tilespmem:s9], [sflag:$0x6], $0x400, $0x38;
	[tilespmem:$0x1A400] =	vst v63  }
.Ltmp6:
0x638: {  	s31 =	sor.u32 $0x18000, s0;
	(pc) =	sbr.rel @p0 .LBB2_12-.Ltmp6, $4  }
0x639: {  	s0 =	sor.u32 $0x1C000, s0;
	s1 =	sadd.s32 s2, s31  }
0x63a: {  	[hbm4b:s1+s3] =	stream.linear.scatter [tilespmem:s10], [sflag:$0x6], $0x400, $0x38;
	[tilespmem:$0x1A400] =	vst v63  }
0x63b: {  	v36 =	vmov v27;
	v27 =	vmov v38;
	v46 =	vld [tilespmem:$0x1FE00];
	s0 =	sadd.s32 s2, s0  }
0x63c: {  	v38 =	vmovc v22;
	v45 =	vmovc v53;
	v53 =	vmov v61;
	v61 =	vmov v28;
	v28 =	vmov v62;
	v22 =	vld [tilespmem:$0x1FE10];
	[hbm4b:s0+s3] =	stream.linear.scatter [tilespmem:s6], [sflag:$0x6], $0x400, $0x38  }
.Ltmp7:
0x63d: {  	(pc) =	sbr.rel .LBB2_2-.Ltmp7, $4  }
0x63e: {  	s0 =	sshll.u32 s15, $0x7  }
0x63f: {  	v37 =	vld [tilespmem:$0x1FCA0];
	s0 =	sand.u32 $0x3FFFFF80, s0  }
0x640: {  	s1 =	simm.s32 $0x80;
	s15 =	sadd.s32 $0x1, s15;
	v13 =	vld [tilespmem:$0x1FDA0];
	s0 =	sadd.s32 $0x4B80, s0  }
0x641: {  	v21 =	vld [tilespmem:$0x1FE20];
	v23 =	vmov v0;
	v25 =	vmov v19;
	[tilespmem:s26], [sflag:$0x4] =	stream.indirect.gather [hbm4b:s4+s1], $0x80, s0, s1, $0xb8  }
.LBB2_13:
0x642: {  	_ =	sfence.sel $0x180000  }
0x643: {  	[bflag:$0x0] =	sbarrier.arrive $0xFFFF  }
0x644: {  	_ =	strace $0x90000047  }
0x645: {  	s0 =	stileid.u32;
	[bflag:$0x2] =	sbarrier.arrive $0xFFFF  }
0x646: {  	p0 =	sne.s32 s0, $0x0;
	s0 =	rddreg [dreg:$0x2]  }
0x647: {  	s0 =	sadd.s32 @!p0 $0x100000, s0  }
0x648: {  	[sflag:s0] =	ssyncadd.tile.s32 @!p0 $0x1;
	_ =	shalt  }
.Lfunc_end2:
_tile_overlayer_lowered:
.L_overlay_start_2:
0x649: {  	(tag) =	ssettag $0x2  }
0x64a: {  	s0 =	rddreg [dreg:$0x0];
	s2 =	stileid.u32  }
0x64b: {  	s1 =	rddreg [dreg:$0x1];
	p0 =	sne.s32 s2, $0x0  }
0x64c: {  	s3 =	rddreg [dreg:$0x2];
	[bflag:$0x3] =	sbarrier.arrive $0xFFFF;
	s2 =	simm.s32 @!p0 $0x1C07  }
0x64d: {  	[timem:s3], [sflag:s2] =	dma.local @!p0 [hbm:s0], s1  }
0x64e: {  	s0 =	simm.s32 @!p0 $0x7  }
0x64f: {  	_ =	swait.ge @!p0 [sflag:s0], s1  }
0x650: {  	s1 =	ssub.s32 @!p0 $0x0, s1;
	[sflag:s0] =	ssyncset.done @!p0 $0x0  }
0x651: {  	[sflag:s0] =	ssyncadd.s32 @!p0 s1  }
0x652: {  	[bflag:$0x3] =	sbarrier.arrive $0xFFFF  }
0x653: {  	_ =	shalt  }

</sc_bundles>
